<compile_context>
chip_gen: v7x
topology: tpu7x:2x2x1
jax: 0.10.2.dev20260603
libtpu: 0.0.44.dev20260713+nightly
codegen_flags: <defaults>
</compile_context>

<pallas_src>
import functools

import jax
import jax.numpy as jnp
from jax import lax
from jax.experimental import pallas as pl
from jax.experimental.pallas import tpu as pltpu
from jax.experimental.pallas import tpu_sc as plsc

EMBED = 64
OUT = 64
LANES = 16

_NC = 2
_NS = 16
_NW = _NC * _NS

_B = 4096
_L = 200
_BSLAB = _B // _NW
_NSLOT = 4
_NCHUNKS = _L
_TILE = 8 * 128
_PITCH = 129


def _tables_body(wW_ref, wK_ref, fcW_ref, fcb_ref, tW_ref, tK_ref):
    fw = fcW_ref[...]
    tW_ref[...] = jnp.dot(wW_ref[...], fw[0:EMBED, :],
                          preferred_element_type=jnp.float32)
    tK_ref[...] = jnp.dot(wK_ref[...], fw[EMBED:, :],
                          preferred_element_type=jnp.float32) + fcb_ref[...]


_tables = pl.pallas_call(
    _tables_body,
    out_shape=(
        jax.ShapeDtypeStruct((1000, EMBED), jnp.float32),
        jax.ShapeDtypeStruct((1000, EMBED), jnp.float32),
    ),
)


@functools.partial(
    pl.kernel,
    mesh=plsc.VectorSubcoreMesh(core_axis_name="c", subcore_axis_name="s"),
    compiler_params=pltpu.CompilerParams(use_tc_tiling_on_sc=False,
                                         needs_layout_passes=False),
    out_type=jax.ShapeDtypeStruct((_L * 8, _NW, _TILE), jnp.float32),
    scratch_types=(
        [pltpu.VMEM((1, _BSLAB), jnp.int32)] * _NSLOT
        + [pltpu.VMEM((1, _BSLAB), jnp.int32)] * _NSLOT
        + [pltpu.VMEM((_BSLAB, OUT), jnp.float32)] * _NSLOT
        + [pltpu.VMEM((_BSLAB, OUT), jnp.float32)] * _NSLOT
        + [
            pltpu.VMEM((OUT * _PITCH,), jnp.float32),
            pltpu.VMEM((8 * _TILE,), jnp.float32),
            pltpu.VMEM((8 * _TILE,), jnp.float32),
            pltpu.VMEM_SHARED((1000, EMBED), jnp.float32),
            pltpu.VMEM_SHARED((1000, EMBED), jnp.float32),
        ]
        + [pltpu.SemaphoreType.DMA] * _NSLOT
        + [pltpu.SemaphoreType.DMA] * 2
        + [pltpu.SemaphoreType.DMA] * _NSLOT
    ),
)
def _sc_gather_add(tW_hbm, tK_hbm, wthr_hbm, week_hbm, out_hbm,
                   ia0, ia1, ia2, ia3, ib0, ib1, ib2, ib3,
                   ra0, ra1, ra2, ra3, rb0, rb1, rb2, rb3,
                   pad, pk0, pk1, shW, shK,
                   sg0, sg1, sg2, sg3, so0, so1, si0, si1, si2, si3):
    wid = lax.axis_index("s") * _NC + lax.axis_index("c")
    col = wid * _BSLAB
    v_d129 = lax.iota(jnp.int32, LANES) * _PITCH

    @pl.when(lax.axis_index("s") == 0)
    def _():
        pltpu.sync_copy(tW_hbm, shW)
        pltpu.sync_copy(tK_hbm, shK)
    plsc.subcore_barrier()

    idx_a = (ia0, ia1, ia2, ia3)
    idx_b = (ib0, ib1, ib2, ib3)
    rows_a = (ra0, ra1, ra2, ra3)
    rows_b = (rb0, rb1, rb2, rb3)
    packs = (pk0, pk1)
    sg = (sg0, sg1, sg2, sg3)
    so = (so0, so1)
    si = (si0, si1, si2, si3)

    def fire_idx(c, slot):
        pltpu.async_copy(wthr_hbm.at[pl.ds(c, 1), pl.ds(col, _BSLAB)],
                         idx_a[slot], si[slot])
        pltpu.async_copy(week_hbm.at[pl.ds(c, 1), pl.ds(col, _BSLAB)],
                         idx_b[slot], si[slot])

    def wait_idx(c, slot):
        pltpu.make_async_copy(wthr_hbm.at[pl.ds(c, 1), pl.ds(col, _BSLAB)],
                              idx_a[slot], si[slot]).wait()
        pltpu.make_async_copy(week_hbm.at[pl.ds(c, 1), pl.ds(col, _BSLAB)],
                              idx_b[slot], si[slot]).wait()

    def fire_gathers(slot):
        pltpu.async_copy(shW.at[idx_a[slot].at[0]], rows_a[slot], sg[slot])
        pltpu.async_copy(shK.at[idx_b[slot].at[0]], rows_b[slot], sg[slot])

    def wait_gathers(slot):
        pltpu.make_async_copy(shW.at[idx_a[slot].at[0]],
                              rows_a[slot], sg[slot]).wait()
        pltpu.make_async_copy(shK.at[idx_b[slot].at[0]],
                              rows_b[slot], sg[slot]).wait()

    for c0 in range(_NSLOT):
        fire_idx(c0, c0)
    for c0 in range(_NSLOT - 1):
        wait_idx(c0, c0)
        fire_gathers(c0)

    def quad_body(q, carry):
        for s in range(_NSLOT):
            c = q * _NSLOT + s
            slot = s
            wait_gathers(slot)

            @pl.when(c + _NSLOT - 1 < _NCHUNKS)
            def _():
                wait_idx(c + _NSLOT - 1, (s + _NSLOT - 1) % _NSLOT)
                fire_gathers((s + _NSLOT - 1) % _NSLOT)

            @pl.when(c + _NSLOT < _NCHUNKS)
            def _():
                fire_idx(c + _NSLOT, slot)

            ra = rows_a[slot]
            rb = rows_b[slot]
            pk = packs[s % 2]
            so_j = so[s % 2]

            @plsc.parallel_loop(0, _BSLAB, 1, unroll=4)
            def _(b, ra=ra, rb=rb):
                for k in range(OUT // LANES):
                    sl = pl.ds(k * LANES, LANES)
                    s_v = ra[b, sl] + rb[b, sl]
                    idx = v_d129 + (k * LANES * _PITCH + b)
                    plsc.store_scatter(pad, [idx], s_v)

            @pl.when(c > 1)
            def _(pk=pk, so_j=so_j):
                for dt in range(8):
                    pltpu.make_async_copy(
                        pk.at[pl.ds(dt * _TILE, _TILE)],
                        out_hbm.at[dt, wid], so_j).wait()

            @plsc.parallel_loop(0, OUT, 1, unroll=4)
            def _(d, pk=pk):
                for m in range(8):
                    pk[pl.ds(d * 128 + m * LANES, LANES)] = (
                        pad[pl.ds(d * _PITCH + m * LANES, LANES)])

            for dt in range(8):
                pltpu.async_copy(pk.at[pl.ds(dt * _TILE, _TILE)],
                                 out_hbm.at[c * 8 + dt, wid], so_j)
        return carry

    lax.fori_loop(0, _NCHUNKS // _NSLOT, quad_body, 0)

    for j in range(2):
        for dt in range(8):
            pltpu.make_async_copy(packs[j].at[pl.ds(dt * _TILE, _TILE)],
                                  out_hbm.at[dt, wid], so[j]).wait()


def kernel(weather, week, W_weather, W_week, fc_W, fc_b):
    tW, tK = _tables(W_weather, W_week, fc_W, fc_b.reshape(1, OUT))
    wthr_t = weather.astype(jnp.int32).T
    week_t = week.astype(jnp.int32).T
    o = _sc_gather_add(tW, tK, wthr_t, week_t)
    o = o.reshape(_L, 8, _NW, 8, 128)
    return o.transpose(2, 4, 0, 1, 3).reshape(_B, _L, OUT)

# --- scband reference (transcript-rebuilt; emitter-appended) ---
"""Pipeline reference for scband-feature-component-8057358648342 (READ-ONLY COPY).

The authoritative reference and input builder live on the scoring server;
editing this copy changes nothing except your own understanding.
"""

import jax, jax.numpy as jnp
import numpy as np

WEATHER_VOCAB = 1000
WEEK_VOCAB = 1000
EMBED_DIM = 64
OUTPUT_DIM = 64
BATCH = 4096
HIST = 200


def setup_inputs(seed: int = 0) -> dict:
    key = jax.random.key(seed)
    k1, k2, k3, k4, k5, k6 = jax.random.split(key, 6)
    weather = jax.random.randint(k1, (BATCH, HIST), 0, WEATHER_VOCAB, dtype=jnp.int64 if jax.config.jax_enable_x64 else jnp.int32)
    week = jax.random.randint(k2, (BATCH, HIST), 0, WEEK_VOCAB, dtype=jnp.int64 if jax.config.jax_enable_x64 else jnp.int32)
    # learned parameters
    W_weather = jax.random.normal(k3, (WEATHER_VOCAB, EMBED_DIM), dtype=jnp.float32)
    W_week = jax.random.normal(k4, (WEEK_VOCAB, EMBED_DIM), dtype=jnp.float32)
    bound = 1.0 / np.sqrt(EMBED_DIM * 2)
    fc_W = jax.random.uniform(k5, (EMBED_DIM * 2, OUTPUT_DIM), minval=-bound, maxval=bound, dtype=jnp.float32)
    fc_b = jax.random.uniform(k6, (OUTPUT_DIM,), minval=-bound, maxval=bound, dtype=jnp.float32)
    return {"weather": weather, "week": week, "W_weather": W_weather, "W_week": W_week, "fc_W": fc_W, "fc_b": fc_b}


def reference(weather, week, W_weather, W_week, fc_W, fc_b):
    weather_embedded = jnp.take(W_weather, weather, axis=0)  # [B, L, D]
    week_embedded = jnp.take(W_week, week, axis=0)           # [B, L, D]
    combined = jnp.concatenate((weather_embedded, week_embedded), axis=-1)  # [B, L, 2D]
    output = jnp.dot(combined, fc_W) + fc_b                  # [B, L, OUT]
    return output

if __name__ == "__main__":
    import jax
    _d = setup_inputs()
    print(jax.jit(kernel)(*tuple(_d.values())))

</pallas_src>

<mosaic_0001>
#map = affine_map<(d0, d1) -> (0, 0)>
#map1 = affine_map<(d0, d1) -> (0, 0, 0)>
module attributes {stable_mosaic.version = 14 : i64} {
  func.func @_sc_gather_add(%arg0: i32, %arg1: i32, %arg2: memref<1000x64xf32, #tpu.memory_space<hbm>>, %arg3: memref<1000x64xf32, #tpu.memory_space<hbm>>, %arg4: memref<200x4096xi32, #tpu.memory_space<hbm>>, %arg5: memref<200x4096xi32, #tpu.memory_space<hbm>>, %arg6: memref<1600x32x1024xf32, #tpu.memory_space<hbm>>, %arg7: memref<1x128xi32, #tpu.memory_space<vmem>>, %arg8: memref<1x128xi32, #tpu.memory_space<vmem>>, %arg9: memref<1x128xi32, #tpu.memory_space<vmem>>, %arg10: memref<1x128xi32, #tpu.memory_space<vmem>>, %arg11: memref<1x128xi32, #tpu.memory_space<vmem>>, %arg12: memref<1x128xi32, #tpu.memory_space<vmem>>, %arg13: memref<1x128xi32, #tpu.memory_space<vmem>>, %arg14: memref<1x128xi32, #tpu.memory_space<vmem>>, %arg15: memref<128x64xf32, #tpu.memory_space<vmem>>, %arg16: memref<128x64xf32, #tpu.memory_space<vmem>>, %arg17: memref<128x64xf32, #tpu.memory_space<vmem>>, %arg18: memref<128x64xf32, #tpu.memory_space<vmem>>, %arg19: memref<128x64xf32, #tpu.memory_space<vmem>>, %arg20: memref<128x64xf32, #tpu.memory_space<vmem>>, %arg21: memref<128x64xf32, #tpu.memory_space<vmem>>, %arg22: memref<128x64xf32, #tpu.memory_space<vmem>>, %arg23: memref<8256xf32, #tpu.memory_space<vmem>>, %arg24: memref<8192xf32, #tpu.memory_space<vmem>>, %arg25: memref<8192xf32, #tpu.memory_space<vmem>>, %arg26: memref<1000x64xf32, #tpu.memory_space<vmem_shared>>, %arg27: memref<1000x64xf32, #tpu.memory_space<vmem_shared>>, %arg28: memref<!tpu.dma_semaphore, #tpu.memory_space<semaphore_mem>>, %arg29: memref<!tpu.dma_semaphore, #tpu.memory_space<semaphore_mem>>, %arg30: memref<!tpu.dma_semaphore, #tpu.memory_space<semaphore_mem>>, %arg31: memref<!tpu.dma_semaphore, #tpu.memory_space<semaphore_mem>>, %arg32: memref<!tpu.dma_semaphore, #tpu.memory_space<semaphore_mem>>, %arg33: memref<!tpu.dma_semaphore, #tpu.memory_space<semaphore_mem>>, %arg34: memref<!tpu.dma_semaphore, #tpu.memory_space<semaphore_mem>>, %arg35: memref<!tpu.dma_semaphore, #tpu.memory_space<semaphore_mem>>, %arg36: memref<!tpu.dma_semaphore, #tpu.memory_space<semaphore_mem>>, %arg37: memref<!tpu.dma_semaphore, #tpu.memory_space<semaphore_mem>>) attributes {dimension_semantics = [#tpu.dimension_semantics<core_parallel>, #tpu.dimension_semantics<subcore_parallel>], iteration_bounds = array<i64: 2, 16>, scalar_prefetch = 0 : i64, scratch_operands = 31 : i64, tpu.core_type = #tpu.core_type<sc_vector_subcore>, window_params = [{transform_indices = #map}, {transform_indices = #map}, {transform_indices = #map}, {transform_indices = #map}, {transform_indices = #map1}]} {
    %mul3A = arith.constant 2 : i32
    %mul3A_0 = arith.muli %arg1, %mul3A : i32
    %add3A = arith.addi %mul3A_0, %arg0 : i32
    %mul3A_1 = arith.constant 128 : i32
    %mul3A_2 = arith.muli %add3A, %mul3A_1 : i32
    %iota3A = tpu.iota {dimensions = array<i32: 0>} : vector<16xi32>
    %mul3A_3 = arith.constant 129 : i32
    %mul3A_4 = vector.broadcast %mul3A_3 : i32 to vector<16xi32>
    %mul3A_5 = arith.muli %iota3A, %mul3A_4 : vector<16xi32>
    %eq3A = arith.constant 0 : i32
    %eq3A_6 = arith.cmpi eq, %arg1, %eq3A : i32
    %convert_element_type3A = arith.extui %eq3A_6 : i1 to i32
    %cond3A = arith.constant 0 : i32
    %cond3A_7 = arith.cmpi ne, %convert_element_type3A, %cond3A : i32
    scf.if %cond3A_7 {
      "tpu.region"() ({
        %run_scoped3A = tpu.sem_alloc : memref<!tpu.dma_semaphore, #tpu.memory_space<semaphore_mem>>
        tpu.enqueue_dma source(%arg2 : memref<1000x64xf32, #tpu.memory_space<hbm>>) target(%arg26 : memref<1000x64xf32, #tpu.memory_space<vmem_shared>>) target_semaphore(%run_scoped3A : memref<!tpu.dma_semaphore, #tpu.memory_space<semaphore_mem>>)
        tpu.wait_dma2 semaphore(%run_scoped3A : memref<!tpu.dma_semaphore, #tpu.memory_space<semaphore_mem>>) src(%arg2 : memref<1000x64xf32, #tpu.memory_space<hbm>>) dst(%arg26 : memref<1000x64xf32, #tpu.memory_space<vmem_shared>>)
        tpu.yield
      }) : () -> ()
      "tpu.region"() ({
        %run_scoped3A = tpu.sem_alloc : memref<!tpu.dma_semaphore, #tpu.memory_space<semaphore_mem>>
        tpu.enqueue_dma source(%arg3 : memref<1000x64xf32, #tpu.memory_space<hbm>>) target(%arg27 : memref<1000x64xf32, #tpu.memory_space<vmem_shared>>) target_semaphore(%run_scoped3A : memref<!tpu.dma_semaphore, #tpu.memory_space<semaphore_mem>>)
        tpu.wait_dma2 semaphore(%run_scoped3A : memref<!tpu.dma_semaphore, #tpu.memory_space<semaphore_mem>>) src(%arg3 : memref<1000x64xf32, #tpu.memory_space<hbm>>) dst(%arg27 : memref<1000x64xf32, #tpu.memory_space<vmem_shared>>)
        tpu.yield
      }) : () -> ()
    } else {
    }
    %barrier3A = arith.constant 0 : index
    tpu.barrier barrier_id(%barrier3A)
    %dma_start3A = arith.constant 0 : i32
    %dma_start3A_8 = tpu.memref_slice %arg4[%dma_start3A, %mul3A_2] : memref<200x4096xi32, #tpu.memory_space<hbm>> -> memref<1x128xi32, #tpu.memory_space<hbm>>
    %dma_start3A_9 = arith.constant 0 : i32
    %dma_start3A_10 = tpu.memref_slice %arg4[%dma_start3A_9, %mul3A_2] : memref<200x4096xi32, #tpu.memory_space<hbm>> -> memref<1x128xi32, #tpu.memory_space<hbm>>
    tpu.enqueue_dma source(%dma_start3A_10 : memref<1x128xi32, #tpu.memory_space<hbm>>) target(%arg7 : memref<1x128xi32, #tpu.memory_space<vmem>>) target_semaphore(%arg34 : memref<!tpu.dma_semaphore, #tpu.memory_space<semaphore_mem>>)
    %dma_start3A_11 = arith.constant 0 : i32
    %dma_start3A_12 = tpu.memref_slice %arg5[%dma_start3A_11, %mul3A_2] : memref<200x4096xi32, #tpu.memory_space<hbm>> -> memref<1x128xi32, #tpu.memory_space<hbm>>
    %dma_start3A_13 = arith.constant 0 : i32
    %dma_start3A_14 = tpu.memref_slice %arg5[%dma_start3A_13, %mul3A_2] : memref<200x4096xi32, #tpu.memory_space<hbm>> -> memref<1x128xi32, #tpu.memory_space<hbm>>
    tpu.enqueue_dma source(%dma_start3A_14 : memref<1x128xi32, #tpu.memory_space<hbm>>) target(%arg11 : memref<1x128xi32, #tpu.memory_space<vmem>>) target_semaphore(%arg34 : memref<!tpu.dma_semaphore, #tpu.memory_space<semaphore_mem>>)
    %dma_start3A_15 = arith.constant 1 : i32
    %dma_start3A_16 = tpu.memref_slice %arg4[%dma_start3A_15, %mul3A_2] : memref<200x4096xi32, #tpu.memory_space<hbm>> -> memref<1x128xi32, #tpu.memory_space<hbm>>
    %dma_start3A_17 = arith.constant 1 : i32
    %dma_start3A_18 = tpu.memref_slice %arg4[%dma_start3A_17, %mul3A_2] : memref<200x4096xi32, #tpu.memory_space<hbm>> -> memref<1x128xi32, #tpu.memory_space<hbm>>
    tpu.enqueue_dma source(%dma_start3A_18 : memref<1x128xi32, #tpu.memory_space<hbm>>) target(%arg8 : memref<1x128xi32, #tpu.memory_space<vmem>>) target_semaphore(%arg35 : memref<!tpu.dma_semaphore, #tpu.memory_space<semaphore_mem>>)
    %dma_start3A_19 = arith.constant 1 : i32
    %dma_start3A_20 = tpu.memref_slice %arg5[%dma_start3A_19, %mul3A_2] : memref<200x4096xi32, #tpu.memory_space<hbm>> -> memref<1x128xi32, #tpu.memory_space<hbm>>
    %dma_start3A_21 = arith.constant 1 : i32
    %dma_start3A_22 = tpu.memref_slice %arg5[%dma_start3A_21, %mul3A_2] : memref<200x4096xi32, #tpu.memory_space<hbm>> -> memref<1x128xi32, #tpu.memory_space<hbm>>
    tpu.enqueue_dma source(%dma_start3A_22 : memref<1x128xi32, #tpu.memory_space<hbm>>) target(%arg12 : memref<1x128xi32, #tpu.memory_space<vmem>>) target_semaphore(%arg35 : memref<!tpu.dma_semaphore, #tpu.memory_space<semaphore_mem>>)
    %dma_start3A_23 = arith.constant 2 : i32
    %dma_start3A_24 = tpu.memref_slice %arg4[%dma_start3A_23, %mul3A_2] : memref<200x4096xi32, #tpu.memory_space<hbm>> -> memref<1x128xi32, #tpu.memory_space<hbm>>
    %dma_start3A_25 = arith.constant 2 : i32
    %dma_start3A_26 = tpu.memref_slice %arg4[%dma_start3A_25, %mul3A_2] : memref<200x4096xi32, #tpu.memory_space<hbm>> -> memref<1x128xi32, #tpu.memory_space<hbm>>
    tpu.enqueue_dma source(%dma_start3A_26 : memref<1x128xi32, #tpu.memory_space<hbm>>) target(%arg9 : memref<1x128xi32, #tpu.memory_space<vmem>>) target_semaphore(%arg36 : memref<!tpu.dma_semaphore, #tpu.memory_space<semaphore_mem>>)
    %dma_start3A_27 = arith.constant 2 : i32
    %dma_start3A_28 = tpu.memref_slice %arg5[%dma_start3A_27, %mul3A_2] : memref<200x4096xi32, #tpu.memory_space<hbm>> -> memref<1x128xi32, #tpu.memory_space<hbm>>
    %dma_start3A_29 = arith.constant 2 : i32
    %dma_start3A_30 = tpu.memref_slice %arg5[%dma_start3A_29, %mul3A_2] : memref<200x4096xi32, #tpu.memory_space<hbm>> -> memref<1x128xi32, #tpu.memory_space<hbm>>
    tpu.enqueue_dma source(%dma_start3A_30 : memref<1x128xi32, #tpu.memory_space<hbm>>) target(%arg13 : memref<1x128xi32, #tpu.memory_space<vmem>>) target_semaphore(%arg36 : memref<!tpu.dma_semaphore, #tpu.memory_space<semaphore_mem>>)
    %dma_start3A_31 = arith.constant 3 : i32
    %dma_start3A_32 = tpu.memref_slice %arg4[%dma_start3A_31, %mul3A_2] : memref<200x4096xi32, #tpu.memory_space<hbm>> -> memref<1x128xi32, #tpu.memory_space<hbm>>
    %dma_start3A_33 = arith.constant 3 : i32
    %dma_start3A_34 = tpu.memref_slice %arg4[%dma_start3A_33, %mul3A_2] : memref<200x4096xi32, #tpu.memory_space<hbm>> -> memref<1x128xi32, #tpu.memory_space<hbm>>
    tpu.enqueue_dma source(%dma_start3A_34 : memref<1x128xi32, #tpu.memory_space<hbm>>) target(%arg10 : memref<1x128xi32, #tpu.memory_space<vmem>>) target_semaphore(%arg37 : memref<!tpu.dma_semaphore, #tpu.memory_space<semaphore_mem>>)
    %dma_start3A_35 = arith.constant 3 : i32
    %dma_start3A_36 = tpu.memref_slice %arg5[%dma_start3A_35, %mul3A_2] : memref<200x4096xi32, #tpu.memory_space<hbm>> -> memref<1x128xi32, #tpu.memory_space<hbm>>
    %dma_start3A_37 = arith.constant 3 : i32
    %dma_start3A_38 = tpu.memref_slice %arg5[%dma_start3A_37, %mul3A_2] : memref<200x4096xi32, #tpu.memory_space<hbm>> -> memref<1x128xi32, #tpu.memory_space<hbm>>
    tpu.enqueue_dma source(%dma_start3A_38 : memref<1x128xi32, #tpu.memory_space<hbm>>) target(%arg14 : memref<1x128xi32, #tpu.memory_space<vmem>>) target_semaphore(%arg37 : memref<!tpu.dma_semaphore, #tpu.memory_space<semaphore_mem>>)
    %dma_wait3A = arith.constant 0 : i32
    %dma_wait3A_39 = tpu.memref_slice %arg4[%dma_wait3A, %mul3A_2] : memref<200x4096xi32, #tpu.memory_space<hbm>> -> memref<1x128xi32, #tpu.memory_space<hbm>>
    %dma_wait3A_40 = arith.constant 0 : i32
    %dma_wait3A_41 = tpu.memref_slice %arg4[%dma_wait3A_40, %mul3A_2] : memref<200x4096xi32, #tpu.memory_space<hbm>> -> memref<1x128xi32, #tpu.memory_space<hbm>>
    tpu.wait_dma2 semaphore(%arg34 : memref<!tpu.dma_semaphore, #tpu.memory_space<semaphore_mem>>) src(%dma_wait3A_41 : memref<1x128xi32, #tpu.memory_space<hbm>>) dst(%arg7 : memref<1x128xi32, #tpu.memory_space<vmem>>)
    %dma_wait3A_42 = arith.constant 0 : i32
    %dma_wait3A_43 = tpu.memref_slice %arg5[%dma_wait3A_42, %mul3A_2] : memref<200x4096xi32, #tpu.memory_space<hbm>> -> memref<1x128xi32, #tpu.memory_space<hbm>>
    %dma_wait3A_44 = arith.constant 0 : i32
    %dma_wait3A_45 = tpu.memref_slice %arg5[%dma_wait3A_44, %mul3A_2] : memref<200x4096xi32, #tpu.memory_space<hbm>> -> memref<1x128xi32, #tpu.memory_space<hbm>>
    tpu.wait_dma2 semaphore(%arg34 : memref<!tpu.dma_semaphore, #tpu.memory_space<semaphore_mem>>) src(%dma_wait3A_45 : memref<1x128xi32, #tpu.memory_space<hbm>>) dst(%arg11 : memref<1x128xi32, #tpu.memory_space<vmem>>)
    %dma_start3A_46 = arith.constant 0 : i32
    %dma_start3A_47 = arith.constant 0 : i32
    %dma_start3A_48 = tpu.memref_slice %arg7[%dma_start3A_46, %dma_start3A_47] : memref<1x128xi32, #tpu.memory_space<vmem>> -> memref<1x128xi32, #tpu.memory_space<vmem>>
    %dma_start3A_49 = tpu.memref_squeeze %dma_start3A_48 : memref<1x128xi32, #tpu.memory_space<vmem>> -> memref<128xi32, #tpu.memory_space<vmem>>
    %dma_start3A_50 = arith.constant 0 : i32
    %dma_start3A_51 = arith.constant 0 : i32
    %dma_start3A_52 = tpu.memref_slice %arg26[%dma_start3A_50, %dma_start3A_51] : memref<1000x64xf32, #tpu.memory_space<vmem_shared>> -> memref<1000x64xf32, #tpu.memory_space<vmem_shared>>
    tpu.enqueue_indirect_dma source(%dma_start3A_52 : memref<1000x64xf32, #tpu.memory_space<vmem_shared>>) target(%arg15 : memref<128x64xf32, #tpu.memory_space<vmem>>) offsets(%dma_start3A_49 : memref<128xi32, #tpu.memory_space<vmem>>) semaphore(%arg28 : memref<!tpu.dma_semaphore, #tpu.memory_space<semaphore_mem>>)
    %dma_start3A_53 = arith.constant 0 : i32
    %dma_start3A_54 = arith.constant 0 : i32
    %dma_start3A_55 = tpu.memref_slice %arg11[%dma_start3A_53, %dma_start3A_54] : memref<1x128xi32, #tpu.memory_space<vmem>> -> memref<1x128xi32, #tpu.memory_space<vmem>>
    %dma_start3A_56 = tpu.memref_squeeze %dma_start3A_55 : memref<1x128xi32, #tpu.memory_space<vmem>> -> memref<128xi32, #tpu.memory_space<vmem>>
    %dma_start3A_57 = arith.constant 0 : i32
    %dma_start3A_58 = arith.constant 0 : i32
    %dma_start3A_59 = tpu.memref_slice %arg27[%dma_start3A_57, %dma_start3A_58] : memref<1000x64xf32, #tpu.memory_space<vmem_shared>> -> memref<1000x64xf32, #tpu.memory_space<vmem_shared>>
    tpu.enqueue_indirect_dma source(%dma_start3A_59 : memref<1000x64xf32, #tpu.memory_space<vmem_shared>>) target(%arg19 : memref<128x64xf32, #tpu.memory_space<vmem>>) offsets(%dma_start3A_56 : memref<128xi32, #tpu.memory_space<vmem>>) semaphore(%arg28 : memref<!tpu.dma_semaphore, #tpu.memory_space<semaphore_mem>>)
    %dma_wait3A_60 = arith.constant 1 : i32
    %dma_wait3A_61 = tpu.memref_slice %arg4[%dma_wait3A_60, %mul3A_2] : memref<200x4096xi32, #tpu.memory_space<hbm>> -> memref<1x128xi32, #tpu.memory_space<hbm>>
    %dma_wait3A_62 = arith.constant 1 : i32
    %dma_wait3A_63 = tpu.memref_slice %arg4[%dma_wait3A_62, %mul3A_2] : memref<200x4096xi32, #tpu.memory_space<hbm>> -> memref<1x128xi32, #tpu.memory_space<hbm>>
    tpu.wait_dma2 semaphore(%arg35 : memref<!tpu.dma_semaphore, #tpu.memory_space<semaphore_mem>>) src(%dma_wait3A_63 : memref<1x128xi32, #tpu.memory_space<hbm>>) dst(%arg8 : memref<1x128xi32, #tpu.memory_space<vmem>>)
    %dma_wait3A_64 = arith.constant 1 : i32
    %dma_wait3A_65 = tpu.memref_slice %arg5[%dma_wait3A_64, %mul3A_2] : memref<200x4096xi32, #tpu.memory_space<hbm>> -> memref<1x128xi32, #tpu.memory_space<hbm>>
    %dma_wait3A_66 = arith.constant 1 : i32
    %dma_wait3A_67 = tpu.memref_slice %arg5[%dma_wait3A_66, %mul3A_2] : memref<200x4096xi32, #tpu.memory_space<hbm>> -> memref<1x128xi32, #tpu.memory_space<hbm>>
    tpu.wait_dma2 semaphore(%arg35 : memref<!tpu.dma_semaphore, #tpu.memory_space<semaphore_mem>>) src(%dma_wait3A_67 : memref<1x128xi32, #tpu.memory_space<hbm>>) dst(%arg12 : memref<1x128xi32, #tpu.memory_space<vmem>>)
    %dma_start3A_68 = arith.constant 0 : i32
    %dma_start3A_69 = arith.constant 0 : i32
    %dma_start3A_70 = tpu.memref_slice %arg8[%dma_start3A_68, %dma_start3A_69] : memref<1x128xi32, #tpu.memory_space<vmem>> -> memref<1x128xi32, #tpu.memory_space<vmem>>
    %dma_start3A_71 = tpu.memref_squeeze %dma_start3A_70 : memref<1x128xi32, #tpu.memory_space<vmem>> -> memref<128xi32, #tpu.memory_space<vmem>>
    %dma_start3A_72 = arith.constant 0 : i32
    %dma_start3A_73 = arith.constant 0 : i32
    %dma_start3A_74 = tpu.memref_slice %arg26[%dma_start3A_72, %dma_start3A_73] : memref<1000x64xf32, #tpu.memory_space<vmem_shared>> -> memref<1000x64xf32, #tpu.memory_space<vmem_shared>>
    tpu.enqueue_indirect_dma source(%dma_start3A_74 : memref<1000x64xf32, #tpu.memory_space<vmem_shared>>) target(%arg16 : memref<128x64xf32, #tpu.memory_space<vmem>>) offsets(%dma_start3A_71 : memref<128xi32, #tpu.memory_space<vmem>>) semaphore(%arg29 : memref<!tpu.dma_semaphore, #tpu.memory_space<semaphore_mem>>)
    %dma_start3A_75 = arith.constant 0 : i32
    %dma_start3A_76 = arith.constant 0 : i32
    %dma_start3A_77 = tpu.memref_slice %arg12[%dma_start3A_75, %dma_start3A_76] : memref<1x128xi32, #tpu.memory_space<vmem>> -> memref<1x128xi32, #tpu.memory_space<vmem>>
    %dma_start3A_78 = tpu.memref_squeeze %dma_start3A_77 : memref<1x128xi32, #tpu.memory_space<vmem>> -> memref<128xi32, #tpu.memory_space<vmem>>
    %dma_start3A_79 = arith.constant 0 : i32
    %dma_start3A_80 = arith.constant 0 : i32
    %dma_start3A_81 = tpu.memref_slice %arg27[%dma_start3A_79, %dma_start3A_80] : memref<1000x64xf32, #tpu.memory_space<vmem_shared>> -> memref<1000x64xf32, #tpu.memory_space<vmem_shared>>
    tpu.enqueue_indirect_dma source(%dma_start3A_81 : memref<1000x64xf32, #tpu.memory_space<vmem_shared>>) target(%arg20 : memref<128x64xf32, #tpu.memory_space<vmem>>) offsets(%dma_start3A_78 : memref<128xi32, #tpu.memory_space<vmem>>) semaphore(%arg29 : memref<!tpu.dma_semaphore, #tpu.memory_space<semaphore_mem>>)
    %dma_wait3A_82 = arith.constant 2 : i32
    %dma_wait3A_83 = tpu.memref_slice %arg4[%dma_wait3A_82, %mul3A_2] : memref<200x4096xi32, #tpu.memory_space<hbm>> -> memref<1x128xi32, #tpu.memory_space<hbm>>
    %dma_wait3A_84 = arith.constant 2 : i32
    %dma_wait3A_85 = tpu.memref_slice %arg4[%dma_wait3A_84, %mul3A_2] : memref<200x4096xi32, #tpu.memory_space<hbm>> -> memref<1x128xi32, #tpu.memory_space<hbm>>
    tpu.wait_dma2 semaphore(%arg36 : memref<!tpu.dma_semaphore, #tpu.memory_space<semaphore_mem>>) src(%dma_wait3A_85 : memref<1x128xi32, #tpu.memory_space<hbm>>) dst(%arg9 : memref<1x128xi32, #tpu.memory_space<vmem>>)
    %dma_wait3A_86 = arith.constant 2 : i32
    %dma_wait3A_87 = tpu.memref_slice %arg5[%dma_wait3A_86, %mul3A_2] : memref<200x4096xi32, #tpu.memory_space<hbm>> -> memref<1x128xi32, #tpu.memory_space<hbm>>
    %dma_wait3A_88 = arith.constant 2 : i32
    %dma_wait3A_89 = tpu.memref_slice %arg5[%dma_wait3A_88, %mul3A_2] : memref<200x4096xi32, #tpu.memory_space<hbm>> -> memref<1x128xi32, #tpu.memory_space<hbm>>
    tpu.wait_dma2 semaphore(%arg36 : memref<!tpu.dma_semaphore, #tpu.memory_space<semaphore_mem>>) src(%dma_wait3A_89 : memref<1x128xi32, #tpu.memory_space<hbm>>) dst(%arg13 : memref<1x128xi32, #tpu.memory_space<vmem>>)
    %dma_start3A_90 = arith.constant 0 : i32
    %dma_start3A_91 = arith.constant 0 : i32
    %dma_start3A_92 = tpu.memref_slice %arg9[%dma_start3A_90, %dma_start3A_91] : memref<1x128xi32, #tpu.memory_space<vmem>> -> memref<1x128xi32, #tpu.memory_space<vmem>>
    %dma_start3A_93 = tpu.memref_squeeze %dma_start3A_92 : memref<1x128xi32, #tpu.memory_space<vmem>> -> memref<128xi32, #tpu.memory_space<vmem>>
    %dma_start3A_94 = arith.constant 0 : i32
    %dma_start3A_95 = arith.constant 0 : i32
    %dma_start3A_96 = tpu.memref_slice %arg26[%dma_start3A_94, %dma_start3A_95] : memref<1000x64xf32, #tpu.memory_space<vmem_shared>> -> memref<1000x64xf32, #tpu.memory_space<vmem_shared>>
    tpu.enqueue_indirect_dma source(%dma_start3A_96 : memref<1000x64xf32, #tpu.memory_space<vmem_shared>>) target(%arg17 : memref<128x64xf32, #tpu.memory_space<vmem>>) offsets(%dma_start3A_93 : memref<128xi32, #tpu.memory_space<vmem>>) semaphore(%arg30 : memref<!tpu.dma_semaphore, #tpu.memory_space<semaphore_mem>>)
    %dma_start3A_97 = arith.constant 0 : i32
    %dma_start3A_98 = arith.constant 0 : i32
    %dma_start3A_99 = tpu.memref_slice %arg13[%dma_start3A_97, %dma_start3A_98] : memref<1x128xi32, #tpu.memory_space<vmem>> -> memref<1x128xi32, #tpu.memory_space<vmem>>
    %dma_start3A_100 = tpu.memref_squeeze %dma_start3A_99 : memref<1x128xi32, #tpu.memory_space<vmem>> -> memref<128xi32, #tpu.memory_space<vmem>>
    %dma_start3A_101 = arith.constant 0 : i32
    %dma_start3A_102 = arith.constant 0 : i32
    %dma_start3A_103 = tpu.memref_slice %arg27[%dma_start3A_101, %dma_start3A_102] : memref<1000x64xf32, #tpu.memory_space<vmem_shared>> -> memref<1000x64xf32, #tpu.memory_space<vmem_shared>>
    tpu.enqueue_indirect_dma source(%dma_start3A_103 : memref<1000x64xf32, #tpu.memory_space<vmem_shared>>) target(%arg21 : memref<128x64xf32, #tpu.memory_space<vmem>>) offsets(%dma_start3A_100 : memref<128xi32, #tpu.memory_space<vmem>>) semaphore(%arg30 : memref<!tpu.dma_semaphore, #tpu.memory_space<semaphore_mem>>)
    %scan3A = arith.constant 0 : i32
    %scan3A_104 = arith.constant 0 : i32
    %scan3A_105 = arith.constant 50 : i32
    %scan3A_106 = arith.addi %scan3A_104, %scan3A_105 : i32
    %scan3A_107 = arith.constant 1 : i32
    scf.for %scan3A_285 = %scan3A_104 to %scan3A_106 step %scan3A_107  : i32 {
      %mul3A_286 = arith.constant 4 : i32
      %mul3A_287 = arith.muli %scan3A_285, %mul3A_286 : i32
      %add3A_288 = arith.constant 0 : i32
      %add3A_289 = arith.addi %mul3A_287, %add3A_288 : i32
      %dma_wait3A_290 = arith.constant 0 : i32
      %dma_wait3A_291 = arith.constant 0 : i32
      %dma_wait3A_292 = tpu.memref_slice %arg7[%dma_wait3A_290, %dma_wait3A_291] : memref<1x128xi32, #tpu.memory_space<vmem>> -> memref<1x128xi32, #tpu.memory_space<vmem>>
      %dma_wait3A_293 = tpu.memref_squeeze %dma_wait3A_292 : memref<1x128xi32, #tpu.memory_space<vmem>> -> memref<128xi32, #tpu.memory_space<vmem>>
      %dma_wait3A_294 = arith.constant 0 : i32
      %dma_wait3A_295 = arith.constant 0 : i32
      %dma_wait3A_296 = tpu.memref_slice %arg26[%dma_wait3A_294, %dma_wait3A_295] : memref<1000x64xf32, #tpu.memory_space<vmem_shared>> -> memref<1000x64xf32, #tpu.memory_space<vmem_shared>>
      tpu.wait_indirect_dma semaphore(%arg28 : memref<!tpu.dma_semaphore, #tpu.memory_space<semaphore_mem>>) src(%dma_wait3A_296 : memref<1000x64xf32, #tpu.memory_space<vmem_shared>>) dst(%arg15 : memref<128x64xf32, #tpu.memory_space<vmem>>)
      %dma_wait3A_297 = arith.constant 0 : i32
      %dma_wait3A_298 = arith.constant 0 : i32
      %dma_wait3A_299 = tpu.memref_slice %arg11[%dma_wait3A_297, %dma_wait3A_298] : memref<1x128xi32, #tpu.memory_space<vmem>> -> memref<1x128xi32, #tpu.memory_space<vmem>>
      %dma_wait3A_300 = tpu.memref_squeeze %dma_wait3A_299 : memref<1x128xi32, #tpu.memory_space<vmem>> -> memref<128xi32, #tpu.memory_space<vmem>>
      %dma_wait3A_301 = arith.constant 0 : i32
      %dma_wait3A_302 = arith.constant 0 : i32
      %dma_wait3A_303 = tpu.memref_slice %arg27[%dma_wait3A_301, %dma_wait3A_302] : memref<1000x64xf32, #tpu.memory_space<vmem_shared>> -> memref<1000x64xf32, #tpu.memory_space<vmem_shared>>
      tpu.wait_indirect_dma semaphore(%arg28 : memref<!tpu.dma_semaphore, #tpu.memory_space<semaphore_mem>>) src(%dma_wait3A_303 : memref<1000x64xf32, #tpu.memory_space<vmem_shared>>) dst(%arg19 : memref<128x64xf32, #tpu.memory_space<vmem>>)
      %add3A_304 = arith.constant 4 : i32
      %add3A_305 = arith.addi %add3A_289, %add3A_304 : i32
      %sub3A = arith.constant 1 : i32
      %sub3A_306 = arith.subi %add3A_305, %sub3A : i32
      %lt3A = arith.constant 200 : i32
      %lt3A_307 = arith.cmpi slt, %sub3A_306, %lt3A : i32
      %convert_element_type3A_308 = arith.extui %lt3A_307 : i1 to i32
      %cond3A_309 = arith.constant 0 : i32
      %cond3A_310 = arith.cmpi ne, %convert_element_type3A_308, %cond3A_309 : i32
      scf.if %cond3A_310 {
        %add3A_910 = arith.constant 4 : i32
        %add3A_911 = arith.addi %add3A_289, %add3A_910 : i32
        %sub3A_912 = arith.constant 1 : i32
        %sub3A_913 = arith.subi %add3A_911, %sub3A_912 : i32
        %dma_wait3A_914 = tpu.memref_slice %arg4[%sub3A_913, %mul3A_2] : memref<200x4096xi32, #tpu.memory_space<hbm>> -> memref<1x128xi32, #tpu.memory_space<hbm>>
        %dma_wait3A_915 = tpu.memref_slice %arg4[%sub3A_913, %mul3A_2] : memref<200x4096xi32, #tpu.memory_space<hbm>> -> memref<1x128xi32, #tpu.memory_space<hbm>>
        tpu.wait_dma2 semaphore(%arg37 : memref<!tpu.dma_semaphore, #tpu.memory_space<semaphore_mem>>) src(%dma_wait3A_915 : memref<1x128xi32, #tpu.memory_space<hbm>>) dst(%arg10 : memref<1x128xi32, #tpu.memory_space<vmem>>)
        %dma_wait3A_916 = tpu.memref_slice %arg5[%sub3A_913, %mul3A_2] : memref<200x4096xi32, #tpu.memory_space<hbm>> -> memref<1x128xi32, #tpu.memory_space<hbm>>
        %dma_wait3A_917 = tpu.memref_slice %arg5[%sub3A_913, %mul3A_2] : memref<200x4096xi32, #tpu.memory_space<hbm>> -> memref<1x128xi32, #tpu.memory_space<hbm>>
        tpu.wait_dma2 semaphore(%arg37 : memref<!tpu.dma_semaphore, #tpu.memory_space<semaphore_mem>>) src(%dma_wait3A_917 : memref<1x128xi32, #tpu.memory_space<hbm>>) dst(%arg14 : memref<1x128xi32, #tpu.memory_space<vmem>>)
        %dma_start3A_918 = arith.constant 0 : i32
        %dma_start3A_919 = arith.constant 0 : i32
        %dma_start3A_920 = tpu.memref_slice %arg10[%dma_start3A_918, %dma_start3A_919] : memref<1x128xi32, #tpu.memory_space<vmem>> -> memref<1x128xi32, #tpu.memory_space<vmem>>
        %dma_start3A_921 = tpu.memref_squeeze %dma_start3A_920 : memref<1x128xi32, #tpu.memory_space<vmem>> -> memref<128xi32, #tpu.memory_space<vmem>>
        %dma_start3A_922 = arith.constant 0 : i32
        %dma_start3A_923 = arith.constant 0 : i32
        %dma_start3A_924 = tpu.memref_slice %arg26[%dma_start3A_922, %dma_start3A_923] : memref<1000x64xf32, #tpu.memory_space<vmem_shared>> -> memref<1000x64xf32, #tpu.memory_space<vmem_shared>>
        tpu.enqueue_indirect_dma source(%dma_start3A_924 : memref<1000x64xf32, #tpu.memory_space<vmem_shared>>) target(%arg18 : memref<128x64xf32, #tpu.memory_space<vmem>>) offsets(%dma_start3A_921 : memref<128xi32, #tpu.memory_space<vmem>>) semaphore(%arg31 : memref<!tpu.dma_semaphore, #tpu.memory_space<semaphore_mem>>)
        %dma_start3A_925 = arith.constant 0 : i32
        %dma_start3A_926 = arith.constant 0 : i32
        %dma_start3A_927 = tpu.memref_slice %arg14[%dma_start3A_925, %dma_start3A_926] : memref<1x128xi32, #tpu.memory_space<vmem>> -> memref<1x128xi32, #tpu.memory_space<vmem>>
        %dma_start3A_928 = tpu.memref_squeeze %dma_start3A_927 : memref<1x128xi32, #tpu.memory_space<vmem>> -> memref<128xi32, #tpu.memory_space<vmem>>
        %dma_start3A_929 = arith.constant 0 : i32
        %dma_start3A_930 = arith.constant 0 : i32
        %dma_start3A_931 = tpu.memref_slice %arg27[%dma_start3A_929, %dma_start3A_930] : memref<1000x64xf32, #tpu.memory_space<vmem_shared>> -> memref<1000x64xf32, #tpu.memory_space<vmem_shared>>
        tpu.enqueue_indirect_dma source(%dma_start3A_931 : memref<1000x64xf32, #tpu.memory_space<vmem_shared>>) target(%arg22 : memref<128x64xf32, #tpu.memory_space<vmem>>) offsets(%dma_start3A_928 : memref<128xi32, #tpu.memory_space<vmem>>) semaphore(%arg31 : memref<!tpu.dma_semaphore, #tpu.memory_space<semaphore_mem>>)
      } else {
      }
      %add3A_311 = arith.constant 4 : i32
      %add3A_312 = arith.addi %add3A_289, %add3A_311 : i32
      %lt3A_313 = arith.constant 200 : i32
      %lt3A_314 = arith.cmpi slt, %add3A_312, %lt3A_313 : i32
      %convert_element_type3A_315 = arith.extui %lt3A_314 : i1 to i32
      %cond3A_316 = arith.constant 0 : i32
      %cond3A_317 = arith.cmpi ne, %convert_element_type3A_315, %cond3A_316 : i32
      scf.if %cond3A_317 {
        %add3A_910 = arith.constant 4 : i32
        %add3A_911 = arith.addi %add3A_289, %add3A_910 : i32
        %dma_start3A_912 = tpu.memref_slice %arg4[%add3A_911, %mul3A_2] : memref<200x4096xi32, #tpu.memory_space<hbm>> -> memref<1x128xi32, #tpu.memory_space<hbm>>
        %dma_start3A_913 = tpu.memref_slice %arg4[%add3A_911, %mul3A_2] : memref<200x4096xi32, #tpu.memory_space<hbm>> -> memref<1x128xi32, #tpu.memory_space<hbm>>
        tpu.enqueue_dma source(%dma_start3A_913 : memref<1x128xi32, #tpu.memory_space<hbm>>) target(%arg7 : memref<1x128xi32, #tpu.memory_space<vmem>>) target_semaphore(%arg34 : memref<!tpu.dma_semaphore, #tpu.memory_space<semaphore_mem>>)
        %dma_start3A_914 = tpu.memref_slice %arg5[%add3A_911, %mul3A_2] : memref<200x4096xi32, #tpu.memory_space<hbm>> -> memref<1x128xi32, #tpu.memory_space<hbm>>
        %dma_start3A_915 = tpu.memref_slice %arg5[%add3A_911, %mul3A_2] : memref<200x4096xi32, #tpu.memory_space<hbm>> -> memref<1x128xi32, #tpu.memory_space<hbm>>
        tpu.enqueue_dma source(%dma_start3A_915 : memref<1x128xi32, #tpu.memory_space<hbm>>) target(%arg11 : memref<1x128xi32, #tpu.memory_space<vmem>>) target_semaphore(%arg34 : memref<!tpu.dma_semaphore, #tpu.memory_space<semaphore_mem>>)
      } else {
      }
      %parallel_loop3A = arith.constant 0 : i32
      %parallel_loop3A_318 = arith.constant 128 : i32
      %parallel_loop3A_319 = arith.constant 1 : i32
      scf.for %parallel_loop3A_910 = %parallel_loop3A to %parallel_loop3A_318 step %parallel_loop3A_319  : i32 {
        %parallel_loop3A_911 = arith.index_cast %parallel_loop3A_910 : i32 to index
        %parallel_loop3A_912 = arith.constant 0 : index
        %parallel_loop3A_913 = tpu.vector_load %arg15[%parallel_loop3A_911, %parallel_loop3A_912] {strides = array<i32>} : memref<128x64xf32, #tpu.memory_space<vmem>>, vector<16xf32>,
        %parallel_loop3A_914 = arith.index_cast %parallel_loop3A_910 : i32 to index
        %parallel_loop3A_915 = arith.constant 0 : index
        %parallel_loop3A_916 = tpu.vector_load %arg19[%parallel_loop3A_914, %parallel_loop3A_915] {strides = array<i32>} : memref<128x64xf32, #tpu.memory_space<vmem>>, vector<16xf32>,
        %parallel_loop3A_917 = arith.addf %parallel_loop3A_913, %parallel_loop3A_916 : vector<16xf32>
        %parallel_loop3A_918 = arith.constant 0 : i32
        %parallel_loop3A_919 = arith.addi %parallel_loop3A_918, %parallel_loop3A_910 : i32
        %parallel_loop3A_920 = vector.broadcast %parallel_loop3A_919 : i32 to vector<16xi32>
        %parallel_loop3A_921 = arith.addi %mul3A_5, %parallel_loop3A_920 : vector<16xi32>
        tpu.vector_store_idx %arg23[%parallel_loop3A_921], %parallel_loop3A_917 : memref<8256xf32, #tpu.memory_space<vmem>>[vector<16xi32>], vector<16xf32>,
        %parallel_loop3A_922 = arith.index_cast %parallel_loop3A_910 : i32 to index
        %parallel_loop3A_923 = arith.constant 16 : index
        %parallel_loop3A_924 = tpu.vector_load %arg15[%parallel_loop3A_922, %parallel_loop3A_923] {strides = array<i32>} : memref<128x64xf32, #tpu.memory_space<vmem>>, vector<16xf32>,
        %parallel_loop3A_925 = arith.index_cast %parallel_loop3A_910 : i32 to index
        %parallel_loop3A_926 = arith.constant 16 : index
        %parallel_loop3A_927 = tpu.vector_load %arg19[%parallel_loop3A_925, %parallel_loop3A_926] {strides = array<i32>} : memref<128x64xf32, #tpu.memory_space<vmem>>, vector<16xf32>,
        %parallel_loop3A_928 = arith.addf %parallel_loop3A_924, %parallel_loop3A_927 : vector<16xf32>
        %parallel_loop3A_929 = arith.constant 2064 : i32
        %parallel_loop3A_930 = arith.addi %parallel_loop3A_929, %parallel_loop3A_910 : i32
        %parallel_loop3A_931 = vector.broadcast %parallel_loop3A_930 : i32 to vector<16xi32>
        %parallel_loop3A_932 = arith.addi %mul3A_5, %parallel_loop3A_931 : vector<16xi32>
        tpu.vector_store_idx %arg23[%parallel_loop3A_932], %parallel_loop3A_928 : memref<8256xf32, #tpu.memory_space<vmem>>[vector<16xi32>], vector<16xf32>,
        %parallel_loop3A_933 = arith.index_cast %parallel_loop3A_910 : i32 to index
        %parallel_loop3A_934 = arith.constant 32 : index
        %parallel_loop3A_935 = tpu.vector_load %arg15[%parallel_loop3A_933, %parallel_loop3A_934] {strides = array<i32>} : memref<128x64xf32, #tpu.memory_space<vmem>>, vector<16xf32>,
        %parallel_loop3A_936 = arith.index_cast %parallel_loop3A_910 : i32 to index
        %parallel_loop3A_937 = arith.constant 32 : index
        %parallel_loop3A_938 = tpu.vector_load %arg19[%parallel_loop3A_936, %parallel_loop3A_937] {strides = array<i32>} : memref<128x64xf32, #tpu.memory_space<vmem>>, vector<16xf32>,
        %parallel_loop3A_939 = arith.addf %parallel_loop3A_935, %parallel_loop3A_938 : vector<16xf32>
        %parallel_loop3A_940 = arith.constant 4128 : i32
        %parallel_loop3A_941 = arith.addi %parallel_loop3A_940, %parallel_loop3A_910 : i32
        %parallel_loop3A_942 = vector.broadcast %parallel_loop3A_941 : i32 to vector<16xi32>
        %parallel_loop3A_943 = arith.addi %mul3A_5, %parallel_loop3A_942 : vector<16xi32>
        tpu.vector_store_idx %arg23[%parallel_loop3A_943], %parallel_loop3A_939 : memref<8256xf32, #tpu.memory_space<vmem>>[vector<16xi32>], vector<16xf32>,
        %parallel_loop3A_944 = arith.index_cast %parallel_loop3A_910 : i32 to index
        %parallel_loop3A_945 = arith.constant 48 : index
        %parallel_loop3A_946 = tpu.vector_load %arg15[%parallel_loop3A_944, %parallel_loop3A_945] {strides = array<i32>} : memref<128x64xf32, #tpu.memory_space<vmem>>, vector<16xf32>,
        %parallel_loop3A_947 = arith.index_cast %parallel_loop3A_910 : i32 to index
        %parallel_loop3A_948 = arith.constant 48 : index
        %parallel_loop3A_949 = tpu.vector_load %arg19[%parallel_loop3A_947, %parallel_loop3A_948] {strides = array<i32>} : memref<128x64xf32, #tpu.memory_space<vmem>>, vector<16xf32>,
        %parallel_loop3A_950 = arith.addf %parallel_loop3A_946, %parallel_loop3A_949 : vector<16xf32>
        %parallel_loop3A_951 = arith.constant 6192 : i32
        %parallel_loop3A_952 = arith.addi %parallel_loop3A_951, %parallel_loop3A_910 : i32
        %parallel_loop3A_953 = vector.broadcast %parallel_loop3A_952 : i32 to vector<16xi32>
        %parallel_loop3A_954 = arith.addi %mul3A_5, %parallel_loop3A_953 : vector<16xi32>
        tpu.vector_store_idx %arg23[%parallel_loop3A_954], %parallel_loop3A_950 : memref<8256xf32, #tpu.memory_space<vmem>>[vector<16xi32>], vector<16xf32>,
      } {sc.loop_unroll_factor = 4 : i64, sc.parallel_access}
      %gt3A = arith.constant 1 : i32
      %gt3A_320 = arith.cmpi sgt, %add3A_289, %gt3A : i32
      %convert_element_type3A_321 = arith.extui %gt3A_320 : i1 to i32
      %cond3A_322 = arith.constant 0 : i32
      %cond3A_323 = arith.cmpi ne, %convert_element_type3A_321, %cond3A_322 : i32
      scf.if %cond3A_323 {
        %dma_wait3A_910 = arith.constant 0 : i32
        %dma_wait3A_911 = arith.constant 0 : i32
        %dma_wait3A_912 = tpu.memref_slice %arg24[%dma_wait3A_911] : memref<8192xf32, #tpu.memory_space<vmem>> -> memref<1024xf32, #tpu.memory_space<vmem>>
        %dma_wait3A_913 = arith.constant 0 : i32
        %dma_wait3A_914 = tpu.memref_slice %arg6[%dma_wait3A_910, %add3A, %dma_wait3A_913] : memref<1600x32x1024xf32, #tpu.memory_space<hbm>> -> memref<1x1x1024xf32, #tpu.memory_space<hbm>>
        %dma_wait3A_915 = tpu.memref_squeeze %dma_wait3A_914 : memref<1x1x1024xf32, #tpu.memory_space<hbm>> -> memref<1024xf32, #tpu.memory_space<hbm>>
        %dma_wait3A_916 = arith.constant 0 : i32
        %dma_wait3A_917 = tpu.memref_slice %arg6[%dma_wait3A_910, %add3A, %dma_wait3A_916] : memref<1600x32x1024xf32, #tpu.memory_space<hbm>> -> memref<1x1x1024xf32, #tpu.memory_space<hbm>>
        %dma_wait3A_918 = tpu.memref_squeeze %dma_wait3A_917 : memref<1x1x1024xf32, #tpu.memory_space<hbm>> -> memref<1024xf32, #tpu.memory_space<hbm>>
        %dma_wait3A_919 = arith.constant 0 : i32
        %dma_wait3A_920 = tpu.memref_slice %arg24[%dma_wait3A_919] : memref<8192xf32, #tpu.memory_space<vmem>> -> memref<1024xf32, #tpu.memory_space<vmem>>
        tpu.wait_dma2 semaphore(%arg32 : memref<!tpu.dma_semaphore, #tpu.memory_space<semaphore_mem>>) src(%dma_wait3A_920 : memref<1024xf32, #tpu.memory_space<vmem>>) dst(%dma_wait3A_918 : memref<1024xf32, #tpu.memory_space<hbm>>)
        %dma_wait3A_921 = arith.constant 1 : i32
        %dma_wait3A_922 = arith.constant 1024 : i32
        %dma_wait3A_923 = tpu.memref_slice %arg24[%dma_wait3A_922] : memref<8192xf32, #tpu.memory_space<vmem>> -> memref<1024xf32, #tpu.memory_space<vmem>>
        %dma_wait3A_924 = arith.constant 0 : i32
        %dma_wait3A_925 = tpu.memref_slice %arg6[%dma_wait3A_921, %add3A, %dma_wait3A_924] : memref<1600x32x1024xf32, #tpu.memory_space<hbm>> -> memref<1x1x1024xf32, #tpu.memory_space<hbm>>
        %dma_wait3A_926 = tpu.memref_squeeze %dma_wait3A_925 : memref<1x1x1024xf32, #tpu.memory_space<hbm>> -> memref<1024xf32, #tpu.memory_space<hbm>>
        %dma_wait3A_927 = arith.constant 0 : i32
        %dma_wait3A_928 = tpu.memref_slice %arg6[%dma_wait3A_921, %add3A, %dma_wait3A_927] : memref<1600x32x1024xf32, #tpu.memory_space<hbm>> -> memref<1x1x1024xf32, #tpu.memory_space<hbm>>
        %dma_wait3A_929 = tpu.memref_squeeze %dma_wait3A_928 : memref<1x1x1024xf32, #tpu.memory_space<hbm>> -> memref<1024xf32, #tpu.memory_space<hbm>>
        %dma_wait3A_930 = arith.constant 1024 : i32
        %dma_wait3A_931 = tpu.memref_slice %arg24[%dma_wait3A_930] : memref<8192xf32, #tpu.memory_space<vmem>> -> memref<1024xf32, #tpu.memory_space<vmem>>
        tpu.wait_dma2 semaphore(%arg32 : memref<!tpu.dma_semaphore, #tpu.memory_space<semaphore_mem>>) src(%dma_wait3A_931 : memref<1024xf32, #tpu.memory_space<vmem>>) dst(%dma_wait3A_929 : memref<1024xf32, #tpu.memory_space<hbm>>)
        %dma_wait3A_932 = arith.constant 2 : i32
        %dma_wait3A_933 = arith.constant 2048 : i32
        %dma_wait3A_934 = tpu.memref_slice %arg24[%dma_wait3A_933] : memref<8192xf32, #tpu.memory_space<vmem>> -> memref<1024xf32, #tpu.memory_space<vmem>>
        %dma_wait3A_935 = arith.constant 0 : i32
        %dma_wait3A_936 = tpu.memref_slice %arg6[%dma_wait3A_932, %add3A, %dma_wait3A_935] : memref<1600x32x1024xf32, #tpu.memory_space<hbm>> -> memref<1x1x1024xf32, #tpu.memory_space<hbm>>
        %dma_wait3A_937 = tpu.memref_squeeze %dma_wait3A_936 : memref<1x1x1024xf32, #tpu.memory_space<hbm>> -> memref<1024xf32, #tpu.memory_space<hbm>>
        %dma_wait3A_938 = arith.constant 0 : i32
        %dma_wait3A_939 = tpu.memref_slice %arg6[%dma_wait3A_932, %add3A, %dma_wait3A_938] : memref<1600x32x1024xf32, #tpu.memory_space<hbm>> -> memref<1x1x1024xf32, #tpu.memory_space<hbm>>
        %dma_wait3A_940 = tpu.memref_squeeze %dma_wait3A_939 : memref<1x1x1024xf32, #tpu.memory_space<hbm>> -> memref<1024xf32, #tpu.memory_space<hbm>>
        %dma_wait3A_941 = arith.constant 2048 : i32
        %dma_wait3A_942 = tpu.memref_slice %arg24[%dma_wait3A_941] : memref<8192xf32, #tpu.memory_space<vmem>> -> memref<1024xf32, #tpu.memory_space<vmem>>
        tpu.wait_dma2 semaphore(%arg32 : memref<!tpu.dma_semaphore, #tpu.memory_space<semaphore_mem>>) src(%dma_wait3A_942 : memref<1024xf32, #tpu.memory_space<vmem>>) dst(%dma_wait3A_940 : memref<1024xf32, #tpu.memory_space<hbm>>)
        %dma_wait3A_943 = arith.constant 3 : i32
        %dma_wait3A_944 = arith.constant 3072 : i32
        %dma_wait3A_945 = tpu.memref_slice %arg24[%dma_wait3A_944] : memref<8192xf32, #tpu.memory_space<vmem>> -> memref<1024xf32, #tpu.memory_space<vmem>>
        %dma_wait3A_946 = arith.constant 0 : i32
        %dma_wait3A_947 = tpu.memref_slice %arg6[%dma_wait3A_943, %add3A, %dma_wait3A_946] : memref<1600x32x1024xf32, #tpu.memory_space<hbm>> -> memref<1x1x1024xf32, #tpu.memory_space<hbm>>
        %dma_wait3A_948 = tpu.memref_squeeze %dma_wait3A_947 : memref<1x1x1024xf32, #tpu.memory_space<hbm>> -> memref<1024xf32, #tpu.memory_space<hbm>>
        %dma_wait3A_949 = arith.constant 0 : i32
        %dma_wait3A_950 = tpu.memref_slice %arg6[%dma_wait3A_943, %add3A, %dma_wait3A_949] : memref<1600x32x1024xf32, #tpu.memory_space<hbm>> -> memref<1x1x1024xf32, #tpu.memory_space<hbm>>
        %dma_wait3A_951 = tpu.memref_squeeze %dma_wait3A_950 : memref<1x1x1024xf32, #tpu.memory_space<hbm>> -> memref<1024xf32, #tpu.memory_space<hbm>>
        %dma_wait3A_952 = arith.constant 3072 : i32
        %dma_wait3A_953 = tpu.memref_slice %arg24[%dma_wait3A_952] : memref<8192xf32, #tpu.memory_space<vmem>> -> memref<1024xf32, #tpu.memory_space<vmem>>
        tpu.wait_dma2 semaphore(%arg32 : memref<!tpu.dma_semaphore, #tpu.memory_space<semaphore_mem>>) src(%dma_wait3A_953 : memref<1024xf32, #tpu.memory_space<vmem>>) dst(%dma_wait3A_951 : memref<1024xf32, #tpu.memory_space<hbm>>)
        %dma_wait3A_954 = arith.constant 4 : i32
        %dma_wait3A_955 = arith.constant 4096 : i32
        %dma_wait3A_956 = tpu.memref_slice %arg24[%dma_wait3A_955] : memref<8192xf32, #tpu.memory_space<vmem>> -> memref<1024xf32, #tpu.memory_space<vmem>>
        %dma_wait3A_957 = arith.constant 0 : i32
        %dma_wait3A_958 = tpu.memref_slice %arg6[%dma_wait3A_954, %add3A, %dma_wait3A_957] : memref<1600x32x1024xf32, #tpu.memory_space<hbm>> -> memref<1x1x1024xf32, #tpu.memory_space<hbm>>
        %dma_wait3A_959 = tpu.memref_squeeze %dma_wait3A_958 : memref<1x1x1024xf32, #tpu.memory_space<hbm>> -> memref<1024xf32, #tpu.memory_space<hbm>>
        %dma_wait3A_960 = arith.constant 0 : i32
        %dma_wait3A_961 = tpu.memref_slice %arg6[%dma_wait3A_954, %add3A, %dma_wait3A_960] : memref<1600x32x1024xf32, #tpu.memory_space<hbm>> -> memref<1x1x1024xf32, #tpu.memory_space<hbm>>
        %dma_wait3A_962 = tpu.memref_squeeze %dma_wait3A_961 : memref<1x1x1024xf32, #tpu.memory_space<hbm>> -> memref<1024xf32, #tpu.memory_space<hbm>>
        %dma_wait3A_963 = arith.constant 4096 : i32
        %dma_wait3A_964 = tpu.memref_slice %arg24[%dma_wait3A_963] : memref<8192xf32, #tpu.memory_space<vmem>> -> memref<1024xf32, #tpu.memory_space<vmem>>
        tpu.wait_dma2 semaphore(%arg32 : memref<!tpu.dma_semaphore, #tpu.memory_space<semaphore_mem>>) src(%dma_wait3A_964 : memref<1024xf32, #tpu.memory_space<vmem>>) dst(%dma_wait3A_962 : memref<1024xf32, #tpu.memory_space<hbm>>)
        %dma_wait3A_965 = arith.constant 5 : i32
        %dma_wait3A_966 = arith.constant 5120 : i32
        %dma_wait3A_967 = tpu.memref_slice %arg24[%dma_wait3A_966] : memref<8192xf32, #tpu.memory_space<vmem>> -> memref<1024xf32, #tpu.memory_space<vmem>>
        %dma_wait3A_968 = arith.constant 0 : i32
        %dma_wait3A_969 = tpu.memref_slice %arg6[%dma_wait3A_965, %add3A, %dma_wait3A_968] : memref<1600x32x1024xf32, #tpu.memory_space<hbm>> -> memref<1x1x1024xf32, #tpu.memory_space<hbm>>
        %dma_wait3A_970 = tpu.memref_squeeze %dma_wait3A_969 : memref<1x1x1024xf32, #tpu.memory_space<hbm>> -> memref<1024xf32, #tpu.memory_space<hbm>>
        %dma_wait3A_971 = arith.constant 0 : i32
        %dma_wait3A_972 = tpu.memref_slice %arg6[%dma_wait3A_965, %add3A, %dma_wait3A_971] : memref<1600x32x1024xf32, #tpu.memory_space<hbm>> -> memref<1x1x1024xf32, #tpu.memory_space<hbm>>
        %dma_wait3A_973 = tpu.memref_squeeze %dma_wait3A_972 : memref<1x1x1024xf32, #tpu.memory_space<hbm>> -> memref<1024xf32, #tpu.memory_space<hbm>>
        %dma_wait3A_974 = arith.constant 5120 : i32
        %dma_wait3A_975 = tpu.memref_slice %arg24[%dma_wait3A_974] : memref<8192xf32, #tpu.memory_space<vmem>> -> memref<1024xf32, #tpu.memory_space<vmem>>
        tpu.wait_dma2 semaphore(%arg32 : memref<!tpu.dma_semaphore, #tpu.memory_space<semaphore_mem>>) src(%dma_wait3A_975 : memref<1024xf32, #tpu.memory_space<vmem>>) dst(%dma_wait3A_973 : memref<1024xf32, #tpu.memory_space<hbm>>)
        %dma_wait3A_976 = arith.constant 6 : i32
        %dma_wait3A_977 = arith.constant 6144 : i32
        %dma_wait3A_978 = tpu.memref_slice %arg24[%dma_wait3A_977] : memref<8192xf32, #tpu.memory_space<vmem>> -> memref<1024xf32, #tpu.memory_space<vmem>>
        %dma_wait3A_979 = arith.constant 0 : i32
        %dma_wait3A_980 = tpu.memref_slice %arg6[%dma_wait3A_976, %add3A, %dma_wait3A_979] : memref<1600x32x1024xf32, #tpu.memory_space<hbm>> -> memref<1x1x1024xf32, #tpu.memory_space<hbm>>
        %dma_wait3A_981 = tpu.memref_squeeze %dma_wait3A_980 : memref<1x1x1024xf32, #tpu.memory_space<hbm>> -> memref<1024xf32, #tpu.memory_space<hbm>>
        %dma_wait3A_982 = arith.constant 0 : i32
        %dma_wait3A_983 = tpu.memref_slice %arg6[%dma_wait3A_976, %add3A, %dma_wait3A_982] : memref<1600x32x1024xf32, #tpu.memory_space<hbm>> -> memref<1x1x1024xf32, #tpu.memory_space<hbm>>
        %dma_wait3A_984 = tpu.memref_squeeze %dma_wait3A_983 : memref<1x1x1024xf32, #tpu.memory_space<hbm>> -> memref<1024xf32, #tpu.memory_space<hbm>>
        %dma_wait3A_985 = arith.constant 6144 : i32
        %dma_wait3A_986 = tpu.memref_slice %arg24[%dma_wait3A_985] : memref<8192xf32, #tpu.memory_space<vmem>> -> memref<1024xf32, #tpu.memory_space<vmem>>
        tpu.wait_dma2 semaphore(%arg32 : memref<!tpu.dma_semaphore, #tpu.memory_space<semaphore_mem>>) src(%dma_wait3A_986 : memref<1024xf32, #tpu.memory_space<vmem>>) dst(%dma_wait3A_984 : memref<1024xf32, #tpu.memory_space<hbm>>)
        %dma_wait3A_987 = arith.constant 7 : i32
        %dma_wait3A_988 = arith.constant 7168 : i32
        %dma_wait3A_989 = tpu.memref_slice %arg24[%dma_wait3A_988] : memref<8192xf32, #tpu.memory_space<vmem>> -> memref<1024xf32, #tpu.memory_space<vmem>>
        %dma_wait3A_990 = arith.constant 0 : i32
        %dma_wait3A_991 = tpu.memref_slice %arg6[%dma_wait3A_987, %add3A, %dma_wait3A_990] : memref<1600x32x1024xf32, #tpu.memory_space<hbm>> -> memref<1x1x1024xf32, #tpu.memory_space<hbm>>
        %dma_wait3A_992 = tpu.memref_squeeze %dma_wait3A_991 : memref<1x1x1024xf32, #tpu.memory_space<hbm>> -> memref<1024xf32, #tpu.memory_space<hbm>>
        %dma_wait3A_993 = arith.constant 0 : i32
        %dma_wait3A_994 = tpu.memref_slice %arg6[%dma_wait3A_987, %add3A, %dma_wait3A_993] : memref<1600x32x1024xf32, #tpu.memory_space<hbm>> -> memref<1x1x1024xf32, #tpu.memory_space<hbm>>
        %dma_wait3A_995 = tpu.memref_squeeze %dma_wait3A_994 : memref<1x1x1024xf32, #tpu.memory_space<hbm>> -> memref<1024xf32, #tpu.memory_space<hbm>>
        %dma_wait3A_996 = arith.constant 7168 : i32
        %dma_wait3A_997 = tpu.memref_slice %arg24[%dma_wait3A_996] : memref<8192xf32, #tpu.memory_space<vmem>> -> memref<1024xf32, #tpu.memory_space<vmem>>
        tpu.wait_dma2 semaphore(%arg32 : memref<!tpu.dma_semaphore, #tpu.memory_space<semaphore_mem>>) src(%dma_wait3A_997 : memref<1024xf32, #tpu.memory_space<vmem>>) dst(%dma_wait3A_995 : memref<1024xf32, #tpu.memory_space<hbm>>)
      } else {
      }
      %parallel_loop3A_324 = arith.constant 0 : i32
      %parallel_loop3A_325 = arith.constant 64 : i32
      %parallel_loop3A_326 = arith.constant 1 : i32
      scf.for %parallel_loop3A_910 = %parallel_loop3A_324 to %parallel_loop3A_325 step %parallel_loop3A_326  : i32 {
        %parallel_loop3A_911 = arith.constant 129 : i32
        %parallel_loop3A_912 = arith.muli %parallel_loop3A_910, %parallel_loop3A_911 : i32
        %parallel_loop3A_913 = arith.constant 0 : i32
        %parallel_loop3A_914 = arith.addi %parallel_loop3A_912, %parallel_loop3A_913 : i32
        %parallel_loop3A_915 = arith.index_cast %parallel_loop3A_914 : i32 to index
        %parallel_loop3A_916 = tpu.vector_load %arg23[%parallel_loop3A_915] {strides = array<i32>} : memref<8256xf32, #tpu.memory_space<vmem>>, vector<16xf32>,
        %parallel_loop3A_917 = arith.constant 128 : i32
        %parallel_loop3A_918 = arith.muli %parallel_loop3A_910, %parallel_loop3A_917 : i32
        %parallel_loop3A_919 = arith.constant 0 : i32
        %parallel_loop3A_920 = arith.addi %parallel_loop3A_918, %parallel_loop3A_919 : i32
        %parallel_loop3A_921 = arith.index_cast %parallel_loop3A_920 : i32 to index
        %parallel_loop3A_922 = tpu.vector_load %arg24[%parallel_loop3A_921] {strides = array<i32>} : memref<8192xf32, #tpu.memory_space<vmem>>, vector<16xf32>,
        tpu.vector_store %arg24[%parallel_loop3A_921], %parallel_loop3A_916 {strides = array<i32>} : memref<8192xf32, #tpu.memory_space<vmem>>, vector<16xf32>,
        %parallel_loop3A_923 = arith.constant 129 : i32
        %parallel_loop3A_924 = arith.muli %parallel_loop3A_910, %parallel_loop3A_923 : i32
        %parallel_loop3A_925 = arith.constant 16 : i32
        %parallel_loop3A_926 = arith.addi %parallel_loop3A_924, %parallel_loop3A_925 : i32
        %parallel_loop3A_927 = arith.index_cast %parallel_loop3A_926 : i32 to index
        %parallel_loop3A_928 = tpu.vector_load %arg23[%parallel_loop3A_927] {strides = array<i32>} : memref<8256xf32, #tpu.memory_space<vmem>>, vector<16xf32>,
        %parallel_loop3A_929 = arith.constant 128 : i32
        %parallel_loop3A_930 = arith.muli %parallel_loop3A_910, %parallel_loop3A_929 : i32
        %parallel_loop3A_931 = arith.constant 16 : i32
        %parallel_loop3A_932 = arith.addi %parallel_loop3A_930, %parallel_loop3A_931 : i32
        %parallel_loop3A_933 = arith.index_cast %parallel_loop3A_932 : i32 to index
        %parallel_loop3A_934 = tpu.vector_load %arg24[%parallel_loop3A_933] {strides = array<i32>} : memref<8192xf32, #tpu.memory_space<vmem>>, vector<16xf32>,
        tpu.vector_store %arg24[%parallel_loop3A_933], %parallel_loop3A_928 {strides = array<i32>} : memref<8192xf32, #tpu.memory_space<vmem>>, vector<16xf32>,
        %parallel_loop3A_935 = arith.constant 129 : i32
        %parallel_loop3A_936 = arith.muli %parallel_loop3A_910, %parallel_loop3A_935 : i32
        %parallel_loop3A_937 = arith.constant 32 : i32
        %parallel_loop3A_938 = arith.addi %parallel_loop3A_936, %parallel_loop3A_937 : i32
        %parallel_loop3A_939 = arith.index_cast %parallel_loop3A_938 : i32 to index
        %parallel_loop3A_940 = tpu.vector_load %arg23[%parallel_loop3A_939] {strides = array<i32>} : memref<8256xf32, #tpu.memory_space<vmem>>, vector<16xf32>,
        %parallel_loop3A_941 = arith.constant 128 : i32
        %parallel_loop3A_942 = arith.muli %parallel_loop3A_910, %parallel_loop3A_941 : i32
        %parallel_loop3A_943 = arith.constant 32 : i32
        %parallel_loop3A_944 = arith.addi %parallel_loop3A_942, %parallel_loop3A_943 : i32
        %parallel_loop3A_945 = arith.index_cast %parallel_loop3A_944 : i32 to index
        %parallel_loop3A_946 = tpu.vector_load %arg24[%parallel_loop3A_945] {strides = array<i32>} : memref<8192xf32, #tpu.memory_space<vmem>>, vector<16xf32>,
        tpu.vector_store %arg24[%parallel_loop3A_945], %parallel_loop3A_940 {strides = array<i32>} : memref<8192xf32, #tpu.memory_space<vmem>>, vector<16xf32>,
        %parallel_loop3A_947 = arith.constant 129 : i32
        %parallel_loop3A_948 = arith.muli %parallel_loop3A_910, %parallel_loop3A_947 : i32
        %parallel_loop3A_949 = arith.constant 48 : i32
        %parallel_loop3A_950 = arith.addi %parallel_loop3A_948, %parallel_loop3A_949 : i32
        %parallel_loop3A_951 = arith.index_cast %parallel_loop3A_950 : i32 to index
        %parallel_loop3A_952 = tpu.vector_load %arg23[%parallel_loop3A_951] {strides = array<i32>} : memref<8256xf32, #tpu.memory_space<vmem>>, vector<16xf32>,
        %parallel_loop3A_953 = arith.constant 128 : i32
        %parallel_loop3A_954 = arith.muli %parallel_loop3A_910, %parallel_loop3A_953 : i32
        %parallel_loop3A_955 = arith.constant 48 : i32
        %parallel_loop3A_956 = arith.addi %parallel_loop3A_954, %parallel_loop3A_955 : i32
        %parallel_loop3A_957 = arith.index_cast %parallel_loop3A_956 : i32 to index
        %parallel_loop3A_958 = tpu.vector_load %arg24[%parallel_loop3A_957] {strides = array<i32>} : memref<8192xf32, #tpu.memory_space<vmem>>, vector<16xf32>,
        tpu.vector_store %arg24[%parallel_loop3A_957], %parallel_loop3A_952 {strides = array<i32>} : memref<8192xf32, #tpu.memory_space<vmem>>, vector<16xf32>,
        %parallel_loop3A_959 = arith.constant 129 : i32
        %parallel_loop3A_960 = arith.muli %parallel_loop3A_910, %parallel_loop3A_959 : i32
        %parallel_loop3A_961 = arith.constant 64 : i32
        %parallel_loop3A_962 = arith.addi %parallel_loop3A_960, %parallel_loop3A_961 : i32
        %parallel_loop3A_963 = arith.index_cast %parallel_loop3A_962 : i32 to index
        %parallel_loop3A_964 = tpu.vector_load %arg23[%parallel_loop3A_963] {strides = array<i32>} : memref<8256xf32, #tpu.memory_space<vmem>>, vector<16xf32>,
        %parallel_loop3A_965 = arith.constant 128 : i32
        %parallel_loop3A_966 = arith.muli %parallel_loop3A_910, %parallel_loop3A_965 : i32
        %parallel_loop3A_967 = arith.constant 64 : i32
        %parallel_loop3A_968 = arith.addi %parallel_loop3A_966, %parallel_loop3A_967 : i32
        %parallel_loop3A_969 = arith.index_cast %parallel_loop3A_968 : i32 to index
        %parallel_loop3A_970 = tpu.vector_load %arg24[%parallel_loop3A_969] {strides = array<i32>} : memref<8192xf32, #tpu.memory_space<vmem>>, vector<16xf32>,
        tpu.vector_store %arg24[%parallel_loop3A_969], %parallel_loop3A_964 {strides = array<i32>} : memref<8192xf32, #tpu.memory_space<vmem>>, vector<16xf32>,
        %parallel_loop3A_971 = arith.constant 129 : i32
        %parallel_loop3A_972 = arith.muli %parallel_loop3A_910, %parallel_loop3A_971 : i32
        %parallel_loop3A_973 = arith.constant 80 : i32
        %parallel_loop3A_974 = arith.addi %parallel_loop3A_972, %parallel_loop3A_973 : i32
        %parallel_loop3A_975 = arith.index_cast %parallel_loop3A_974 : i32 to index
        %parallel_loop3A_976 = tpu.vector_load %arg23[%parallel_loop3A_975] {strides = array<i32>} : memref<8256xf32, #tpu.memory_space<vmem>>, vector<16xf32>,
        %parallel_loop3A_977 = arith.constant 128 : i32
        %parallel_loop3A_978 = arith.muli %parallel_loop3A_910, %parallel_loop3A_977 : i32
        %parallel_loop3A_979 = arith.constant 80 : i32
        %parallel_loop3A_980 = arith.addi %parallel_loop3A_978, %parallel_loop3A_979 : i32
        %parallel_loop3A_981 = arith.index_cast %parallel_loop3A_980 : i32 to index
        %parallel_loop3A_982 = tpu.vector_load %arg24[%parallel_loop3A_981] {strides = array<i32>} : memref<8192xf32, #tpu.memory_space<vmem>>, vector<16xf32>,
        tpu.vector_store %arg24[%parallel_loop3A_981], %parallel_loop3A_976 {strides = array<i32>} : memref<8192xf32, #tpu.memory_space<vmem>>, vector<16xf32>,
        %parallel_loop3A_983 = arith.constant 129 : i32
        %parallel_loop3A_984 = arith.muli %parallel_loop3A_910, %parallel_loop3A_983 : i32
        %parallel_loop3A_985 = arith.constant 96 : i32
        %parallel_loop3A_986 = arith.addi %parallel_loop3A_984, %parallel_loop3A_985 : i32
        %parallel_loop3A_987 = arith.index_cast %parallel_loop3A_986 : i32 to index
        %parallel_loop3A_988 = tpu.vector_load %arg23[%parallel_loop3A_987] {strides = array<i32>} : memref<8256xf32, #tpu.memory_space<vmem>>, vector<16xf32>,
        %parallel_loop3A_989 = arith.constant 128 : i32
        %parallel_loop3A_990 = arith.muli %parallel_loop3A_910, %parallel_loop3A_989 : i32
        %parallel_loop3A_991 = arith.constant 96 : i32
        %parallel_loop3A_992 = arith.addi %parallel_loop3A_990, %parallel_loop3A_991 : i32
        %parallel_loop3A_993 = arith.index_cast %parallel_loop3A_992 : i32 to index
        %parallel_loop3A_994 = tpu.vector_load %arg24[%parallel_loop3A_993] {strides = array<i32>} : memref<8192xf32, #tpu.memory_space<vmem>>, vector<16xf32>,
        tpu.vector_store %arg24[%parallel_loop3A_993], %parallel_loop3A_988 {strides = array<i32>} : memref<8192xf32, #tpu.memory_space<vmem>>, vector<16xf32>,
        %parallel_loop3A_995 = arith.constant 129 : i32
        %parallel_loop3A_996 = arith.muli %parallel_loop3A_910, %parallel_loop3A_995 : i32
        %parallel_loop3A_997 = arith.constant 112 : i32
        %parallel_loop3A_998 = arith.addi %parallel_loop3A_996, %parallel_loop3A_997 : i32
        %parallel_loop3A_999 = arith.index_cast %parallel_loop3A_998 : i32 to index
        %parallel_loop3A_1000 = tpu.vector_load %arg23[%parallel_loop3A_999] {strides = array<i32>} : memref<8256xf32, #tpu.memory_space<vmem>>, vector<16xf32>,
        %parallel_loop3A_1001 = arith.constant 128 : i32
        %parallel_loop3A_1002 = arith.muli %parallel_loop3A_910, %parallel_loop3A_1001 : i32
        %parallel_loop3A_1003 = arith.constant 112 : i32
        %parallel_loop3A_1004 = arith.addi %parallel_loop3A_1002, %parallel_loop3A_1003 : i32
        %parallel_loop3A_1005 = arith.index_cast %parallel_loop3A_1004 : i32 to index
        %parallel_loop3A_1006 = tpu.vector_load %arg24[%parallel_loop3A_1005] {strides = array<i32>} : memref<8192xf32, #tpu.memory_space<vmem>>, vector<16xf32>,
        tpu.vector_store %arg24[%parallel_loop3A_1005], %parallel_loop3A_1000 {strides = array<i32>} : memref<8192xf32, #tpu.memory_space<vmem>>, vector<16xf32>,
      } {sc.loop_unroll_factor = 4 : i64, sc.parallel_access}
      %mul3A_327 = arith.constant 8 : i32
      %mul3A_328 = arith.muli %add3A_289, %mul3A_327 : i32
      %add3A_329 = arith.constant 0 : i32
      %add3A_330 = arith.addi %mul3A_328, %add3A_329 : i32
      %dma_start3A_331 = arith.constant 0 : i32
      %dma_start3A_332 = tpu.memref_slice %arg24[%dma_start3A_331] : memref<8192xf32, #tpu.memory_space<vmem>> -> memref<1024xf32, #tpu.memory_space<vmem>>
      %dma_start3A_333 = arith.constant 0 : i32
      %dma_start3A_334 = tpu.memref_slice %arg6[%add3A_330, %add3A, %dma_start3A_333] : memref<1600x32x1024xf32, #tpu.memory_space<hbm>> -> memref<1x1x1024xf32, #tpu.memory_space<hbm>>
      %dma_start3A_335 = tpu.memref_squeeze %dma_start3A_334 : memref<1x1x1024xf32, #tpu.memory_space<hbm>> -> memref<1024xf32, #tpu.memory_space<hbm>>
      %dma_start3A_336 = arith.constant 0 : i32
      %dma_start3A_337 = tpu.memref_slice %arg6[%add3A_330, %add3A, %dma_start3A_336] : memref<1600x32x1024xf32, #tpu.memory_space<hbm>> -> memref<1x1x1024xf32, #tpu.memory_space<hbm>>
      %dma_start3A_338 = tpu.memref_squeeze %dma_start3A_337 : memref<1x1x1024xf32, #tpu.memory_space<hbm>> -> memref<1024xf32, #tpu.memory_space<hbm>>
      %dma_start3A_339 = arith.constant 0 : i32
      %dma_start3A_340 = tpu.memref_slice %arg24[%dma_start3A_339] : memref<8192xf32, #tpu.memory_space<vmem>> -> memref<1024xf32, #tpu.memory_space<vmem>>
      tpu.enqueue_dma source(%dma_start3A_340 : memref<1024xf32, #tpu.memory_space<vmem>>) target(%dma_start3A_338 : memref<1024xf32, #tpu.memory_space<hbm>>) target_semaphore(%arg32 : memref<!tpu.dma_semaphore, #tpu.memory_space<semaphore_mem>>)
      %mul3A_341 = arith.constant 8 : i32
      %mul3A_342 = arith.muli %add3A_289, %mul3A_341 : i32
      %add3A_343 = arith.constant 1 : i32
      %add3A_344 = arith.addi %mul3A_342, %add3A_343 : i32
      %dma_start3A_345 = arith.constant 1024 : i32
      %dma_start3A_346 = tpu.memref_slice %arg24[%dma_start3A_345] : memref<8192xf32, #tpu.memory_space<vmem>> -> memref<1024xf32, #tpu.memory_space<vmem>>
      %dma_start3A_347 = arith.constant 0 : i32
      %dma_start3A_348 = tpu.memref_slice %arg6[%add3A_344, %add3A, %dma_start3A_347] : memref<1600x32x1024xf32, #tpu.memory_space<hbm>> -> memref<1x1x1024xf32, #tpu.memory_space<hbm>>
      %dma_start3A_349 = tpu.memref_squeeze %dma_start3A_348 : memref<1x1x1024xf32, #tpu.memory_space<hbm>> -> memref<1024xf32, #tpu.memory_space<hbm>>
      %dma_start3A_350 = arith.constant 0 : i32
      %dma_start3A_351 = tpu.memref_slice %arg6[%add3A_344, %add3A, %dma_start3A_350] : memref<1600x32x1024xf32, #tpu.memory_space<hbm>> -> memref<1x1x1024xf32, #tpu.memory_space<hbm>>
      %dma_start3A_352 = tpu.memref_squeeze %dma_start3A_351 : memref<1x1x1024xf32, #tpu.memory_space<hbm>> -> memref<1024xf32, #tpu.memory_space<hbm>>
      %dma_start3A_353 = arith.constant 1024 : i32
      %dma_start3A_354 = tpu.memref_slice %arg24[%dma_start3A_353] : memref<8192xf32, #tpu.memory_space<vmem>> -> memref<1024xf32, #tpu.memory_space<vmem>>
      tpu.enqueue_dma source(%dma_start3A_354 : memref<1024xf32, #tpu.memory_space<vmem>>) target(%dma_start3A_352 : memref<1024xf32, #tpu.memory_space<hbm>>) target_semaphore(%arg32 : memref<!tpu.dma_semaphore, #tpu.memory_space<semaphore_mem>>)
      %mul3A_355 = arith.constant 8 : i32
      %mul3A_356 = arith.muli %add3A_289, %mul3A_355 : i32
      %add3A_357 = arith.constant 2 : i32
      %add3A_358 = arith.addi %mul3A_356, %add3A_357 : i32
      %dma_start3A_359 = arith.constant 2048 : i32
      %dma_start3A_360 = tpu.memref_slice %arg24[%dma_start3A_359] : memref<8192xf32, #tpu.memory_space<vmem>> -> memref<1024xf32, #tpu.memory_space<vmem>>
      %dma_start3A_361 = arith.constant 0 : i32
      %dma_start3A_362 = tpu.memref_slice %arg6[%add3A_358, %add3A, %dma_start3A_361] : memref<1600x32x1024xf32, #tpu.memory_space<hbm>> -> memref<1x1x1024xf32, #tpu.memory_space<hbm>>
      %dma_start3A_363 = tpu.memref_squeeze %dma_start3A_362 : memref<1x1x1024xf32, #tpu.memory_space<hbm>> -> memref<1024xf32, #tpu.memory_space<hbm>>
      %dma_start3A_364 = arith.constant 0 : i32
      %dma_start3A_365 = tpu.memref_slice %arg6[%add3A_358, %add3A, %dma_start3A_364] : memref<1600x32x1024xf32, #tpu.memory_space<hbm>> -> memref<1x1x1024xf32, #tpu.memory_space<hbm>>
      %dma_start3A_366 = tpu.memref_squeeze %dma_start3A_365 : memref<1x1x1024xf32, #tpu.memory_space<hbm>> -> memref<1024xf32, #tpu.memory_space<hbm>>
      %dma_start3A_367 = arith.constant 2048 : i32
      %dma_start3A_368 = tpu.memref_slice %arg24[%dma_start3A_367] : memref<8192xf32, #tpu.memory_space<vmem>> -> memref<1024xf32, #tpu.memory_space<vmem>>
      tpu.enqueue_dma source(%dma_start3A_368 : memref<1024xf32, #tpu.memory_space<vmem>>) target(%dma_start3A_366 : memref<1024xf32, #tpu.memory_space<hbm>>) target_semaphore(%arg32 : memref<!tpu.dma_semaphore, #tpu.memory_space<semaphore_mem>>)
      %mul3A_369 = arith.constant 8 : i32
      %mul3A_370 = arith.muli %add3A_289, %mul3A_369 : i32
      %add3A_371 = arith.constant 3 : i32
      %add3A_372 = arith.addi %mul3A_370, %add3A_371 : i32
      %dma_start3A_373 = arith.constant 3072 : i32
      %dma_start3A_374 = tpu.memref_slice %arg24[%dma_start3A_373] : memref<8192xf32, #tpu.memory_space<vmem>> -> memref<1024xf32, #tpu.memory_space<vmem>>
      %dma_start3A_375 = arith.constant 0 : i32
      %dma_start3A_376 = tpu.memref_slice %arg6[%add3A_372, %add3A, %dma_start3A_375] : memref<1600x32x1024xf32, #tpu.memory_space<hbm>> -> memref<1x1x1024xf32, #tpu.memory_space<hbm>>
      %dma_start3A_377 = tpu.memref_squeeze %dma_start3A_376 : memref<1x1x1024xf32, #tpu.memory_space<hbm>> -> memref<1024xf32, #tpu.memory_space<hbm>>
      %dma_start3A_378 = arith.constant 0 : i32
      %dma_start3A_379 = tpu.memref_slice %arg6[%add3A_372, %add3A, %dma_start3A_378] : memref<1600x32x1024xf32, #tpu.memory_space<hbm>> -> memref<1x1x1024xf32, #tpu.memory_space<hbm>>
      %dma_start3A_380 = tpu.memref_squeeze %dma_start3A_379 : memref<1x1x1024xf32, #tpu.memory_space<hbm>> -> memref<1024xf32, #tpu.memory_space<hbm>>
      %dma_start3A_381 = arith.constant 3072 : i32
      %dma_start3A_382 = tpu.memref_slice %arg24[%dma_start3A_381] : memref<8192xf32, #tpu.memory_space<vmem>> -> memref<1024xf32, #tpu.memory_space<vmem>>
      tpu.enqueue_dma source(%dma_start3A_382 : memref<1024xf32, #tpu.memory_space<vmem>>) target(%dma_start3A_380 : memref<1024xf32, #tpu.memory_space<hbm>>) target_semaphore(%arg32 : memref<!tpu.dma_semaphore, #tpu.memory_space<semaphore_mem>>)
      %mul3A_383 = arith.constant 8 : i32
      %mul3A_384 = arith.muli %add3A_289, %mul3A_383 : i32
      %add3A_385 = arith.constant 4 : i32
      %add3A_386 = arith.addi %mul3A_384, %add3A_385 : i32
      %dma_start3A_387 = arith.constant 4096 : i32
      %dma_start3A_388 = tpu.memref_slice %arg24[%dma_start3A_387] : memref<8192xf32, #tpu.memory_space<vmem>> -> memref<1024xf32, #tpu.memory_space<vmem>>
      %dma_start3A_389 = arith.constant 0 : i32
      %dma_start3A_390 = tpu.memref_slice %arg6[%add3A_386, %add3A, %dma_start3A_389] : memref<1600x32x1024xf32, #tpu.memory_space<hbm>> -> memref<1x1x1024xf32, #tpu.memory_space<hbm>>
      %dma_start3A_391 = tpu.memref_squeeze %dma_start3A_390 : memref<1x1x1024xf32, #tpu.memory_space<hbm>> -> memref<1024xf32, #tpu.memory_space<hbm>>
      %dma_start3A_392 = arith.constant 0 : i32
      %dma_start3A_393 = tpu.memref_slice %arg6[%add3A_386, %add3A, %dma_start3A_392] : memref<1600x32x1024xf32, #tpu.memory_space<hbm>> -> memref<1x1x1024xf32, #tpu.memory_space<hbm>>
      %dma_start3A_394 = tpu.memref_squeeze %dma_start3A_393 : memref<1x1x1024xf32, #tpu.memory_space<hbm>> -> memref<1024xf32, #tpu.memory_space<hbm>>
      %dma_start3A_395 = arith.constant 4096 : i32
      %dma_start3A_396 = tpu.memref_slice %arg24[%dma_start3A_395] : memref<8192xf32, #tpu.memory_space<vmem>> -> memref<1024xf32, #tpu.memory_space<vmem>>
      tpu.enqueue_dma source(%dma_start3A_396 : memref<1024xf32, #tpu.memory_space<vmem>>) target(%dma_start3A_394 : memref<1024xf32, #tpu.memory_space<hbm>>) target_semaphore(%arg32 : memref<!tpu.dma_semaphore, #tpu.memory_space<semaphore_mem>>)
      %mul3A_397 = arith.constant 8 : i32
      %mul3A_398 = arith.muli %add3A_289, %mul3A_397 : i32
      %add3A_399 = arith.constant 5 : i32
      %add3A_400 = arith.addi %mul3A_398, %add3A_399 : i32
      %dma_start3A_401 = arith.constant 5120 : i32
      %dma_start3A_402 = tpu.memref_slice %arg24[%dma_start3A_401] : memref<8192xf32, #tpu.memory_space<vmem>> -> memref<1024xf32, #tpu.memory_space<vmem>>
      %dma_start3A_403 = arith.constant 0 : i32
      %dma_start3A_404 = tpu.memref_slice %arg6[%add3A_400, %add3A, %dma_start3A_403] : memref<1600x32x1024xf32, #tpu.memory_space<hbm>> -> memref<1x1x1024xf32, #tpu.memory_space<hbm>>
      %dma_start3A_405 = tpu.memref_squeeze %dma_start3A_404 : memref<1x1x1024xf32, #tpu.memory_space<hbm>> -> memref<1024xf32, #tpu.memory_space<hbm>>
      %dma_start3A_406 = arith.constant 0 : i32
      %dma_start3A_407 = tpu.memref_slice %arg6[%add3A_400, %add3A, %dma_start3A_406] : memref<1600x32x1024xf32, #tpu.memory_space<hbm>> -> memref<1x1x1024xf32, #tpu.memory_space<hbm>>
      %dma_start3A_408 = tpu.memref_squeeze %dma_start3A_407 : memref<1x1x1024xf32, #tpu.memory_space<hbm>> -> memref<1024xf32, #tpu.memory_space<hbm>>
      %dma_start3A_409 = arith.constant 5120 : i32
      %dma_start3A_410 = tpu.memref_slice %arg24[%dma_start3A_409] : memref<8192xf32, #tpu.memory_space<vmem>> -> memref<1024xf32, #tpu.memory_space<vmem>>
      tpu.enqueue_dma source(%dma_start3A_410 : memref<1024xf32, #tpu.memory_space<vmem>>) target(%dma_start3A_408 : memref<1024xf32, #tpu.memory_space<hbm>>) target_semaphore(%arg32 : memref<!tpu.dma_semaphore, #tpu.memory_space<semaphore_mem>>)
      %mul3A_411 = arith.constant 8 : i32
      %mul3A_412 = arith.muli %add3A_289, %mul3A_411 : i32
      %add3A_413 = arith.constant 6 : i32
      %add3A_414 = arith.addi %mul3A_412, %add3A_413 : i32
      %dma_start3A_415 = arith.constant 6144 : i32
      %dma_start3A_416 = tpu.memref_slice %arg24[%dma_start3A_415] : memref<8192xf32, #tpu.memory_space<vmem>> -> memref<1024xf32, #tpu.memory_space<vmem>>
      %dma_start3A_417 = arith.constant 0 : i32
      %dma_start3A_418 = tpu.memref_slice %arg6[%add3A_414, %add3A, %dma_start3A_417] : memref<1600x32x1024xf32, #tpu.memory_space<hbm>> -> memref<1x1x1024xf32, #tpu.memory_space<hbm>>
      %dma_start3A_419 = tpu.memref_squeeze %dma_start3A_418 : memref<1x1x1024xf32, #tpu.memory_space<hbm>> -> memref<1024xf32, #tpu.memory_space<hbm>>
      %dma_start3A_420 = arith.constant 0 : i32
      %dma_start3A_421 = tpu.memref_slice %arg6[%add3A_414, %add3A, %dma_start3A_420] : memref<1600x32x1024xf32, #tpu.memory_space<hbm>> -> memref<1x1x1024xf32, #tpu.memory_space<hbm>>
      %dma_start3A_422 = tpu.memref_squeeze %dma_start3A_421 : memref<1x1x1024xf32, #tpu.memory_space<hbm>> -> memref<1024xf32, #tpu.memory_space<hbm>>
      %dma_start3A_423 = arith.constant 6144 : i32
      %dma_start3A_424 = tpu.memref_slice %arg24[%dma_start3A_423] : memref<8192xf32, #tpu.memory_space<vmem>> -> memref<1024xf32, #tpu.memory_space<vmem>>
      tpu.enqueue_dma source(%dma_start3A_424 : memref<1024xf32, #tpu.memory_space<vmem>>) target(%dma_start3A_422 : memref<1024xf32, #tpu.memory_space<hbm>>) target_semaphore(%arg32 : memref<!tpu.dma_semaphore, #tpu.memory_space<semaphore_mem>>)
      %mul3A_425 = arith.constant 8 : i32
      %mul3A_426 = arith.muli %add3A_289, %mul3A_425 : i32
      %add3A_427 = arith.constant 7 : i32
      %add3A_428 = arith.addi %mul3A_426, %add3A_427 : i32
      %dma_start3A_429 = arith.constant 7168 : i32
      %dma_start3A_430 = tpu.memref_slice %arg24[%dma_start3A_429] : memref<8192xf32, #tpu.memory_space<vmem>> -> memref<1024xf32, #tpu.memory_space<vmem>>
      %dma_start3A_431 = arith.constant 0 : i32
      %dma_start3A_432 = tpu.memref_slice %arg6[%add3A_428, %add3A, %dma_start3A_431] : memref<1600x32x1024xf32, #tpu.memory_space<hbm>> -> memref<1x1x1024xf32, #tpu.memory_space<hbm>>
      %dma_start3A_433 = tpu.memref_squeeze %dma_start3A_432 : memref<1x1x1024xf32, #tpu.memory_space<hbm>> -> memref<1024xf32, #tpu.memory_space<hbm>>
      %dma_start3A_434 = arith.constant 0 : i32
      %dma_start3A_435 = tpu.memref_slice %arg6[%add3A_428, %add3A, %dma_start3A_434] : memref<1600x32x1024xf32, #tpu.memory_space<hbm>> -> memref<1x1x1024xf32, #tpu.memory_space<hbm>>
      %dma_start3A_436 = tpu.memref_squeeze %dma_start3A_435 : memref<1x1x1024xf32, #tpu.memory_space<hbm>> -> memref<1024xf32, #tpu.memory_space<hbm>>
      %dma_start3A_437 = arith.constant 7168 : i32
      %dma_start3A_438 = tpu.memref_slice %arg24[%dma_start3A_437] : memref<8192xf32, #tpu.memory_space<vmem>> -> memref<1024xf32, #tpu.memory_space<vmem>>
      tpu.enqueue_dma source(%dma_start3A_438 : memref<1024xf32, #tpu.memory_space<vmem>>) target(%dma_start3A_436 : memref<1024xf32, #tpu.memory_space<hbm>>) target_semaphore(%arg32 : memref<!tpu.dma_semaphore, #tpu.memory_space<semaphore_mem>>)
      %mul3A_439 = arith.constant 4 : i32
      %mul3A_440 = arith.muli %scan3A_285, %mul3A_439 : i32
      %add3A_441 = arith.constant 1 : i32
      %add3A_442 = arith.addi %mul3A_440, %add3A_441 : i32
      %dma_wait3A_443 = arith.constant 0 : i32
      %dma_wait3A_444 = arith.constant 0 : i32
      %dma_wait3A_445 = tpu.memref_slice %arg8[%dma_wait3A_443, %dma_wait3A_444] : memref<1x128xi32, #tpu.memory_space<vmem>> -> memref<1x128xi32, #tpu.memory_space<vmem>>
      %dma_wait3A_446 = tpu.memref_squeeze %dma_wait3A_445 : memref<1x128xi32, #tpu.memory_space<vmem>> -> memref<128xi32, #tpu.memory_space<vmem>>
      %dma_wait3A_447 = arith.constant 0 : i32
      %dma_wait3A_448 = arith.constant 0 : i32
      %dma_wait3A_449 = tpu.memref_slice %arg26[%dma_wait3A_447, %dma_wait3A_448] : memref<1000x64xf32, #tpu.memory_space<vmem_shared>> -> memref<1000x64xf32, #tpu.memory_space<vmem_shared>>
      tpu.wait_indirect_dma semaphore(%arg29 : memref<!tpu.dma_semaphore, #tpu.memory_space<semaphore_mem>>) src(%dma_wait3A_449 : memref<1000x64xf32, #tpu.memory_space<vmem_shared>>) dst(%arg16 : memref<128x64xf32, #tpu.memory_space<vmem>>)
      %dma_wait3A_450 = arith.constant 0 : i32
      %dma_wait3A_451 = arith.constant 0 : i32
      %dma_wait3A_452 = tpu.memref_slice %arg12[%dma_wait3A_450, %dma_wait3A_451] : memref<1x128xi32, #tpu.memory_space<vmem>> -> memref<1x128xi32, #tpu.memory_space<vmem>>
      %dma_wait3A_453 = tpu.memref_squeeze %dma_wait3A_452 : memref<1x128xi32, #tpu.memory_space<vmem>> -> memref<128xi32, #tpu.memory_space<vmem>>
      %dma_wait3A_454 = arith.constant 0 : i32
      %dma_wait3A_455 = arith.constant 0 : i32
      %dma_wait3A_456 = tpu.memref_slice %arg27[%dma_wait3A_454, %dma_wait3A_455] : memref<1000x64xf32, #tpu.memory_space<vmem_shared>> -> memref<1000x64xf32, #tpu.memory_space<vmem_shared>>
      tpu.wait_indirect_dma semaphore(%arg29 : memref<!tpu.dma_semaphore, #tpu.memory_space<semaphore_mem>>) src(%dma_wait3A_456 : memref<1000x64xf32, #tpu.memory_space<vmem_shared>>) dst(%arg20 : memref<128x64xf32, #tpu.memory_space<vmem>>)
      %add3A_457 = arith.constant 4 : i32
      %add3A_458 = arith.addi %add3A_442, %add3A_457 : i32
      %sub3A_459 = arith.constant 1 : i32
      %sub3A_460 = arith.subi %add3A_458, %sub3A_459 : i32
      %lt3A_461 = arith.constant 200 : i32
      %lt3A_462 = arith.cmpi slt, %sub3A_460, %lt3A_461 : i32
      %convert_element_type3A_463 = arith.extui %lt3A_462 : i1 to i32
      %cond3A_464 = arith.constant 0 : i32
      %cond3A_465 = arith.cmpi ne, %convert_element_type3A_463, %cond3A_464 : i32
      scf.if %cond3A_465 {
        %add3A_910 = arith.constant 4 : i32
        %add3A_911 = arith.addi %add3A_442, %add3A_910 : i32
        %sub3A_912 = arith.constant 1 : i32
        %sub3A_913 = arith.subi %add3A_911, %sub3A_912 : i32
        %dma_wait3A_914 = tpu.memref_slice %arg4[%sub3A_913, %mul3A_2] : memref<200x4096xi32, #tpu.memory_space<hbm>> -> memref<1x128xi32, #tpu.memory_space<hbm>>
        %dma_wait3A_915 = tpu.memref_slice %arg4[%sub3A_913, %mul3A_2] : memref<200x4096xi32, #tpu.memory_space<hbm>> -> memref<1x128xi32, #tpu.memory_space<hbm>>
        tpu.wait_dma2 semaphore(%arg34 : memref<!tpu.dma_semaphore, #tpu.memory_space<semaphore_mem>>) src(%dma_wait3A_915 : memref<1x128xi32, #tpu.memory_space<hbm>>) dst(%arg7 : memref<1x128xi32, #tpu.memory_space<vmem>>)
        %dma_wait3A_916 = tpu.memref_slice %arg5[%sub3A_913, %mul3A_2] : memref<200x4096xi32, #tpu.memory_space<hbm>> -> memref<1x128xi32, #tpu.memory_space<hbm>>
        %dma_wait3A_917 = tpu.memref_slice %arg5[%sub3A_913, %mul3A_2] : memref<200x4096xi32, #tpu.memory_space<hbm>> -> memref<1x128xi32, #tpu.memory_space<hbm>>
        tpu.wait_dma2 semaphore(%arg34 : memref<!tpu.dma_semaphore, #tpu.memory_space<semaphore_mem>>) src(%dma_wait3A_917 : memref<1x128xi32, #tpu.memory_space<hbm>>) dst(%arg11 : memref<1x128xi32, #tpu.memory_space<vmem>>)
        %dma_start3A_918 = arith.constant 0 : i32
        %dma_start3A_919 = arith.constant 0 : i32
        %dma_start3A_920 = tpu.memref_slice %arg7[%dma_start3A_918, %dma_start3A_919] : memref<1x128xi32, #tpu.memory_space<vmem>> -> memref<1x128xi32, #tpu.memory_space<vmem>>
        %dma_start3A_921 = tpu.memref_squeeze %dma_start3A_920 : memref<1x128xi32, #tpu.memory_space<vmem>> -> memref<128xi32, #tpu.memory_space<vmem>>
        %dma_start3A_922 = arith.constant 0 : i32
        %dma_start3A_923 = arith.constant 0 : i32
        %dma_start3A_924 = tpu.memref_slice %arg26[%dma_start3A_922, %dma_start3A_923] : memref<1000x64xf32, #tpu.memory_space<vmem_shared>> -> memref<1000x64xf32, #tpu.memory_space<vmem_shared>>
        tpu.enqueue_indirect_dma source(%dma_start3A_924 : memref<1000x64xf32, #tpu.memory_space<vmem_shared>>) target(%arg15 : memref<128x64xf32, #tpu.memory_space<vmem>>) offsets(%dma_start3A_921 : memref<128xi32, #tpu.memory_space<vmem>>) semaphore(%arg28 : memref<!tpu.dma_semaphore, #tpu.memory_space<semaphore_mem>>)
        %dma_start3A_925 = arith.constant 0 : i32
        %dma_start3A_926 = arith.constant 0 : i32
        %dma_start3A_927 = tpu.memref_slice %arg11[%dma_start3A_925, %dma_start3A_926] : memref<1x128xi32, #tpu.memory_space<vmem>> -> memref<1x128xi32, #tpu.memory_space<vmem>>
        %dma_start3A_928 = tpu.memref_squeeze %dma_start3A_927 : memref<1x128xi32, #tpu.memory_space<vmem>> -> memref<128xi32, #tpu.memory_space<vmem>>
        %dma_start3A_929 = arith.constant 0 : i32
        %dma_start3A_930 = arith.constant 0 : i32
        %dma_start3A_931 = tpu.memref_slice %arg27[%dma_start3A_929, %dma_start3A_930] : memref<1000x64xf32, #tpu.memory_space<vmem_shared>> -> memref<1000x64xf32, #tpu.memory_space<vmem_shared>>
        tpu.enqueue_indirect_dma source(%dma_start3A_931 : memref<1000x64xf32, #tpu.memory_space<vmem_shared>>) target(%arg19 : memref<128x64xf32, #tpu.memory_space<vmem>>) offsets(%dma_start3A_928 : memref<128xi32, #tpu.memory_space<vmem>>) semaphore(%arg28 : memref<!tpu.dma_semaphore, #tpu.memory_space<semaphore_mem>>)
      } else {
      }
      %add3A_466 = arith.constant 4 : i32
      %add3A_467 = arith.addi %add3A_442, %add3A_466 : i32
      %lt3A_468 = arith.constant 200 : i32
      %lt3A_469 = arith.cmpi slt, %add3A_467, %lt3A_468 : i32
      %convert_element_type3A_470 = arith.extui %lt3A_469 : i1 to i32
      %cond3A_471 = arith.constant 0 : i32
      %cond3A_472 = arith.cmpi ne, %convert_element_type3A_470, %cond3A_471 : i32
      scf.if %cond3A_472 {
        %add3A_910 = arith.constant 4 : i32
        %add3A_911 = arith.addi %add3A_442, %add3A_910 : i32
        %dma_start3A_912 = tpu.memref_slice %arg4[%add3A_911, %mul3A_2] : memref<200x4096xi32, #tpu.memory_space<hbm>> -> memref<1x128xi32, #tpu.memory_space<hbm>>
        %dma_start3A_913 = tpu.memref_slice %arg4[%add3A_911, %mul3A_2] : memref<200x4096xi32, #tpu.memory_space<hbm>> -> memref<1x128xi32, #tpu.memory_space<hbm>>
        tpu.enqueue_dma source(%dma_start3A_913 : memref<1x128xi32, #tpu.memory_space<hbm>>) target(%arg8 : memref<1x128xi32, #tpu.memory_space<vmem>>) target_semaphore(%arg35 : memref<!tpu.dma_semaphore, #tpu.memory_space<semaphore_mem>>)
        %dma_start3A_914 = tpu.memref_slice %arg5[%add3A_911, %mul3A_2] : memref<200x4096xi32, #tpu.memory_space<hbm>> -> memref<1x128xi32, #tpu.memory_space<hbm>>
        %dma_start3A_915 = tpu.memref_slice %arg5[%add3A_911, %mul3A_2] : memref<200x4096xi32, #tpu.memory_space<hbm>> -> memref<1x128xi32, #tpu.memory_space<hbm>>
        tpu.enqueue_dma source(%dma_start3A_915 : memref<1x128xi32, #tpu.memory_space<hbm>>) target(%arg12 : memref<1x128xi32, #tpu.memory_space<vmem>>) target_semaphore(%arg35 : memref<!tpu.dma_semaphore, #tpu.memory_space<semaphore_mem>>)
      } else {
      }
      %parallel_loop3A_473 = arith.constant 0 : i32
      %parallel_loop3A_474 = arith.constant 128 : i32
      %parallel_loop3A_475 = arith.constant 1 : i32
      scf.for %parallel_loop3A_910 = %parallel_loop3A_473 to %parallel_loop3A_474 step %parallel_loop3A_475  : i32 {
        %parallel_loop3A_911 = arith.index_cast %parallel_loop3A_910 : i32 to index
        %parallel_loop3A_912 = arith.constant 0 : index
        %parallel_loop3A_913 = tpu.vector_load %arg16[%parallel_loop3A_911, %parallel_loop3A_912] {strides = array<i32>} : memref<128x64xf32, #tpu.memory_space<vmem>>, vector<16xf32>,
        %parallel_loop3A_914 = arith.index_cast %parallel_loop3A_910 : i32 to index
        %parallel_loop3A_915 = arith.constant 0 : index
        %parallel_loop3A_916 = tpu.vector_load %arg20[%parallel_loop3A_914, %parallel_loop3A_915] {strides = array<i32>} : memref<128x64xf32, #tpu.memory_space<vmem>>, vector<16xf32>,
        %parallel_loop3A_917 = arith.addf %parallel_loop3A_913, %parallel_loop3A_916 : vector<16xf32>
        %parallel_loop3A_918 = arith.constant 0 : i32
        %parallel_loop3A_919 = arith.addi %parallel_loop3A_918, %parallel_loop3A_910 : i32
        %parallel_loop3A_920 = vector.broadcast %parallel_loop3A_919 : i32 to vector<16xi32>
        %parallel_loop3A_921 = arith.addi %mul3A_5, %parallel_loop3A_920 : vector<16xi32>
        tpu.vector_store_idx %arg23[%parallel_loop3A_921], %parallel_loop3A_917 : memref<8256xf32, #tpu.memory_space<vmem>>[vector<16xi32>], vector<16xf32>,
        %parallel_loop3A_922 = arith.index_cast %parallel_loop3A_910 : i32 to index
        %parallel_loop3A_923 = arith.constant 16 : index
        %parallel_loop3A_924 = tpu.vector_load %arg16[%parallel_loop3A_922, %parallel_loop3A_923] {strides = array<i32>} : memref<128x64xf32, #tpu.memory_space<vmem>>, vector<16xf32>,
        %parallel_loop3A_925 = arith.index_cast %parallel_loop3A_910 : i32 to index
        %parallel_loop3A_926 = arith.constant 16 : index
        %parallel_loop3A_927 = tpu.vector_load %arg20[%parallel_loop3A_925, %parallel_loop3A_926] {strides = array<i32>} : memref<128x64xf32, #tpu.memory_space<vmem>>, vector<16xf32>,
        %parallel_loop3A_928 = arith.addf %parallel_loop3A_924, %parallel_loop3A_927 : vector<16xf32>
        %parallel_loop3A_929 = arith.constant 2064 : i32
        %parallel_loop3A_930 = arith.addi %parallel_loop3A_929, %parallel_loop3A_910 : i32
        %parallel_loop3A_931 = vector.broadcast %parallel_loop3A_930 : i32 to vector<16xi32>
        %parallel_loop3A_932 = arith.addi %mul3A_5, %parallel_loop3A_931 : vector<16xi32>
        tpu.vector_store_idx %arg23[%parallel_loop3A_932], %parallel_loop3A_928 : memref<8256xf32, #tpu.memory_space<vmem>>[vector<16xi32>], vector<16xf32>,
        %parallel_loop3A_933 = arith.index_cast %parallel_loop3A_910 : i32 to index
        %parallel_loop3A_934 = arith.constant 32 : index
        %parallel_loop3A_935 = tpu.vector_load %arg16[%parallel_loop3A_933, %parallel_loop3A_934] {strides = array<i32>} : memref<128x64xf32, #tpu.memory_space<vmem>>, vector<16xf32>,
        %parallel_loop3A_936 = arith.index_cast %parallel_loop3A_910 : i32 to index
        %parallel_loop3A_937 = arith.constant 32 : index
        %parallel_loop3A_938 = tpu.vector_load %arg20[%parallel_loop3A_936, %parallel_loop3A_937] {strides = array<i32>} : memref<128x64xf32, #tpu.memory_space<vmem>>, vector<16xf32>,
        %parallel_loop3A_939 = arith.addf %parallel_loop3A_935, %parallel_loop3A_938 : vector<16xf32>
        %parallel_loop3A_940 = arith.constant 4128 : i32
        %parallel_loop3A_941 = arith.addi %parallel_loop3A_940, %parallel_loop3A_910 : i32
        %parallel_loop3A_942 = vector.broadcast %parallel_loop3A_941 : i32 to vector<16xi32>
        %parallel_loop3A_943 = arith.addi %mul3A_5, %parallel_loop3A_942 : vector<16xi32>
        tpu.vector_store_idx %arg23[%parallel_loop3A_943], %parallel_loop3A_939 : memref<8256xf32, #tpu.memory_space<vmem>>[vector<16xi32>], vector<16xf32>,
        %parallel_loop3A_944 = arith.index_cast %parallel_loop3A_910 : i32 to index
        %parallel_loop3A_945 = arith.constant 48 : index
        %parallel_loop3A_946 = tpu.vector_load %arg16[%parallel_loop3A_944, %parallel_loop3A_945] {strides = array<i32>} : memref<128x64xf32, #tpu.memory_space<vmem>>, vector<16xf32>,
        %parallel_loop3A_947 = arith.index_cast %parallel_loop3A_910 : i32 to index
        %parallel_loop3A_948 = arith.constant 48 : index
        %parallel_loop3A_949 = tpu.vector_load %arg20[%parallel_loop3A_947, %parallel_loop3A_948] {strides = array<i32>} : memref<128x64xf32, #tpu.memory_space<vmem>>, vector<16xf32>,
        %parallel_loop3A_950 = arith.addf %parallel_loop3A_946, %parallel_loop3A_949 : vector<16xf32>
        %parallel_loop3A_951 = arith.constant 6192 : i32
        %parallel_loop3A_952 = arith.addi %parallel_loop3A_951, %parallel_loop3A_910 : i32
        %parallel_loop3A_953 = vector.broadcast %parallel_loop3A_952 : i32 to vector<16xi32>
        %parallel_loop3A_954 = arith.addi %mul3A_5, %parallel_loop3A_953 : vector<16xi32>
        tpu.vector_store_idx %arg23[%parallel_loop3A_954], %parallel_loop3A_950 : memref<8256xf32, #tpu.memory_space<vmem>>[vector<16xi32>], vector<16xf32>,
      } {sc.loop_unroll_factor = 4 : i64, sc.parallel_access}
      %gt3A_476 = arith.constant 1 : i32
      %gt3A_477 = arith.cmpi sgt, %add3A_442, %gt3A_476 : i32
      %convert_element_type3A_478 = arith.extui %gt3A_477 : i1 to i32
      %cond3A_479 = arith.constant 0 : i32
      %cond3A_480 = arith.cmpi ne, %convert_element_type3A_478, %cond3A_479 : i32
      scf.if %cond3A_480 {
        %dma_wait3A_910 = arith.constant 0 : i32
        %dma_wait3A_911 = arith.constant 0 : i32
        %dma_wait3A_912 = tpu.memref_slice %arg25[%dma_wait3A_911] : memref<8192xf32, #tpu.memory_space<vmem>> -> memref<1024xf32, #tpu.memory_space<vmem>>
        %dma_wait3A_913 = arith.constant 0 : i32
        %dma_wait3A_914 = tpu.memref_slice %arg6[%dma_wait3A_910, %add3A, %dma_wait3A_913] : memref<1600x32x1024xf32, #tpu.memory_space<hbm>> -> memref<1x1x1024xf32, #tpu.memory_space<hbm>>
        %dma_wait3A_915 = tpu.memref_squeeze %dma_wait3A_914 : memref<1x1x1024xf32, #tpu.memory_space<hbm>> -> memref<1024xf32, #tpu.memory_space<hbm>>
        %dma_wait3A_916 = arith.constant 0 : i32
        %dma_wait3A_917 = tpu.memref_slice %arg6[%dma_wait3A_910, %add3A, %dma_wait3A_916] : memref<1600x32x1024xf32, #tpu.memory_space<hbm>> -> memref<1x1x1024xf32, #tpu.memory_space<hbm>>
        %dma_wait3A_918 = tpu.memref_squeeze %dma_wait3A_917 : memref<1x1x1024xf32, #tpu.memory_space<hbm>> -> memref<1024xf32, #tpu.memory_space<hbm>>
        %dma_wait3A_919 = arith.constant 0 : i32
        %dma_wait3A_920 = tpu.memref_slice %arg25[%dma_wait3A_919] : memref<8192xf32, #tpu.memory_space<vmem>> -> memref<1024xf32, #tpu.memory_space<vmem>>
        tpu.wait_dma2 semaphore(%arg33 : memref<!tpu.dma_semaphore, #tpu.memory_space<semaphore_mem>>) src(%dma_wait3A_920 : memref<1024xf32, #tpu.memory_space<vmem>>) dst(%dma_wait3A_918 : memref<1024xf32, #tpu.memory_space<hbm>>)
        %dma_wait3A_921 = arith.constant 1 : i32
        %dma_wait3A_922 = arith.constant 1024 : i32
        %dma_wait3A_923 = tpu.memref_slice %arg25[%dma_wait3A_922] : memref<8192xf32, #tpu.memory_space<vmem>> -> memref<1024xf32, #tpu.memory_space<vmem>>
        %dma_wait3A_924 = arith.constant 0 : i32
        %dma_wait3A_925 = tpu.memref_slice %arg6[%dma_wait3A_921, %add3A, %dma_wait3A_924] : memref<1600x32x1024xf32, #tpu.memory_space<hbm>> -> memref<1x1x1024xf32, #tpu.memory_space<hbm>>
        %dma_wait3A_926 = tpu.memref_squeeze %dma_wait3A_925 : memref<1x1x1024xf32, #tpu.memory_space<hbm>> -> memref<1024xf32, #tpu.memory_space<hbm>>
        %dma_wait3A_927 = arith.constant 0 : i32
        %dma_wait3A_928 = tpu.memref_slice %arg6[%dma_wait3A_921, %add3A, %dma_wait3A_927] : memref<1600x32x1024xf32, #tpu.memory_space<hbm>> -> memref<1x1x1024xf32, #tpu.memory_space<hbm>>
        %dma_wait3A_929 = tpu.memref_squeeze %dma_wait3A_928 : memref<1x1x1024xf32, #tpu.memory_space<hbm>> -> memref<1024xf32, #tpu.memory_space<hbm>>
        %dma_wait3A_930 = arith.constant 1024 : i32
        %dma_wait3A_931 = tpu.memref_slice %arg25[%dma_wait3A_930] : memref<8192xf32, #tpu.memory_space<vmem>> -> memref<1024xf32, #tpu.memory_space<vmem>>
        tpu.wait_dma2 semaphore(%arg33 : memref<!tpu.dma_semaphore, #tpu.memory_space<semaphore_mem>>) src(%dma_wait3A_931 : memref<1024xf32, #tpu.memory_space<vmem>>) dst(%dma_wait3A_929 : memref<1024xf32, #tpu.memory_space<hbm>>)
        %dma_wait3A_932 = arith.constant 2 : i32
        %dma_wait3A_933 = arith.constant 2048 : i32
        %dma_wait3A_934 = tpu.memref_slice %arg25[%dma_wait3A_933] : memref<8192xf32, #tpu.memory_space<vmem>> -> memref<1024xf32, #tpu.memory_space<vmem>>
        %dma_wait3A_935 = arith.constant 0 : i32
        %dma_wait3A_936 = tpu.memref_slice %arg6[%dma_wait3A_932, %add3A, %dma_wait3A_935] : memref<1600x32x1024xf32, #tpu.memory_space<hbm>> -> memref<1x1x1024xf32, #tpu.memory_space<hbm>>
        %dma_wait3A_937 = tpu.memref_squeeze %dma_wait3A_936 : memref<1x1x1024xf32, #tpu.memory_space<hbm>> -> memref<1024xf32, #tpu.memory_space<hbm>>
        %dma_wait3A_938 = arith.constant 0 : i32
        %dma_wait3A_939 = tpu.memref_slice %arg6[%dma_wait3A_932, %add3A, %dma_wait3A_938] : memref<1600x32x1024xf32, #tpu.memory_space<hbm>> -> memref<1x1x1024xf32, #tpu.memory_space<hbm>>
        %dma_wait3A_940 = tpu.memref_squeeze %dma_wait3A_939 : memref<1x1x1024xf32, #tpu.memory_space<hbm>> -> memref<1024xf32, #tpu.memory_space<hbm>>
        %dma_wait3A_941 = arith.constant 2048 : i32
        %dma_wait3A_942 = tpu.memref_slice %arg25[%dma_wait3A_941] : memref<8192xf32, #tpu.memory_space<vmem>> -> memref<1024xf32, #tpu.memory_space<vmem>>
        tpu.wait_dma2 semaphore(%arg33 : memref<!tpu.dma_semaphore, #tpu.memory_space<semaphore_mem>>) src(%dma_wait3A_942 : memref<1024xf32, #tpu.memory_space<vmem>>) dst(%dma_wait3A_940 : memref<1024xf32, #tpu.memory_space<hbm>>)
        %dma_wait3A_943 = arith.constant 3 : i32
        %dma_wait3A_944 = arith.constant 3072 : i32
        %dma_wait3A_945 = tpu.memref_slice %arg25[%dma_wait3A_944] : memref<8192xf32, #tpu.memory_space<vmem>> -> memref<1024xf32, #tpu.memory_space<vmem>>
        %dma_wait3A_946 = arith.constant 0 : i32
        %dma_wait3A_947 = tpu.memref_slice %arg6[%dma_wait3A_943, %add3A, %dma_wait3A_946] : memref<1600x32x1024xf32, #tpu.memory_space<hbm>> -> memref<1x1x1024xf32, #tpu.memory_space<hbm>>
        %dma_wait3A_948 = tpu.memref_squeeze %dma_wait3A_947 : memref<1x1x1024xf32, #tpu.memory_space<hbm>> -> memref<1024xf32, #tpu.memory_space<hbm>>
        %dma_wait3A_949 = arith.constant 0 : i32
        %dma_wait3A_950 = tpu.memref_slice %arg6[%dma_wait3A_943, %add3A, %dma_wait3A_949] : memref<1600x32x1024xf32, #tpu.memory_space<hbm>> -> memref<1x1x1024xf32, #tpu.memory_space<hbm>>
        %dma_wait3A_951 = tpu.memref_squeeze %dma_wait3A_950 : memref<1x1x1024xf32, #tpu.memory_space<hbm>> -> memref<1024xf32, #tpu.memory_space<hbm>>
        %dma_wait3A_952 = arith.constant 3072 : i32
        %dma_wait3A_953 = tpu.memref_slice %arg25[%dma_wait3A_952] : memref<8192xf32, #tpu.memory_space<vmem>> -> memref<1024xf32, #tpu.memory_space<vmem>>
        tpu.wait_dma2 semaphore(%arg33 : memref<!tpu.dma_semaphore, #tpu.memory_space<semaphore_mem>>) src(%dma_wait3A_953 : memref<1024xf32, #tpu.memory_space<vmem>>) dst(%dma_wait3A_951 : memref<1024xf32, #tpu.memory_space<hbm>>)
        %dma_wait3A_954 = arith.constant 4 : i32
        %dma_wait3A_955 = arith.constant 4096 : i32
        %dma_wait3A_956 = tpu.memref_slice %arg25[%dma_wait3A_955] : memref<8192xf32, #tpu.memory_space<vmem>> -> memref<1024xf32, #tpu.memory_space<vmem>>
        %dma_wait3A_957 = arith.constant 0 : i32
        %dma_wait3A_958 = tpu.memref_slice %arg6[%dma_wait3A_954, %add3A, %dma_wait3A_957] : memref<1600x32x1024xf32, #tpu.memory_space<hbm>> -> memref<1x1x1024xf32, #tpu.memory_space<hbm>>
        %dma_wait3A_959 = tpu.memref_squeeze %dma_wait3A_958 : memref<1x1x1024xf32, #tpu.memory_space<hbm>> -> memref<1024xf32, #tpu.memory_space<hbm>>
        %dma_wait3A_960 = arith.constant 0 : i32
        %dma_wait3A_961 = tpu.memref_slice %arg6[%dma_wait3A_954, %add3A, %dma_wait3A_960] : memref<1600x32x1024xf32, #tpu.memory_space<hbm>> -> memref<1x1x1024xf32, #tpu.memory_space<hbm>>
        %dma_wait3A_962 = tpu.memref_squeeze %dma_wait3A_961 : memref<1x1x1024xf32, #tpu.memory_space<hbm>> -> memref<1024xf32, #tpu.memory_space<hbm>>
        %dma_wait3A_963 = arith.constant 4096 : i32
        %dma_wait3A_964 = tpu.memref_slice %arg25[%dma_wait3A_963] : memref<8192xf32, #tpu.memory_space<vmem>> -> memref<1024xf32, #tpu.memory_space<vmem>>
        tpu.wait_dma2 semaphore(%arg33 : memref<!tpu.dma_semaphore, #tpu.memory_space<semaphore_mem>>) src(%dma_wait3A_964 : memref<1024xf32, #tpu.memory_space<vmem>>) dst(%dma_wait3A_962 : memref<1024xf32, #tpu.memory_space<hbm>>)
        %dma_wait3A_965 = arith.constant 5 : i32
        %dma_wait3A_966 = arith.constant 5120 : i32
        %dma_wait3A_967 = tpu.memref_slice %arg25[%dma_wait3A_966] : memref<8192xf32, #tpu.memory_space<vmem>> -> memref<1024xf32, #tpu.memory_space<vmem>>
        %dma_wait3A_968 = arith.constant 0 : i32
        %dma_wait3A_969 = tpu.memref_slice %arg6[%dma_wait3A_965, %add3A, %dma_wait3A_968] : memref<1600x32x1024xf32, #tpu.memory_space<hbm>> -> memref<1x1x1024xf32, #tpu.memory_space<hbm>>
        %dma_wait3A_970 = tpu.memref_squeeze %dma_wait3A_969 : memref<1x1x1024xf32, #tpu.memory_space<hbm>> -> memref<1024xf32, #tpu.memory_space<hbm>>
        %dma_wait3A_971 = arith.constant 0 : i32
        %dma_wait3A_972 = tpu.memref_slice %arg6[%dma_wait3A_965, %add3A, %dma_wait3A_971] : memref<1600x32x1024xf32, #tpu.memory_space<hbm>> -> memref<1x1x1024xf32, #tpu.memory_space<hbm>>
        %dma_wait3A_973 = tpu.memref_squeeze %dma_wait3A_972 : memref<1x1x1024xf32, #tpu.memory_space<hbm>> -> memref<1024xf32, #tpu.memory_space<hbm>>
        %dma_wait3A_974 = arith.constant 5120 : i32
        %dma_wait3A_975 = tpu.memref_slice %arg25[%dma_wait3A_974] : memref<8192xf32, #tpu.memory_space<vmem>> -> memref<1024xf32, #tpu.memory_space<vmem>>
        tpu.wait_dma2 semaphore(%arg33 : memref<!tpu.dma_semaphore, #tpu.memory_space<semaphore_mem>>) src(%dma_wait3A_975 : memref<1024xf32, #tpu.memory_space<vmem>>) dst(%dma_wait3A_973 : memref<1024xf32, #tpu.memory_space<hbm>>)
        %dma_wait3A_976 = arith.constant 6 : i32
        %dma_wait3A_977 = arith.constant 6144 : i32
        %dma_wait3A_978 = tpu.memref_slice %arg25[%dma_wait3A_977] : memref<8192xf32, #tpu.memory_space<vmem>> -> memref<1024xf32, #tpu.memory_space<vmem>>
        %dma_wait3A_979 = arith.constant 0 : i32
        %dma_wait3A_980 = tpu.memref_slice %arg6[%dma_wait3A_976, %add3A, %dma_wait3A_979] : memref<1600x32x1024xf32, #tpu.memory_space<hbm>> -> memref<1x1x1024xf32, #tpu.memory_space<hbm>>
        %dma_wait3A_981 = tpu.memref_squeeze %dma_wait3A_980 : memref<1x1x1024xf32, #tpu.memory_space<hbm>> -> memref<1024xf32, #tpu.memory_space<hbm>>
        %dma_wait3A_982 = arith.constant 0 : i32
        %dma_wait3A_983 = tpu.memref_slice %arg6[%dma_wait3A_976, %add3A, %dma_wait3A_982] : memref<1600x32x1024xf32, #tpu.memory_space<hbm>> -> memref<1x1x1024xf32, #tpu.memory_space<hbm>>
        %dma_wait3A_984 = tpu.memref_squeeze %dma_wait3A_983 : memref<1x1x1024xf32, #tpu.memory_space<hbm>> -> memref<1024xf32, #tpu.memory_space<hbm>>
        %dma_wait3A_985 = arith.constant 6144 : i32
        %dma_wait3A_986 = tpu.memref_slice %arg25[%dma_wait3A_985] : memref<8192xf32, #tpu.memory_space<vmem>> -> memref<1024xf32, #tpu.memory_space<vmem>>
        tpu.wait_dma2 semaphore(%arg33 : memref<!tpu.dma_semaphore, #tpu.memory_space<semaphore_mem>>) src(%dma_wait3A_986 : memref<1024xf32, #tpu.memory_space<vmem>>) dst(%dma_wait3A_984 : memref<1024xf32, #tpu.memory_space<hbm>>)
        %dma_wait3A_987 = arith.constant 7 : i32
        %dma_wait3A_988 = arith.constant 7168 : i32
        %dma_wait3A_989 = tpu.memref_slice %arg25[%dma_wait3A_988] : memref<8192xf32, #tpu.memory_space<vmem>> -> memref<1024xf32, #tpu.memory_space<vmem>>
        %dma_wait3A_990 = arith.constant 0 : i32
        %dma_wait3A_991 = tpu.memref_slice %arg6[%dma_wait3A_987, %add3A, %dma_wait3A_990] : memref<1600x32x1024xf32, #tpu.memory_space<hbm>> -> memref<1x1x1024xf32, #tpu.memory_space<hbm>>
        %dma_wait3A_992 = tpu.memref_squeeze %dma_wait3A_991 : memref<1x1x1024xf32, #tpu.memory_space<hbm>> -> memref<1024xf32, #tpu.memory_space<hbm>>
        %dma_wait3A_993 = arith.constant 0 : i32
        %dma_wait3A_994 = tpu.memref_slice %arg6[%dma_wait3A_987, %add3A, %dma_wait3A_993] : memref<1600x32x1024xf32, #tpu.memory_space<hbm>> -> memref<1x1x1024xf32, #tpu.memory_space<hbm>>
        %dma_wait3A_995 = tpu.memref_squeeze %dma_wait3A_994 : memref<1x1x1024xf32, #tpu.memory_space<hbm>> -> memref<1024xf32, #tpu.memory_space<hbm>>
        %dma_wait3A_996 = arith.constant 7168 : i32
        %dma_wait3A_997 = tpu.memref_slice %arg25[%dma_wait3A_996] : memref<8192xf32, #tpu.memory_space<vmem>> -> memref<1024xf32, #tpu.memory_space<vmem>>
        tpu.wait_dma2 semaphore(%arg33 : memref<!tpu.dma_semaphore, #tpu.memory_space<semaphore_mem>>) src(%dma_wait3A_997 : memref<1024xf32, #tpu.memory_space<vmem>>) dst(%dma_wait3A_995 : memref<1024xf32, #tpu.memory_space<hbm>>)
      } else {
      }
      %parallel_loop3A_481 = arith.constant 0 : i32
      %parallel_loop3A_482 = arith.constant 64 : i32
      %parallel_loop3A_483 = arith.constant 1 : i32
      scf.for %parallel_loop3A_910 = %parallel_loop3A_481 to %parallel_loop3A_482 step %parallel_loop3A_483  : i32 {
        %parallel_loop3A_911 = arith.constant 129 : i32
        %parallel_loop3A_912 = arith.muli %parallel_loop3A_910, %parallel_loop3A_911 : i32
        %parallel_loop3A_913 = arith.constant 0 : i32
        %parallel_loop3A_914 = arith.addi %parallel_loop3A_912, %parallel_loop3A_913 : i32
        %parallel_loop3A_915 = arith.index_cast %parallel_loop3A_914 : i32 to index
        %parallel_loop3A_916 = tpu.vector_load %arg23[%parallel_loop3A_915] {strides = array<i32>} : memref<8256xf32, #tpu.memory_space<vmem>>, vector<16xf32>,
        %parallel_loop3A_917 = arith.constant 128 : i32
        %parallel_loop3A_918 = arith.muli %parallel_loop3A_910, %parallel_loop3A_917 : i32
        %parallel_loop3A_919 = arith.constant 0 : i32
        %parallel_loop3A_920 = arith.addi %parallel_loop3A_918, %parallel_loop3A_919 : i32
        %parallel_loop3A_921 = arith.index_cast %parallel_loop3A_920 : i32 to index
        %parallel_loop3A_922 = tpu.vector_load %arg25[%parallel_loop3A_921] {strides = array<i32>} : memref<8192xf32, #tpu.memory_space<vmem>>, vector<16xf32>,
        tpu.vector_store %arg25[%parallel_loop3A_921], %parallel_loop3A_916 {strides = array<i32>} : memref<8192xf32, #tpu.memory_space<vmem>>, vector<16xf32>,
        %parallel_loop3A_923 = arith.constant 129 : i32
        %parallel_loop3A_924 = arith.muli %parallel_loop3A_910, %parallel_loop3A_923 : i32
        %parallel_loop3A_925 = arith.constant 16 : i32
        %parallel_loop3A_926 = arith.addi %parallel_loop3A_924, %parallel_loop3A_925 : i32
        %parallel_loop3A_927 = arith.index_cast %parallel_loop3A_926 : i32 to index
        %parallel_loop3A_928 = tpu.vector_load %arg23[%parallel_loop3A_927] {strides = array<i32>} : memref<8256xf32, #tpu.memory_space<vmem>>, vector<16xf32>,
        %parallel_loop3A_929 = arith.constant 128 : i32
        %parallel_loop3A_930 = arith.muli %parallel_loop3A_910, %parallel_loop3A_929 : i32
        %parallel_loop3A_931 = arith.constant 16 : i32
        %parallel_loop3A_932 = arith.addi %parallel_loop3A_930, %parallel_loop3A_931 : i32
        %parallel_loop3A_933 = arith.index_cast %parallel_loop3A_932 : i32 to index
        %parallel_loop3A_934 = tpu.vector_load %arg25[%parallel_loop3A_933] {strides = array<i32>} : memref<8192xf32, #tpu.memory_space<vmem>>, vector<16xf32>,
        tpu.vector_store %arg25[%parallel_loop3A_933], %parallel_loop3A_928 {strides = array<i32>} : memref<8192xf32, #tpu.memory_space<vmem>>, vector<16xf32>,
        %parallel_loop3A_935 = arith.constant 129 : i32
        %parallel_loop3A_936 = arith.muli %parallel_loop3A_910, %parallel_loop3A_935 : i32
        %parallel_loop3A_937 = arith.constant 32 : i32
        %parallel_loop3A_938 = arith.addi %parallel_loop3A_936, %parallel_loop3A_937 : i32
        %parallel_loop3A_939 = arith.index_cast %parallel_loop3A_938 : i32 to index
        %parallel_loop3A_940 = tpu.vector_load %arg23[%parallel_loop3A_939] {strides = array<i32>} : memref<8256xf32, #tpu.memory_space<vmem>>, vector<16xf32>,
        %parallel_loop3A_941 = arith.constant 128 : i32
        %parallel_loop3A_942 = arith.muli %parallel_loop3A_910, %parallel_loop3A_941 : i32
        %parallel_loop3A_943 = arith.constant 32 : i32
        %parallel_loop3A_944 = arith.addi %parallel_loop3A_942, %parallel_loop3A_943 : i32
        %parallel_loop3A_945 = arith.index_cast %parallel_loop3A_944 : i32 to index
        %parallel_loop3A_946 = tpu.vector_load %arg25[%parallel_loop3A_945] {strides = array<i32>} : memref<8192xf32, #tpu.memory_space<vmem>>, vector<16xf32>,
        tpu.vector_store %arg25[%parallel_loop3A_945], %parallel_loop3A_940 {strides = array<i32>} : memref<8192xf32, #tpu.memory_space<vmem>>, vector<16xf32>,
        %parallel_loop3A_947 = arith.constant 129 : i32
        %parallel_loop3A_948 = arith.muli %parallel_loop3A_910, %parallel_loop3A_947 : i32
        %parallel_loop3A_949 = arith.constant 48 : i32
        %parallel_loop3A_950 = arith.addi %parallel_loop3A_948, %parallel_loop3A_949 : i32
        %parallel_loop3A_951 = arith.index_cast %parallel_loop3A_950 : i32 to index
        %parallel_loop3A_952 = tpu.vector_load %arg23[%parallel_loop3A_951] {strides = array<i32>} : memref<8256xf32, #tpu.memory_space<vmem>>, vector<16xf32>,
        %parallel_loop3A_953 = arith.constant 128 : i32
        %parallel_loop3A_954 = arith.muli %parallel_loop3A_910, %parallel_loop3A_953 : i32
        %parallel_loop3A_955 = arith.constant 48 : i32
        %parallel_loop3A_956 = arith.addi %parallel_loop3A_954, %parallel_loop3A_955 : i32
        %parallel_loop3A_957 = arith.index_cast %parallel_loop3A_956 : i32 to index
        %parallel_loop3A_958 = tpu.vector_load %arg25[%parallel_loop3A_957] {strides = array<i32>} : memref<8192xf32, #tpu.memory_space<vmem>>, vector<16xf32>,
        tpu.vector_store %arg25[%parallel_loop3A_957], %parallel_loop3A_952 {strides = array<i32>} : memref<8192xf32, #tpu.memory_space<vmem>>, vector<16xf32>,
        %parallel_loop3A_959 = arith.constant 129 : i32
        %parallel_loop3A_960 = arith.muli %parallel_loop3A_910, %parallel_loop3A_959 : i32
        %parallel_loop3A_961 = arith.constant 64 : i32
        %parallel_loop3A_962 = arith.addi %parallel_loop3A_960, %parallel_loop3A_961 : i32
        %parallel_loop3A_963 = arith.index_cast %parallel_loop3A_962 : i32 to index
        %parallel_loop3A_964 = tpu.vector_load %arg23[%parallel_loop3A_963] {strides = array<i32>} : memref<8256xf32, #tpu.memory_space<vmem>>, vector<16xf32>,
        %parallel_loop3A_965 = arith.constant 128 : i32
        %parallel_loop3A_966 = arith.muli %parallel_loop3A_910, %parallel_loop3A_965 : i32
        %parallel_loop3A_967 = arith.constant 64 : i32
        %parallel_loop3A_968 = arith.addi %parallel_loop3A_966, %parallel_loop3A_967 : i32
        %parallel_loop3A_969 = arith.index_cast %parallel_loop3A_968 : i32 to index
        %parallel_loop3A_970 = tpu.vector_load %arg25[%parallel_loop3A_969] {strides = array<i32>} : memref<8192xf32, #tpu.memory_space<vmem>>, vector<16xf32>,
        tpu.vector_store %arg25[%parallel_loop3A_969], %parallel_loop3A_964 {strides = array<i32>} : memref<8192xf32, #tpu.memory_space<vmem>>, vector<16xf32>,
        %parallel_loop3A_971 = arith.constant 129 : i32
        %parallel_loop3A_972 = arith.muli %parallel_loop3A_910, %parallel_loop3A_971 : i32
        %parallel_loop3A_973 = arith.constant 80 : i32
        %parallel_loop3A_974 = arith.addi %parallel_loop3A_972, %parallel_loop3A_973 : i32
        %parallel_loop3A_975 = arith.index_cast %parallel_loop3A_974 : i32 to index
        %parallel_loop3A_976 = tpu.vector_load %arg23[%parallel_loop3A_975] {strides = array<i32>} : memref<8256xf32, #tpu.memory_space<vmem>>, vector<16xf32>,
        %parallel_loop3A_977 = arith.constant 128 : i32
        %parallel_loop3A_978 = arith.muli %parallel_loop3A_910, %parallel_loop3A_977 : i32
        %parallel_loop3A_979 = arith.constant 80 : i32
        %parallel_loop3A_980 = arith.addi %parallel_loop3A_978, %parallel_loop3A_979 : i32
        %parallel_loop3A_981 = arith.index_cast %parallel_loop3A_980 : i32 to index
        %parallel_loop3A_982 = tpu.vector_load %arg25[%parallel_loop3A_981] {strides = array<i32>} : memref<8192xf32, #tpu.memory_space<vmem>>, vector<16xf32>,
        tpu.vector_store %arg25[%parallel_loop3A_981], %parallel_loop3A_976 {strides = array<i32>} : memref<8192xf32, #tpu.memory_space<vmem>>, vector<16xf32>,
        %parallel_loop3A_983 = arith.constant 129 : i32
        %parallel_loop3A_984 = arith.muli %parallel_loop3A_910, %parallel_loop3A_983 : i32
        %parallel_loop3A_985 = arith.constant 96 : i32
        %parallel_loop3A_986 = arith.addi %parallel_loop3A_984, %parallel_loop3A_985 : i32
        %parallel_loop3A_987 = arith.index_cast %parallel_loop3A_986 : i32 to index
        %parallel_loop3A_988 = tpu.vector_load %arg23[%parallel_loop3A_987] {strides = array<i32>} : memref<8256xf32, #tpu.memory_space<vmem>>, vector<16xf32>,
        %parallel_loop3A_989 = arith.constant 128 : i32
        %parallel_loop3A_990 = arith.muli %parallel_loop3A_910, %parallel_loop3A_989 : i32
        %parallel_loop3A_991 = arith.constant 96 : i32
        %parallel_loop3A_992 = arith.addi %parallel_loop3A_990, %parallel_loop3A_991 : i32
        %parallel_loop3A_993 = arith.index_cast %parallel_loop3A_992 : i32 to index
        %parallel_loop3A_994 = tpu.vector_load %arg25[%parallel_loop3A_993] {strides = array<i32>} : memref<8192xf32, #tpu.memory_space<vmem>>, vector<16xf32>,
        tpu.vector_store %arg25[%parallel_loop3A_993], %parallel_loop3A_988 {strides = array<i32>} : memref<8192xf32, #tpu.memory_space<vmem>>, vector<16xf32>,
        %parallel_loop3A_995 = arith.constant 129 : i32
        %parallel_loop3A_996 = arith.muli %parallel_loop3A_910, %parallel_loop3A_995 : i32
        %parallel_loop3A_997 = arith.constant 112 : i32
        %parallel_loop3A_998 = arith.addi %parallel_loop3A_996, %parallel_loop3A_997 : i32
        %parallel_loop3A_999 = arith.index_cast %parallel_loop3A_998 : i32 to index
        %parallel_loop3A_1000 = tpu.vector_load %arg23[%parallel_loop3A_999] {strides = array<i32>} : memref<8256xf32, #tpu.memory_space<vmem>>, vector<16xf32>,
        %parallel_loop3A_1001 = arith.constant 128 : i32
        %parallel_loop3A_1002 = arith.muli %parallel_loop3A_910, %parallel_loop3A_1001 : i32
        %parallel_loop3A_1003 = arith.constant 112 : i32
        %parallel_loop3A_1004 = arith.addi %parallel_loop3A_1002, %parallel_loop3A_1003 : i32
        %parallel_loop3A_1005 = arith.index_cast %parallel_loop3A_1004 : i32 to index
        %parallel_loop3A_1006 = tpu.vector_load %arg25[%parallel_loop3A_1005] {strides = array<i32>} : memref<8192xf32, #tpu.memory_space<vmem>>, vector<16xf32>,
        tpu.vector_store %arg25[%parallel_loop3A_1005], %parallel_loop3A_1000 {strides = array<i32>} : memref<8192xf32, #tpu.memory_space<vmem>>, vector<16xf32>,
      } {sc.loop_unroll_factor = 4 : i64, sc.parallel_access}
      %mul3A_484 = arith.constant 8 : i32
      %mul3A_485 = arith.muli %add3A_442, %mul3A_484 : i32
      %add3A_486 = arith.constant 0 : i32
      %add3A_487 = arith.addi %mul3A_485, %add3A_486 : i32
      %dma_start3A_488 = arith.constant 0 : i32
      %dma_start3A_489 = tpu.memref_slice %arg25[%dma_start3A_488] : memref<8192xf32, #tpu.memory_space<vmem>> -> memref<1024xf32, #tpu.memory_space<vmem>>
      %dma_start3A_490 = arith.constant 0 : i32
      %dma_start3A_491 = tpu.memref_slice %arg6[%add3A_487, %add3A, %dma_start3A_490] : memref<1600x32x1024xf32, #tpu.memory_space<hbm>> -> memref<1x1x1024xf32, #tpu.memory_space<hbm>>
      %dma_start3A_492 = tpu.memref_squeeze %dma_start3A_491 : memref<1x1x1024xf32, #tpu.memory_space<hbm>> -> memref<1024xf32, #tpu.memory_space<hbm>>
      %dma_start3A_493 = arith.constant 0 : i32
      %dma_start3A_494 = tpu.memref_slice %arg6[%add3A_487, %add3A, %dma_start3A_493] : memref<1600x32x1024xf32, #tpu.memory_space<hbm>> -> memref<1x1x1024xf32, #tpu.memory_space<hbm>>
      %dma_start3A_495 = tpu.memref_squeeze %dma_start3A_494 : memref<1x1x1024xf32, #tpu.memory_space<hbm>> -> memref<1024xf32, #tpu.memory_space<hbm>>
      %dma_start3A_496 = arith.constant 0 : i32
      %dma_start3A_497 = tpu.memref_slice %arg25[%dma_start3A_496] : memref<8192xf32, #tpu.memory_space<vmem>> -> memref<1024xf32, #tpu.memory_space<vmem>>
      tpu.enqueue_dma source(%dma_start3A_497 : memref<1024xf32, #tpu.memory_space<vmem>>) target(%dma_start3A_495 : memref<1024xf32, #tpu.memory_space<hbm>>) target_semaphore(%arg33 : memref<!tpu.dma_semaphore, #tpu.memory_space<semaphore_mem>>)
      %mul3A_498 = arith.constant 8 : i32
      %mul3A_499 = arith.muli %add3A_442, %mul3A_498 : i32
      %add3A_500 = arith.constant 1 : i32
      %add3A_501 = arith.addi %mul3A_499, %add3A_500 : i32
      %dma_start3A_502 = arith.constant 1024 : i32
      %dma_start3A_503 = tpu.memref_slice %arg25[%dma_start3A_502] : memref<8192xf32, #tpu.memory_space<vmem>> -> memref<1024xf32, #tpu.memory_space<vmem>>
      %dma_start3A_504 = arith.constant 0 : i32
      %dma_start3A_505 = tpu.memref_slice %arg6[%add3A_501, %add3A, %dma_start3A_504] : memref<1600x32x1024xf32, #tpu.memory_space<hbm>> -> memref<1x1x1024xf32, #tpu.memory_space<hbm>>
      %dma_start3A_506 = tpu.memref_squeeze %dma_start3A_505 : memref<1x1x1024xf32, #tpu.memory_space<hbm>> -> memref<1024xf32, #tpu.memory_space<hbm>>
      %dma_start3A_507 = arith.constant 0 : i32
      %dma_start3A_508 = tpu.memref_slice %arg6[%add3A_501, %add3A, %dma_start3A_507] : memref<1600x32x1024xf32, #tpu.memory_space<hbm>> -> memref<1x1x1024xf32, #tpu.memory_space<hbm>>
      %dma_start3A_509 = tpu.memref_squeeze %dma_start3A_508 : memref<1x1x1024xf32, #tpu.memory_space<hbm>> -> memref<1024xf32, #tpu.memory_space<hbm>>
      %dma_start3A_510 = arith.constant 1024 : i32
      %dma_start3A_511 = tpu.memref_slice %arg25[%dma_start3A_510] : memref<8192xf32, #tpu.memory_space<vmem>> -> memref<1024xf32, #tpu.memory_space<vmem>>
      tpu.enqueue_dma source(%dma_start3A_511 : memref<1024xf32, #tpu.memory_space<vmem>>) target(%dma_start3A_509 : memref<1024xf32, #tpu.memory_space<hbm>>) target_semaphore(%arg33 : memref<!tpu.dma_semaphore, #tpu.memory_space<semaphore_mem>>)
      %mul3A_512 = arith.constant 8 : i32
      %mul3A_513 = arith.muli %add3A_442, %mul3A_512 : i32
      %add3A_514 = arith.constant 2 : i32
      %add3A_515 = arith.addi %mul3A_513, %add3A_514 : i32
      %dma_start3A_516 = arith.constant 2048 : i32
      %dma_start3A_517 = tpu.memref_slice %arg25[%dma_start3A_516] : memref<8192xf32, #tpu.memory_space<vmem>> -> memref<1024xf32, #tpu.memory_space<vmem>>
      %dma_start3A_518 = arith.constant 0 : i32
      %dma_start3A_519 = tpu.memref_slice %arg6[%add3A_515, %add3A, %dma_start3A_518] : memref<1600x32x1024xf32, #tpu.memory_space<hbm>> -> memref<1x1x1024xf32, #tpu.memory_space<hbm>>
      %dma_start3A_520 = tpu.memref_squeeze %dma_start3A_519 : memref<1x1x1024xf32, #tpu.memory_space<hbm>> -> memref<1024xf32, #tpu.memory_space<hbm>>
      %dma_start3A_521 = arith.constant 0 : i32
      %dma_start3A_522 = tpu.memref_slice %arg6[%add3A_515, %add3A, %dma_start3A_521] : memref<1600x32x1024xf32, #tpu.memory_space<hbm>> -> memref<1x1x1024xf32, #tpu.memory_space<hbm>>
      %dma_start3A_523 = tpu.memref_squeeze %dma_start3A_522 : memref<1x1x1024xf32, #tpu.memory_space<hbm>> -> memref<1024xf32, #tpu.memory_space<hbm>>
      %dma_start3A_524 = arith.constant 2048 : i32
      %dma_start3A_525 = tpu.memref_slice %arg25[%dma_start3A_524] : memref<8192xf32, #tpu.memory_space<vmem>> -> memref<1024xf32, #tpu.memory_space<vmem>>
      tpu.enqueue_dma source(%dma_start3A_525 : memref<1024xf32, #tpu.memory_space<vmem>>) target(%dma_start3A_523 : memref<1024xf32, #tpu.memory_space<hbm>>) target_semaphore(%arg33 : memref<!tpu.dma_semaphore, #tpu.memory_space<semaphore_mem>>)
      %mul3A_526 = arith.constant 8 : i32
      %mul3A_527 = arith.muli %add3A_442, %mul3A_526 : i32
      %add3A_528 = arith.constant 3 : i32
      %add3A_529 = arith.addi %mul3A_527, %add3A_528 : i32
      %dma_start3A_530 = arith.constant 3072 : i32
      %dma_start3A_531 = tpu.memref_slice %arg25[%dma_start3A_530] : memref<8192xf32, #tpu.memory_space<vmem>> -> memref<1024xf32, #tpu.memory_space<vmem>>
      %dma_start3A_532 = arith.constant 0 : i32
      %dma_start3A_533 = tpu.memref_slice %arg6[%add3A_529, %add3A, %dma_start3A_532] : memref<1600x32x1024xf32, #tpu.memory_space<hbm>> -> memref<1x1x1024xf32, #tpu.memory_space<hbm>>
      %dma_start3A_534 = tpu.memref_squeeze %dma_start3A_533 : memref<1x1x1024xf32, #tpu.memory_space<hbm>> -> memref<1024xf32, #tpu.memory_space<hbm>>
      %dma_start3A_535 = arith.constant 0 : i32
      %dma_start3A_536 = tpu.memref_slice %arg6[%add3A_529, %add3A, %dma_start3A_535] : memref<1600x32x1024xf32, #tpu.memory_space<hbm>> -> memref<1x1x1024xf32, #tpu.memory_space<hbm>>
      %dma_start3A_537 = tpu.memref_squeeze %dma_start3A_536 : memref<1x1x1024xf32, #tpu.memory_space<hbm>> -> memref<1024xf32, #tpu.memory_space<hbm>>
      %dma_start3A_538 = arith.constant 3072 : i32
      %dma_start3A_539 = tpu.memref_slice %arg25[%dma_start3A_538] : memref<8192xf32, #tpu.memory_space<vmem>> -> memref<1024xf32, #tpu.memory_space<vmem>>
      tpu.enqueue_dma source(%dma_start3A_539 : memref<1024xf32, #tpu.memory_space<vmem>>) target(%dma_start3A_537 : memref<1024xf32, #tpu.memory_space<hbm>>) target_semaphore(%arg33 : memref<!tpu.dma_semaphore, #tpu.memory_space<semaphore_mem>>)
      %mul3A_540 = arith.constant 8 : i32
      %mul3A_541 = arith.muli %add3A_442, %mul3A_540 : i32
      %add3A_542 = arith.constant 4 : i32
      %add3A_543 = arith.addi %mul3A_541, %add3A_542 : i32
      %dma_start3A_544 = arith.constant 4096 : i32
      %dma_start3A_545 = tpu.memref_slice %arg25[%dma_start3A_544] : memref<8192xf32, #tpu.memory_space<vmem>> -> memref<1024xf32, #tpu.memory_space<vmem>>
      %dma_start3A_546 = arith.constant 0 : i32
      %dma_start3A_547 = tpu.memref_slice %arg6[%add3A_543, %add3A, %dma_start3A_546] : memref<1600x32x1024xf32, #tpu.memory_space<hbm>> -> memref<1x1x1024xf32, #tpu.memory_space<hbm>>
      %dma_start3A_548 = tpu.memref_squeeze %dma_start3A_547 : memref<1x1x1024xf32, #tpu.memory_space<hbm>> -> memref<1024xf32, #tpu.memory_space<hbm>>
      %dma_start3A_549 = arith.constant 0 : i32
      %dma_start3A_550 = tpu.memref_slice %arg6[%add3A_543, %add3A, %dma_start3A_549] : memref<1600x32x1024xf32, #tpu.memory_space<hbm>> -> memref<1x1x1024xf32, #tpu.memory_space<hbm>>
      %dma_start3A_551 = tpu.memref_squeeze %dma_start3A_550 : memref<1x1x1024xf32, #tpu.memory_space<hbm>> -> memref<1024xf32, #tpu.memory_space<hbm>>
      %dma_start3A_552 = arith.constant 4096 : i32
      %dma_start3A_553 = tpu.memref_slice %arg25[%dma_start3A_552] : memref<8192xf32, #tpu.memory_space<vmem>> -> memref<1024xf32, #tpu.memory_space<vmem>>
      tpu.enqueue_dma source(%dma_start3A_553 : memref<1024xf32, #tpu.memory_space<vmem>>) target(%dma_start3A_551 : memref<1024xf32, #tpu.memory_space<hbm>>) target_semaphore(%arg33 : memref<!tpu.dma_semaphore, #tpu.memory_space<semaphore_mem>>)
      %mul3A_554 = arith.constant 8 : i32
      %mul3A_555 = arith.muli %add3A_442, %mul3A_554 : i32
      %add3A_556 = arith.constant 5 : i32
      %add3A_557 = arith.addi %mul3A_555, %add3A_556 : i32
      %dma_start3A_558 = arith.constant 5120 : i32
      %dma_start3A_559 = tpu.memref_slice %arg25[%dma_start3A_558] : memref<8192xf32, #tpu.memory_space<vmem>> -> memref<1024xf32, #tpu.memory_space<vmem>>
      %dma_start3A_560 = arith.constant 0 : i32
      %dma_start3A_561 = tpu.memref_slice %arg6[%add3A_557, %add3A, %dma_start3A_560] : memref<1600x32x1024xf32, #tpu.memory_space<hbm>> -> memref<1x1x1024xf32, #tpu.memory_space<hbm>>
      %dma_start3A_562 = tpu.memref_squeeze %dma_start3A_561 : memref<1x1x1024xf32, #tpu.memory_space<hbm>> -> memref<1024xf32, #tpu.memory_space<hbm>>
      %dma_start3A_563 = arith.constant 0 : i32
      %dma_start3A_564 = tpu.memref_slice %arg6[%add3A_557, %add3A, %dma_start3A_563] : memref<1600x32x1024xf32, #tpu.memory_space<hbm>> -> memref<1x1x1024xf32, #tpu.memory_space<hbm>>
      %dma_start3A_565 = tpu.memref_squeeze %dma_start3A_564 : memref<1x1x1024xf32, #tpu.memory_space<hbm>> -> memref<1024xf32, #tpu.memory_space<hbm>>
      %dma_start3A_566 = arith.constant 5120 : i32
      %dma_start3A_567 = tpu.memref_slice %arg25[%dma_start3A_566] : memref<8192xf32, #tpu.memory_space<vmem>> -> memref<1024xf32, #tpu.memory_space<vmem>>
      tpu.enqueue_dma source(%dma_start3A_567 : memref<1024xf32, #tpu.memory_space<vmem>>) target(%dma_start3A_565 : memref<1024xf32, #tpu.memory_space<hbm>>) target_semaphore(%arg33 : memref<!tpu.dma_semaphore, #tpu.memory_space<semaphore_mem>>)
      %mul3A_568 = arith.constant 8 : i32
      %mul3A_569 = arith.muli %add3A_442, %mul3A_568 : i32
      %add3A_570 = arith.constant 6 : i32
      %add3A_571 = arith.addi %mul3A_569, %add3A_570 : i32
      %dma_start3A_572 = arith.constant 6144 : i32
      %dma_start3A_573 = tpu.memref_slice %arg25[%dma_start3A_572] : memref<8192xf32, #tpu.memory_space<vmem>> -> memref<1024xf32, #tpu.memory_space<vmem>>
      %dma_start3A_574 = arith.constant 0 : i32
      %dma_start3A_575 = tpu.memref_slice %arg6[%add3A_571, %add3A, %dma_start3A_574] : memref<1600x32x1024xf32, #tpu.memory_space<hbm>> -> memref<1x1x1024xf32, #tpu.memory_space<hbm>>
      %dma_start3A_576 = tpu.memref_squeeze %dma_start3A_575 : memref<1x1x1024xf32, #tpu.memory_space<hbm>> -> memref<1024xf32, #tpu.memory_space<hbm>>
      %dma_start3A_577 = arith.constant 0 : i32
      %dma_start3A_578 = tpu.memref_slice %arg6[%add3A_571, %add3A, %dma_start3A_577] : memref<1600x32x1024xf32, #tpu.memory_space<hbm>> -> memref<1x1x1024xf32, #tpu.memory_space<hbm>>
      %dma_start3A_579 = tpu.memref_squeeze %dma_start3A_578 : memref<1x1x1024xf32, #tpu.memory_space<hbm>> -> memref<1024xf32, #tpu.memory_space<hbm>>
      %dma_start3A_580 = arith.constant 6144 : i32
      %dma_start3A_581 = tpu.memref_slice %arg25[%dma_start3A_580] : memref<8192xf32, #tpu.memory_space<vmem>> -> memref<1024xf32, #tpu.memory_space<vmem>>
      tpu.enqueue_dma source(%dma_start3A_581 : memref<1024xf32, #tpu.memory_space<vmem>>) target(%dma_start3A_579 : memref<1024xf32, #tpu.memory_space<hbm>>) target_semaphore(%arg33 : memref<!tpu.dma_semaphore, #tpu.memory_space<semaphore_mem>>)
      %mul3A_582 = arith.constant 8 : i32
      %mul3A_583 = arith.muli %add3A_442, %mul3A_582 : i32
      %add3A_584 = arith.constant 7 : i32
      %add3A_585 = arith.addi %mul3A_583, %add3A_584 : i32
      %dma_start3A_586 = arith.constant 7168 : i32
      %dma_start3A_587 = tpu.memref_slice %arg25[%dma_start3A_586] : memref<8192xf32, #tpu.memory_space<vmem>> -> memref<1024xf32, #tpu.memory_space<vmem>>
      %dma_start3A_588 = arith.constant 0 : i32
      %dma_start3A_589 = tpu.memref_slice %arg6[%add3A_585, %add3A, %dma_start3A_588] : memref<1600x32x1024xf32, #tpu.memory_space<hbm>> -> memref<1x1x1024xf32, #tpu.memory_space<hbm>>
      %dma_start3A_590 = tpu.memref_squeeze %dma_start3A_589 : memref<1x1x1024xf32, #tpu.memory_space<hbm>> -> memref<1024xf32, #tpu.memory_space<hbm>>
      %dma_start3A_591 = arith.constant 0 : i32
      %dma_start3A_592 = tpu.memref_slice %arg6[%add3A_585, %add3A, %dma_start3A_591] : memref<1600x32x1024xf32, #tpu.memory_space<hbm>> -> memref<1x1x1024xf32, #tpu.memory_space<hbm>>
      %dma_start3A_593 = tpu.memref_squeeze %dma_start3A_592 : memref<1x1x1024xf32, #tpu.memory_space<hbm>> -> memref<1024xf32, #tpu.memory_space<hbm>>
      %dma_start3A_594 = arith.constant 7168 : i32
      %dma_start3A_595 = tpu.memref_slice %arg25[%dma_start3A_594] : memref<8192xf32, #tpu.memory_space<vmem>> -> memref<1024xf32, #tpu.memory_space<vmem>>
      tpu.enqueue_dma source(%dma_start3A_595 : memref<1024xf32, #tpu.memory_space<vmem>>) target(%dma_start3A_593 : memref<1024xf32, #tpu.memory_space<hbm>>) target_semaphore(%arg33 : memref<!tpu.dma_semaphore, #tpu.memory_space<semaphore_mem>>)
      %mul3A_596 = arith.constant 4 : i32
      %mul3A_597 = arith.muli %scan3A_285, %mul3A_596 : i32
      %add3A_598 = arith.constant 2 : i32
      %add3A_599 = arith.addi %mul3A_597, %add3A_598 : i32
      %dma_wait3A_600 = arith.constant 0 : i32
      %dma_wait3A_601 = arith.constant 0 : i32
      %dma_wait3A_602 = tpu.memref_slice %arg9[%dma_wait3A_600, %dma_wait3A_601] : memref<1x128xi32, #tpu.memory_space<vmem>> -> memref<1x128xi32, #tpu.memory_space<vmem>>
      %dma_wait3A_603 = tpu.memref_squeeze %dma_wait3A_602 : memref<1x128xi32, #tpu.memory_space<vmem>> -> memref<128xi32, #tpu.memory_space<vmem>>
      %dma_wait3A_604 = arith.constant 0 : i32
      %dma_wait3A_605 = arith.constant 0 : i32
      %dma_wait3A_606 = tpu.memref_slice %arg26[%dma_wait3A_604, %dma_wait3A_605] : memref<1000x64xf32, #tpu.memory_space<vmem_shared>> -> memref<1000x64xf32, #tpu.memory_space<vmem_shared>>
      tpu.wait_indirect_dma semaphore(%arg30 : memref<!tpu.dma_semaphore, #tpu.memory_space<semaphore_mem>>) src(%dma_wait3A_606 : memref<1000x64xf32, #tpu.memory_space<vmem_shared>>) dst(%arg17 : memref<128x64xf32, #tpu.memory_space<vmem>>)
      %dma_wait3A_607 = arith.constant 0 : i32
      %dma_wait3A_608 = arith.constant 0 : i32
      %dma_wait3A_609 = tpu.memref_slice %arg13[%dma_wait3A_607, %dma_wait3A_608] : memref<1x128xi32, #tpu.memory_space<vmem>> -> memref<1x128xi32, #tpu.memory_space<vmem>>
      %dma_wait3A_610 = tpu.memref_squeeze %dma_wait3A_609 : memref<1x128xi32, #tpu.memory_space<vmem>> -> memref<128xi32, #tpu.memory_space<vmem>>
      %dma_wait3A_611 = arith.constant 0 : i32
      %dma_wait3A_612 = arith.constant 0 : i32
      %dma_wait3A_613 = tpu.memref_slice %arg27[%dma_wait3A_611, %dma_wait3A_612] : memref<1000x64xf32, #tpu.memory_space<vmem_shared>> -> memref<1000x64xf32, #tpu.memory_space<vmem_shared>>
      tpu.wait_indirect_dma semaphore(%arg30 : memref<!tpu.dma_semaphore, #tpu.memory_space<semaphore_mem>>) src(%dma_wait3A_613 : memref<1000x64xf32, #tpu.memory_space<vmem_shared>>) dst(%arg21 : memref<128x64xf32, #tpu.memory_space<vmem>>)
      %add3A_614 = arith.constant 4 : i32
      %add3A_615 = arith.addi %add3A_599, %add3A_614 : i32
      %sub3A_616 = arith.constant 1 : i32
      %sub3A_617 = arith.subi %add3A_615, %sub3A_616 : i32
      %lt3A_618 = arith.constant 200 : i32
      %lt3A_619 = arith.cmpi slt, %sub3A_617, %lt3A_618 : i32
      %convert_element_type3A_620 = arith.extui %lt3A_619 : i1 to i32
      %cond3A_621 = arith.constant 0 : i32
      %cond3A_622 = arith.cmpi ne, %convert_element_type3A_620, %cond3A_621 : i32
      scf.if %cond3A_622 {
        %add3A_910 = arith.constant 4 : i32
        %add3A_911 = arith.addi %add3A_599, %add3A_910 : i32
        %sub3A_912 = arith.constant 1 : i32
        %sub3A_913 = arith.subi %add3A_911, %sub3A_912 : i32
        %dma_wait3A_914 = tpu.memref_slice %arg4[%sub3A_913, %mul3A_2] : memref<200x4096xi32, #tpu.memory_space<hbm>> -> memref<1x128xi32, #tpu.memory_space<hbm>>
        %dma_wait3A_915 = tpu.memref_slice %arg4[%sub3A_913, %mul3A_2] : memref<200x4096xi32, #tpu.memory_space<hbm>> -> memref<1x128xi32, #tpu.memory_space<hbm>>
        tpu.wait_dma2 semaphore(%arg35 : memref<!tpu.dma_semaphore, #tpu.memory_space<semaphore_mem>>) src(%dma_wait3A_915 : memref<1x128xi32, #tpu.memory_space<hbm>>) dst(%arg8 : memref<1x128xi32, #tpu.memory_space<vmem>>)
        %dma_wait3A_916 = tpu.memref_slice %arg5[%sub3A_913, %mul3A_2] : memref<200x4096xi32, #tpu.memory_space<hbm>> -> memref<1x128xi32, #tpu.memory_space<hbm>>
        %dma_wait3A_917 = tpu.memref_slice %arg5[%sub3A_913, %mul3A_2] : memref<200x4096xi32, #tpu.memory_space<hbm>> -> memref<1x128xi32, #tpu.memory_space<hbm>>
        tpu.wait_dma2 semaphore(%arg35 : memref<!tpu.dma_semaphore, #tpu.memory_space<semaphore_mem>>) src(%dma_wait3A_917 : memref<1x128xi32, #tpu.memory_space<hbm>>) dst(%arg12 : memref<1x128xi32, #tpu.memory_space<vmem>>)
        %dma_start3A_918 = arith.constant 0 : i32
        %dma_start3A_919 = arith.constant 0 : i32
        %dma_start3A_920 = tpu.memref_slice %arg8[%dma_start3A_918, %dma_start3A_919] : memref<1x128xi32, #tpu.memory_space<vmem>> -> memref<1x128xi32, #tpu.memory_space<vmem>>
        %dma_start3A_921 = tpu.memref_squeeze %dma_start3A_920 : memref<1x128xi32, #tpu.memory_space<vmem>> -> memref<128xi32, #tpu.memory_space<vmem>>
        %dma_start3A_922 = arith.constant 0 : i32
        %dma_start3A_923 = arith.constant 0 : i32
        %dma_start3A_924 = tpu.memref_slice %arg26[%dma_start3A_922, %dma_start3A_923] : memref<1000x64xf32, #tpu.memory_space<vmem_shared>> -> memref<1000x64xf32, #tpu.memory_space<vmem_shared>>
        tpu.enqueue_indirect_dma source(%dma_start3A_924 : memref<1000x64xf32, #tpu.memory_space<vmem_shared>>) target(%arg16 : memref<128x64xf32, #tpu.memory_space<vmem>>) offsets(%dma_start3A_921 : memref<128xi32, #tpu.memory_space<vmem>>) semaphore(%arg29 : memref<!tpu.dma_semaphore, #tpu.memory_space<semaphore_mem>>)
        %dma_start3A_925 = arith.constant 0 : i32
        %dma_start3A_926 = arith.constant 0 : i32
        %dma_start3A_927 = tpu.memref_slice %arg12[%dma_start3A_925, %dma_start3A_926] : memref<1x128xi32, #tpu.memory_space<vmem>> -> memref<1x128xi32, #tpu.memory_space<vmem>>
        %dma_start3A_928 = tpu.memref_squeeze %dma_start3A_927 : memref<1x128xi32, #tpu.memory_space<vmem>> -> memref<128xi32, #tpu.memory_space<vmem>>
        %dma_start3A_929 = arith.constant 0 : i32
        %dma_start3A_930 = arith.constant 0 : i32
        %dma_start3A_931 = tpu.memref_slice %arg27[%dma_start3A_929, %dma_start3A_930] : memref<1000x64xf32, #tpu.memory_space<vmem_shared>> -> memref<1000x64xf32, #tpu.memory_space<vmem_shared>>
        tpu.enqueue_indirect_dma source(%dma_start3A_931 : memref<1000x64xf32, #tpu.memory_space<vmem_shared>>) target(%arg20 : memref<128x64xf32, #tpu.memory_space<vmem>>) offsets(%dma_start3A_928 : memref<128xi32, #tpu.memory_space<vmem>>) semaphore(%arg29 : memref<!tpu.dma_semaphore, #tpu.memory_space<semaphore_mem>>)
      } else {
      }
      %add3A_623 = arith.constant 4 : i32
      %add3A_624 = arith.addi %add3A_599, %add3A_623 : i32
      %lt3A_625 = arith.constant 200 : i32
      %lt3A_626 = arith.cmpi slt, %add3A_624, %lt3A_625 : i32
      %convert_element_type3A_627 = arith.extui %lt3A_626 : i1 to i32
      %cond3A_628 = arith.constant 0 : i32
      %cond3A_629 = arith.cmpi ne, %convert_element_type3A_627, %cond3A_628 : i32
      scf.if %cond3A_629 {
        %add3A_910 = arith.constant 4 : i32
        %add3A_911 = arith.addi %add3A_599, %add3A_910 : i32
        %dma_start3A_912 = tpu.memref_slice %arg4[%add3A_911, %mul3A_2] : memref<200x4096xi32, #tpu.memory_space<hbm>> -> memref<1x128xi32, #tpu.memory_space<hbm>>
        %dma_start3A_913 = tpu.memref_slice %arg4[%add3A_911, %mul3A_2] : memref<200x4096xi32, #tpu.memory_space<hbm>> -> memref<1x128xi32, #tpu.memory_space<hbm>>
        tpu.enqueue_dma source(%dma_start3A_913 : memref<1x128xi32, #tpu.memory_space<hbm>>) target(%arg9 : memref<1x128xi32, #tpu.memory_space<vmem>>) target_semaphore(%arg36 : memref<!tpu.dma_semaphore, #tpu.memory_space<semaphore_mem>>)
        %dma_start3A_914 = tpu.memref_slice %arg5[%add3A_911, %mul3A_2] : memref<200x4096xi32, #tpu.memory_space<hbm>> -> memref<1x128xi32, #tpu.memory_space<hbm>>
        %dma_start3A_915 = tpu.memref_slice %arg5[%add3A_911, %mul3A_2] : memref<200x4096xi32, #tpu.memory_space<hbm>> -> memref<1x128xi32, #tpu.memory_space<hbm>>
        tpu.enqueue_dma source(%dma_start3A_915 : memref<1x128xi32, #tpu.memory_space<hbm>>) target(%arg13 : memref<1x128xi32, #tpu.memory_space<vmem>>) target_semaphore(%arg36 : memref<!tpu.dma_semaphore, #tpu.memory_space<semaphore_mem>>)
      } else {
      }
      %parallel_loop3A_630 = arith.constant 0 : i32
      %parallel_loop3A_631 = arith.constant 128 : i32
      %parallel_loop3A_632 = arith.constant 1 : i32
      scf.for %parallel_loop3A_910 = %parallel_loop3A_630 to %parallel_loop3A_631 step %parallel_loop3A_632  : i32 {
        %parallel_loop3A_911 = arith.index_cast %parallel_loop3A_910 : i32 to index
        %parallel_loop3A_912 = arith.constant 0 : index
        %parallel_loop3A_913 = tpu.vector_load %arg17[%parallel_loop3A_911, %parallel_loop3A_912] {strides = array<i32>} : memref<128x64xf32, #tpu.memory_space<vmem>>, vector<16xf32>,
        %parallel_loop3A_914 = arith.index_cast %parallel_loop3A_910 : i32 to index
        %parallel_loop3A_915 = arith.constant 0 : index
        %parallel_loop3A_916 = tpu.vector_load %arg21[%parallel_loop3A_914, %parallel_loop3A_915] {strides = array<i32>} : memref<128x64xf32, #tpu.memory_space<vmem>>, vector<16xf32>,
        %parallel_loop3A_917 = arith.addf %parallel_loop3A_913, %parallel_loop3A_916 : vector<16xf32>
        %parallel_loop3A_918 = arith.constant 0 : i32
        %parallel_loop3A_919 = arith.addi %parallel_loop3A_918, %parallel_loop3A_910 : i32
        %parallel_loop3A_920 = vector.broadcast %parallel_loop3A_919 : i32 to vector<16xi32>
        %parallel_loop3A_921 = arith.addi %mul3A_5, %parallel_loop3A_920 : vector<16xi32>
        tpu.vector_store_idx %arg23[%parallel_loop3A_921], %parallel_loop3A_917 : memref<8256xf32, #tpu.memory_space<vmem>>[vector<16xi32>], vector<16xf32>,
        %parallel_loop3A_922 = arith.index_cast %parallel_loop3A_910 : i32 to index
        %parallel_loop3A_923 = arith.constant 16 : index
        %parallel_loop3A_924 = tpu.vector_load %arg17[%parallel_loop3A_922, %parallel_loop3A_923] {strides = array<i32>} : memref<128x64xf32, #tpu.memory_space<vmem>>, vector<16xf32>,
        %parallel_loop3A_925 = arith.index_cast %parallel_loop3A_910 : i32 to index
        %parallel_loop3A_926 = arith.constant 16 : index
        %parallel_loop3A_927 = tpu.vector_load %arg21[%parallel_loop3A_925, %parallel_loop3A_926] {strides = array<i32>} : memref<128x64xf32, #tpu.memory_space<vmem>>, vector<16xf32>,
        %parallel_loop3A_928 = arith.addf %parallel_loop3A_924, %parallel_loop3A_927 : vector<16xf32>
        %parallel_loop3A_929 = arith.constant 2064 : i32
        %parallel_loop3A_930 = arith.addi %parallel_loop3A_929, %parallel_loop3A_910 : i32
        %parallel_loop3A_931 = vector.broadcast %parallel_loop3A_930 : i32 to vector<16xi32>
        %parallel_loop3A_932 = arith.addi %mul3A_5, %parallel_loop3A_931 : vector<16xi32>
        tpu.vector_store_idx %arg23[%parallel_loop3A_932], %parallel_loop3A_928 : memref<8256xf32, #tpu.memory_space<vmem>>[vector<16xi32>], vector<16xf32>,
        %parallel_loop3A_933 = arith.index_cast %parallel_loop3A_910 : i32 to index
        %parallel_loop3A_934 = arith.constant 32 : index
        %parallel_loop3A_935 = tpu.vector_load %arg17[%parallel_loop3A_933, %parallel_loop3A_934] {strides = array<i32>} : memref<128x64xf32, #tpu.memory_space<vmem>>, vector<16xf32>,
        %parallel_loop3A_936 = arith.index_cast %parallel_loop3A_910 : i32 to index
        %parallel_loop3A_937 = arith.constant 32 : index
        %parallel_loop3A_938 = tpu.vector_load %arg21[%parallel_loop3A_936, %parallel_loop3A_937] {strides = array<i32>} : memref<128x64xf32, #tpu.memory_space<vmem>>, vector<16xf32>,
        %parallel_loop3A_939 = arith.addf %parallel_loop3A_935, %parallel_loop3A_938 : vector<16xf32>
        %parallel_loop3A_940 = arith.constant 4128 : i32
        %parallel_loop3A_941 = arith.addi %parallel_loop3A_940, %parallel_loop3A_910 : i32
        %parallel_loop3A_942 = vector.broadcast %parallel_loop3A_941 : i32 to vector<16xi32>
        %parallel_loop3A_943 = arith.addi %mul3A_5, %parallel_loop3A_942 : vector<16xi32>
        tpu.vector_store_idx %arg23[%parallel_loop3A_943], %parallel_loop3A_939 : memref<8256xf32, #tpu.memory_space<vmem>>[vector<16xi32>], vector<16xf32>,
        %parallel_loop3A_944 = arith.index_cast %parallel_loop3A_910 : i32 to index
        %parallel_loop3A_945 = arith.constant 48 : index
        %parallel_loop3A_946 = tpu.vector_load %arg17[%parallel_loop3A_944, %parallel_loop3A_945] {strides = array<i32>} : memref<128x64xf32, #tpu.memory_space<vmem>>, vector<16xf32>,
        %parallel_loop3A_947 = arith.index_cast %parallel_loop3A_910 : i32 to index
        %parallel_loop3A_948 = arith.constant 48 : index
        %parallel_loop3A_949 = tpu.vector_load %arg21[%parallel_loop3A_947, %parallel_loop3A_948] {strides = array<i32>} : memref<128x64xf32, #tpu.memory_space<vmem>>, vector<16xf32>,
        %parallel_loop3A_950 = arith.addf %parallel_loop3A_946, %parallel_loop3A_949 : vector<16xf32>
        %parallel_loop3A_951 = arith.constant 6192 : i32
        %parallel_loop3A_952 = arith.addi %parallel_loop3A_951, %parallel_loop3A_910 : i32
        %parallel_loop3A_953 = vector.broadcast %parallel_loop3A_952 : i32 to vector<16xi32>
        %parallel_loop3A_954 = arith.addi %mul3A_5, %parallel_loop3A_953 : vector<16xi32>
        tpu.vector_store_idx %arg23[%parallel_loop3A_954], %parallel_loop3A_950 : memref<8256xf32, #tpu.memory_space<vmem>>[vector<16xi32>], vector<16xf32>,
      } {sc.loop_unroll_factor = 4 : i64, sc.parallel_access}
      %gt3A_633 = arith.constant 1 : i32
      %gt3A_634 = arith.cmpi sgt, %add3A_599, %gt3A_633 : i32
      %convert_element_type3A_635 = arith.extui %gt3A_634 : i1 to i32
      %cond3A_636 = arith.constant 0 : i32
      %cond3A_637 = arith.cmpi ne, %convert_element_type3A_635, %cond3A_636 : i32
      scf.if %cond3A_637 {
        %dma_wait3A_910 = arith.constant 0 : i32
        %dma_wait3A_911 = arith.constant 0 : i32
        %dma_wait3A_912 = tpu.memref_slice %arg24[%dma_wait3A_911] : memref<8192xf32, #tpu.memory_space<vmem>> -> memref<1024xf32, #tpu.memory_space<vmem>>
        %dma_wait3A_913 = arith.constant 0 : i32
        %dma_wait3A_914 = tpu.memref_slice %arg6[%dma_wait3A_910, %add3A, %dma_wait3A_913] : memref<1600x32x1024xf32, #tpu.memory_space<hbm>> -> memref<1x1x1024xf32, #tpu.memory_space<hbm>>
        %dma_wait3A_915 = tpu.memref_squeeze %dma_wait3A_914 : memref<1x1x1024xf32, #tpu.memory_space<hbm>> -> memref<1024xf32, #tpu.memory_space<hbm>>
        %dma_wait3A_916 = arith.constant 0 : i32
        %dma_wait3A_917 = tpu.memref_slice %arg6[%dma_wait3A_910, %add3A, %dma_wait3A_916] : memref<1600x32x1024xf32, #tpu.memory_space<hbm>> -> memref<1x1x1024xf32, #tpu.memory_space<hbm>>
        %dma_wait3A_918 = tpu.memref_squeeze %dma_wait3A_917 : memref<1x1x1024xf32, #tpu.memory_space<hbm>> -> memref<1024xf32, #tpu.memory_space<hbm>>
        %dma_wait3A_919 = arith.constant 0 : i32
        %dma_wait3A_920 = tpu.memref_slice %arg24[%dma_wait3A_919] : memref<8192xf32, #tpu.memory_space<vmem>> -> memref<1024xf32, #tpu.memory_space<vmem>>
        tpu.wait_dma2 semaphore(%arg32 : memref<!tpu.dma_semaphore, #tpu.memory_space<semaphore_mem>>) src(%dma_wait3A_920 : memref<1024xf32, #tpu.memory_space<vmem>>) dst(%dma_wait3A_918 : memref<1024xf32, #tpu.memory_space<hbm>>)
        %dma_wait3A_921 = arith.constant 1 : i32
        %dma_wait3A_922 = arith.constant 1024 : i32
        %dma_wait3A_923 = tpu.memref_slice %arg24[%dma_wait3A_922] : memref<8192xf32, #tpu.memory_space<vmem>> -> memref<1024xf32, #tpu.memory_space<vmem>>
        %dma_wait3A_924 = arith.constant 0 : i32
        %dma_wait3A_925 = tpu.memref_slice %arg6[%dma_wait3A_921, %add3A, %dma_wait3A_924] : memref<1600x32x1024xf32, #tpu.memory_space<hbm>> -> memref<1x1x1024xf32, #tpu.memory_space<hbm>>
        %dma_wait3A_926 = tpu.memref_squeeze %dma_wait3A_925 : memref<1x1x1024xf32, #tpu.memory_space<hbm>> -> memref<1024xf32, #tpu.memory_space<hbm>>
        %dma_wait3A_927 = arith.constant 0 : i32
        %dma_wait3A_928 = tpu.memref_slice %arg6[%dma_wait3A_921, %add3A, %dma_wait3A_927] : memref<1600x32x1024xf32, #tpu.memory_space<hbm>> -> memref<1x1x1024xf32, #tpu.memory_space<hbm>>
        %dma_wait3A_929 = tpu.memref_squeeze %dma_wait3A_928 : memref<1x1x1024xf32, #tpu.memory_space<hbm>> -> memref<1024xf32, #tpu.memory_space<hbm>>
        %dma_wait3A_930 = arith.constant 1024 : i32
        %dma_wait3A_931 = tpu.memref_slice %arg24[%dma_wait3A_930] : memref<8192xf32, #tpu.memory_space<vmem>> -> memref<1024xf32, #tpu.memory_space<vmem>>
        tpu.wait_dma2 semaphore(%arg32 : memref<!tpu.dma_semaphore, #tpu.memory_space<semaphore_mem>>) src(%dma_wait3A_931 : memref<1024xf32, #tpu.memory_space<vmem>>) dst(%dma_wait3A_929 : memref<1024xf32, #tpu.memory_space<hbm>>)
        %dma_wait3A_932 = arith.constant 2 : i32
        %dma_wait3A_933 = arith.constant 2048 : i32
        %dma_wait3A_934 = tpu.memref_slice %arg24[%dma_wait3A_933] : memref<8192xf32, #tpu.memory_space<vmem>> -> memref<1024xf32, #tpu.memory_space<vmem>>
        %dma_wait3A_935 = arith.constant 0 : i32
        %dma_wait3A_936 = tpu.memref_slice %arg6[%dma_wait3A_932, %add3A, %dma_wait3A_935] : memref<1600x32x1024xf32, #tpu.memory_space<hbm>> -> memref<1x1x1024xf32, #tpu.memory_space<hbm>>
        %dma_wait3A_937 = tpu.memref_squeeze %dma_wait3A_936 : memref<1x1x1024xf32, #tpu.memory_space<hbm>> -> memref<1024xf32, #tpu.memory_space<hbm>>
        %dma_wait3A_938 = arith.constant 0 : i32
        %dma_wait3A_939 = tpu.memref_slice %arg6[%dma_wait3A_932, %add3A, %dma_wait3A_938] : memref<1600x32x1024xf32, #tpu.memory_space<hbm>> -> memref<1x1x1024xf32, #tpu.memory_space<hbm>>
        %dma_wait3A_940 = tpu.memref_squeeze %dma_wait3A_939 : memref<1x1x1024xf32, #tpu.memory_space<hbm>> -> memref<1024xf32, #tpu.memory_space<hbm>>
        %dma_wait3A_941 = arith.constant 2048 : i32
        %dma_wait3A_942 = tpu.memref_slice %arg24[%dma_wait3A_941] : memref<8192xf32, #tpu.memory_space<vmem>> -> memref<1024xf32, #tpu.memory_space<vmem>>
        tpu.wait_dma2 semaphore(%arg32 : memref<!tpu.dma_semaphore, #tpu.memory_space<semaphore_mem>>) src(%dma_wait3A_942 : memref<1024xf32, #tpu.memory_space<vmem>>) dst(%dma_wait3A_940 : memref<1024xf32, #tpu.memory_space<hbm>>)
        %dma_wait3A_943 = arith.constant 3 : i32
        %dma_wait3A_944 = arith.constant 3072 : i32
        %dma_wait3A_945 = tpu.memref_slice %arg24[%dma_wait3A_944] : memref<8192xf32, #tpu.memory_space<vmem>> -> memref<1024xf32, #tpu.memory_space<vmem>>
        %dma_wait3A_946 = arith.constant 0 : i32
        %dma_wait3A_947 = tpu.memref_slice %arg6[%dma_wait3A_943, %add3A, %dma_wait3A_946] : memref<1600x32x1024xf32, #tpu.memory_space<hbm>> -> memref<1x1x1024xf32, #tpu.memory_space<hbm>>
        %dma_wait3A_948 = tpu.memref_squeeze %dma_wait3A_947 : memref<1x1x1024xf32, #tpu.memory_space<hbm>> -> memref<1024xf32, #tpu.memory_space<hbm>>
        %dma_wait3A_949 = arith.constant 0 : i32
        %dma_wait3A_950 = tpu.memref_slice %arg6[%dma_wait3A_943, %add3A, %dma_wait3A_949] : memref<1600x32x1024xf32, #tpu.memory_space<hbm>> -> memref<1x1x1024xf32, #tpu.memory_space<hbm>>
        %dma_wait3A_951 = tpu.memref_squeeze %dma_wait3A_950 : memref<1x1x1024xf32, #tpu.memory_space<hbm>> -> memref<1024xf32, #tpu.memory_space<hbm>>
        %dma_wait3A_952 = arith.constant 3072 : i32
        %dma_wait3A_953 = tpu.memref_slice %arg24[%dma_wait3A_952] : memref<8192xf32, #tpu.memory_space<vmem>> -> memref<1024xf32, #tpu.memory_space<vmem>>
        tpu.wait_dma2 semaphore(%arg32 : memref<!tpu.dma_semaphore, #tpu.memory_space<semaphore_mem>>) src(%dma_wait3A_953 : memref<1024xf32, #tpu.memory_space<vmem>>) dst(%dma_wait3A_951 : memref<1024xf32, #tpu.memory_space<hbm>>)
        %dma_wait3A_954 = arith.constant 4 : i32
        %dma_wait3A_955 = arith.constant 4096 : i32
        %dma_wait3A_956 = tpu.memref_slice %arg24[%dma_wait3A_955] : memref<8192xf32, #tpu.memory_space<vmem>> -> memref<1024xf32, #tpu.memory_space<vmem>>
        %dma_wait3A_957 = arith.constant 0 : i32
        %dma_wait3A_958 = tpu.memref_slice %arg6[%dma_wait3A_954, %add3A, %dma_wait3A_957] : memref<1600x32x1024xf32, #tpu.memory_space<hbm>> -> memref<1x1x1024xf32, #tpu.memory_space<hbm>>
        %dma_wait3A_959 = tpu.memref_squeeze %dma_wait3A_958 : memref<1x1x1024xf32, #tpu.memory_space<hbm>> -> memref<1024xf32, #tpu.memory_space<hbm>>
        %dma_wait3A_960 = arith.constant 0 : i32
        %dma_wait3A_961 = tpu.memref_slice %arg6[%dma_wait3A_954, %add3A, %dma_wait3A_960] : memref<1600x32x1024xf32, #tpu.memory_space<hbm>> -> memref<1x1x1024xf32, #tpu.memory_space<hbm>>
        %dma_wait3A_962 = tpu.memref_squeeze %dma_wait3A_961 : memref<1x1x1024xf32, #tpu.memory_space<hbm>> -> memref<1024xf32, #tpu.memory_space<hbm>>
        %dma_wait3A_963 = arith.constant 4096 : i32
        %dma_wait3A_964 = tpu.memref_slice %arg24[%dma_wait3A_963] : memref<8192xf32, #tpu.memory_space<vmem>> -> memref<1024xf32, #tpu.memory_space<vmem>>
        tpu.wait_dma2 semaphore(%arg32 : memref<!tpu.dma_semaphore, #tpu.memory_space<semaphore_mem>>) src(%dma_wait3A_964 : memref<1024xf32, #tpu.memory_space<vmem>>) dst(%dma_wait3A_962 : memref<1024xf32, #tpu.memory_space<hbm>>)
        %dma_wait3A_965 = arith.constant 5 : i32
        %dma_wait3A_966 = arith.constant 5120 : i32
        %dma_wait3A_967 = tpu.memref_slice %arg24[%dma_wait3A_966] : memref<8192xf32, #tpu.memory_space<vmem>> -> memref<1024xf32, #tpu.memory_space<vmem>>
        %dma_wait3A_968 = arith.constant 0 : i32
        %dma_wait3A_969 = tpu.memref_slice %arg6[%dma_wait3A_965, %add3A, %dma_wait3A_968] : memref<1600x32x1024xf32, #tpu.memory_space<hbm>> -> memref<1x1x1024xf32, #tpu.memory_space<hbm>>
        %dma_wait3A_970 = tpu.memref_squeeze %dma_wait3A_969 : memref<1x1x1024xf32, #tpu.memory_space<hbm>> -> memref<1024xf32, #tpu.memory_space<hbm>>
        %dma_wait3A_971 = arith.constant 0 : i32
        %dma_wait3A_972 = tpu.memref_slice %arg6[%dma_wait3A_965, %add3A, %dma_wait3A_971] : memref<1600x32x1024xf32, #tpu.memory_space<hbm>> -> memref<1x1x1024xf32, #tpu.memory_space<hbm>>
        %dma_wait3A_973 = tpu.memref_squeeze %dma_wait3A_972 : memref<1x1x1024xf32, #tpu.memory_space<hbm>> -> memref<1024xf32, #tpu.memory_space<hbm>>
        %dma_wait3A_974 = arith.constant 5120 : i32
        %dma_wait3A_975 = tpu.memref_slice %arg24[%dma_wait3A_974] : memref<8192xf32, #tpu.memory_space<vmem>> -> memref<1024xf32, #tpu.memory_space<vmem>>
        tpu.wait_dma2 semaphore(%arg32 : memref<!tpu.dma_semaphore, #tpu.memory_space<semaphore_mem>>) src(%dma_wait3A_975 : memref<1024xf32, #tpu.memory_space<vmem>>) dst(%dma_wait3A_973 : memref<1024xf32, #tpu.memory_space<hbm>>)
        %dma_wait3A_976 = arith.constant 6 : i32
        %dma_wait3A_977 = arith.constant 6144 : i32
        %dma_wait3A_978 = tpu.memref_slice %arg24[%dma_wait3A_977] : memref<8192xf32, #tpu.memory_space<vmem>> -> memref<1024xf32, #tpu.memory_space<vmem>>
        %dma_wait3A_979 = arith.constant 0 : i32
        %dma_wait3A_980 = tpu.memref_slice %arg6[%dma_wait3A_976, %add3A, %dma_wait3A_979] : memref<1600x32x1024xf32, #tpu.memory_space<hbm>> -> memref<1x1x1024xf32, #tpu.memory_space<hbm>>
        %dma_wait3A_981 = tpu.memref_squeeze %dma_wait3A_980 : memref<1x1x1024xf32, #tpu.memory_space<hbm>> -> memref<1024xf32, #tpu.memory_space<hbm>>
        %dma_wait3A_982 = arith.constant 0 : i32
        %dma_wait3A_983 = tpu.memref_slice %arg6[%dma_wait3A_976, %add3A, %dma_wait3A_982] : memref<1600x32x1024xf32, #tpu.memory_space<hbm>> -> memref<1x1x1024xf32, #tpu.memory_space<hbm>>
        %dma_wait3A_984 = tpu.memref_squeeze %dma_wait3A_983 : memref<1x1x1024xf32, #tpu.memory_space<hbm>> -> memref<1024xf32, #tpu.memory_space<hbm>>
        %dma_wait3A_985 = arith.constant 6144 : i32
        %dma_wait3A_986 = tpu.memref_slice %arg24[%dma_wait3A_985] : memref<8192xf32, #tpu.memory_space<vmem>> -> memref<1024xf32, #tpu.memory_space<vmem>>
        tpu.wait_dma2 semaphore(%arg32 : memref<!tpu.dma_semaphore, #tpu.memory_space<semaphore_mem>>) src(%dma_wait3A_986 : memref<1024xf32, #tpu.memory_space<vmem>>) dst(%dma_wait3A_984 : memref<1024xf32, #tpu.memory_space<hbm>>)
        %dma_wait3A_987 = arith.constant 7 : i32
        %dma_wait3A_988 = arith.constant 7168 : i32
        %dma_wait3A_989 = tpu.memref_slice %arg24[%dma_wait3A_988] : memref<8192xf32, #tpu.memory_space<vmem>> -> memref<1024xf32, #tpu.memory_space<vmem>>
        %dma_wait3A_990 = arith.constant 0 : i32
        %dma_wait3A_991 = tpu.memref_slice %arg6[%dma_wait3A_987, %add3A, %dma_wait3A_990] : memref<1600x32x1024xf32, #tpu.memory_space<hbm>> -> memref<1x1x1024xf32, #tpu.memory_space<hbm>>
        %dma_wait3A_992 = tpu.memref_squeeze %dma_wait3A_991 : memref<1x1x1024xf32, #tpu.memory_space<hbm>> -> memref<1024xf32, #tpu.memory_space<hbm>>
        %dma_wait3A_993 = arith.constant 0 : i32
        %dma_wait3A_994 = tpu.memref_slice %arg6[%dma_wait3A_987, %add3A, %dma_wait3A_993] : memref<1600x32x1024xf32, #tpu.memory_space<hbm>> -> memref<1x1x1024xf32, #tpu.memory_space<hbm>>
        %dma_wait3A_995 = tpu.memref_squeeze %dma_wait3A_994 : memref<1x1x1024xf32, #tpu.memory_space<hbm>> -> memref<1024xf32, #tpu.memory_space<hbm>>
        %dma_wait3A_996 = arith.constant 7168 : i32
        %dma_wait3A_997 = tpu.memref_slice %arg24[%dma_wait3A_996] : memref<8192xf32, #tpu.memory_space<vmem>> -> memref<1024xf32, #tpu.memory_space<vmem>>
        tpu.wait_dma2 semaphore(%arg32 : memref<!tpu.dma_semaphore, #tpu.memory_space<semaphore_mem>>) src(%dma_wait3A_997 : memref<1024xf32, #tpu.memory_space<vmem>>) dst(%dma_wait3A_995 : memref<1024xf32, #tpu.memory_space<hbm>>)
      } else {
      }
      %parallel_loop3A_638 = arith.constant 0 : i32
      %parallel_loop3A_639 = arith.constant 64 : i32
      %parallel_loop3A_640 = arith.constant 1 : i32
      scf.for %parallel_loop3A_910 = %parallel_loop3A_638 to %parallel_loop3A_639 step %parallel_loop3A_640  : i32 {
        %parallel_loop3A_911 = arith.constant 129 : i32
        %parallel_loop3A_912 = arith.muli %parallel_loop3A_910, %parallel_loop3A_911 : i32
        %parallel_loop3A_913 = arith.constant 0 : i32
        %parallel_loop3A_914 = arith.addi %parallel_loop3A_912, %parallel_loop3A_913 : i32
        %parallel_loop3A_915 = arith.index_cast %parallel_loop3A_914 : i32 to index
        %parallel_loop3A_916 = tpu.vector_load %arg23[%parallel_loop3A_915] {strides = array<i32>} : memref<8256xf32, #tpu.memory_space<vmem>>, vector<16xf32>,
        %parallel_loop3A_917 = arith.constant 128 : i32
        %parallel_loop3A_918 = arith.muli %parallel_loop3A_910, %parallel_loop3A_917 : i32
        %parallel_loop3A_919 = arith.constant 0 : i32
        %parallel_loop3A_920 = arith.addi %parallel_loop3A_918, %parallel_loop3A_919 : i32
        %parallel_loop3A_921 = arith.index_cast %parallel_loop3A_920 : i32 to index
        %parallel_loop3A_922 = tpu.vector_load %arg24[%parallel_loop3A_921] {strides = array<i32>} : memref<8192xf32, #tpu.memory_space<vmem>>, vector<16xf32>,
        tpu.vector_store %arg24[%parallel_loop3A_921], %parallel_loop3A_916 {strides = array<i32>} : memref<8192xf32, #tpu.memory_space<vmem>>, vector<16xf32>,
        %parallel_loop3A_923 = arith.constant 129 : i32
        %parallel_loop3A_924 = arith.muli %parallel_loop3A_910, %parallel_loop3A_923 : i32
        %parallel_loop3A_925 = arith.constant 16 : i32
        %parallel_loop3A_926 = arith.addi %parallel_loop3A_924, %parallel_loop3A_925 : i32
        %parallel_loop3A_927 = arith.index_cast %parallel_loop3A_926 : i32 to index
        %parallel_loop3A_928 = tpu.vector_load %arg23[%parallel_loop3A_927] {strides = array<i32>} : memref<8256xf32, #tpu.memory_space<vmem>>, vector<16xf32>,
        %parallel_loop3A_929 = arith.constant 128 : i32
        %parallel_loop3A_930 = arith.muli %parallel_loop3A_910, %parallel_loop3A_929 : i32
        %parallel_loop3A_931 = arith.constant 16 : i32
        %parallel_loop3A_932 = arith.addi %parallel_loop3A_930, %parallel_loop3A_931 : i32
        %parallel_loop3A_933 = arith.index_cast %parallel_loop3A_932 : i32 to index
        %parallel_loop3A_934 = tpu.vector_load %arg24[%parallel_loop3A_933] {strides = array<i32>} : memref<8192xf32, #tpu.memory_space<vmem>>, vector<16xf32>,
        tpu.vector_store %arg24[%parallel_loop3A_933], %parallel_loop3A_928 {strides = array<i32>} : memref<8192xf32, #tpu.memory_space<vmem>>, vector<16xf32>,
        %parallel_loop3A_935 = arith.constant 129 : i32
        %parallel_loop3A_936 = arith.muli %parallel_loop3A_910, %parallel_loop3A_935 : i32
        %parallel_loop3A_937 = arith.constant 32 : i32
        %parallel_loop3A_938 = arith.addi %parallel_loop3A_936, %parallel_loop3A_937 : i32
        %parallel_loop3A_939 = arith.index_cast %parallel_loop3A_938 : i32 to index
        %parallel_loop3A_940 = tpu.vector_load %arg23[%parallel_loop3A_939] {strides = array<i32>} : memref<8256xf32, #tpu.memory_space<vmem>>, vector<16xf32>,
        %parallel_loop3A_941 = arith.constant 128 : i32
        %parallel_loop3A_942 = arith.muli %parallel_loop3A_910, %parallel_loop3A_941 : i32
        %parallel_loop3A_943 = arith.constant 32 : i32
        %parallel_loop3A_944 = arith.addi %parallel_loop3A_942, %parallel_loop3A_943 : i32
        %parallel_loop3A_945 = arith.index_cast %parallel_loop3A_944 : i32 to index
        %parallel_loop3A_946 = tpu.vector_load %arg24[%parallel_loop3A_945] {strides = array<i32>} : memref<8192xf32, #tpu.memory_space<vmem>>, vector<16xf32>,
        tpu.vector_store %arg24[%parallel_loop3A_945], %parallel_loop3A_940 {strides = array<i32>} : memref<8192xf32, #tpu.memory_space<vmem>>, vector<16xf32>,
        %parallel_loop3A_947 = arith.constant 129 : i32
        %parallel_loop3A_948 = arith.muli %parallel_loop3A_910, %parallel_loop3A_947 : i32
        %parallel_loop3A_949 = arith.constant 48 : i32
        %parallel_loop3A_950 = arith.addi %parallel_loop3A_948, %parallel_loop3A_949 : i32
        %parallel_loop3A_951 = arith.index_cast %parallel_loop3A_950 : i32 to index
        %parallel_loop3A_952 = tpu.vector_load %arg23[%parallel_loop3A_951] {strides = array<i32>} : memref<8256xf32, #tpu.memory_space<vmem>>, vector<16xf32>,
        %parallel_loop3A_953 = arith.constant 128 : i32
        %parallel_loop3A_954 = arith.muli %parallel_loop3A_910, %parallel_loop3A_953 : i32
        %parallel_loop3A_955 = arith.constant 48 : i32
        %parallel_loop3A_956 = arith.addi %parallel_loop3A_954, %parallel_loop3A_955 : i32
        %parallel_loop3A_957 = arith.index_cast %parallel_loop3A_956 : i32 to index
        %parallel_loop3A_958 = tpu.vector_load %arg24[%parallel_loop3A_957] {strides = array<i32>} : memref<8192xf32, #tpu.memory_space<vmem>>, vector<16xf32>,
        tpu.vector_store %arg24[%parallel_loop3A_957], %parallel_loop3A_952 {strides = array<i32>} : memref<8192xf32, #tpu.memory_space<vmem>>, vector<16xf32>,
        %parallel_loop3A_959 = arith.constant 129 : i32
        %parallel_loop3A_960 = arith.muli %parallel_loop3A_910, %parallel_loop3A_959 : i32
        %parallel_loop3A_961 = arith.constant 64 : i32
        %parallel_loop3A_962 = arith.addi %parallel_loop3A_960, %parallel_loop3A_961 : i32
        %parallel_loop3A_963 = arith.index_cast %parallel_loop3A_962 : i32 to index
        %parallel_loop3A_964 = tpu.vector_load %arg23[%parallel_loop3A_963] {strides = array<i32>} : memref<8256xf32, #tpu.memory_space<vmem>>, vector<16xf32>,
        %parallel_loop3A_965 = arith.constant 128 : i32
        %parallel_loop3A_966 = arith.muli %parallel_loop3A_910, %parallel_loop3A_965 : i32
        %parallel_loop3A_967 = arith.constant 64 : i32
        %parallel_loop3A_968 = arith.addi %parallel_loop3A_966, %parallel_loop3A_967 : i32
        %parallel_loop3A_969 = arith.index_cast %parallel_loop3A_968 : i32 to index
        %parallel_loop3A_970 = tpu.vector_load %arg24[%parallel_loop3A_969] {strides = array<i32>} : memref<8192xf32, #tpu.memory_space<vmem>>, vector<16xf32>,
        tpu.vector_store %arg24[%parallel_loop3A_969], %parallel_loop3A_964 {strides = array<i32>} : memref<8192xf32, #tpu.memory_space<vmem>>, vector<16xf32>,
        %parallel_loop3A_971 = arith.constant 129 : i32
        %parallel_loop3A_972 = arith.muli %parallel_loop3A_910, %parallel_loop3A_971 : i32
        %parallel_loop3A_973 = arith.constant 80 : i32
        %parallel_loop3A_974 = arith.addi %parallel_loop3A_972, %parallel_loop3A_973 : i32
        %parallel_loop3A_975 = arith.index_cast %parallel_loop3A_974 : i32 to index
        %parallel_loop3A_976 = tpu.vector_load %arg23[%parallel_loop3A_975] {strides = array<i32>} : memref<8256xf32, #tpu.memory_space<vmem>>, vector<16xf32>,
        %parallel_loop3A_977 = arith.constant 128 : i32
        %parallel_loop3A_978 = arith.muli %parallel_loop3A_910, %parallel_loop3A_977 : i32
        %parallel_loop3A_979 = arith.constant 80 : i32
        %parallel_loop3A_980 = arith.addi %parallel_loop3A_978, %parallel_loop3A_979 : i32
        %parallel_loop3A_981 = arith.index_cast %parallel_loop3A_980 : i32 to index
        %parallel_loop3A_982 = tpu.vector_load %arg24[%parallel_loop3A_981] {strides = array<i32>} : memref<8192xf32, #tpu.memory_space<vmem>>, vector<16xf32>,
        tpu.vector_store %arg24[%parallel_loop3A_981], %parallel_loop3A_976 {strides = array<i32>} : memref<8192xf32, #tpu.memory_space<vmem>>, vector<16xf32>,
        %parallel_loop3A_983 = arith.constant 129 : i32
        %parallel_loop3A_984 = arith.muli %parallel_loop3A_910, %parallel_loop3A_983 : i32
        %parallel_loop3A_985 = arith.constant 96 : i32
        %parallel_loop3A_986 = arith.addi %parallel_loop3A_984, %parallel_loop3A_985 : i32
        %parallel_loop3A_987 = arith.index_cast %parallel_loop3A_986 : i32 to index
        %parallel_loop3A_988 = tpu.vector_load %arg23[%parallel_loop3A_987] {strides = array<i32>} : memref<8256xf32, #tpu.memory_space<vmem>>, vector<16xf32>,
        %parallel_loop3A_989 = arith.constant 128 : i32
        %parallel_loop3A_990 = arith.muli %parallel_loop3A_910, %parallel_loop3A_989 : i32
        %parallel_loop3A_991 = arith.constant 96 : i32
        %parallel_loop3A_992 = arith.addi %parallel_loop3A_990, %parallel_loop3A_991 : i32
        %parallel_loop3A_993 = arith.index_cast %parallel_loop3A_992 : i32 to index
        %parallel_loop3A_994 = tpu.vector_load %arg24[%parallel_loop3A_993] {strides = array<i32>} : memref<8192xf32, #tpu.memory_space<vmem>>, vector<16xf32>,
        tpu.vector_store %arg24[%parallel_loop3A_993], %parallel_loop3A_988 {strides = array<i32>} : memref<8192xf32, #tpu.memory_space<vmem>>, vector<16xf32>,
        %parallel_loop3A_995 = arith.constant 129 : i32
        %parallel_loop3A_996 = arith.muli %parallel_loop3A_910, %parallel_loop3A_995 : i32
        %parallel_loop3A_997 = arith.constant 112 : i32
        %parallel_loop3A_998 = arith.addi %parallel_loop3A_996, %parallel_loop3A_997 : i32
        %parallel_loop3A_999 = arith.index_cast %parallel_loop3A_998 : i32 to index
        %parallel_loop3A_1000 = tpu.vector_load %arg23[%parallel_loop3A_999] {strides = array<i32>} : memref<8256xf32, #tpu.memory_space<vmem>>, vector<16xf32>,
        %parallel_loop3A_1001 = arith.constant 128 : i32
        %parallel_loop3A_1002 = arith.muli %parallel_loop3A_910, %parallel_loop3A_1001 : i32
        %parallel_loop3A_1003 = arith.constant 112 : i32
        %parallel_loop3A_1004 = arith.addi %parallel_loop3A_1002, %parallel_loop3A_1003 : i32
        %parallel_loop3A_1005 = arith.index_cast %parallel_loop3A_1004 : i32 to index
        %parallel_loop3A_1006 = tpu.vector_load %arg24[%parallel_loop3A_1005] {strides = array<i32>} : memref<8192xf32, #tpu.memory_space<vmem>>, vector<16xf32>,
        tpu.vector_store %arg24[%parallel_loop3A_1005], %parallel_loop3A_1000 {strides = array<i32>} : memref<8192xf32, #tpu.memory_space<vmem>>, vector<16xf32>,
      } {sc.loop_unroll_factor = 4 : i64, sc.parallel_access}
      %mul3A_641 = arith.constant 8 : i32
      %mul3A_642 = arith.muli %add3A_599, %mul3A_641 : i32
      %add3A_643 = arith.constant 0 : i32
      %add3A_644 = arith.addi %mul3A_642, %add3A_643 : i32
      %dma_start3A_645 = arith.constant 0 : i32
      %dma_start3A_646 = tpu.memref_slice %arg24[%dma_start3A_645] : memref<8192xf32, #tpu.memory_space<vmem>> -> memref<1024xf32, #tpu.memory_space<vmem>>
      %dma_start3A_647 = arith.constant 0 : i32
      %dma_start3A_648 = tpu.memref_slice %arg6[%add3A_644, %add3A, %dma_start3A_647] : memref<1600x32x1024xf32, #tpu.memory_space<hbm>> -> memref<1x1x1024xf32, #tpu.memory_space<hbm>>
      %dma_start3A_649 = tpu.memref_squeeze %dma_start3A_648 : memref<1x1x1024xf32, #tpu.memory_space<hbm>> -> memref<1024xf32, #tpu.memory_space<hbm>>
      %dma_start3A_650 = arith.constant 0 : i32
      %dma_start3A_651 = tpu.memref_slice %arg6[%add3A_644, %add3A, %dma_start3A_650] : memref<1600x32x1024xf32, #tpu.memory_space<hbm>> -> memref<1x1x1024xf32, #tpu.memory_space<hbm>>
      %dma_start3A_652 = tpu.memref_squeeze %dma_start3A_651 : memref<1x1x1024xf32, #tpu.memory_space<hbm>> -> memref<1024xf32, #tpu.memory_space<hbm>>
      %dma_start3A_653 = arith.constant 0 : i32
      %dma_start3A_654 = tpu.memref_slice %arg24[%dma_start3A_653] : memref<8192xf32, #tpu.memory_space<vmem>> -> memref<1024xf32, #tpu.memory_space<vmem>>
      tpu.enqueue_dma source(%dma_start3A_654 : memref<1024xf32, #tpu.memory_space<vmem>>) target(%dma_start3A_652 : memref<1024xf32, #tpu.memory_space<hbm>>) target_semaphore(%arg32 : memref<!tpu.dma_semaphore, #tpu.memory_space<semaphore_mem>>)
      %mul3A_655 = arith.constant 8 : i32
      %mul3A_656 = arith.muli %add3A_599, %mul3A_655 : i32
      %add3A_657 = arith.constant 1 : i32
      %add3A_658 = arith.addi %mul3A_656, %add3A_657 : i32
      %dma_start3A_659 = arith.constant 1024 : i32
      %dma_start3A_660 = tpu.memref_slice %arg24[%dma_start3A_659] : memref<8192xf32, #tpu.memory_space<vmem>> -> memref<1024xf32, #tpu.memory_space<vmem>>
      %dma_start3A_661 = arith.constant 0 : i32
      %dma_start3A_662 = tpu.memref_slice %arg6[%add3A_658, %add3A, %dma_start3A_661] : memref<1600x32x1024xf32, #tpu.memory_space<hbm>> -> memref<1x1x1024xf32, #tpu.memory_space<hbm>>
      %dma_start3A_663 = tpu.memref_squeeze %dma_start3A_662 : memref<1x1x1024xf32, #tpu.memory_space<hbm>> -> memref<1024xf32, #tpu.memory_space<hbm>>
      %dma_start3A_664 = arith.constant 0 : i32
      %dma_start3A_665 = tpu.memref_slice %arg6[%add3A_658, %add3A, %dma_start3A_664] : memref<1600x32x1024xf32, #tpu.memory_space<hbm>> -> memref<1x1x1024xf32, #tpu.memory_space<hbm>>
      %dma_start3A_666 = tpu.memref_squeeze %dma_start3A_665 : memref<1x1x1024xf32, #tpu.memory_space<hbm>> -> memref<1024xf32, #tpu.memory_space<hbm>>
      %dma_start3A_667 = arith.constant 1024 : i32
      %dma_start3A_668 = tpu.memref_slice %arg24[%dma_start3A_667] : memref<8192xf32, #tpu.memory_space<vmem>> -> memref<1024xf32, #tpu.memory_space<vmem>>
      tpu.enqueue_dma source(%dma_start3A_668 : memref<1024xf32, #tpu.memory_space<vmem>>) target(%dma_start3A_666 : memref<1024xf32, #tpu.memory_space<hbm>>) target_semaphore(%arg32 : memref<!tpu.dma_semaphore, #tpu.memory_space<semaphore_mem>>)
      %mul3A_669 = arith.constant 8 : i32
      %mul3A_670 = arith.muli %add3A_599, %mul3A_669 : i32
      %add3A_671 = arith.constant 2 : i32
      %add3A_672 = arith.addi %mul3A_670, %add3A_671 : i32
      %dma_start3A_673 = arith.constant 2048 : i32
      %dma_start3A_674 = tpu.memref_slice %arg24[%dma_start3A_673] : memref<8192xf32, #tpu.memory_space<vmem>> -> memref<1024xf32, #tpu.memory_space<vmem>>
      %dma_start3A_675 = arith.constant 0 : i32
      %dma_start3A_676 = tpu.memref_slice %arg6[%add3A_672, %add3A, %dma_start3A_675] : memref<1600x32x1024xf32, #tpu.memory_space<hbm>> -> memref<1x1x1024xf32, #tpu.memory_space<hbm>>
      %dma_start3A_677 = tpu.memref_squeeze %dma_start3A_676 : memref<1x1x1024xf32, #tpu.memory_space<hbm>> -> memref<1024xf32, #tpu.memory_space<hbm>>
      %dma_start3A_678 = arith.constant 0 : i32
      %dma_start3A_679 = tpu.memref_slice %arg6[%add3A_672, %add3A, %dma_start3A_678] : memref<1600x32x1024xf32, #tpu.memory_space<hbm>> -> memref<1x1x1024xf32, #tpu.memory_space<hbm>>
      %dma_start3A_680 = tpu.memref_squeeze %dma_start3A_679 : memref<1x1x1024xf32, #tpu.memory_space<hbm>> -> memref<1024xf32, #tpu.memory_space<hbm>>
      %dma_start3A_681 = arith.constant 2048 : i32
      %dma_start3A_682 = tpu.memref_slice %arg24[%dma_start3A_681] : memref<8192xf32, #tpu.memory_space<vmem>> -> memref<1024xf32, #tpu.memory_space<vmem>>
      tpu.enqueue_dma source(%dma_start3A_682 : memref<1024xf32, #tpu.memory_space<vmem>>) target(%dma_start3A_680 : memref<1024xf32, #tpu.memory_space<hbm>>) target_semaphore(%arg32 : memref<!tpu.dma_semaphore, #tpu.memory_space<semaphore_mem>>)
      %mul3A_683 = arith.constant 8 : i32
      %mul3A_684 = arith.muli %add3A_599, %mul3A_683 : i32
      %add3A_685 = arith.constant 3 : i32
      %add3A_686 = arith.addi %mul3A_684, %add3A_685 : i32
      %dma_start3A_687 = arith.constant 3072 : i32
      %dma_start3A_688 = tpu.memref_slice %arg24[%dma_start3A_687] : memref<8192xf32, #tpu.memory_space<vmem>> -> memref<1024xf32, #tpu.memory_space<vmem>>
      %dma_start3A_689 = arith.constant 0 : i32
      %dma_start3A_690 = tpu.memref_slice %arg6[%add3A_686, %add3A, %dma_start3A_689] : memref<1600x32x1024xf32, #tpu.memory_space<hbm>> -> memref<1x1x1024xf32, #tpu.memory_space<hbm>>
      %dma_start3A_691 = tpu.memref_squeeze %dma_start3A_690 : memref<1x1x1024xf32, #tpu.memory_space<hbm>> -> memref<1024xf32, #tpu.memory_space<hbm>>
      %dma_start3A_692 = arith.constant 0 : i32
      %dma_start3A_693 = tpu.memref_slice %arg6[%add3A_686, %add3A, %dma_start3A_692] : memref<1600x32x1024xf32, #tpu.memory_space<hbm>> -> memref<1x1x1024xf32, #tpu.memory_space<hbm>>
      %dma_start3A_694 = tpu.memref_squeeze %dma_start3A_693 : memref<1x1x1024xf32, #tpu.memory_space<hbm>> -> memref<1024xf32, #tpu.memory_space<hbm>>
      %dma_start3A_695 = arith.constant 3072 : i32
      %dma_start3A_696 = tpu.memref_slice %arg24[%dma_start3A_695] : memref<8192xf32, #tpu.memory_space<vmem>> -> memref<1024xf32, #tpu.memory_space<vmem>>
      tpu.enqueue_dma source(%dma_start3A_696 : memref<1024xf32, #tpu.memory_space<vmem>>) target(%dma_start3A_694 : memref<1024xf32, #tpu.memory_space<hbm>>) target_semaphore(%arg32 : memref<!tpu.dma_semaphore, #tpu.memory_space<semaphore_mem>>)
      %mul3A_697 = arith.constant 8 : i32
      %mul3A_698 = arith.muli %add3A_599, %mul3A_697 : i32
      %add3A_699 = arith.constant 4 : i32
      %add3A_700 = arith.addi %mul3A_698, %add3A_699 : i32
      %dma_start3A_701 = arith.constant 4096 : i32
      %dma_start3A_702 = tpu.memref_slice %arg24[%dma_start3A_701] : memref<8192xf32, #tpu.memory_space<vmem>> -> memref<1024xf32, #tpu.memory_space<vmem>>
      %dma_start3A_703 = arith.constant 0 : i32
      %dma_start3A_704 = tpu.memref_slice %arg6[%add3A_700, %add3A, %dma_start3A_703] : memref<1600x32x1024xf32, #tpu.memory_space<hbm>> -> memref<1x1x1024xf32, #tpu.memory_space<hbm>>
      %dma_start3A_705 = tpu.memref_squeeze %dma_start3A_704 : memref<1x1x1024xf32, #tpu.memory_space<hbm>> -> memref<1024xf32, #tpu.memory_space<hbm>>
      %dma_start3A_706 = arith.constant 0 : i32
      %dma_start3A_707 = tpu.memref_slice %arg6[%add3A_700, %add3A, %dma_start3A_706] : memref<1600x32x1024xf32, #tpu.memory_space<hbm>> -> memref<1x1x1024xf32, #tpu.memory_space<hbm>>
      %dma_start3A_708 = tpu.memref_squeeze %dma_start3A_707 : memref<1x1x1024xf32, #tpu.memory_space<hbm>> -> memref<1024xf32, #tpu.memory_space<hbm>>
      %dma_start3A_709 = arith.constant 4096 : i32
      %dma_start3A_710 = tpu.memref_slice %arg24[%dma_start3A_709] : memref<8192xf32, #tpu.memory_space<vmem>> -> memref<1024xf32, #tpu.memory_space<vmem>>
      tpu.enqueue_dma source(%dma_start3A_710 : memref<1024xf32, #tpu.memory_space<vmem>>) target(%dma_start3A_708 : memref<1024xf32, #tpu.memory_space<hbm>>) target_semaphore(%arg32 : memref<!tpu.dma_semaphore, #tpu.memory_space<semaphore_mem>>)
      %mul3A_711 = arith.constant 8 : i32
      %mul3A_712 = arith.muli %add3A_599, %mul3A_711 : i32
      %add3A_713 = arith.constant 5 : i32
      %add3A_714 = arith.addi %mul3A_712, %add3A_713 : i32
      %dma_start3A_715 = arith.constant 5120 : i32
      %dma_start3A_716 = tpu.memref_slice %arg24[%dma_start3A_715] : memref<8192xf32, #tpu.memory_space<vmem>> -> memref<1024xf32, #tpu.memory_space<vmem>>
      %dma_start3A_717 = arith.constant 0 : i32
      %dma_start3A_718 = tpu.memref_slice %arg6[%add3A_714, %add3A, %dma_start3A_717] : memref<1600x32x1024xf32, #tpu.memory_space<hbm>> -> memref<1x1x1024xf32, #tpu.memory_space<hbm>>
      %dma_start3A_719 = tpu.memref_squeeze %dma_start3A_718 : memref<1x1x1024xf32, #tpu.memory_space<hbm>> -> memref<1024xf32, #tpu.memory_space<hbm>>
      %dma_start3A_720 = arith.constant 0 : i32
      %dma_start3A_721 = tpu.memref_slice %arg6[%add3A_714, %add3A, %dma_start3A_720] : memref<1600x32x1024xf32, #tpu.memory_space<hbm>> -> memref<1x1x1024xf32, #tpu.memory_space<hbm>>
      %dma_start3A_722 = tpu.memref_squeeze %dma_start3A_721 : memref<1x1x1024xf32, #tpu.memory_space<hbm>> -> memref<1024xf32, #tpu.memory_space<hbm>>
      %dma_start3A_723 = arith.constant 5120 : i32
      %dma_start3A_724 = tpu.memref_slice %arg24[%dma_start3A_723] : memref<8192xf32, #tpu.memory_space<vmem>> -> memref<1024xf32, #tpu.memory_space<vmem>>
      tpu.enqueue_dma source(%dma_start3A_724 : memref<1024xf32, #tpu.memory_space<vmem>>) target(%dma_start3A_722 : memref<1024xf32, #tpu.memory_space<hbm>>) target_semaphore(%arg32 : memref<!tpu.dma_semaphore, #tpu.memory_space<semaphore_mem>>)
      %mul3A_725 = arith.constant 8 : i32
      %mul3A_726 = arith.muli %add3A_599, %mul3A_725 : i32
      %add3A_727 = arith.constant 6 : i32
      %add3A_728 = arith.addi %mul3A_726, %add3A_727 : i32
      %dma_start3A_729 = arith.constant 6144 : i32
      %dma_start3A_730 = tpu.memref_slice %arg24[%dma_start3A_729] : memref<8192xf32, #tpu.memory_space<vmem>> -> memref<1024xf32, #tpu.memory_space<vmem>>
      %dma_start3A_731 = arith.constant 0 : i32
      %dma_start3A_732 = tpu.memref_slice %arg6[%add3A_728, %add3A, %dma_start3A_731] : memref<1600x32x1024xf32, #tpu.memory_space<hbm>> -> memref<1x1x1024xf32, #tpu.memory_space<hbm>>
      %dma_start3A_733 = tpu.memref_squeeze %dma_start3A_732 : memref<1x1x1024xf32, #tpu.memory_space<hbm>> -> memref<1024xf32, #tpu.memory_space<hbm>>
      %dma_start3A_734 = arith.constant 0 : i32
      %dma_start3A_735 = tpu.memref_slice %arg6[%add3A_728, %add3A, %dma_start3A_734] : memref<1600x32x1024xf32, #tpu.memory_space<hbm>> -> memref<1x1x1024xf32, #tpu.memory_space<hbm>>
      %dma_start3A_736 = tpu.memref_squeeze %dma_start3A_735 : memref<1x1x1024xf32, #tpu.memory_space<hbm>> -> memref<1024xf32, #tpu.memory_space<hbm>>
      %dma_start3A_737 = arith.constant 6144 : i32
      %dma_start3A_738 = tpu.memref_slice %arg24[%dma_start3A_737] : memref<8192xf32, #tpu.memory_space<vmem>> -> memref<1024xf32, #tpu.memory_space<vmem>>
      tpu.enqueue_dma source(%dma_start3A_738 : memref<1024xf32, #tpu.memory_space<vmem>>) target(%dma_start3A_736 : memref<1024xf32, #tpu.memory_space<hbm>>) target_semaphore(%arg32 : memref<!tpu.dma_semaphore, #tpu.memory_space<semaphore_mem>>)
      %mul3A_739 = arith.constant 8 : i32
      %mul3A_740 = arith.muli %add3A_599, %mul3A_739 : i32
      %add3A_741 = arith.constant 7 : i32
      %add3A_742 = arith.addi %mul3A_740, %add3A_741 : i32
      %dma_start3A_743 = arith.constant 7168 : i32
      %dma_start3A_744 = tpu.memref_slice %arg24[%dma_start3A_743] : memref<8192xf32, #tpu.memory_space<vmem>> -> memref<1024xf32, #tpu.memory_space<vmem>>
      %dma_start3A_745 = arith.constant 0 : i32
      %dma_start3A_746 = tpu.memref_slice %arg6[%add3A_742, %add3A, %dma_start3A_745] : memref<1600x32x1024xf32, #tpu.memory_space<hbm>> -> memref<1x1x1024xf32, #tpu.memory_space<hbm>>
      %dma_start3A_747 = tpu.memref_squeeze %dma_start3A_746 : memref<1x1x1024xf32, #tpu.memory_space<hbm>> -> memref<1024xf32, #tpu.memory_space<hbm>>
      %dma_start3A_748 = arith.constant 0 : i32
      %dma_start3A_749 = tpu.memref_slice %arg6[%add3A_742, %add3A, %dma_start3A_748] : memref<1600x32x1024xf32, #tpu.memory_space<hbm>> -> memref<1x1x1024xf32, #tpu.memory_space<hbm>>
      %dma_start3A_750 = tpu.memref_squeeze %dma_start3A_749 : memref<1x1x1024xf32, #tpu.memory_space<hbm>> -> memref<1024xf32, #tpu.memory_space<hbm>>
      %dma_start3A_751 = arith.constant 7168 : i32
      %dma_start3A_752 = tpu.memref_slice %arg24[%dma_start3A_751] : memref<8192xf32, #tpu.memory_space<vmem>> -> memref<1024xf32, #tpu.memory_space<vmem>>
      tpu.enqueue_dma source(%dma_start3A_752 : memref<1024xf32, #tpu.memory_space<vmem>>) target(%dma_start3A_750 : memref<1024xf32, #tpu.memory_space<hbm>>) target_semaphore(%arg32 : memref<!tpu.dma_semaphore, #tpu.memory_space<semaphore_mem>>)
      %mul3A_753 = arith.constant 4 : i32
      %mul3A_754 = arith.muli %scan3A_285, %mul3A_753 : i32
      %add3A_755 = arith.constant 3 : i32
      %add3A_756 = arith.addi %mul3A_754, %add3A_755 : i32
      %dma_wait3A_757 = arith.constant 0 : i32
      %dma_wait3A_758 = arith.constant 0 : i32
      %dma_wait3A_759 = tpu.memref_slice %arg10[%dma_wait3A_757, %dma_wait3A_758] : memref<1x128xi32, #tpu.memory_space<vmem>> -> memref<1x128xi32, #tpu.memory_space<vmem>>
      %dma_wait3A_760 = tpu.memref_squeeze %dma_wait3A_759 : memref<1x128xi32, #tpu.memory_space<vmem>> -> memref<128xi32, #tpu.memory_space<vmem>>
      %dma_wait3A_761 = arith.constant 0 : i32
      %dma_wait3A_762 = arith.constant 0 : i32
      %dma_wait3A_763 = tpu.memref_slice %arg26[%dma_wait3A_761, %dma_wait3A_762] : memref<1000x64xf32, #tpu.memory_space<vmem_shared>> -> memref<1000x64xf32, #tpu.memory_space<vmem_shared>>
      tpu.wait_indirect_dma semaphore(%arg31 : memref<!tpu.dma_semaphore, #tpu.memory_space<semaphore_mem>>) src(%dma_wait3A_763 : memref<1000x64xf32, #tpu.memory_space<vmem_shared>>) dst(%arg18 : memref<128x64xf32, #tpu.memory_space<vmem>>)
      %dma_wait3A_764 = arith.constant 0 : i32
      %dma_wait3A_765 = arith.constant 0 : i32
      %dma_wait3A_766 = tpu.memref_slice %arg14[%dma_wait3A_764, %dma_wait3A_765] : memref<1x128xi32, #tpu.memory_space<vmem>> -> memref<1x128xi32, #tpu.memory_space<vmem>>
      %dma_wait3A_767 = tpu.memref_squeeze %dma_wait3A_766 : memref<1x128xi32, #tpu.memory_space<vmem>> -> memref<128xi32, #tpu.memory_space<vmem>>
      %dma_wait3A_768 = arith.constant 0 : i32
      %dma_wait3A_769 = arith.constant 0 : i32
      %dma_wait3A_770 = tpu.memref_slice %arg27[%dma_wait3A_768, %dma_wait3A_769] : memref<1000x64xf32, #tpu.memory_space<vmem_shared>> -> memref<1000x64xf32, #tpu.memory_space<vmem_shared>>
      tpu.wait_indirect_dma semaphore(%arg31 : memref<!tpu.dma_semaphore, #tpu.memory_space<semaphore_mem>>) src(%dma_wait3A_770 : memref<1000x64xf32, #tpu.memory_space<vmem_shared>>) dst(%arg22 : memref<128x64xf32, #tpu.memory_space<vmem>>)
      %add3A_771 = arith.constant 4 : i32
      %add3A_772 = arith.addi %add3A_756, %add3A_771 : i32
      %sub3A_773 = arith.constant 1 : i32
      %sub3A_774 = arith.subi %add3A_772, %sub3A_773 : i32
      %lt3A_775 = arith.constant 200 : i32
      %lt3A_776 = arith.cmpi slt, %sub3A_774, %lt3A_775 : i32
      %convert_element_type3A_777 = arith.extui %lt3A_776 : i1 to i32
      %cond3A_778 = arith.constant 0 : i32
      %cond3A_779 = arith.cmpi ne, %convert_element_type3A_777, %cond3A_778 : i32
      scf.if %cond3A_779 {
        %add3A_910 = arith.constant 4 : i32
        %add3A_911 = arith.addi %add3A_756, %add3A_910 : i32
        %sub3A_912 = arith.constant 1 : i32
        %sub3A_913 = arith.subi %add3A_911, %sub3A_912 : i32
        %dma_wait3A_914 = tpu.memref_slice %arg4[%sub3A_913, %mul3A_2] : memref<200x4096xi32, #tpu.memory_space<hbm>> -> memref<1x128xi32, #tpu.memory_space<hbm>>
        %dma_wait3A_915 = tpu.memref_slice %arg4[%sub3A_913, %mul3A_2] : memref<200x4096xi32, #tpu.memory_space<hbm>> -> memref<1x128xi32, #tpu.memory_space<hbm>>
        tpu.wait_dma2 semaphore(%arg36 : memref<!tpu.dma_semaphore, #tpu.memory_space<semaphore_mem>>) src(%dma_wait3A_915 : memref<1x128xi32, #tpu.memory_space<hbm>>) dst(%arg9 : memref<1x128xi32, #tpu.memory_space<vmem>>)
        %dma_wait3A_916 = tpu.memref_slice %arg5[%sub3A_913, %mul3A_2] : memref<200x4096xi32, #tpu.memory_space<hbm>> -> memref<1x128xi32, #tpu.memory_space<hbm>>
        %dma_wait3A_917 = tpu.memref_slice %arg5[%sub3A_913, %mul3A_2] : memref<200x4096xi32, #tpu.memory_space<hbm>> -> memref<1x128xi32, #tpu.memory_space<hbm>>
        tpu.wait_dma2 semaphore(%arg36 : memref<!tpu.dma_semaphore, #tpu.memory_space<semaphore_mem>>) src(%dma_wait3A_917 : memref<1x128xi32, #tpu.memory_space<hbm>>) dst(%arg13 : memref<1x128xi32, #tpu.memory_space<vmem>>)
        %dma_start3A_918 = arith.constant 0 : i32
        %dma_start3A_919 = arith.constant 0 : i32
        %dma_start3A_920 = tpu.memref_slice %arg9[%dma_start3A_918, %dma_start3A_919] : memref<1x128xi32, #tpu.memory_space<vmem>> -> memref<1x128xi32, #tpu.memory_space<vmem>>
        %dma_start3A_921 = tpu.memref_squeeze %dma_start3A_920 : memref<1x128xi32, #tpu.memory_space<vmem>> -> memref<128xi32, #tpu.memory_space<vmem>>
        %dma_start3A_922 = arith.constant 0 : i32
        %dma_start3A_923 = arith.constant 0 : i32
        %dma_start3A_924 = tpu.memref_slice %arg26[%dma_start3A_922, %dma_start3A_923] : memref<1000x64xf32, #tpu.memory_space<vmem_shared>> -> memref<1000x64xf32, #tpu.memory_space<vmem_shared>>
        tpu.enqueue_indirect_dma source(%dma_start3A_924 : memref<1000x64xf32, #tpu.memory_space<vmem_shared>>) target(%arg17 : memref<128x64xf32, #tpu.memory_space<vmem>>) offsets(%dma_start3A_921 : memref<128xi32, #tpu.memory_space<vmem>>) semaphore(%arg30 : memref<!tpu.dma_semaphore, #tpu.memory_space<semaphore_mem>>)
        %dma_start3A_925 = arith.constant 0 : i32
        %dma_start3A_926 = arith.constant 0 : i32
        %dma_start3A_927 = tpu.memref_slice %arg13[%dma_start3A_925, %dma_start3A_926] : memref<1x128xi32, #tpu.memory_space<vmem>> -> memref<1x128xi32, #tpu.memory_space<vmem>>
        %dma_start3A_928 = tpu.memref_squeeze %dma_start3A_927 : memref<1x128xi32, #tpu.memory_space<vmem>> -> memref<128xi32, #tpu.memory_space<vmem>>
        %dma_start3A_929 = arith.constant 0 : i32
        %dma_start3A_930 = arith.constant 0 : i32
        %dma_start3A_931 = tpu.memref_slice %arg27[%dma_start3A_929, %dma_start3A_930] : memref<1000x64xf32, #tpu.memory_space<vmem_shared>> -> memref<1000x64xf32, #tpu.memory_space<vmem_shared>>
        tpu.enqueue_indirect_dma source(%dma_start3A_931 : memref<1000x64xf32, #tpu.memory_space<vmem_shared>>) target(%arg21 : memref<128x64xf32, #tpu.memory_space<vmem>>) offsets(%dma_start3A_928 : memref<128xi32, #tpu.memory_space<vmem>>) semaphore(%arg30 : memref<!tpu.dma_semaphore, #tpu.memory_space<semaphore_mem>>)
      } else {
      }
      %add3A_780 = arith.constant 4 : i32
      %add3A_781 = arith.addi %add3A_756, %add3A_780 : i32
      %lt3A_782 = arith.constant 200 : i32
      %lt3A_783 = arith.cmpi slt, %add3A_781, %lt3A_782 : i32
      %convert_element_type3A_784 = arith.extui %lt3A_783 : i1 to i32
      %cond3A_785 = arith.constant 0 : i32
      %cond3A_786 = arith.cmpi ne, %convert_element_type3A_784, %cond3A_785 : i32
      scf.if %cond3A_786 {
        %add3A_910 = arith.constant 4 : i32
        %add3A_911 = arith.addi %add3A_756, %add3A_910 : i32
        %dma_start3A_912 = tpu.memref_slice %arg4[%add3A_911, %mul3A_2] : memref<200x4096xi32, #tpu.memory_space<hbm>> -> memref<1x128xi32, #tpu.memory_space<hbm>>
        %dma_start3A_913 = tpu.memref_slice %arg4[%add3A_911, %mul3A_2] : memref<200x4096xi32, #tpu.memory_space<hbm>> -> memref<1x128xi32, #tpu.memory_space<hbm>>
        tpu.enqueue_dma source(%dma_start3A_913 : memref<1x128xi32, #tpu.memory_space<hbm>>) target(%arg10 : memref<1x128xi32, #tpu.memory_space<vmem>>) target_semaphore(%arg37 : memref<!tpu.dma_semaphore, #tpu.memory_space<semaphore_mem>>)
        %dma_start3A_914 = tpu.memref_slice %arg5[%add3A_911, %mul3A_2] : memref<200x4096xi32, #tpu.memory_space<hbm>> -> memref<1x128xi32, #tpu.memory_space<hbm>>
        %dma_start3A_915 = tpu.memref_slice %arg5[%add3A_911, %mul3A_2] : memref<200x4096xi32, #tpu.memory_space<hbm>> -> memref<1x128xi32, #tpu.memory_space<hbm>>
        tpu.enqueue_dma source(%dma_start3A_915 : memref<1x128xi32, #tpu.memory_space<hbm>>) target(%arg14 : memref<1x128xi32, #tpu.memory_space<vmem>>) target_semaphore(%arg37 : memref<!tpu.dma_semaphore, #tpu.memory_space<semaphore_mem>>)
      } else {
      }
      %parallel_loop3A_787 = arith.constant 0 : i32
      %parallel_loop3A_788 = arith.constant 128 : i32
      %parallel_loop3A_789 = arith.constant 1 : i32
      scf.for %parallel_loop3A_910 = %parallel_loop3A_787 to %parallel_loop3A_788 step %parallel_loop3A_789  : i32 {
        %parallel_loop3A_911 = arith.index_cast %parallel_loop3A_910 : i32 to index
        %parallel_loop3A_912 = arith.constant 0 : index
        %parallel_loop3A_913 = tpu.vector_load %arg18[%parallel_loop3A_911, %parallel_loop3A_912] {strides = array<i32>} : memref<128x64xf32, #tpu.memory_space<vmem>>, vector<16xf32>,
        %parallel_loop3A_914 = arith.index_cast %parallel_loop3A_910 : i32 to index
        %parallel_loop3A_915 = arith.constant 0 : index
        %parallel_loop3A_916 = tpu.vector_load %arg22[%parallel_loop3A_914, %parallel_loop3A_915] {strides = array<i32>} : memref<128x64xf32, #tpu.memory_space<vmem>>, vector<16xf32>,
        %parallel_loop3A_917 = arith.addf %parallel_loop3A_913, %parallel_loop3A_916 : vector<16xf32>
        %parallel_loop3A_918 = arith.constant 0 : i32
        %parallel_loop3A_919 = arith.addi %parallel_loop3A_918, %parallel_loop3A_910 : i32
        %parallel_loop3A_920 = vector.broadcast %parallel_loop3A_919 : i32 to vector<16xi32>
        %parallel_loop3A_921 = arith.addi %mul3A_5, %parallel_loop3A_920 : vector<16xi32>
        tpu.vector_store_idx %arg23[%parallel_loop3A_921], %parallel_loop3A_917 : memref<8256xf32, #tpu.memory_space<vmem>>[vector<16xi32>], vector<16xf32>,
        %parallel_loop3A_922 = arith.index_cast %parallel_loop3A_910 : i32 to index
        %parallel_loop3A_923 = arith.constant 16 : index
        %parallel_loop3A_924 = tpu.vector_load %arg18[%parallel_loop3A_922, %parallel_loop3A_923] {strides = array<i32>} : memref<128x64xf32, #tpu.memory_space<vmem>>, vector<16xf32>,
        %parallel_loop3A_925 = arith.index_cast %parallel_loop3A_910 : i32 to index
        %parallel_loop3A_926 = arith.constant 16 : index
        %parallel_loop3A_927 = tpu.vector_load %arg22[%parallel_loop3A_925, %parallel_loop3A_926] {strides = array<i32>} : memref<128x64xf32, #tpu.memory_space<vmem>>, vector<16xf32>,
        %parallel_loop3A_928 = arith.addf %parallel_loop3A_924, %parallel_loop3A_927 : vector<16xf32>
        %parallel_loop3A_929 = arith.constant 2064 : i32
        %parallel_loop3A_930 = arith.addi %parallel_loop3A_929, %parallel_loop3A_910 : i32
        %parallel_loop3A_931 = vector.broadcast %parallel_loop3A_930 : i32 to vector<16xi32>
        %parallel_loop3A_932 = arith.addi %mul3A_5, %parallel_loop3A_931 : vector<16xi32>
        tpu.vector_store_idx %arg23[%parallel_loop3A_932], %parallel_loop3A_928 : memref<8256xf32, #tpu.memory_space<vmem>>[vector<16xi32>], vector<16xf32>,
        %parallel_loop3A_933 = arith.index_cast %parallel_loop3A_910 : i32 to index
        %parallel_loop3A_934 = arith.constant 32 : index
        %parallel_loop3A_935 = tpu.vector_load %arg18[%parallel_loop3A_933, %parallel_loop3A_934] {strides = array<i32>} : memref<128x64xf32, #tpu.memory_space<vmem>>, vector<16xf32>,
        %parallel_loop3A_936 = arith.index_cast %parallel_loop3A_910 : i32 to index
        %parallel_loop3A_937 = arith.constant 32 : index
        %parallel_loop3A_938 = tpu.vector_load %arg22[%parallel_loop3A_936, %parallel_loop3A_937] {strides = array<i32>} : memref<128x64xf32, #tpu.memory_space<vmem>>, vector<16xf32>,
        %parallel_loop3A_939 = arith.addf %parallel_loop3A_935, %parallel_loop3A_938 : vector<16xf32>
        %parallel_loop3A_940 = arith.constant 4128 : i32
        %parallel_loop3A_941 = arith.addi %parallel_loop3A_940, %parallel_loop3A_910 : i32
        %parallel_loop3A_942 = vector.broadcast %parallel_loop3A_941 : i32 to vector<16xi32>
        %parallel_loop3A_943 = arith.addi %mul3A_5, %parallel_loop3A_942 : vector<16xi32>
        tpu.vector_store_idx %arg23[%parallel_loop3A_943], %parallel_loop3A_939 : memref<8256xf32, #tpu.memory_space<vmem>>[vector<16xi32>], vector<16xf32>,
        %parallel_loop3A_944 = arith.index_cast %parallel_loop3A_910 : i32 to index
        %parallel_loop3A_945 = arith.constant 48 : index
        %parallel_loop3A_946 = tpu.vector_load %arg18[%parallel_loop3A_944, %parallel_loop3A_945] {strides = array<i32>} : memref<128x64xf32, #tpu.memory_space<vmem>>, vector<16xf32>,
        %parallel_loop3A_947 = arith.index_cast %parallel_loop3A_910 : i32 to index
        %parallel_loop3A_948 = arith.constant 48 : index
        %parallel_loop3A_949 = tpu.vector_load %arg22[%parallel_loop3A_947, %parallel_loop3A_948] {strides = array<i32>} : memref<128x64xf32, #tpu.memory_space<vmem>>, vector<16xf32>,
        %parallel_loop3A_950 = arith.addf %parallel_loop3A_946, %parallel_loop3A_949 : vector<16xf32>
        %parallel_loop3A_951 = arith.constant 6192 : i32
        %parallel_loop3A_952 = arith.addi %parallel_loop3A_951, %parallel_loop3A_910 : i32
        %parallel_loop3A_953 = vector.broadcast %parallel_loop3A_952 : i32 to vector<16xi32>
        %parallel_loop3A_954 = arith.addi %mul3A_5, %parallel_loop3A_953 : vector<16xi32>
        tpu.vector_store_idx %arg23[%parallel_loop3A_954], %parallel_loop3A_950 : memref<8256xf32, #tpu.memory_space<vmem>>[vector<16xi32>], vector<16xf32>,
      } {sc.loop_unroll_factor = 4 : i64, sc.parallel_access}
      %gt3A_790 = arith.constant 1 : i32
      %gt3A_791 = arith.cmpi sgt, %add3A_756, %gt3A_790 : i32
      %convert_element_type3A_792 = arith.extui %gt3A_791 : i1 to i32
      %cond3A_793 = arith.constant 0 : i32
      %cond3A_794 = arith.cmpi ne, %convert_element_type3A_792, %cond3A_793 : i32
      scf.if %cond3A_794 {
        %dma_wait3A_910 = arith.constant 0 : i32
        %dma_wait3A_911 = arith.constant 0 : i32
        %dma_wait3A_912 = tpu.memref_slice %arg25[%dma_wait3A_911] : memref<8192xf32, #tpu.memory_space<vmem>> -> memref<1024xf32, #tpu.memory_space<vmem>>
        %dma_wait3A_913 = arith.constant 0 : i32
        %dma_wait3A_914 = tpu.memref_slice %arg6[%dma_wait3A_910, %add3A, %dma_wait3A_913] : memref<1600x32x1024xf32, #tpu.memory_space<hbm>> -> memref<1x1x1024xf32, #tpu.memory_space<hbm>>
        %dma_wait3A_915 = tpu.memref_squeeze %dma_wait3A_914 : memref<1x1x1024xf32, #tpu.memory_space<hbm>> -> memref<1024xf32, #tpu.memory_space<hbm>>
        %dma_wait3A_916 = arith.constant 0 : i32
        %dma_wait3A_917 = tpu.memref_slice %arg6[%dma_wait3A_910, %add3A, %dma_wait3A_916] : memref<1600x32x1024xf32, #tpu.memory_space<hbm>> -> memref<1x1x1024xf32, #tpu.memory_space<hbm>>
        %dma_wait3A_918 = tpu.memref_squeeze %dma_wait3A_917 : memref<1x1x1024xf32, #tpu.memory_space<hbm>> -> memref<1024xf32, #tpu.memory_space<hbm>>
        %dma_wait3A_919 = arith.constant 0 : i32
        %dma_wait3A_920 = tpu.memref_slice %arg25[%dma_wait3A_919] : memref<8192xf32, #tpu.memory_space<vmem>> -> memref<1024xf32, #tpu.memory_space<vmem>>
        tpu.wait_dma2 semaphore(%arg33 : memref<!tpu.dma_semaphore, #tpu.memory_space<semaphore_mem>>) src(%dma_wait3A_920 : memref<1024xf32, #tpu.memory_space<vmem>>) dst(%dma_wait3A_918 : memref<1024xf32, #tpu.memory_space<hbm>>)
        %dma_wait3A_921 = arith.constant 1 : i32
        %dma_wait3A_922 = arith.constant 1024 : i32
        %dma_wait3A_923 = tpu.memref_slice %arg25[%dma_wait3A_922] : memref<8192xf32, #tpu.memory_space<vmem>> -> memref<1024xf32, #tpu.memory_space<vmem>>
        %dma_wait3A_924 = arith.constant 0 : i32
        %dma_wait3A_925 = tpu.memref_slice %arg6[%dma_wait3A_921, %add3A, %dma_wait3A_924] : memref<1600x32x1024xf32, #tpu.memory_space<hbm>> -> memref<1x1x1024xf32, #tpu.memory_space<hbm>>
        %dma_wait3A_926 = tpu.memref_squeeze %dma_wait3A_925 : memref<1x1x1024xf32, #tpu.memory_space<hbm>> -> memref<1024xf32, #tpu.memory_space<hbm>>
        %dma_wait3A_927 = arith.constant 0 : i32
        %dma_wait3A_928 = tpu.memref_slice %arg6[%dma_wait3A_921, %add3A, %dma_wait3A_927] : memref<1600x32x1024xf32, #tpu.memory_space<hbm>> -> memref<1x1x1024xf32, #tpu.memory_space<hbm>>
        %dma_wait3A_929 = tpu.memref_squeeze %dma_wait3A_928 : memref<1x1x1024xf32, #tpu.memory_space<hbm>> -> memref<1024xf32, #tpu.memory_space<hbm>>
        %dma_wait3A_930 = arith.constant 1024 : i32
        %dma_wait3A_931 = tpu.memref_slice %arg25[%dma_wait3A_930] : memref<8192xf32, #tpu.memory_space<vmem>> -> memref<1024xf32, #tpu.memory_space<vmem>>
        tpu.wait_dma2 semaphore(%arg33 : memref<!tpu.dma_semaphore, #tpu.memory_space<semaphore_mem>>) src(%dma_wait3A_931 : memref<1024xf32, #tpu.memory_space<vmem>>) dst(%dma_wait3A_929 : memref<1024xf32, #tpu.memory_space<hbm>>)
        %dma_wait3A_932 = arith.constant 2 : i32
        %dma_wait3A_933 = arith.constant 2048 : i32
        %dma_wait3A_934 = tpu.memref_slice %arg25[%dma_wait3A_933] : memref<8192xf32, #tpu.memory_space<vmem>> -> memref<1024xf32, #tpu.memory_space<vmem>>
        %dma_wait3A_935 = arith.constant 0 : i32
        %dma_wait3A_936 = tpu.memref_slice %arg6[%dma_wait3A_932, %add3A, %dma_wait3A_935] : memref<1600x32x1024xf32, #tpu.memory_space<hbm>> -> memref<1x1x1024xf32, #tpu.memory_space<hbm>>
        %dma_wait3A_937 = tpu.memref_squeeze %dma_wait3A_936 : memref<1x1x1024xf32, #tpu.memory_space<hbm>> -> memref<1024xf32, #tpu.memory_space<hbm>>
        %dma_wait3A_938 = arith.constant 0 : i32
        %dma_wait3A_939 = tpu.memref_slice %arg6[%dma_wait3A_932, %add3A, %dma_wait3A_938] : memref<1600x32x1024xf32, #tpu.memory_space<hbm>> -> memref<1x1x1024xf32, #tpu.memory_space<hbm>>
        %dma_wait3A_940 = tpu.memref_squeeze %dma_wait3A_939 : memref<1x1x1024xf32, #tpu.memory_space<hbm>> -> memref<1024xf32, #tpu.memory_space<hbm>>
        %dma_wait3A_941 = arith.constant 2048 : i32
        %dma_wait3A_942 = tpu.memref_slice %arg25[%dma_wait3A_941] : memref<8192xf32, #tpu.memory_space<vmem>> -> memref<1024xf32, #tpu.memory_space<vmem>>
        tpu.wait_dma2 semaphore(%arg33 : memref<!tpu.dma_semaphore, #tpu.memory_space<semaphore_mem>>) src(%dma_wait3A_942 : memref<1024xf32, #tpu.memory_space<vmem>>) dst(%dma_wait3A_940 : memref<1024xf32, #tpu.memory_space<hbm>>)
        %dma_wait3A_943 = arith.constant 3 : i32
        %dma_wait3A_944 = arith.constant 3072 : i32
        %dma_wait3A_945 = tpu.memref_slice %arg25[%dma_wait3A_944] : memref<8192xf32, #tpu.memory_space<vmem>> -> memref<1024xf32, #tpu.memory_space<vmem>>
        %dma_wait3A_946 = arith.constant 0 : i32
        %dma_wait3A_947 = tpu.memref_slice %arg6[%dma_wait3A_943, %add3A, %dma_wait3A_946] : memref<1600x32x1024xf32, #tpu.memory_space<hbm>> -> memref<1x1x1024xf32, #tpu.memory_space<hbm>>
        %dma_wait3A_948 = tpu.memref_squeeze %dma_wait3A_947 : memref<1x1x1024xf32, #tpu.memory_space<hbm>> -> memref<1024xf32, #tpu.memory_space<hbm>>
        %dma_wait3A_949 = arith.constant 0 : i32
        %dma_wait3A_950 = tpu.memref_slice %arg6[%dma_wait3A_943, %add3A, %dma_wait3A_949] : memref<1600x32x1024xf32, #tpu.memory_space<hbm>> -> memref<1x1x1024xf32, #tpu.memory_space<hbm>>
        %dma_wait3A_951 = tpu.memref_squeeze %dma_wait3A_950 : memref<1x1x1024xf32, #tpu.memory_space<hbm>> -> memref<1024xf32, #tpu.memory_space<hbm>>
        %dma_wait3A_952 = arith.constant 3072 : i32
        %dma_wait3A_953 = tpu.memref_slice %arg25[%dma_wait3A_952] : memref<8192xf32, #tpu.memory_space<vmem>> -> memref<1024xf32, #tpu.memory_space<vmem>>
        tpu.wait_dma2 semaphore(%arg33 : memref<!tpu.dma_semaphore, #tpu.memory_space<semaphore_mem>>) src(%dma_wait3A_953 : memref<1024xf32, #tpu.memory_space<vmem>>) dst(%dma_wait3A_951 : memref<1024xf32, #tpu.memory_space<hbm>>)
        %dma_wait3A_954 = arith.constant 4 : i32
        %dma_wait3A_955 = arith.constant 4096 : i32
        %dma_wait3A_956 = tpu.memref_slice %arg25[%dma_wait3A_955] : memref<8192xf32, #tpu.memory_space<vmem>> -> memref<1024xf32, #tpu.memory_space<vmem>>
        %dma_wait3A_957 = arith.constant 0 : i32
        %dma_wait3A_958 = tpu.memref_slice %arg6[%dma_wait3A_954, %add3A, %dma_wait3A_957] : memref<1600x32x1024xf32, #tpu.memory_space<hbm>> -> memref<1x1x1024xf32, #tpu.memory_space<hbm>>
        %dma_wait3A_959 = tpu.memref_squeeze %dma_wait3A_958 : memref<1x1x1024xf32, #tpu.memory_space<hbm>> -> memref<1024xf32, #tpu.memory_space<hbm>>
        %dma_wait3A_960 = arith.constant 0 : i32
        %dma_wait3A_961 = tpu.memref_slice %arg6[%dma_wait3A_954, %add3A, %dma_wait3A_960] : memref<1600x32x1024xf32, #tpu.memory_space<hbm>> -> memref<1x1x1024xf32, #tpu.memory_space<hbm>>
        %dma_wait3A_962 = tpu.memref_squeeze %dma_wait3A_961 : memref<1x1x1024xf32, #tpu.memory_space<hbm>> -> memref<1024xf32, #tpu.memory_space<hbm>>
        %dma_wait3A_963 = arith.constant 4096 : i32
        %dma_wait3A_964 = tpu.memref_slice %arg25[%dma_wait3A_963] : memref<8192xf32, #tpu.memory_space<vmem>> -> memref<1024xf32, #tpu.memory_space<vmem>>
        tpu.wait_dma2 semaphore(%arg33 : memref<!tpu.dma_semaphore, #tpu.memory_space<semaphore_mem>>) src(%dma_wait3A_964 : memref<1024xf32, #tpu.memory_space<vmem>>) dst(%dma_wait3A_962 : memref<1024xf32, #tpu.memory_space<hbm>>)
        %dma_wait3A_965 = arith.constant 5 : i32
        %dma_wait3A_966 = arith.constant 5120 : i32
        %dma_wait3A_967 = tpu.memref_slice %arg25[%dma_wait3A_966] : memref<8192xf32, #tpu.memory_space<vmem>> -> memref<1024xf32, #tpu.memory_space<vmem>>
        %dma_wait3A_968 = arith.constant 0 : i32
        %dma_wait3A_969 = tpu.memref_slice %arg6[%dma_wait3A_965, %add3A, %dma_wait3A_968] : memref<1600x32x1024xf32, #tpu.memory_space<hbm>> -> memref<1x1x1024xf32, #tpu.memory_space<hbm>>
        %dma_wait3A_970 = tpu.memref_squeeze %dma_wait3A_969 : memref<1x1x1024xf32, #tpu.memory_space<hbm>> -> memref<1024xf32, #tpu.memory_space<hbm>>
        %dma_wait3A_971 = arith.constant 0 : i32
        %dma_wait3A_972 = tpu.memref_slice %arg6[%dma_wait3A_965, %add3A, %dma_wait3A_971] : memref<1600x32x1024xf32, #tpu.memory_space<hbm>> -> memref<1x1x1024xf32, #tpu.memory_space<hbm>>
        %dma_wait3A_973 = tpu.memref_squeeze %dma_wait3A_972 : memref<1x1x1024xf32, #tpu.memory_space<hbm>> -> memref<1024xf32, #tpu.memory_space<hbm>>
        %dma_wait3A_974 = arith.constant 5120 : i32
        %dma_wait3A_975 = tpu.memref_slice %arg25[%dma_wait3A_974] : memref<8192xf32, #tpu.memory_space<vmem>> -> memref<1024xf32, #tpu.memory_space<vmem>>
        tpu.wait_dma2 semaphore(%arg33 : memref<!tpu.dma_semaphore, #tpu.memory_space<semaphore_mem>>) src(%dma_wait3A_975 : memref<1024xf32, #tpu.memory_space<vmem>>) dst(%dma_wait3A_973 : memref<1024xf32, #tpu.memory_space<hbm>>)
        %dma_wait3A_976 = arith.constant 6 : i32
        %dma_wait3A_977 = arith.constant 6144 : i32
        %dma_wait3A_978 = tpu.memref_slice %arg25[%dma_wait3A_977] : memref<8192xf32, #tpu.memory_space<vmem>> -> memref<1024xf32, #tpu.memory_space<vmem>>
        %dma_wait3A_979 = arith.constant 0 : i32
        %dma_wait3A_980 = tpu.memref_slice %arg6[%dma_wait3A_976, %add3A, %dma_wait3A_979] : memref<1600x32x1024xf32, #tpu.memory_space<hbm>> -> memref<1x1x1024xf32, #tpu.memory_space<hbm>>
        %dma_wait3A_981 = tpu.memref_squeeze %dma_wait3A_980 : memref<1x1x1024xf32, #tpu.memory_space<hbm>> -> memref<1024xf32, #tpu.memory_space<hbm>>
        %dma_wait3A_982 = arith.constant 0 : i32
        %dma_wait3A_983 = tpu.memref_slice %arg6[%dma_wait3A_976, %add3A, %dma_wait3A_982] : memref<1600x32x1024xf32, #tpu.memory_space<hbm>> -> memref<1x1x1024xf32, #tpu.memory_space<hbm>>
        %dma_wait3A_984 = tpu.memref_squeeze %dma_wait3A_983 : memref<1x1x1024xf32, #tpu.memory_space<hbm>> -> memref<1024xf32, #tpu.memory_space<hbm>>
        %dma_wait3A_985 = arith.constant 6144 : i32
        %dma_wait3A_986 = tpu.memref_slice %arg25[%dma_wait3A_985] : memref<8192xf32, #tpu.memory_space<vmem>> -> memref<1024xf32, #tpu.memory_space<vmem>>
        tpu.wait_dma2 semaphore(%arg33 : memref<!tpu.dma_semaphore, #tpu.memory_space<semaphore_mem>>) src(%dma_wait3A_986 : memref<1024xf32, #tpu.memory_space<vmem>>) dst(%dma_wait3A_984 : memref<1024xf32, #tpu.memory_space<hbm>>)
        %dma_wait3A_987 = arith.constant 7 : i32
        %dma_wait3A_988 = arith.constant 7168 : i32
        %dma_wait3A_989 = tpu.memref_slice %arg25[%dma_wait3A_988] : memref<8192xf32, #tpu.memory_space<vmem>> -> memref<1024xf32, #tpu.memory_space<vmem>>
        %dma_wait3A_990 = arith.constant 0 : i32
        %dma_wait3A_991 = tpu.memref_slice %arg6[%dma_wait3A_987, %add3A, %dma_wait3A_990] : memref<1600x32x1024xf32, #tpu.memory_space<hbm>> -> memref<1x1x1024xf32, #tpu.memory_space<hbm>>
        %dma_wait3A_992 = tpu.memref_squeeze %dma_wait3A_991 : memref<1x1x1024xf32, #tpu.memory_space<hbm>> -> memref<1024xf32, #tpu.memory_space<hbm>>
        %dma_wait3A_993 = arith.constant 0 : i32
        %dma_wait3A_994 = tpu.memref_slice %arg6[%dma_wait3A_987, %add3A, %dma_wait3A_993] : memref<1600x32x1024xf32, #tpu.memory_space<hbm>> -> memref<1x1x1024xf32, #tpu.memory_space<hbm>>
        %dma_wait3A_995 = tpu.memref_squeeze %dma_wait3A_994 : memref<1x1x1024xf32, #tpu.memory_space<hbm>> -> memref<1024xf32, #tpu.memory_space<hbm>>
        %dma_wait3A_996 = arith.constant 7168 : i32
        %dma_wait3A_997 = tpu.memref_slice %arg25[%dma_wait3A_996] : memref<8192xf32, #tpu.memory_space<vmem>> -> memref<1024xf32, #tpu.memory_space<vmem>>
        tpu.wait_dma2 semaphore(%arg33 : memref<!tpu.dma_semaphore, #tpu.memory_space<semaphore_mem>>) src(%dma_wait3A_997 : memref<1024xf32, #tpu.memory_space<vmem>>) dst(%dma_wait3A_995 : memref<1024xf32, #tpu.memory_space<hbm>>)
      } else {
      }
      %parallel_loop3A_795 = arith.constant 0 : i32
      %parallel_loop3A_796 = arith.constant 64 : i32
      %parallel_loop3A_797 = arith.constant 1 : i32
      scf.for %parallel_loop3A_910 = %parallel_loop3A_795 to %parallel_loop3A_796 step %parallel_loop3A_797  : i32 {
        %parallel_loop3A_911 = arith.constant 129 : i32
        %parallel_loop3A_912 = arith.muli %parallel_loop3A_910, %parallel_loop3A_911 : i32
        %parallel_loop3A_913 = arith.constant 0 : i32
        %parallel_loop3A_914 = arith.addi %parallel_loop3A_912, %parallel_loop3A_913 : i32
        %parallel_loop3A_915 = arith.index_cast %parallel_loop3A_914 : i32 to index
        %parallel_loop3A_916 = tpu.vector_load %arg23[%parallel_loop3A_915] {strides = array<i32>} : memref<8256xf32, #tpu.memory_space<vmem>>, vector<16xf32>,
        %parallel_loop3A_917 = arith.constant 128 : i32
        %parallel_loop3A_918 = arith.muli %parallel_loop3A_910, %parallel_loop3A_917 : i32
        %parallel_loop3A_919 = arith.constant 0 : i32
        %parallel_loop3A_920 = arith.addi %parallel_loop3A_918, %parallel_loop3A_919 : i32
        %parallel_loop3A_921 = arith.index_cast %parallel_loop3A_920 : i32 to index
        %parallel_loop3A_922 = tpu.vector_load %arg25[%parallel_loop3A_921] {strides = array<i32>} : memref<8192xf32, #tpu.memory_space<vmem>>, vector<16xf32>,
        tpu.vector_store %arg25[%parallel_loop3A_921], %parallel_loop3A_916 {strides = array<i32>} : memref<8192xf32, #tpu.memory_space<vmem>>, vector<16xf32>,
        %parallel_loop3A_923 = arith.constant 129 : i32
        %parallel_loop3A_924 = arith.muli %parallel_loop3A_910, %parallel_loop3A_923 : i32
        %parallel_loop3A_925 = arith.constant 16 : i32
        %parallel_loop3A_926 = arith.addi %parallel_loop3A_924, %parallel_loop3A_925 : i32
        %parallel_loop3A_927 = arith.index_cast %parallel_loop3A_926 : i32 to index
        %parallel_loop3A_928 = tpu.vector_load %arg23[%parallel_loop3A_927] {strides = array<i32>} : memref<8256xf32, #tpu.memory_space<vmem>>, vector<16xf32>,
        %parallel_loop3A_929 = arith.constant 128 : i32
        %parallel_loop3A_930 = arith.muli %parallel_loop3A_910, %parallel_loop3A_929 : i32
        %parallel_loop3A_931 = arith.constant 16 : i32
        %parallel_loop3A_932 = arith.addi %parallel_loop3A_930, %parallel_loop3A_931 : i32
        %parallel_loop3A_933 = arith.index_cast %parallel_loop3A_932 : i32 to index
        %parallel_loop3A_934 = tpu.vector_load %arg25[%parallel_loop3A_933] {strides = array<i32>} : memref<8192xf32, #tpu.memory_space<vmem>>, vector<16xf32>,
        tpu.vector_store %arg25[%parallel_loop3A_933], %parallel_loop3A_928 {strides = array<i32>} : memref<8192xf32, #tpu.memory_space<vmem>>, vector<16xf32>,
        %parallel_loop3A_935 = arith.constant 129 : i32
        %parallel_loop3A_936 = arith.muli %parallel_loop3A_910, %parallel_loop3A_935 : i32
        %parallel_loop3A_937 = arith.constant 32 : i32
        %parallel_loop3A_938 = arith.addi %parallel_loop3A_936, %parallel_loop3A_937 : i32
        %parallel_loop3A_939 = arith.index_cast %parallel_loop3A_938 : i32 to index
        %parallel_loop3A_940 = tpu.vector_load %arg23[%parallel_loop3A_939] {strides = array<i32>} : memref<8256xf32, #tpu.memory_space<vmem>>, vector<16xf32>,
        %parallel_loop3A_941 = arith.constant 128 : i32
        %parallel_loop3A_942 = arith.muli %parallel_loop3A_910, %parallel_loop3A_941 : i32
        %parallel_loop3A_943 = arith.constant 32 : i32
        %parallel_loop3A_944 = arith.addi %parallel_loop3A_942, %parallel_loop3A_943 : i32
        %parallel_loop3A_945 = arith.index_cast %parallel_loop3A_944 : i32 to index
        %parallel_loop3A_946 = tpu.vector_load %arg25[%parallel_loop3A_945] {strides = array<i32>} : memref<8192xf32, #tpu.memory_space<vmem>>, vector<16xf32>,
        tpu.vector_store %arg25[%parallel_loop3A_945], %parallel_loop3A_940 {strides = array<i32>} : memref<8192xf32, #tpu.memory_space<vmem>>, vector<16xf32>,
        %parallel_loop3A_947 = arith.constant 129 : i32
        %parallel_loop3A_948 = arith.muli %parallel_loop3A_910, %parallel_loop3A_947 : i32
        %parallel_loop3A_949 = arith.constant 48 : i32
        %parallel_loop3A_950 = arith.addi %parallel_loop3A_948, %parallel_loop3A_949 : i32
        %parallel_loop3A_951 = arith.index_cast %parallel_loop3A_950 : i32 to index
        %parallel_loop3A_952 = tpu.vector_load %arg23[%parallel_loop3A_951] {strides = array<i32>} : memref<8256xf32, #tpu.memory_space<vmem>>, vector<16xf32>,
        %parallel_loop3A_953 = arith.constant 128 : i32
        %parallel_loop3A_954 = arith.muli %parallel_loop3A_910, %parallel_loop3A_953 : i32
        %parallel_loop3A_955 = arith.constant 48 : i32
        %parallel_loop3A_956 = arith.addi %parallel_loop3A_954, %parallel_loop3A_955 : i32
        %parallel_loop3A_957 = arith.index_cast %parallel_loop3A_956 : i32 to index
        %parallel_loop3A_958 = tpu.vector_load %arg25[%parallel_loop3A_957] {strides = array<i32>} : memref<8192xf32, #tpu.memory_space<vmem>>, vector<16xf32>,
        tpu.vector_store %arg25[%parallel_loop3A_957], %parallel_loop3A_952 {strides = array<i32>} : memref<8192xf32, #tpu.memory_space<vmem>>, vector<16xf32>,
        %parallel_loop3A_959 = arith.constant 129 : i32
        %parallel_loop3A_960 = arith.muli %parallel_loop3A_910, %parallel_loop3A_959 : i32
        %parallel_loop3A_961 = arith.constant 64 : i32
        %parallel_loop3A_962 = arith.addi %parallel_loop3A_960, %parallel_loop3A_961 : i32
        %parallel_loop3A_963 = arith.index_cast %parallel_loop3A_962 : i32 to index
        %parallel_loop3A_964 = tpu.vector_load %arg23[%parallel_loop3A_963] {strides = array<i32>} : memref<8256xf32, #tpu.memory_space<vmem>>, vector<16xf32>,
        %parallel_loop3A_965 = arith.constant 128 : i32
        %parallel_loop3A_966 = arith.muli %parallel_loop3A_910, %parallel_loop3A_965 : i32
        %parallel_loop3A_967 = arith.constant 64 : i32
        %parallel_loop3A_968 = arith.addi %parallel_loop3A_966, %parallel_loop3A_967 : i32
        %parallel_loop3A_969 = arith.index_cast %parallel_loop3A_968 : i32 to index
        %parallel_loop3A_970 = tpu.vector_load %arg25[%parallel_loop3A_969] {strides = array<i32>} : memref<8192xf32, #tpu.memory_space<vmem>>, vector<16xf32>,
        tpu.vector_store %arg25[%parallel_loop3A_969], %parallel_loop3A_964 {strides = array<i32>} : memref<8192xf32, #tpu.memory_space<vmem>>, vector<16xf32>,
        %parallel_loop3A_971 = arith.constant 129 : i32
        %parallel_loop3A_972 = arith.muli %parallel_loop3A_910, %parallel_loop3A_971 : i32
        %parallel_loop3A_973 = arith.constant 80 : i32
        %parallel_loop3A_974 = arith.addi %parallel_loop3A_972, %parallel_loop3A_973 : i32
        %parallel_loop3A_975 = arith.index_cast %parallel_loop3A_974 : i32 to index
        %parallel_loop3A_976 = tpu.vector_load %arg23[%parallel_loop3A_975] {strides = array<i32>} : memref<8256xf32, #tpu.memory_space<vmem>>, vector<16xf32>,
        %parallel_loop3A_977 = arith.constant 128 : i32
        %parallel_loop3A_978 = arith.muli %parallel_loop3A_910, %parallel_loop3A_977 : i32
        %parallel_loop3A_979 = arith.constant 80 : i32
        %parallel_loop3A_980 = arith.addi %parallel_loop3A_978, %parallel_loop3A_979 : i32
        %parallel_loop3A_981 = arith.index_cast %parallel_loop3A_980 : i32 to index
        %parallel_loop3A_982 = tpu.vector_load %arg25[%parallel_loop3A_981] {strides = array<i32>} : memref<8192xf32, #tpu.memory_space<vmem>>, vector<16xf32>,
        tpu.vector_store %arg25[%parallel_loop3A_981], %parallel_loop3A_976 {strides = array<i32>} : memref<8192xf32, #tpu.memory_space<vmem>>, vector<16xf32>,
        %parallel_loop3A_983 = arith.constant 129 : i32
        %parallel_loop3A_984 = arith.muli %parallel_loop3A_910, %parallel_loop3A_983 : i32
        %parallel_loop3A_985 = arith.constant 96 : i32
        %parallel_loop3A_986 = arith.addi %parallel_loop3A_984, %parallel_loop3A_985 : i32
        %parallel_loop3A_987 = arith.index_cast %parallel_loop3A_986 : i32 to index
        %parallel_loop3A_988 = tpu.vector_load %arg23[%parallel_loop3A_987] {strides = array<i32>} : memref<8256xf32, #tpu.memory_space<vmem>>, vector<16xf32>,
        %parallel_loop3A_989 = arith.constant 128 : i32
        %parallel_loop3A_990 = arith.muli %parallel_loop3A_910, %parallel_loop3A_989 : i32
        %parallel_loop3A_991 = arith.constant 96 : i32
        %parallel_loop3A_992 = arith.addi %parallel_loop3A_990, %parallel_loop3A_991 : i32
        %parallel_loop3A_993 = arith.index_cast %parallel_loop3A_992 : i32 to index
        %parallel_loop3A_994 = tpu.vector_load %arg25[%parallel_loop3A_993] {strides = array<i32>} : memref<8192xf32, #tpu.memory_space<vmem>>, vector<16xf32>,
        tpu.vector_store %arg25[%parallel_loop3A_993], %parallel_loop3A_988 {strides = array<i32>} : memref<8192xf32, #tpu.memory_space<vmem>>, vector<16xf32>,
        %parallel_loop3A_995 = arith.constant 129 : i32
        %parallel_loop3A_996 = arith.muli %parallel_loop3A_910, %parallel_loop3A_995 : i32
        %parallel_loop3A_997 = arith.constant 112 : i32
        %parallel_loop3A_998 = arith.addi %parallel_loop3A_996, %parallel_loop3A_997 : i32
        %parallel_loop3A_999 = arith.index_cast %parallel_loop3A_998 : i32 to index
        %parallel_loop3A_1000 = tpu.vector_load %arg23[%parallel_loop3A_999] {strides = array<i32>} : memref<8256xf32, #tpu.memory_space<vmem>>, vector<16xf32>,
        %parallel_loop3A_1001 = arith.constant 128 : i32
        %parallel_loop3A_1002 = arith.muli %parallel_loop3A_910, %parallel_loop3A_1001 : i32
        %parallel_loop3A_1003 = arith.constant 112 : i32
        %parallel_loop3A_1004 = arith.addi %parallel_loop3A_1002, %parallel_loop3A_1003 : i32
        %parallel_loop3A_1005 = arith.index_cast %parallel_loop3A_1004 : i32 to index
        %parallel_loop3A_1006 = tpu.vector_load %arg25[%parallel_loop3A_1005] {strides = array<i32>} : memref<8192xf32, #tpu.memory_space<vmem>>, vector<16xf32>,
        tpu.vector_store %arg25[%parallel_loop3A_1005], %parallel_loop3A_1000 {strides = array<i32>} : memref<8192xf32, #tpu.memory_space<vmem>>, vector<16xf32>,
      } {sc.loop_unroll_factor = 4 : i64, sc.parallel_access}
      %mul3A_798 = arith.constant 8 : i32
      %mul3A_799 = arith.muli %add3A_756, %mul3A_798 : i32
      %add3A_800 = arith.constant 0 : i32
      %add3A_801 = arith.addi %mul3A_799, %add3A_800 : i32
      %dma_start3A_802 = arith.constant 0 : i32
      %dma_start3A_803 = tpu.memref_slice %arg25[%dma_start3A_802] : memref<8192xf32, #tpu.memory_space<vmem>> -> memref<1024xf32, #tpu.memory_space<vmem>>
      %dma_start3A_804 = arith.constant 0 : i32
      %dma_start3A_805 = tpu.memref_slice %arg6[%add3A_801, %add3A, %dma_start3A_804] : memref<1600x32x1024xf32, #tpu.memory_space<hbm>> -> memref<1x1x1024xf32, #tpu.memory_space<hbm>>
      %dma_start3A_806 = tpu.memref_squeeze %dma_start3A_805 : memref<1x1x1024xf32, #tpu.memory_space<hbm>> -> memref<1024xf32, #tpu.memory_space<hbm>>
      %dma_start3A_807 = arith.constant 0 : i32
      %dma_start3A_808 = tpu.memref_slice %arg6[%add3A_801, %add3A, %dma_start3A_807] : memref<1600x32x1024xf32, #tpu.memory_space<hbm>> -> memref<1x1x1024xf32, #tpu.memory_space<hbm>>
      %dma_start3A_809 = tpu.memref_squeeze %dma_start3A_808 : memref<1x1x1024xf32, #tpu.memory_space<hbm>> -> memref<1024xf32, #tpu.memory_space<hbm>>
      %dma_start3A_810 = arith.constant 0 : i32
      %dma_start3A_811 = tpu.memref_slice %arg25[%dma_start3A_810] : memref<8192xf32, #tpu.memory_space<vmem>> -> memref<1024xf32, #tpu.memory_space<vmem>>
      tpu.enqueue_dma source(%dma_start3A_811 : memref<1024xf32, #tpu.memory_space<vmem>>) target(%dma_start3A_809 : memref<1024xf32, #tpu.memory_space<hbm>>) target_semaphore(%arg33 : memref<!tpu.dma_semaphore, #tpu.memory_space<semaphore_mem>>)
      %mul3A_812 = arith.constant 8 : i32
      %mul3A_813 = arith.muli %add3A_756, %mul3A_812 : i32
      %add3A_814 = arith.constant 1 : i32
      %add3A_815 = arith.addi %mul3A_813, %add3A_814 : i32
      %dma_start3A_816 = arith.constant 1024 : i32
      %dma_start3A_817 = tpu.memref_slice %arg25[%dma_start3A_816] : memref<8192xf32, #tpu.memory_space<vmem>> -> memref<1024xf32, #tpu.memory_space<vmem>>
      %dma_start3A_818 = arith.constant 0 : i32
      %dma_start3A_819 = tpu.memref_slice %arg6[%add3A_815, %add3A, %dma_start3A_818] : memref<1600x32x1024xf32, #tpu.memory_space<hbm>> -> memref<1x1x1024xf32, #tpu.memory_space<hbm>>
      %dma_start3A_820 = tpu.memref_squeeze %dma_start3A_819 : memref<1x1x1024xf32, #tpu.memory_space<hbm>> -> memref<1024xf32, #tpu.memory_space<hbm>>
      %dma_start3A_821 = arith.constant 0 : i32
      %dma_start3A_822 = tpu.memref_slice %arg6[%add3A_815, %add3A, %dma_start3A_821] : memref<1600x32x1024xf32, #tpu.memory_space<hbm>> -> memref<1x1x1024xf32, #tpu.memory_space<hbm>>
      %dma_start3A_823 = tpu.memref_squeeze %dma_start3A_822 : memref<1x1x1024xf32, #tpu.memory_space<hbm>> -> memref<1024xf32, #tpu.memory_space<hbm>>
      %dma_start3A_824 = arith.constant 1024 : i32
      %dma_start3A_825 = tpu.memref_slice %arg25[%dma_start3A_824] : memref<8192xf32, #tpu.memory_space<vmem>> -> memref<1024xf32, #tpu.memory_space<vmem>>
      tpu.enqueue_dma source(%dma_start3A_825 : memref<1024xf32, #tpu.memory_space<vmem>>) target(%dma_start3A_823 : memref<1024xf32, #tpu.memory_space<hbm>>) target_semaphore(%arg33 : memref<!tpu.dma_semaphore, #tpu.memory_space<semaphore_mem>>)
      %mul3A_826 = arith.constant 8 : i32
      %mul3A_827 = arith.muli %add3A_756, %mul3A_826 : i32
      %add3A_828 = arith.constant 2 : i32
      %add3A_829 = arith.addi %mul3A_827, %add3A_828 : i32
      %dma_start3A_830 = arith.constant 2048 : i32
      %dma_start3A_831 = tpu.memref_slice %arg25[%dma_start3A_830] : memref<8192xf32, #tpu.memory_space<vmem>> -> memref<1024xf32, #tpu.memory_space<vmem>>
      %dma_start3A_832 = arith.constant 0 : i32
      %dma_start3A_833 = tpu.memref_slice %arg6[%add3A_829, %add3A, %dma_start3A_832] : memref<1600x32x1024xf32, #tpu.memory_space<hbm>> -> memref<1x1x1024xf32, #tpu.memory_space<hbm>>
      %dma_start3A_834 = tpu.memref_squeeze %dma_start3A_833 : memref<1x1x1024xf32, #tpu.memory_space<hbm>> -> memref<1024xf32, #tpu.memory_space<hbm>>
      %dma_start3A_835 = arith.constant 0 : i32
      %dma_start3A_836 = tpu.memref_slice %arg6[%add3A_829, %add3A, %dma_start3A_835] : memref<1600x32x1024xf32, #tpu.memory_space<hbm>> -> memref<1x1x1024xf32, #tpu.memory_space<hbm>>
      %dma_start3A_837 = tpu.memref_squeeze %dma_start3A_836 : memref<1x1x1024xf32, #tpu.memory_space<hbm>> -> memref<1024xf32, #tpu.memory_space<hbm>>
      %dma_start3A_838 = arith.constant 2048 : i32
      %dma_start3A_839 = tpu.memref_slice %arg25[%dma_start3A_838] : memref<8192xf32, #tpu.memory_space<vmem>> -> memref<1024xf32, #tpu.memory_space<vmem>>
      tpu.enqueue_dma source(%dma_start3A_839 : memref<1024xf32, #tpu.memory_space<vmem>>) target(%dma_start3A_837 : memref<1024xf32, #tpu.memory_space<hbm>>) target_semaphore(%arg33 : memref<!tpu.dma_semaphore, #tpu.memory_space<semaphore_mem>>)
      %mul3A_840 = arith.constant 8 : i32
      %mul3A_841 = arith.muli %add3A_756, %mul3A_840 : i32
      %add3A_842 = arith.constant 3 : i32
      %add3A_843 = arith.addi %mul3A_841, %add3A_842 : i32
      %dma_start3A_844 = arith.constant 3072 : i32
      %dma_start3A_845 = tpu.memref_slice %arg25[%dma_start3A_844] : memref<8192xf32, #tpu.memory_space<vmem>> -> memref<1024xf32, #tpu.memory_space<vmem>>
      %dma_start3A_846 = arith.constant 0 : i32
      %dma_start3A_847 = tpu.memref_slice %arg6[%add3A_843, %add3A, %dma_start3A_846] : memref<1600x32x1024xf32, #tpu.memory_space<hbm>> -> memref<1x1x1024xf32, #tpu.memory_space<hbm>>
      %dma_start3A_848 = tpu.memref_squeeze %dma_start3A_847 : memref<1x1x1024xf32, #tpu.memory_space<hbm>> -> memref<1024xf32, #tpu.memory_space<hbm>>
      %dma_start3A_849 = arith.constant 0 : i32
      %dma_start3A_850 = tpu.memref_slice %arg6[%add3A_843, %add3A, %dma_start3A_849] : memref<1600x32x1024xf32, #tpu.memory_space<hbm>> -> memref<1x1x1024xf32, #tpu.memory_space<hbm>>
      %dma_start3A_851 = tpu.memref_squeeze %dma_start3A_850 : memref<1x1x1024xf32, #tpu.memory_space<hbm>> -> memref<1024xf32, #tpu.memory_space<hbm>>
      %dma_start3A_852 = arith.constant 3072 : i32
      %dma_start3A_853 = tpu.memref_slice %arg25[%dma_start3A_852] : memref<8192xf32, #tpu.memory_space<vmem>> -> memref<1024xf32, #tpu.memory_space<vmem>>
      tpu.enqueue_dma source(%dma_start3A_853 : memref<1024xf32, #tpu.memory_space<vmem>>) target(%dma_start3A_851 : memref<1024xf32, #tpu.memory_space<hbm>>) target_semaphore(%arg33 : memref<!tpu.dma_semaphore, #tpu.memory_space<semaphore_mem>>)
      %mul3A_854 = arith.constant 8 : i32
      %mul3A_855 = arith.muli %add3A_756, %mul3A_854 : i32
      %add3A_856 = arith.constant 4 : i32
      %add3A_857 = arith.addi %mul3A_855, %add3A_856 : i32
      %dma_start3A_858 = arith.constant 4096 : i32
      %dma_start3A_859 = tpu.memref_slice %arg25[%dma_start3A_858] : memref<8192xf32, #tpu.memory_space<vmem>> -> memref<1024xf32, #tpu.memory_space<vmem>>
      %dma_start3A_860 = arith.constant 0 : i32
      %dma_start3A_861 = tpu.memref_slice %arg6[%add3A_857, %add3A, %dma_start3A_860] : memref<1600x32x1024xf32, #tpu.memory_space<hbm>> -> memref<1x1x1024xf32, #tpu.memory_space<hbm>>
      %dma_start3A_862 = tpu.memref_squeeze %dma_start3A_861 : memref<1x1x1024xf32, #tpu.memory_space<hbm>> -> memref<1024xf32, #tpu.memory_space<hbm>>
      %dma_start3A_863 = arith.constant 0 : i32
      %dma_start3A_864 = tpu.memref_slice %arg6[%add3A_857, %add3A, %dma_start3A_863] : memref<1600x32x1024xf32, #tpu.memory_space<hbm>> -> memref<1x1x1024xf32, #tpu.memory_space<hbm>>
      %dma_start3A_865 = tpu.memref_squeeze %dma_start3A_864 : memref<1x1x1024xf32, #tpu.memory_space<hbm>> -> memref<1024xf32, #tpu.memory_space<hbm>>
      %dma_start3A_866 = arith.constant 4096 : i32
      %dma_start3A_867 = tpu.memref_slice %arg25[%dma_start3A_866] : memref<8192xf32, #tpu.memory_space<vmem>> -> memref<1024xf32, #tpu.memory_space<vmem>>
      tpu.enqueue_dma source(%dma_start3A_867 : memref<1024xf32, #tpu.memory_space<vmem>>) target(%dma_start3A_865 : memref<1024xf32, #tpu.memory_space<hbm>>) target_semaphore(%arg33 : memref<!tpu.dma_semaphore, #tpu.memory_space<semaphore_mem>>)
      %mul3A_868 = arith.constant 8 : i32
      %mul3A_869 = arith.muli %add3A_756, %mul3A_868 : i32
      %add3A_870 = arith.constant 5 : i32
      %add3A_871 = arith.addi %mul3A_869, %add3A_870 : i32
      %dma_start3A_872 = arith.constant 5120 : i32
      %dma_start3A_873 = tpu.memref_slice %arg25[%dma_start3A_872] : memref<8192xf32, #tpu.memory_space<vmem>> -> memref<1024xf32, #tpu.memory_space<vmem>>
      %dma_start3A_874 = arith.constant 0 : i32
      %dma_start3A_875 = tpu.memref_slice %arg6[%add3A_871, %add3A, %dma_start3A_874] : memref<1600x32x1024xf32, #tpu.memory_space<hbm>> -> memref<1x1x1024xf32, #tpu.memory_space<hbm>>
      %dma_start3A_876 = tpu.memref_squeeze %dma_start3A_875 : memref<1x1x1024xf32, #tpu.memory_space<hbm>> -> memref<1024xf32, #tpu.memory_space<hbm>>
      %dma_start3A_877 = arith.constant 0 : i32
      %dma_start3A_878 = tpu.memref_slice %arg6[%add3A_871, %add3A, %dma_start3A_877] : memref<1600x32x1024xf32, #tpu.memory_space<hbm>> -> memref<1x1x1024xf32, #tpu.memory_space<hbm>>
      %dma_start3A_879 = tpu.memref_squeeze %dma_start3A_878 : memref<1x1x1024xf32, #tpu.memory_space<hbm>> -> memref<1024xf32, #tpu.memory_space<hbm>>
      %dma_start3A_880 = arith.constant 5120 : i32
      %dma_start3A_881 = tpu.memref_slice %arg25[%dma_start3A_880] : memref<8192xf32, #tpu.memory_space<vmem>> -> memref<1024xf32, #tpu.memory_space<vmem>>
      tpu.enqueue_dma source(%dma_start3A_881 : memref<1024xf32, #tpu.memory_space<vmem>>) target(%dma_start3A_879 : memref<1024xf32, #tpu.memory_space<hbm>>) target_semaphore(%arg33 : memref<!tpu.dma_semaphore, #tpu.memory_space<semaphore_mem>>)
      %mul3A_882 = arith.constant 8 : i32
      %mul3A_883 = arith.muli %add3A_756, %mul3A_882 : i32
      %add3A_884 = arith.constant 6 : i32
      %add3A_885 = arith.addi %mul3A_883, %add3A_884 : i32
      %dma_start3A_886 = arith.constant 6144 : i32
      %dma_start3A_887 = tpu.memref_slice %arg25[%dma_start3A_886] : memref<8192xf32, #tpu.memory_space<vmem>> -> memref<1024xf32, #tpu.memory_space<vmem>>
      %dma_start3A_888 = arith.constant 0 : i32
      %dma_start3A_889 = tpu.memref_slice %arg6[%add3A_885, %add3A, %dma_start3A_888] : memref<1600x32x1024xf32, #tpu.memory_space<hbm>> -> memref<1x1x1024xf32, #tpu.memory_space<hbm>>
      %dma_start3A_890 = tpu.memref_squeeze %dma_start3A_889 : memref<1x1x1024xf32, #tpu.memory_space<hbm>> -> memref<1024xf32, #tpu.memory_space<hbm>>
      %dma_start3A_891 = arith.constant 0 : i32
      %dma_start3A_892 = tpu.memref_slice %arg6[%add3A_885, %add3A, %dma_start3A_891] : memref<1600x32x1024xf32, #tpu.memory_space<hbm>> -> memref<1x1x1024xf32, #tpu.memory_space<hbm>>
      %dma_start3A_893 = tpu.memref_squeeze %dma_start3A_892 : memref<1x1x1024xf32, #tpu.memory_space<hbm>> -> memref<1024xf32, #tpu.memory_space<hbm>>
      %dma_start3A_894 = arith.constant 6144 : i32
      %dma_start3A_895 = tpu.memref_slice %arg25[%dma_start3A_894] : memref<8192xf32, #tpu.memory_space<vmem>> -> memref<1024xf32, #tpu.memory_space<vmem>>
      tpu.enqueue_dma source(%dma_start3A_895 : memref<1024xf32, #tpu.memory_space<vmem>>) target(%dma_start3A_893 : memref<1024xf32, #tpu.memory_space<hbm>>) target_semaphore(%arg33 : memref<!tpu.dma_semaphore, #tpu.memory_space<semaphore_mem>>)
      %mul3A_896 = arith.constant 8 : i32
      %mul3A_897 = arith.muli %add3A_756, %mul3A_896 : i32
      %add3A_898 = arith.constant 7 : i32
      %add3A_899 = arith.addi %mul3A_897, %add3A_898 : i32
      %dma_start3A_900 = arith.constant 7168 : i32
      %dma_start3A_901 = tpu.memref_slice %arg25[%dma_start3A_900] : memref<8192xf32, #tpu.memory_space<vmem>> -> memref<1024xf32, #tpu.memory_space<vmem>>
      %dma_start3A_902 = arith.constant 0 : i32
      %dma_start3A_903 = tpu.memref_slice %arg6[%add3A_899, %add3A, %dma_start3A_902] : memref<1600x32x1024xf32, #tpu.memory_space<hbm>> -> memref<1x1x1024xf32, #tpu.memory_space<hbm>>
      %dma_start3A_904 = tpu.memref_squeeze %dma_start3A_903 : memref<1x1x1024xf32, #tpu.memory_space<hbm>> -> memref<1024xf32, #tpu.memory_space<hbm>>
      %dma_start3A_905 = arith.constant 0 : i32
      %dma_start3A_906 = tpu.memref_slice %arg6[%add3A_899, %add3A, %dma_start3A_905] : memref<1600x32x1024xf32, #tpu.memory_space<hbm>> -> memref<1x1x1024xf32, #tpu.memory_space<hbm>>
      %dma_start3A_907 = tpu.memref_squeeze %dma_start3A_906 : memref<1x1x1024xf32, #tpu.memory_space<hbm>> -> memref<1024xf32, #tpu.memory_space<hbm>>
      %dma_start3A_908 = arith.constant 7168 : i32
      %dma_start3A_909 = tpu.memref_slice %arg25[%dma_start3A_908] : memref<8192xf32, #tpu.memory_space<vmem>> -> memref<1024xf32, #tpu.memory_space<vmem>>
      tpu.enqueue_dma source(%dma_start3A_909 : memref<1024xf32, #tpu.memory_space<vmem>>) target(%dma_start3A_907 : memref<1024xf32, #tpu.memory_space<hbm>>) target_semaphore(%arg33 : memref<!tpu.dma_semaphore, #tpu.memory_space<semaphore_mem>>)
    }
    %scan3A_108 = arith.constant 50 : i32
    %dma_wait3A_109 = arith.constant 0 : i32
    %dma_wait3A_110 = arith.constant 0 : i32
    %dma_wait3A_111 = tpu.memref_slice %arg24[%dma_wait3A_110] : memref<8192xf32, #tpu.memory_space<vmem>> -> memref<1024xf32, #tpu.memory_space<vmem>>
    %dma_wait3A_112 = arith.constant 0 : i32
    %dma_wait3A_113 = tpu.memref_slice %arg6[%dma_wait3A_109, %add3A, %dma_wait3A_112] : memref<1600x32x1024xf32, #tpu.memory_space<hbm>> -> memref<1x1x1024xf32, #tpu.memory_space<hbm>>
    %dma_wait3A_114 = tpu.memref_squeeze %dma_wait3A_113 : memref<1x1x1024xf32, #tpu.memory_space<hbm>> -> memref<1024xf32, #tpu.memory_space<hbm>>
    %dma_wait3A_115 = arith.constant 0 : i32
    %dma_wait3A_116 = tpu.memref_slice %arg6[%dma_wait3A_109, %add3A, %dma_wait3A_115] : memref<1600x32x1024xf32, #tpu.memory_space<hbm>> -> memref<1x1x1024xf32, #tpu.memory_space<hbm>>
    %dma_wait3A_117 = tpu.memref_squeeze %dma_wait3A_116 : memref<1x1x1024xf32, #tpu.memory_space<hbm>> -> memref<1024xf32, #tpu.memory_space<hbm>>
    %dma_wait3A_118 = arith.constant 0 : i32
    %dma_wait3A_119 = tpu.memref_slice %arg24[%dma_wait3A_118] : memref<8192xf32, #tpu.memory_space<vmem>> -> memref<1024xf32, #tpu.memory_space<vmem>>
    tpu.wait_dma2 semaphore(%arg32 : memref<!tpu.dma_semaphore, #tpu.memory_space<semaphore_mem>>) src(%dma_wait3A_119 : memref<1024xf32, #tpu.memory_space<vmem>>) dst(%dma_wait3A_117 : memref<1024xf32, #tpu.memory_space<hbm>>)
    %dma_wait3A_120 = arith.constant 1 : i32
    %dma_wait3A_121 = arith.constant 1024 : i32
    %dma_wait3A_122 = tpu.memref_slice %arg24[%dma_wait3A_121] : memref<8192xf32, #tpu.memory_space<vmem>> -> memref<1024xf32, #tpu.memory_space<vmem>>
    %dma_wait3A_123 = arith.constant 0 : i32
    %dma_wait3A_124 = tpu.memref_slice %arg6[%dma_wait3A_120, %add3A, %dma_wait3A_123] : memref<1600x32x1024xf32, #tpu.memory_space<hbm>> -> memref<1x1x1024xf32, #tpu.memory_space<hbm>>
    %dma_wait3A_125 = tpu.memref_squeeze %dma_wait3A_124 : memref<1x1x1024xf32, #tpu.memory_space<hbm>> -> memref<1024xf32, #tpu.memory_space<hbm>>
    %dma_wait3A_126 = arith.constant 0 : i32
    %dma_wait3A_127 = tpu.memref_slice %arg6[%dma_wait3A_120, %add3A, %dma_wait3A_126] : memref<1600x32x1024xf32, #tpu.memory_space<hbm>> -> memref<1x1x1024xf32, #tpu.memory_space<hbm>>
    %dma_wait3A_128 = tpu.memref_squeeze %dma_wait3A_127 : memref<1x1x1024xf32, #tpu.memory_space<hbm>> -> memref<1024xf32, #tpu.memory_space<hbm>>
    %dma_wait3A_129 = arith.constant 1024 : i32
    %dma_wait3A_130 = tpu.memref_slice %arg24[%dma_wait3A_129] : memref<8192xf32, #tpu.memory_space<vmem>> -> memref<1024xf32, #tpu.memory_space<vmem>>
    tpu.wait_dma2 semaphore(%arg32 : memref<!tpu.dma_semaphore, #tpu.memory_space<semaphore_mem>>) src(%dma_wait3A_130 : memref<1024xf32, #tpu.memory_space<vmem>>) dst(%dma_wait3A_128 : memref<1024xf32, #tpu.memory_space<hbm>>)
    %dma_wait3A_131 = arith.constant 2 : i32
    %dma_wait3A_132 = arith.constant 2048 : i32
    %dma_wait3A_133 = tpu.memref_slice %arg24[%dma_wait3A_132] : memref<8192xf32, #tpu.memory_space<vmem>> -> memref<1024xf32, #tpu.memory_space<vmem>>
    %dma_wait3A_134 = arith.constant 0 : i32
    %dma_wait3A_135 = tpu.memref_slice %arg6[%dma_wait3A_131, %add3A, %dma_wait3A_134] : memref<1600x32x1024xf32, #tpu.memory_space<hbm>> -> memref<1x1x1024xf32, #tpu.memory_space<hbm>>
    %dma_wait3A_136 = tpu.memref_squeeze %dma_wait3A_135 : memref<1x1x1024xf32, #tpu.memory_space<hbm>> -> memref<1024xf32, #tpu.memory_space<hbm>>
    %dma_wait3A_137 = arith.constant 0 : i32
    %dma_wait3A_138 = tpu.memref_slice %arg6[%dma_wait3A_131, %add3A, %dma_wait3A_137] : memref<1600x32x1024xf32, #tpu.memory_space<hbm>> -> memref<1x1x1024xf32, #tpu.memory_space<hbm>>
    %dma_wait3A_139 = tpu.memref_squeeze %dma_wait3A_138 : memref<1x1x1024xf32, #tpu.memory_space<hbm>> -> memref<1024xf32, #tpu.memory_space<hbm>>
    %dma_wait3A_140 = arith.constant 2048 : i32
    %dma_wait3A_141 = tpu.memref_slice %arg24[%dma_wait3A_140] : memref<8192xf32, #tpu.memory_space<vmem>> -> memref<1024xf32, #tpu.memory_space<vmem>>
    tpu.wait_dma2 semaphore(%arg32 : memref<!tpu.dma_semaphore, #tpu.memory_space<semaphore_mem>>) src(%dma_wait3A_141 : memref<1024xf32, #tpu.memory_space<vmem>>) dst(%dma_wait3A_139 : memref<1024xf32, #tpu.memory_space<hbm>>)
    %dma_wait3A_142 = arith.constant 3 : i32
    %dma_wait3A_143 = arith.constant 3072 : i32
    %dma_wait3A_144 = tpu.memref_slice %arg24[%dma_wait3A_143] : memref<8192xf32, #tpu.memory_space<vmem>> -> memref<1024xf32, #tpu.memory_space<vmem>>
    %dma_wait3A_145 = arith.constant 0 : i32
    %dma_wait3A_146 = tpu.memref_slice %arg6[%dma_wait3A_142, %add3A, %dma_wait3A_145] : memref<1600x32x1024xf32, #tpu.memory_space<hbm>> -> memref<1x1x1024xf32, #tpu.memory_space<hbm>>
    %dma_wait3A_147 = tpu.memref_squeeze %dma_wait3A_146 : memref<1x1x1024xf32, #tpu.memory_space<hbm>> -> memref<1024xf32, #tpu.memory_space<hbm>>
    %dma_wait3A_148 = arith.constant 0 : i32
    %dma_wait3A_149 = tpu.memref_slice %arg6[%dma_wait3A_142, %add3A, %dma_wait3A_148] : memref<1600x32x1024xf32, #tpu.memory_space<hbm>> -> memref<1x1x1024xf32, #tpu.memory_space<hbm>>
    %dma_wait3A_150 = tpu.memref_squeeze %dma_wait3A_149 : memref<1x1x1024xf32, #tpu.memory_space<hbm>> -> memref<1024xf32, #tpu.memory_space<hbm>>
    %dma_wait3A_151 = arith.constant 3072 : i32
    %dma_wait3A_152 = tpu.memref_slice %arg24[%dma_wait3A_151] : memref<8192xf32, #tpu.memory_space<vmem>> -> memref<1024xf32, #tpu.memory_space<vmem>>
    tpu.wait_dma2 semaphore(%arg32 : memref<!tpu.dma_semaphore, #tpu.memory_space<semaphore_mem>>) src(%dma_wait3A_152 : memref<1024xf32, #tpu.memory_space<vmem>>) dst(%dma_wait3A_150 : memref<1024xf32, #tpu.memory_space<hbm>>)
    %dma_wait3A_153 = arith.constant 4 : i32
    %dma_wait3A_154 = arith.constant 4096 : i32
    %dma_wait3A_155 = tpu.memref_slice %arg24[%dma_wait3A_154] : memref<8192xf32, #tpu.memory_space<vmem>> -> memref<1024xf32, #tpu.memory_space<vmem>>
    %dma_wait3A_156 = arith.constant 0 : i32
    %dma_wait3A_157 = tpu.memref_slice %arg6[%dma_wait3A_153, %add3A, %dma_wait3A_156] : memref<1600x32x1024xf32, #tpu.memory_space<hbm>> -> memref<1x1x1024xf32, #tpu.memory_space<hbm>>
    %dma_wait3A_158 = tpu.memref_squeeze %dma_wait3A_157 : memref<1x1x1024xf32, #tpu.memory_space<hbm>> -> memref<1024xf32, #tpu.memory_space<hbm>>
    %dma_wait3A_159 = arith.constant 0 : i32
    %dma_wait3A_160 = tpu.memref_slice %arg6[%dma_wait3A_153, %add3A, %dma_wait3A_159] : memref<1600x32x1024xf32, #tpu.memory_space<hbm>> -> memref<1x1x1024xf32, #tpu.memory_space<hbm>>
    %dma_wait3A_161 = tpu.memref_squeeze %dma_wait3A_160 : memref<1x1x1024xf32, #tpu.memory_space<hbm>> -> memref<1024xf32, #tpu.memory_space<hbm>>
    %dma_wait3A_162 = arith.constant 4096 : i32
    %dma_wait3A_163 = tpu.memref_slice %arg24[%dma_wait3A_162] : memref<8192xf32, #tpu.memory_space<vmem>> -> memref<1024xf32, #tpu.memory_space<vmem>>
    tpu.wait_dma2 semaphore(%arg32 : memref<!tpu.dma_semaphore, #tpu.memory_space<semaphore_mem>>) src(%dma_wait3A_163 : memref<1024xf32, #tpu.memory_space<vmem>>) dst(%dma_wait3A_161 : memref<1024xf32, #tpu.memory_space<hbm>>)
    %dma_wait3A_164 = arith.constant 5 : i32
    %dma_wait3A_165 = arith.constant 5120 : i32
    %dma_wait3A_166 = tpu.memref_slice %arg24[%dma_wait3A_165] : memref<8192xf32, #tpu.memory_space<vmem>> -> memref<1024xf32, #tpu.memory_space<vmem>>
    %dma_wait3A_167 = arith.constant 0 : i32
    %dma_wait3A_168 = tpu.memref_slice %arg6[%dma_wait3A_164, %add3A, %dma_wait3A_167] : memref<1600x32x1024xf32, #tpu.memory_space<hbm>> -> memref<1x1x1024xf32, #tpu.memory_space<hbm>>
    %dma_wait3A_169 = tpu.memref_squeeze %dma_wait3A_168 : memref<1x1x1024xf32, #tpu.memory_space<hbm>> -> memref<1024xf32, #tpu.memory_space<hbm>>
    %dma_wait3A_170 = arith.constant 0 : i32
    %dma_wait3A_171 = tpu.memref_slice %arg6[%dma_wait3A_164, %add3A, %dma_wait3A_170] : memref<1600x32x1024xf32, #tpu.memory_space<hbm>> -> memref<1x1x1024xf32, #tpu.memory_space<hbm>>
    %dma_wait3A_172 = tpu.memref_squeeze %dma_wait3A_171 : memref<1x1x1024xf32, #tpu.memory_space<hbm>> -> memref<1024xf32, #tpu.memory_space<hbm>>
    %dma_wait3A_173 = arith.constant 5120 : i32
    %dma_wait3A_174 = tpu.memref_slice %arg24[%dma_wait3A_173] : memref<8192xf32, #tpu.memory_space<vmem>> -> memref<1024xf32, #tpu.memory_space<vmem>>
    tpu.wait_dma2 semaphore(%arg32 : memref<!tpu.dma_semaphore, #tpu.memory_space<semaphore_mem>>) src(%dma_wait3A_174 : memref<1024xf32, #tpu.memory_space<vmem>>) dst(%dma_wait3A_172 : memref<1024xf32, #tpu.memory_space<hbm>>)
    %dma_wait3A_175 = arith.constant 6 : i32
    %dma_wait3A_176 = arith.constant 6144 : i32
    %dma_wait3A_177 = tpu.memref_slice %arg24[%dma_wait3A_176] : memref<8192xf32, #tpu.memory_space<vmem>> -> memref<1024xf32, #tpu.memory_space<vmem>>
    %dma_wait3A_178 = arith.constant 0 : i32
    %dma_wait3A_179 = tpu.memref_slice %arg6[%dma_wait3A_175, %add3A, %dma_wait3A_178] : memref<1600x32x1024xf32, #tpu.memory_space<hbm>> -> memref<1x1x1024xf32, #tpu.memory_space<hbm>>
    %dma_wait3A_180 = tpu.memref_squeeze %dma_wait3A_179 : memref<1x1x1024xf32, #tpu.memory_space<hbm>> -> memref<1024xf32, #tpu.memory_space<hbm>>
    %dma_wait3A_181 = arith.constant 0 : i32
    %dma_wait3A_182 = tpu.memref_slice %arg6[%dma_wait3A_175, %add3A, %dma_wait3A_181] : memref<1600x32x1024xf32, #tpu.memory_space<hbm>> -> memref<1x1x1024xf32, #tpu.memory_space<hbm>>
    %dma_wait3A_183 = tpu.memref_squeeze %dma_wait3A_182 : memref<1x1x1024xf32, #tpu.memory_space<hbm>> -> memref<1024xf32, #tpu.memory_space<hbm>>
    %dma_wait3A_184 = arith.constant 6144 : i32
    %dma_wait3A_185 = tpu.memref_slice %arg24[%dma_wait3A_184] : memref<8192xf32, #tpu.memory_space<vmem>> -> memref<1024xf32, #tpu.memory_space<vmem>>
    tpu.wait_dma2 semaphore(%arg32 : memref<!tpu.dma_semaphore, #tpu.memory_space<semaphore_mem>>) src(%dma_wait3A_185 : memref<1024xf32, #tpu.memory_space<vmem>>) dst(%dma_wait3A_183 : memref<1024xf32, #tpu.memory_space<hbm>>)
    %dma_wait3A_186 = arith.constant 7 : i32
    %dma_wait3A_187 = arith.constant 7168 : i32
    %dma_wait3A_188 = tpu.memref_slice %arg24[%dma_wait3A_187] : memref<8192xf32, #tpu.memory_space<vmem>> -> memref<1024xf32, #tpu.memory_space<vmem>>
    %dma_wait3A_189 = arith.constant 0 : i32
    %dma_wait3A_190 = tpu.memref_slice %arg6[%dma_wait3A_186, %add3A, %dma_wait3A_189] : memref<1600x32x1024xf32, #tpu.memory_space<hbm>> -> memref<1x1x1024xf32, #tpu.memory_space<hbm>>
    %dma_wait3A_191 = tpu.memref_squeeze %dma_wait3A_190 : memref<1x1x1024xf32, #tpu.memory_space<hbm>> -> memref<1024xf32, #tpu.memory_space<hbm>>
    %dma_wait3A_192 = arith.constant 0 : i32
    %dma_wait3A_193 = tpu.memref_slice %arg6[%dma_wait3A_186, %add3A, %dma_wait3A_192] : memref<1600x32x1024xf32, #tpu.memory_space<hbm>> -> memref<1x1x1024xf32, #tpu.memory_space<hbm>>
    %dma_wait3A_194 = tpu.memref_squeeze %dma_wait3A_193 : memref<1x1x1024xf32, #tpu.memory_space<hbm>> -> memref<1024xf32, #tpu.memory_space<hbm>>
    %dma_wait3A_195 = arith.constant 7168 : i32
    %dma_wait3A_196 = tpu.memref_slice %arg24[%dma_wait3A_195] : memref<8192xf32, #tpu.memory_space<vmem>> -> memref<1024xf32, #tpu.memory_space<vmem>>
    tpu.wait_dma2 semaphore(%arg32 : memref<!tpu.dma_semaphore, #tpu.memory_space<semaphore_mem>>) src(%dma_wait3A_196 : memref<1024xf32, #tpu.memory_space<vmem>>) dst(%dma_wait3A_194 : memref<1024xf32, #tpu.memory_space<hbm>>)
    %dma_wait3A_197 = arith.constant 0 : i32
    %dma_wait3A_198 = arith.constant 0 : i32
    %dma_wait3A_199 = tpu.memref_slice %arg25[%dma_wait3A_198] : memref<8192xf32, #tpu.memory_space<vmem>> -> memref<1024xf32, #tpu.memory_space<vmem>>
    %dma_wait3A_200 = arith.constant 0 : i32
    %dma_wait3A_201 = tpu.memref_slice %arg6[%dma_wait3A_197, %add3A, %dma_wait3A_200] : memref<1600x32x1024xf32, #tpu.memory_space<hbm>> -> memref<1x1x1024xf32, #tpu.memory_space<hbm>>
    %dma_wait3A_202 = tpu.memref_squeeze %dma_wait3A_201 : memref<1x1x1024xf32, #tpu.memory_space<hbm>> -> memref<1024xf32, #tpu.memory_space<hbm>>
    %dma_wait3A_203 = arith.constant 0 : i32
    %dma_wait3A_204 = tpu.memref_slice %arg6[%dma_wait3A_197, %add3A, %dma_wait3A_203] : memref<1600x32x1024xf32, #tpu.memory_space<hbm>> -> memref<1x1x1024xf32, #tpu.memory_space<hbm>>
    %dma_wait3A_205 = tpu.memref_squeeze %dma_wait3A_204 : memref<1x1x1024xf32, #tpu.memory_space<hbm>> -> memref<1024xf32, #tpu.memory_space<hbm>>
    %dma_wait3A_206 = arith.constant 0 : i32
    %dma_wait3A_207 = tpu.memref_slice %arg25[%dma_wait3A_206] : memref<8192xf32, #tpu.memory_space<vmem>> -> memref<1024xf32, #tpu.memory_space<vmem>>
    tpu.wait_dma2 semaphore(%arg33 : memref<!tpu.dma_semaphore, #tpu.memory_space<semaphore_mem>>) src(%dma_wait3A_207 : memref<1024xf32, #tpu.memory_space<vmem>>) dst(%dma_wait3A_205 : memref<1024xf32, #tpu.memory_space<hbm>>)
    %dma_wait3A_208 = arith.constant 1 : i32
    %dma_wait3A_209 = arith.constant 1024 : i32
    %dma_wait3A_210 = tpu.memref_slice %arg25[%dma_wait3A_209] : memref<8192xf32, #tpu.memory_space<vmem>> -> memref<1024xf32, #tpu.memory_space<vmem>>
    %dma_wait3A_211 = arith.constant 0 : i32
    %dma_wait3A_212 = tpu.memref_slice %arg6[%dma_wait3A_208, %add3A, %dma_wait3A_211] : memref<1600x32x1024xf32, #tpu.memory_space<hbm>> -> memref<1x1x1024xf32, #tpu.memory_space<hbm>>
    %dma_wait3A_213 = tpu.memref_squeeze %dma_wait3A_212 : memref<1x1x1024xf32, #tpu.memory_space<hbm>> -> memref<1024xf32, #tpu.memory_space<hbm>>
    %dma_wait3A_214 = arith.constant 0 : i32
    %dma_wait3A_215 = tpu.memref_slice %arg6[%dma_wait3A_208, %add3A, %dma_wait3A_214] : memref<1600x32x1024xf32, #tpu.memory_space<hbm>> -> memref<1x1x1024xf32, #tpu.memory_space<hbm>>
    %dma_wait3A_216 = tpu.memref_squeeze %dma_wait3A_215 : memref<1x1x1024xf32, #tpu.memory_space<hbm>> -> memref<1024xf32, #tpu.memory_space<hbm>>
    %dma_wait3A_217 = arith.constant 1024 : i32
    %dma_wait3A_218 = tpu.memref_slice %arg25[%dma_wait3A_217] : memref<8192xf32, #tpu.memory_space<vmem>> -> memref<1024xf32, #tpu.memory_space<vmem>>
    tpu.wait_dma2 semaphore(%arg33 : memref<!tpu.dma_semaphore, #tpu.memory_space<semaphore_mem>>) src(%dma_wait3A_218 : memref<1024xf32, #tpu.memory_space<vmem>>) dst(%dma_wait3A_216 : memref<1024xf32, #tpu.memory_space<hbm>>)
    %dma_wait3A_219 = arith.constant 2 : i32
    %dma_wait3A_220 = arith.constant 2048 : i32
    %dma_wait3A_221 = tpu.memref_slice %arg25[%dma_wait3A_220] : memref<8192xf32, #tpu.memory_space<vmem>> -> memref<1024xf32, #tpu.memory_space<vmem>>
    %dma_wait3A_222 = arith.constant 0 : i32
    %dma_wait3A_223 = tpu.memref_slice %arg6[%dma_wait3A_219, %add3A, %dma_wait3A_222] : memref<1600x32x1024xf32, #tpu.memory_space<hbm>> -> memref<1x1x1024xf32, #tpu.memory_space<hbm>>
    %dma_wait3A_224 = tpu.memref_squeeze %dma_wait3A_223 : memref<1x1x1024xf32, #tpu.memory_space<hbm>> -> memref<1024xf32, #tpu.memory_space<hbm>>
    %dma_wait3A_225 = arith.constant 0 : i32
    %dma_wait3A_226 = tpu.memref_slice %arg6[%dma_wait3A_219, %add3A, %dma_wait3A_225] : memref<1600x32x1024xf32, #tpu.memory_space<hbm>> -> memref<1x1x1024xf32, #tpu.memory_space<hbm>>
    %dma_wait3A_227 = tpu.memref_squeeze %dma_wait3A_226 : memref<1x1x1024xf32, #tpu.memory_space<hbm>> -> memref<1024xf32, #tpu.memory_space<hbm>>
    %dma_wait3A_228 = arith.constant 2048 : i32
    %dma_wait3A_229 = tpu.memref_slice %arg25[%dma_wait3A_228] : memref<8192xf32, #tpu.memory_space<vmem>> -> memref<1024xf32, #tpu.memory_space<vmem>>
    tpu.wait_dma2 semaphore(%arg33 : memref<!tpu.dma_semaphore, #tpu.memory_space<semaphore_mem>>) src(%dma_wait3A_229 : memref<1024xf32, #tpu.memory_space<vmem>>) dst(%dma_wait3A_227 : memref<1024xf32, #tpu.memory_space<hbm>>)
    %dma_wait3A_230 = arith.constant 3 : i32
    %dma_wait3A_231 = arith.constant 3072 : i32
    %dma_wait3A_232 = tpu.memref_slice %arg25[%dma_wait3A_231] : memref<8192xf32, #tpu.memory_space<vmem>> -> memref<1024xf32, #tpu.memory_space<vmem>>
    %dma_wait3A_233 = arith.constant 0 : i32
    %dma_wait3A_234 = tpu.memref_slice %arg6[%dma_wait3A_230, %add3A, %dma_wait3A_233] : memref<1600x32x1024xf32, #tpu.memory_space<hbm>> -> memref<1x1x1024xf32, #tpu.memory_space<hbm>>
    %dma_wait3A_235 = tpu.memref_squeeze %dma_wait3A_234 : memref<1x1x1024xf32, #tpu.memory_space<hbm>> -> memref<1024xf32, #tpu.memory_space<hbm>>
    %dma_wait3A_236 = arith.constant 0 : i32
    %dma_wait3A_237 = tpu.memref_slice %arg6[%dma_wait3A_230, %add3A, %dma_wait3A_236] : memref<1600x32x1024xf32, #tpu.memory_space<hbm>> -> memref<1x1x1024xf32, #tpu.memory_space<hbm>>
    %dma_wait3A_238 = tpu.memref_squeeze %dma_wait3A_237 : memref<1x1x1024xf32, #tpu.memory_space<hbm>> -> memref<1024xf32, #tpu.memory_space<hbm>>
    %dma_wait3A_239 = arith.constant 3072 : i32
    %dma_wait3A_240 = tpu.memref_slice %arg25[%dma_wait3A_239] : memref<8192xf32, #tpu.memory_space<vmem>> -> memref<1024xf32, #tpu.memory_space<vmem>>
    tpu.wait_dma2 semaphore(%arg33 : memref<!tpu.dma_semaphore, #tpu.memory_space<semaphore_mem>>) src(%dma_wait3A_240 : memref<1024xf32, #tpu.memory_space<vmem>>) dst(%dma_wait3A_238 : memref<1024xf32, #tpu.memory_space<hbm>>)
    %dma_wait3A_241 = arith.constant 4 : i32
    %dma_wait3A_242 = arith.constant 4096 : i32
    %dma_wait3A_243 = tpu.memref_slice %arg25[%dma_wait3A_242] : memref<8192xf32, #tpu.memory_space<vmem>> -> memref<1024xf32, #tpu.memory_space<vmem>>
    %dma_wait3A_244 = arith.constant 0 : i32
    %dma_wait3A_245 = tpu.memref_slice %arg6[%dma_wait3A_241, %add3A, %dma_wait3A_244] : memref<1600x32x1024xf32, #tpu.memory_space<hbm>> -> memref<1x1x1024xf32, #tpu.memory_space<hbm>>
    %dma_wait3A_246 = tpu.memref_squeeze %dma_wait3A_245 : memref<1x1x1024xf32, #tpu.memory_space<hbm>> -> memref<1024xf32, #tpu.memory_space<hbm>>
    %dma_wait3A_247 = arith.constant 0 : i32
    %dma_wait3A_248 = tpu.memref_slice %arg6[%dma_wait3A_241, %add3A, %dma_wait3A_247] : memref<1600x32x1024xf32, #tpu.memory_space<hbm>> -> memref<1x1x1024xf32, #tpu.memory_space<hbm>>
    %dma_wait3A_249 = tpu.memref_squeeze %dma_wait3A_248 : memref<1x1x1024xf32, #tpu.memory_space<hbm>> -> memref<1024xf32, #tpu.memory_space<hbm>>
    %dma_wait3A_250 = arith.constant 4096 : i32
    %dma_wait3A_251 = tpu.memref_slice %arg25[%dma_wait3A_250] : memref<8192xf32, #tpu.memory_space<vmem>> -> memref<1024xf32, #tpu.memory_space<vmem>>
    tpu.wait_dma2 semaphore(%arg33 : memref<!tpu.dma_semaphore, #tpu.memory_space<semaphore_mem>>) src(%dma_wait3A_251 : memref<1024xf32, #tpu.memory_space<vmem>>) dst(%dma_wait3A_249 : memref<1024xf32, #tpu.memory_space<hbm>>)
    %dma_wait3A_252 = arith.constant 5 : i32
    %dma_wait3A_253 = arith.constant 5120 : i32
    %dma_wait3A_254 = tpu.memref_slice %arg25[%dma_wait3A_253] : memref<8192xf32, #tpu.memory_space<vmem>> -> memref<1024xf32, #tpu.memory_space<vmem>>
    %dma_wait3A_255 = arith.constant 0 : i32
    %dma_wait3A_256 = tpu.memref_slice %arg6[%dma_wait3A_252, %add3A, %dma_wait3A_255] : memref<1600x32x1024xf32, #tpu.memory_space<hbm>> -> memref<1x1x1024xf32, #tpu.memory_space<hbm>>
    %dma_wait3A_257 = tpu.memref_squeeze %dma_wait3A_256 : memref<1x1x1024xf32, #tpu.memory_space<hbm>> -> memref<1024xf32, #tpu.memory_space<hbm>>
    %dma_wait3A_258 = arith.constant 0 : i32
    %dma_wait3A_259 = tpu.memref_slice %arg6[%dma_wait3A_252, %add3A, %dma_wait3A_258] : memref<1600x32x1024xf32, #tpu.memory_space<hbm>> -> memref<1x1x1024xf32, #tpu.memory_space<hbm>>
    %dma_wait3A_260 = tpu.memref_squeeze %dma_wait3A_259 : memref<1x1x1024xf32, #tpu.memory_space<hbm>> -> memref<1024xf32, #tpu.memory_space<hbm>>
    %dma_wait3A_261 = arith.constant 5120 : i32
    %dma_wait3A_262 = tpu.memref_slice %arg25[%dma_wait3A_261] : memref<8192xf32, #tpu.memory_space<vmem>> -> memref<1024xf32, #tpu.memory_space<vmem>>
    tpu.wait_dma2 semaphore(%arg33 : memref<!tpu.dma_semaphore, #tpu.memory_space<semaphore_mem>>) src(%dma_wait3A_262 : memref<1024xf32, #tpu.memory_space<vmem>>) dst(%dma_wait3A_260 : memref<1024xf32, #tpu.memory_space<hbm>>)
    %dma_wait3A_263 = arith.constant 6 : i32
    %dma_wait3A_264 = arith.constant 6144 : i32
    %dma_wait3A_265 = tpu.memref_slice %arg25[%dma_wait3A_264] : memref<8192xf32, #tpu.memory_space<vmem>> -> memref<1024xf32, #tpu.memory_space<vmem>>
    %dma_wait3A_266 = arith.constant 0 : i32
    %dma_wait3A_267 = tpu.memref_slice %arg6[%dma_wait3A_263, %add3A, %dma_wait3A_266] : memref<1600x32x1024xf32, #tpu.memory_space<hbm>> -> memref<1x1x1024xf32, #tpu.memory_space<hbm>>
    %dma_wait3A_268 = tpu.memref_squeeze %dma_wait3A_267 : memref<1x1x1024xf32, #tpu.memory_space<hbm>> -> memref<1024xf32, #tpu.memory_space<hbm>>
    %dma_wait3A_269 = arith.constant 0 : i32
    %dma_wait3A_270 = tpu.memref_slice %arg6[%dma_wait3A_263, %add3A, %dma_wait3A_269] : memref<1600x32x1024xf32, #tpu.memory_space<hbm>> -> memref<1x1x1024xf32, #tpu.memory_space<hbm>>
    %dma_wait3A_271 = tpu.memref_squeeze %dma_wait3A_270 : memref<1x1x1024xf32, #tpu.memory_space<hbm>> -> memref<1024xf32, #tpu.memory_space<hbm>>
    %dma_wait3A_272 = arith.constant 6144 : i32
    %dma_wait3A_273 = tpu.memref_slice %arg25[%dma_wait3A_272] : memref<8192xf32, #tpu.memory_space<vmem>> -> memref<1024xf32, #tpu.memory_space<vmem>>
    tpu.wait_dma2 semaphore(%arg33 : memref<!tpu.dma_semaphore, #tpu.memory_space<semaphore_mem>>) src(%dma_wait3A_273 : memref<1024xf32, #tpu.memory_space<vmem>>) dst(%dma_wait3A_271 : memref<1024xf32, #tpu.memory_space<hbm>>)
    %dma_wait3A_274 = arith.constant 7 : i32
    %dma_wait3A_275 = arith.constant 7168 : i32
    %dma_wait3A_276 = tpu.memref_slice %arg25[%dma_wait3A_275] : memref<8192xf32, #tpu.memory_space<vmem>> -> memref<1024xf32, #tpu.memory_space<vmem>>
    %dma_wait3A_277 = arith.constant 0 : i32
    %dma_wait3A_278 = tpu.memref_slice %arg6[%dma_wait3A_274, %add3A, %dma_wait3A_277] : memref<1600x32x1024xf32, #tpu.memory_space<hbm>> -> memref<1x1x1024xf32, #tpu.memory_space<hbm>>
    %dma_wait3A_279 = tpu.memref_squeeze %dma_wait3A_278 : memref<1x1x1024xf32, #tpu.memory_space<hbm>> -> memref<1024xf32, #tpu.memory_space<hbm>>
    %dma_wait3A_280 = arith.constant 0 : i32
    %dma_wait3A_281 = tpu.memref_slice %arg6[%dma_wait3A_274, %add3A, %dma_wait3A_280] : memref<1600x32x1024xf32, #tpu.memory_space<hbm>> -> memref<1x1x1024xf32, #tpu.memory_space<hbm>>
    %dma_wait3A_282 = tpu.memref_squeeze %dma_wait3A_281 : memref<1x1x1024xf32, #tpu.memory_space<hbm>> -> memref<1024xf32, #tpu.memory_space<hbm>>
    %dma_wait3A_283 = arith.constant 7168 : i32
    %dma_wait3A_284 = tpu.memref_slice %arg25[%dma_wait3A_283] : memref<8192xf32, #tpu.memory_space<vmem>> -> memref<1024xf32, #tpu.memory_space<vmem>>
    tpu.wait_dma2 semaphore(%arg33 : memref<!tpu.dma_semaphore, #tpu.memory_space<semaphore_mem>>) src(%dma_wait3A_284 : memref<1024xf32, #tpu.memory_space<vmem>>) dst(%dma_wait3A_282 : memref<1024xf32, #tpu.memory_space<hbm>>)
    return
  }
}

module attributes {stable_mosaic.version = 14 : i64} {
  func.func @_tables_body(%arg0: memref<1000x64xf32, #tpu.memory_space<vmem>>, %arg1: memref<1000x64xf32, #tpu.memory_space<vmem>>, %arg2: memref<128x64xf32, #tpu.memory_space<vmem>>, %arg3: memref<1x64xf32, #tpu.memory_space<vmem>>, %arg4: memref<1000x64xf32, #tpu.memory_space<vmem>>, %arg5: memref<1000x64xf32, #tpu.memory_space<vmem>>) attributes {dimension_semantics = [], scalar_prefetch = 0 : i64, scratch_operands = 0 : i64, tpu.core_type = #tpu.core_type<tc>} {
    %get3A = arith.constant 0 : index
    %get3A_0 = arith.constant 0 : index
    %get3A_1 = vector.load %arg2[%get3A, %get3A_0] : memref<128x64xf32, #tpu.memory_space<vmem>>, vector<128x64xf32>
    %get3A_2 = arith.constant 0 : index
    %get3A_3 = arith.constant 0 : index
    %get3A_4 = vector.load %arg0[%get3A_2, %get3A_3] : memref<1000x64xf32, #tpu.memory_space<vmem>>, vector<1000x64xf32>
    %slice3A = vector.extract_strided_slice %get3A_1 {offsets = [0, 0], sizes = [64, 64], strides = [1, 1]} : vector<128x64xf32> to vector<64x64xf32>
    %dot_general3A = arith.constant dense<0.000000e+00> : vector<1000x64xf32>
    %dot_general3A_5 = tpu.matmul %get3A_4, %slice3A, %dot_general3A {dimension_numbers = #tpu.dot_dimension_numbers<[1], [0], [0], [1], [0, 0, 1, 1], [], []>, transpose_lhs_hint = false} : vector<1000x64xf32>, vector<64x64xf32>, vector<1000x64xf32> -> vector<1000x64xf32>
    %swap3A = arith.constant 0 : index
    %swap3A_6 = arith.constant 0 : index
    %swap3A_7 = vector.load %arg4[%swap3A, %swap3A_6] : memref<1000x64xf32, #tpu.memory_space<vmem>>, vector<1000x64xf32>
    tpu.vector_store %arg4[%swap3A, %swap3A_6], %dot_general3A_5 {strides = array<i32>} : memref<1000x64xf32, #tpu.memory_space<vmem>>, vector<1000x64xf32>,
    %get3A_8 = arith.constant 0 : index
    %get3A_9 = arith.constant 0 : index
    %get3A_10 = vector.load %arg1[%get3A_8, %get3A_9] : memref<1000x64xf32, #tpu.memory_space<vmem>>, vector<1000x64xf32>
    %slice3A_11 = vector.extract_strided_slice %get3A_1 {offsets = [64, 0], sizes = [64, 64], strides = [1, 1]} : vector<128x64xf32> to vector<64x64xf32>
    %dot_general3A_12 = arith.constant dense<0.000000e+00> : vector<1000x64xf32>
    %dot_general3A_13 = tpu.matmul %get3A_10, %slice3A_11, %dot_general3A_12 {dimension_numbers = #tpu.dot_dimension_numbers<[1], [0], [0], [1], [0, 0, 1, 1], [], []>, transpose_lhs_hint = false} : vector<1000x64xf32>, vector<64x64xf32>, vector<1000x64xf32> -> vector<1000x64xf32>
    %get3A_14 = arith.constant 0 : index
    %get3A_15 = arith.constant 0 : index
    %get3A_16 = vector.load %arg3[%get3A_14, %get3A_15] : memref<1x64xf32, #tpu.memory_space<vmem>>, vector<1x64xf32>
    %add3A = vector.broadcast %get3A_16 : vector<1x64xf32> to vector<1000x64xf32>
    %add3A_17 = arith.addf %dot_general3A_13, %add3A : vector<1000x64xf32>
    %swap3A_18 = arith.constant 0 : index
    %swap3A_19 = arith.constant 0 : index
    %swap3A_20 = vector.load %arg5[%swap3A_18, %swap3A_19] : memref<1000x64xf32, #tpu.memory_space<vmem>>, vector<1000x64xf32>
    tpu.vector_store %arg5[%swap3A_18, %swap3A_19], %add3A_17 {strides = array<i32>} : memref<1000x64xf32, #tpu.memory_space<vmem>>, vector<1000x64xf32>,
    return
  }
}

</mosaic_0001>

<sc_bundles>
// kernel: kernel.4.cloned.1.call-start
scs
__scs_entry_jumppad:
0x0: {  	(pc) =	sbr.rel $0x88, $3  }
0x1: {  	(tag) =	ssettag $0x0;
	lr =	simm.s32 $0x1  }
0x2: {  	[smem:$0x3F9B] =	sst lr;
	_ =	strace $0xD0000000  }
0x3: {  	_ = 	snop  }
0x4: {  	_ = 	snop  }
0x5: {  	_ = 	snop  }
0x6: {  	_ = 	snop  }
0x7: {  	_ = 	snop  }
__scs_overlays_trampoline_lowered:
0x8: {  	[smem:$0x3FAA] =	sst s0  }
0x9: {  	[smem:$0x3FAB] =	sst s1  }
0xa: {  	[smem:$0x3FAC] =	sst s2  }
0xb: {  	[smem:$0x3FAD] =	sst s3  }
0xc: {  	[smem:$0x3FAE] =	sst s4  }
0xd: {  	[smem:$0x3FAF] =	sst s5  }
0xe: {  	[smem:$0x3FB0] =	sst s6  }
0xf: {  	[smem:$0x3FB1] =	sst s7  }
0x10: {  	[smem:$0x3FB2] =	sst s8  }
0x11: {  	[smem:$0x3FB3] =	sst s9;
	s0 =	simm.s32 @!p0 $0x0  }
0x12: {  	s1 =	sld [smem:$0x3F99];
	s0 =	simm.s32 @p0 $0x1  }
0x13: {  	[smem:$0x3FB4] =	sst s0;
	s0 =	simm.s32 @!p1 $0x0  }
0x14: {  	s2 =	sld [smem:$0x3F98];
	s0 =	simm.s32 @p1 $0x1  }
0x15: {  	[smem:$0x3FB5] =	sst s0;
	s0 =	simm.s32 @!p2 $0x0  }
0x16: {  	s3 =	sld [smem:$0x3FDB];
	s0 =	simm.s32 @p2 $0x1  }
0x17: {  	s4 =	simm.s32 $0x1BF5;
	[smem:$0x3FB7] =	sst s0  }
0x18: {  	s0 =	sld [smem:$0x3F9A];
	_ =	swait.ge [sflag:s4], $0x0  }
0x19: {  	s7 =	sld [smem:$0x3F9B]  }
0x1a: {  	s8 =	sadd.s32 $0xFFFFE003, lr  }
0x1b: {  	s9 =	sadd.s32 $0xFFFFFEF7, lr;
	s5 =	simm.s32 $0xFFFFFFFF;
	p2 =	slt.u32 s8, $0xFFFFF086  }
0x1c: {  	p1 =	slt.u32 s9, $0xF7A;
	s5 =	simm.s32 @!p2 $0x0  }
0x1d: {  	s5 =	simm.s32 @p1 $0x1;
	p0 =	seq.s32 s7, s2  }
0x1e: {  	s7 =	smul.u32 @!p0 $0xF7A, s2;
	p2 =	seq.s32 @!p0 s5, $0x0  }
0x1f: {  	s9 =	smul.u32 $0xF7A, s1;
	s8 =	simm.s32 @!p0 $0x1BF5;
	p2 =	por !p2, p0  }
0x20: {  	[sflag:s8] =	ssyncset.s32 @!p0 $0xFFFFF086;
	s6 =	sadd.s32 @!p0 s3, s7;
	s7 =	simm.s32 @!p0 $0x108  }
0x21: {  	s3 =	sadd.s32 s3, s9;
	s6 =	sadd.s32 @!p0 $0x88, s6;
	s7 =	simm.s32 @p2 $0x1082  }
0x22: {  	[simem:s7], [sflag:s8] =	dma.local @!p0 [hbm:s6], $0xF7A  }
0x23: {  	s9 =	sor.u32 $0xD0000000, s2;
	s6 =	simm.s32 $0x108;
	_ =	swait.ge @!p0 [sflag:s8], $0x0  }
0x24: {  	s3 =	sadd.s32 $0x88, s3;
	s6 =	simm.s32 @!p1 $0x1082;
	[sflag:s4] =	ssyncset.s32 $0xFFFFF086  }
0x25: {  	[simem:s6], [sflag:s4] =	dma.local [hbm:s3], $0xF7A  }
0x26: {  	[smem:$0x3F9B] =	sst s1;
	(tag) =	ssettag s2;
	_ =	strace s9  }
0x27: {  	s1 =	sld [smem:$0x3FAB]  }
0x28: {  	s2 =	sld [smem:$0x3FAC]  }
0x29: {  	s4 =	sld [smem:$0x3FAE]  }
0x2a: {  	p0 =	seq.s32 s5, $0x0;
	s5 =	sld [smem:$0x3FAF]  }
0x2b: {  	s6 =	sld [smem:$0x3FB0]  }
0x2c: {  	s7 =	sld [smem:$0x3FB1]  }
0x2d: {  	s3 =	simm.s32 $0x108;
	s8 =	sld [smem:$0x3FB2]  }
0x2e: {  	s3 =	simm.s32 @!p0 $0x1082;
	s9 =	sld [smem:$0x3FB3]  }
0x2f: {  	lr =	sadd.s32 s0, s3;
	s0 =	sld [smem:$0x3FAA]  }
0x30: {  	s3 =	sld [smem:$0x3FAD]  }
0x31: {  	[smem:$0x3FB6] =	sst s10  }
0x32: {  	s10 =	sld [smem:$0x3FB4];
	_ =	sdelay $0x3  }
0x33: {  	p0 =	seq.s32 s10, $0x1;
	s10 =	sld [smem:$0x3FB6];
	_ =	sdelay $0x3  }
0x34: {  	[smem:$0x3FB6] =	sst s10  }
0x35: {  	s10 =	sld [smem:$0x3FB5];
	_ =	sdelay $0x3  }
0x36: {  	p1 =	seq.s32 s10, $0x1;
	s10 =	sld [smem:$0x3FB6];
	_ =	sdelay $0x3  }
0x37: {  	[smem:$0x3FB6] =	sst s10  }
0x38: {  	s10 =	sld [smem:$0x3FB7]  }
0x39: {  	_ = 	snop;
	(pc) =	sbr.ind lr, $3  }
0x3a: {  	_ = 	snop  }
0x3b: {  	_ = 	snop  }
0x3c: {  	p2 =	seq.s32 s10, $0x1;
	s10 =	sld [smem:$0x3FB6]  }
0x3d: {  	_ =	shalt  }
0x3e: {  	_ =	shalt  }
0x3f: {  	_ =	shalt  }
0x40: {  	_ =	shalt  }
0x41: {  	_ =	shalt  }
0x42: {  	_ =	shalt  }
0x43: {  	_ =	shalt  }
0x44: {  	_ =	shalt  }
0x45: {  	_ =	shalt  }
0x46: {  	_ =	shalt  }
0x47: {  	_ =	shalt  }
0x48: {  	_ =	shalt  }
0x49: {  	_ =	shalt  }
0x4a: {  	_ =	shalt  }
0x4b: {  	_ =	shalt  }
0x4c: {  	_ =	shalt  }
0x4d: {  	_ =	shalt  }
0x4e: {  	_ =	shalt  }
0x4f: {  	_ =	shalt  }
0x50: {  	_ =	shalt  }
0x51: {  	_ =	shalt  }
0x52: {  	_ =	shalt  }
0x53: {  	_ =	shalt  }
0x54: {  	_ =	shalt  }
0x55: {  	_ =	shalt  }
0x56: {  	_ =	shalt  }
0x57: {  	_ =	shalt  }
0x58: {  	_ =	shalt  }
0x59: {  	_ =	shalt  }
0x5a: {  	_ =	shalt  }
0x5b: {  	_ =	shalt  }
0x5c: {  	_ =	shalt  }
0x5d: {  	_ =	shalt  }
0x5e: {  	_ =	shalt  }
0x5f: {  	_ =	shalt  }
0x60: {  	_ =	shalt  }
0x61: {  	_ =	shalt  }
0x62: {  	_ =	shalt  }
0x63: {  	_ =	shalt  }
0x64: {  	_ =	shalt  }
0x65: {  	_ =	shalt  }
0x66: {  	_ =	shalt  }
0x67: {  	_ =	shalt  }
0x68: {  	_ =	shalt  }
0x69: {  	_ =	shalt  }
0x6a: {  	_ =	shalt  }
0x6b: {  	_ =	shalt  }
0x6c: {  	_ =	shalt  }
0x6d: {  	_ =	shalt  }
0x6e: {  	_ =	shalt  }
0x6f: {  	_ =	shalt  }
0x70: {  	_ =	shalt  }
0x71: {  	_ =	shalt  }
0x72: {  	_ =	shalt  }
0x73: {  	_ =	shalt  }
0x74: {  	_ =	shalt  }
0x75: {  	_ =	shalt  }
0x76: {  	_ =	shalt  }
0x77: {  	_ =	shalt  }
0x78: {  	_ =	shalt  }
0x79: {  	_ =	shalt  }
0x7a: {  	_ =	shalt  }
0x7b: {  	_ =	shalt  }
0x7c: {  	_ =	shalt  }
0x7d: {  	_ =	shalt  }
0x7e: {  	_ =	shalt  }
0x7f: {  	_ =	shalt  }
0x80: {  	_ =	shalt  }
0x81: {  	_ =	shalt  }
0x82: {  	_ =	shalt  }
0x83: {  	_ =	shalt  }
0x84: {  	_ =	shalt  }
0x85: {  	_ =	shalt  }
0x86: {  	_ =	shalt  }
0x87: {  	_ =	shalt  }
.Lfunc_end0:
.L_simem_size_0:
called_computation_lowered:
.L_overlay_start_0:
0x88: {  	s2 =	sld [smem:$0x3FD9]  }
0x89: {  	s3 =	sld [smem:$0x3FFE];
	_ =	sdelay $0x1  }
0x8a: {  	s1 =	srdreg.scid  }
0x8b: {  	s0 =	sand.u32 $0x1, s1  }
0x8c: {  	s17 =	sshll.u32 s0, $0xA;
	s2 =	sadd.s32 s3, s2  }
0x8d: {  	s2 =	sadd.s32 s2, s17  }
0x8e: {  	[smem:$0x3FC2] =	sst s2  }
0x8f: {  	_ = 	snop  }
0x90: {  	s2 =	sld [smem:$0x3FD0];
	(tm) =	ssettm $0x1  }
0x91: {  	s18 =	sld [smem:$0x3FFB];
	_ =	sdelay $0x3  }
0x92: {  	_ =	strace s18  }
0x93: {  	s3 =	sld [smem:$0x3FFC];
	_ =	sdelay $0x3  }
0x94: {  	_ =	strace s3  }
0x95: {  	s3 =	sld [smem:$0x3FFD];
	_ =	sdelay $0x3  }
0x96: {  	_ =	strace s3  }
0x97: {  	_ =	strace $0x8FFFFFFF  }
0x98: {  	s19 =	sld [smem:$0x3FDB];
	_ =	sdelay $0x1  }
0x99: {  	s4 =	simm.s32 $_scs_section_size  }
0x9a: {  	s5 =	simm.s32 $_size__tile_overlayer_lowered;
	s6 =	simm.s32 $_tile_overlayer_lowered  }
0x9b: {  	s22 =	simm.s32 $0x1BFF;
	s21 =	sshll.u32 s6, $0x1;
	s3 =	sadd.s32 s4, s19  }
0x9c: {  	s7 =	simm.s32 $0x0;
	s20 =	sshll.u32 s5, $0x1;
	s5 =	sadd.s32 s21, s3  }
0x9d: {  	[timem:s7], [sflag:s22] =	dma.local [hbm:s5], s20  }
0x9e: {  	_ =	swait.ge [sflag:s22], s20  }
0x9f: {  	s4 =	ssub.s32 $0x0, s20;
	[sflag:s22] =	ssyncset.done $0x0  }
0xa0: {  	[sflag:s22] =	ssyncadd.s32 s4;
	_ =	sdelay $0x1  }
0xa1: {  	s23 =	simm.s32 $0x1B8B  }
0xa2: {  	_ =	swait.ge [sflag:s23], $0x1  }
0xa3: {  	[sflag:s23] =	ssyncset.done $0x0  }
0xa4: {  	s25 =	simm.s32 $0x1B8E;
	s24 =	sld [smem:$0x3FFE];
	[sflag:s23] =	ssyncadd.s32 $0xFFFFFFFF  }
0xa5: {  	s26 =	simm.s32 $execute0_lowered;
	[smem:$0x3FD2] =	sst s25  }
0xa6: {  	s5 =	sshll.u32 s26, $0x1;
	_ =	strace $0x80000046;
	[dreg:$0x1] =	wrdreg $0xFFFFFFFF  }
0xa7: {  	s28 =	simm.s32 $_size_execute0_lowered;
	s3 =	sadd.s32 s3, s5;
	[dreg:$0x0] =	wrdreg $0x0  }
0xa8: {  	s5 =	sshll.u32 s28, $0x1;
	[dreg:$0x2] =	wrdreg s3  }
0xa9: {  	[dreg:$0x3] =	wrdreg s5  }
0xaa: {  	[dreg:$0x4] =	wrdreg $0xC0  }
0xab: {  	_ =	task [dreg:s7], $0x5FFFF  }
0xac: {  	[dreg:$0x1] =	wrdreg $0xFFFFFFFF  }
0xad: {  	[dreg:$0x0] =	wrdreg $0x60  }
0xae: {  	[dreg:$0x2] =	wrdreg s24  }
0xaf: {  	[dreg:$0x3] =	wrdreg s2  }
0xb0: {  	[dreg:$0x4] =	wrdreg $0x164400  }
0xb1: {  	[dreg:$0x5] =	wrdreg $0x173E00  }
0xb2: {  	[dreg:$0x6] =	wrdreg $0x9  }
0xb3: {  	_ =	task.clear_ibuf [dreg:s7], $0x7FFFF;
	_ =	strace $0x90000046  }
0xb4: {  	s29 =	simm.s32 $0x9;
	_ =	strace $0x80000048  }
0xb5: {  	_ =	swait.ge [sflag:s29], $0x1  }
0xb6: {  	[sflag:s29] =	ssyncadd.s32 $0xFFFFFFFF  }
0xb7: {  	_ =	strace $0x90000048  }
0xb8: {  	_ =	sfence  }
0xb9: {  	s30 =	sld [smem:$0x0];
	_ =	sdelay $0x2  }
0xba: {  	s31 =	sshll.u32 s1, $0xD;
	s1 =	sshrl.u32 s1, $0x2  }
0xbb: {  	s3 =	sand.u32 $0x4000, s31;
	s1 =	sadd.s32 s1, s30  }
0xbc: {  	s0 =	sor.u32 s3, s0;
	s1 =	sshll.u32 s1, $0x11  }
0xbd: {  	s0 =	sor.u32 s1, s0  }
0xbe: {  	s0 =	sadd.s32 $0x8F2B, s0  }
0xbf: {  	[sflag:s0] =	ssyncadd.remote.s32 $0x1  }
0xc0: {  	_ =	sfence.sel $0xFFFF  }
0xc1: {  	[dreg:$0x0] =	wrdreg $0xFFFFFFFF;
	(pc) =	sbr.abs _section_cstart, $3  }
0xc2: {  	[dreg:$0x1] =	wrdreg $0xFFFFFFFF  }
0xc3: {  	_ =	task.clear_ibuf [dreg:s7], $0x2FFFF;
	_ =	strace $0x9FFFFFFF  }
0xc4: {  	(tm) =	ssettm $0x7FFFFFFF  }
0xc5: {  	_ =	shalt  }
tec
execute0_lowered:
.L_overlay_start_1:
0x0: {  	(tag) =	ssettag $0x1  }
0x1: {  	s0 =	rddreg [dreg:$0x0]  }
0x2: {  	s12 =	rddreg [dreg:$0x1]  }
0x3: {  	s2 =	rddreg [dreg:$0x2]  }
0x4: {  	s3 =	rddreg [dreg:$0x3];
	s4 =	simm.s32 $0x0  }
0x5: {  	s1 =	srdreg.scid;
	[smem:$0x7FF] =	sst s4;
	s5 =	sadd.s32 $0xA00, s0  }
0x6: {  	s6 =	sadd.s32 $0x2A00, s0;
	_ =	strace $0x80000047;
	[dreg:$0x5] =	wrdreg s5  }
0x7: {  	s1 =	sand.u32 $0x1, s1;
	s18 =	sadd.s32 $0x1000, s12;
	[dreg:$0x6] =	wrdreg s6  }
0x8: {  	s7 =	sadd.s32 $0x4A00, s0;
	s19 =	sadd.s32 $0x2000, s12;
	[dreg:$0x14] =	wrdreg s18  }
0x9: {  	s5 =	stileid.u32;
	s20 =	ssub.s32 $0x2, s1;
	[dreg:$0x15] =	wrdreg s19  }
0xa: {  	s18 =	sadd.s32 $0x16000, s12;
	s19 =	sadd.s32 $0x17000, s12;
	s8 =	sshll.u32 s5, $0x1  }
0xb: {  	s9 =	sshrl.u32 s20, $0x1;
	p0 =	sne.s32 s5, $0x0;
	[smem:$0x7F4] =	sst s18  }
0xc: {  	s5 =	sadd.s32 $0xC000, s12;
	[smem:$0x7F5] =	sst s19;
	s1 =	sor.u32 s1, s8  }
0xd: {  	s21 =	ssub.s32 s20, s9;
	s20 =	sadd.s32 $0x3000, s12;
	[smem:$0x7EA] =	sst s5  }
0xe: {  	s9 =	sadd.s32 $0xE000, s12;
	s22 =	sshll.u32 s1, $0x4;
	[dreg:$0x16] =	wrdreg s20  }
0xf: {  	s23 =	sshll.u32 s1, $0x7;
	s1 =	sshll.u32 s1, $0xA;
	[smem:$0x7EC] =	sst s9  }
0x10: {  	s8 =	sadd.s32 $0x1DA00, s0;
	s0 =	smax.u32 s21, $0x1;
	[dreg:$0x13] =	wrdreg s1  }
0x11: {  	s21 =	sadd.s32 $0x4000, s12;
	[dreg:$0x17] =	wrdreg s0  }
0x12: {  	s20 =	sadd.s32 $0x18000, s12;
	[dreg:$0x18] =	wrdreg s21  }
0x13: {  	s10 =	sadd.s32 s7, s22;
	[smem:$0x7F6] =	sst s20  }
0x14: {  	s11 =	sadd.s32 s8, s22;
	[dreg:$0x7] =	wrdreg s10  }
0x15: {  	s14 =	sor.u32 $0x4000, s23;
	[dreg:$0x8] =	wrdreg s11  }
0x16: {  	s15 =	sor.u32 $0x5000, s23;
	[dreg:$0xf] =	wrdreg s14  }
0x17: {  	s24 =	sor.u32 $0x200, s22;
	s16 =	sor.u32 $0x6000, s23;
	[dreg:$0x10] =	wrdreg s15  }
0x18: {  	s26 =	sor.u32 $0x400, s22;
	s17 =	sor.u32 $0x7000, s23;
	[dreg:$0x11] =	wrdreg s16  }
0x19: {  	s6 =	sor.u32 $0x600, s22;
	s22 =	sadd.s32 $0x5000, s12;
	[dreg:$0x12] =	wrdreg s17  }
0x1a: {  	s23 =	sadd.s32 $0x6000, s12;
	[dreg:$0x19] =	wrdreg s22  }
0x1b: {  	s1 =	sadd.s32 $0xB000, s12;
	[dreg:$0x1a] =	wrdreg s23  }
0x1c: {  	s21 =	sadd.s32 $0x19000, s12;
	[dreg:$0x1f] =	wrdreg s1  }
0x1d: {  	s25 =	sadd.s32 s7, s24;
	[smem:$0x7F7] =	sst s21  }
0x1e: {  	s10 =	sadd.s32 s8, s24;
	[dreg:$0x9] =	wrdreg s25  }
0x1f: {  	s28 =	sadd.s32 s7, s26;
	[dreg:$0xa] =	wrdreg s10  }
0x20: {  	s11 =	sadd.s32 s8, s26;
	[dreg:$0xb] =	wrdreg s28  }
0x21: {  	s13 =	sadd.s32 s7, s6;
	[dreg:$0xc] =	wrdreg s11  }
0x22: {  	s6 =	sadd.s32 s8, s6;
	[dreg:$0xd] =	wrdreg s13  }
0x23: {  	s24 =	sadd.s32 $0x7000, s12;
	[dreg:$0xe] =	wrdreg s6  }
0x24: {  	s26 =	sadd.s32 $0x9000, s12;
	[dreg:$0x1b] =	wrdreg s24  }
0x25: {  	s14 =	sadd.s32 $0x12000, s12;
	[dreg:$0x1d] =	wrdreg s26  }
0x26: {  	s15 =	sadd.s32 $0x13000, s12;
	[smem:$0x7F0] =	sst s14  }
0x27: {  	s16 =	sadd.s32 $0x14000, s12;
	[smem:$0x7F1] =	sst s15  }
0x28: {  	s17 =	sadd.s32 $0x15000, s12;
	[smem:$0x7F2] =	sst s16  }
0x29: {  	s22 =	sadd.s32 $0x1A000, s12;
	[smem:$0x7F3] =	sst s17  }
0x2a: {  	s23 =	sadd.s32 $0x1B000, s12;
	[smem:$0x7F8] =	sst s22  }
0x2b: {  	s25 =	sadd.s32 $0x8000, s12;
	[smem:$0x7F9] =	sst s23  }
0x2c: {  	s28 =	sadd.s32 $0xA000, s12;
	[dreg:$0x1c] =	wrdreg s25  }
0x2d: {  	s29 =	simm.s32 $0x80;
	s6 =	sadd.s32 $0xD000, s12;
	[dreg:$0x1e] =	wrdreg s28  }
0x2e: {  	s30 =	simm.s32 $0x1;
	s10 =	sadd.s32 $0xF000, s12;
	[smem:$0x7EB] =	sst s6  }
0x2f: {  	s31 =	simm.s32 $0xA;
	s11 =	sadd.s32 $0x10000, s12;
	[smem:$0x7ED] =	sst s10  }
0x30: {  	s5 =	simm.s32 $0x0;
	s13 =	sadd.s32 $0x11000, s12;
	[smem:$0x7EE] =	sst s11  }
0x31: {  	s0 =	simm.s32 $0x10400;
	s24 =	sadd.s32 $0x1C000, s12;
	[smem:$0x7EF] =	sst s13  }
0x32: {  	s26 =	sadd.s32 $0x1E000, s12;
	s15 =	simm.s32 $0x2;
	[smem:$0x7FA] =	sst s24  }
0x33: {  	s22 =	simm.s32 $0x3;
	s25 =	sadd.s32 $0x1D000, s12;
	[smem:$0x7FC] =	sst s26  }
0x34: {  	v0 =	vlaneseq.u32;
	s23 =	simm.s32 $0x5;
	s28 =	sadd.s32 $0x1F000, s12;
	[smem:$0x7FB] =	sst s25  }
0x35: {  	v0 =	vmul.u32 $0x81, v0;
	s24 =	simm.s32 $0x4;
	s26 =	simm.s32 $0x6;
	[smem:$0x7FD] =	sst s28  }
.LBB2_1:
0x36: {  	[smem:$0x7E9] =	sst s5  }
0x37: {  	s1 =	sshrl.u32 @!p0 s2, $0x3;
	s5 =	simm.s32 @!p0 $0x1C0B;
	s6 =	rddreg [dreg:$0x5]  }
0x38: {  	[spmem:s1], [sflag:s5] =	dma.local @!p0 [hbm:s6], $0x1F40  }
0x39: {  	s1 =	simm.s32 @!p0 $0xB  }
0x3a: {  	_ =	swait.ge @!p0 [sflag:s1], $0x1F40  }
0x3b: {  	[sflag:s1] =	ssyncset.done @!p0 $0x0  }
0x3c: {  	s6 =	sshrl.u32 @!p0 s3, $0x3;
	s9 =	rddreg [dreg:$0x6];
	[sflag:s1] =	ssyncadd.s32 @!p0 $0xFFFFE0C0  }
0x3d: {  	[spmem:s6], [sflag:s5] =	dma.local @!p0 [hbm:s9], $0x1F40  }
0x3e: {  	_ =	swait.ge @!p0 [sflag:s1], $0x1F40  }
0x3f: {  	[sflag:s1] =	ssyncset.done @!p0 $0x0  }
0x40: {  	[sflag:s1] =	ssyncadd.s32 @!p0 $0xFFFFE0C0  }
0x41: {  	[bflag:$0x0] =	sbarrier.arrive $0xFFFF  }
0x42: {  	s14 =	rddreg [dreg:$0x7]  }
0x43: {  	[tilespmem:s4], [sflag:$0x7] =	stream.linear.gather [hbm4b:s14+s4], $0x80, $0x38;
	[tilespmem:$0x18380] =	vst v63  }
0x44: {  	s17 =	simm.s32 $0x200;
	s16 =	rddreg [dreg:$0x8]  }
0x45: {  	[tilespmem:s17], [sflag:$0x7] =	stream.linear.gather [hbm4b:s16+s4], $0x80, $0x38;
	[tilespmem:$0x18380] =	vst v63  }
0x46: {  	s18 =	rddreg [dreg:$0x9]  }
0x47: {  	[tilespmem:s29], [sflag:$0x8] =	stream.linear.gather [hbm4b:s18+s4], $0x80, $0x38;
	[tilespmem:$0x18380] =	vst v63  }
0x48: {  	s6 =	simm.s32 $0x280;
	s19 =	rddreg [dreg:$0xa]  }
0x49: {  	[tilespmem:s6], [sflag:$0x8] =	stream.linear.gather [hbm4b:s19+s4], $0x80, $0x38;
	[tilespmem:$0x18380] =	vst v63  }
0x4a: {  	s9 =	simm.s32 $0x100;
	s20 =	rddreg [dreg:$0xb]  }
0x4b: {  	[tilespmem:s9], [sflag:$0x9] =	stream.linear.gather [hbm4b:s20+s4], $0x80, $0x38;
	[tilespmem:$0x18380] =	vst v63  }
0x4c: {  	s10 =	simm.s32 $0x300;
	s21 =	rddreg [dreg:$0xc]  }
0x4d: {  	[tilespmem:s10], [sflag:$0x9] =	stream.linear.gather [hbm4b:s21+s4], $0x80, $0x38;
	[tilespmem:$0x18380] =	vst v63  }
0x4e: {  	s11 =	simm.s32 $0x180;
	s25 =	rddreg [dreg:$0xd]  }
0x4f: {  	[tilespmem:s11], [sflag:$0xA] =	stream.linear.gather [hbm4b:s25+s4], $0x80, $0x38;
	[tilespmem:$0x18380] =	vst v63  }
0x50: {  	s12 =	simm.s32 $0x380;
	s13 =	simm.s32 $0x7;
	s11 =	rddreg [dreg:$0xe]  }
0x51: {  	[tilespmem:s12], [sflag:$0xA] =	stream.linear.gather [hbm4b:s11+s4], $0x80, $0x38;
	[tilespmem:$0x18380] =	vst v63  }
0x52: {  	_ =	swait.ge [sflag:s13], $0x80  }
0x53: {  	[sflag:s13] =	ssyncset.done $0x0  }
0x54: {  	[sflag:s13] =	ssyncadd.s32 $0xFFFFFF80  }
0x55: {  	_ =	swait.ge [sflag:s13], $0x80  }
0x56: {  	[sflag:s13] =	ssyncset.done $0x0  }
0x57: {  	s14 =	simm.s32 $0x400;
	[sflag:s13] =	ssyncadd.s32 $0xFFFFFF80  }
0x58: {  	[tilespmem:s14], [sflag:$0x1] =	stream.indirect.gather [spmem:s2], $0x40, s4, s29, $0xb8;
	[tilespmem:$0x18380] =	vst v63  }
0x59: {  	s16 =	simm.s32 $0x8400  }
0x5a: {  	[tilespmem:s16], [sflag:$0x1] =	stream.indirect.gather [spmem:s3], $0x40, s17, s29, $0xb8;
	[tilespmem:$0x18380] =	vst v63  }
0x5b: {  	s17 =	simm.s32 $0x8  }
0x5c: {  	_ =	swait.ge [sflag:s17], $0x80  }
0x5d: {  	[sflag:s17] =	ssyncset.done $0x0  }
0x5e: {  	[sflag:s17] =	ssyncadd.s32 $0xFFFFFF80  }
0x5f: {  	_ =	swait.ge [sflag:s17], $0x80  }
0x60: {  	[sflag:s17] =	ssyncset.done $0x0  }
0x61: {  	s18 =	simm.s32 $0x2400;
	[sflag:s17] =	ssyncadd.s32 $0xFFFFFF80  }
0x62: {  	[tilespmem:s18], [sflag:$0x2] =	stream.indirect.gather [spmem:s2], $0x40, s29, s29, $0xb8;
	[tilespmem:$0x18380] =	vst v63  }
0x63: {  	s19 =	simm.s32 $0xA400;
	s20 =	simm.s32 $0x9  }
0x64: {  	[tilespmem:s19], [sflag:$0x2] =	stream.indirect.gather [spmem:s3], $0x40, s6, s29, $0xb8;
	[tilespmem:$0x18380] =	vst v63  }
0x65: {  	_ =	swait.ge [sflag:s20], $0x80  }
0x66: {  	[sflag:s20] =	ssyncset.done $0x0  }
0x67: {  	[sflag:s20] =	ssyncadd.s32 $0xFFFFFF80  }
0x68: {  	_ =	swait.ge [sflag:s20], $0x80  }
0x69: {  	[sflag:s20] =	ssyncset.done $0x0  }
0x6a: {  	s21 =	simm.s32 $0x4400;
	[sflag:s20] =	ssyncadd.s32 $0xFFFFFF80  }
0x6b: {  	[tilespmem:s21], [sflag:$0x3] =	stream.indirect.gather [spmem:s2], $0x40, s9, s29, $0xb8;
	[tilespmem:$0x18380] =	vst v63  }
0x6c: {  	s28 =	simm.s32 $0x0;
	s25 =	simm.s32 $0xC400  }
0x6d: {  	[tilespmem:s25], [sflag:$0x3] =	stream.indirect.gather [spmem:s3], $0x40, s10, s29, $0xb8;
	[tilespmem:$0x18380] =	vst v63  }
.LBB2_2:
0x6e: {  	_ =	swait.ge [sflag:s30], $0x2000  }
0x6f: {  	[sflag:s30] =	ssyncset.done $0x0  }
0x70: {  	[sflag:s30] =	ssyncadd.s32 $0xFFFFE000  }
0x71: {  	_ =	swait.ge [sflag:s30], $0x2000  }
0x72: {  	[sflag:s30] =	ssyncset.done $0x0  }
0x73: {  	[sflag:s30] =	ssyncadd.s32 $0xFFFFE000  }
0x74: {  	_ =	swait.ge [sflag:s31], $0x80  }
0x75: {  	[sflag:s31] =	ssyncset.done $0x0  }
0x76: {  	[sflag:s31] =	ssyncadd.s32 $0xFFFFFF80  }
0x77: {  	_ =	swait.ge [sflag:s31], $0x80  }
0x78: {  	s1 =	simm.s32 $0x180;
	[sflag:s31] =	ssyncset.done $0x0  }
0x79: {  	s5 =	simm.s32 $0x6400;
	p1 =	seq.s32 s28, $0x31;
	[sflag:s31] =	ssyncadd.s32 $0xFFFFFF80  }
0x7a: {  	[tilespmem:s5], [sflag:$0x4] =	stream.indirect.gather [spmem:s2], $0x40, s1, s29, $0xb8;
	[tilespmem:$0x18380] =	vst v63  }
0x7b: {  	s6 =	sshll.u32 @!p1 s28, $0xE;
	s1 =	rddreg [dreg:$0xf]  }
0x7c: {  	s19 =	simm.s32 $0x380;
	s20 =	simm.s32 $0xE400;
	s1 =	sadd.s32 @!p1 s1, s6  }
0x7d: {  	[tilespmem:s20], [sflag:$0x4] =	stream.indirect.gather [spmem:s3], $0x40, s19, s29, $0xb8;
	[tilespmem:$0x18380] =	vst v63  }
0x7e: {  	s1 =	sshrl.u32 @!p1 s1, $0x3  }
0x7f: {  	s9 =	simm.s32 @!p1 $0x0;
	s5 =	sadd.s32 @!p1 s7, s1  }
0x80: {  	[tilespmem:s9], [sflag:$0x7] =	stream.linear.gather @!p1 [hbm4b:s5+s9], $0x80, $0x38;
	[tilespmem:$0x18380] =	vst v63  }
0x81: {  	s11 =	simm.s32 $0x480;
	s1 =	sadd.s32 @!p1 s8, s1;
	s5 =	simm.s32 @!p1 $0x200  }
0x82: {  	[tilespmem:s5], [sflag:$0x7] =	stream.linear.gather @!p1 [hbm4b:s1+s9], $0x80, $0x38;
	[tilespmem:$0x18380] =	vst v63  }
0x83: {  	s9 =	simm.s32 $0x8480;
	v1 =	vld [tilespmem:s11+$0x40]  }
0x84: {  	v2 =	vld [tilespmem:s9+$0x40]  }
0x85: {  	s21 =	simm.s32 $0x3;
	v3 =	vld [tilespmem:s9+$0xFFFFFF80]  }
0x86: {  	v5 =	vadd.s32 s21, v0;
	v4 =	vld [tilespmem:s11+$0xFFFFFFC0]  }
0x87: {  	v6 =	vld [tilespmem:s9+$0xFFFFFFC0]  }
0x88: {  	s25 =	simm.s32 $0x1;
	v7 =	vld [tilespmem:s11+$0x0]  }
0x89: {  	v8 =	vadd.s32 s25, v0;
	v9 =	vld [tilespmem:s9+$0x0];
	v1 =	vadd.f32 v2, v1  }
0x8a: {  	s5 =	simm.s32 $0x2;
	v2 =	vld [tilespmem:s11+$0xFFFFFF80]  }
0x8b: {  	s10 =	simm.s32 $0x0;
	v10 =	vadd.s32 s5, v0;
	[tilespmem:v5+s0+$0x0] =	vst.idx.msk $0xffff, v1  }
0x8c: {  	v4 =	vadd.f32 v6, v4;
	v1 =	vadd.s32 s10, v0;
	v5 =	vld [tilespmem:s11+$0x50]  }
0x8d: {  	v6 =	vld [tilespmem:s9+$0x50]  }
0x8e: {  	s12 =	simm.s32 $0x813;
	[tilespmem:v8+s0+$0x0] =	vst.idx.msk $0xffff, v4;
	v4 =	vadd.f32 v9, v7  }
0x8f: {  	v7 =	vadd.s32 s12, v0;
	v8 =	vld [tilespmem:s9+$0xFFFFFFD0];
	v2 =	vadd.f32 v3, v2  }
0x90: {  	[tilespmem:v10+s0+$0x0] =	vst.idx.msk $0xffff, v4;
	v3 =	vld [tilespmem:s11+$0xFFFFFFD0]  }
0x91: {  	s13 =	simm.s32 $0x811;
	v9 =	vld [tilespmem:s9+$0x10];
	[tilespmem:v1+s0+$0x0] =	vst.idx.msk $0xffff, v2  }
0x92: {  	v4 =	vadd.s32 s13, v0;
	v2 =	vld [tilespmem:s11+$0xFFFFFF90];
	v5 =	vadd.f32 v6, v5  }
0x93: {  	v6 =	vld [tilespmem:s9+$0xFFFFFF90]  }
0x94: {  	s14 =	simm.s32 $0x810;
	v1 =	vld [tilespmem:s11+$0x10];
	[tilespmem:v7+s0+$0x0] =	vst.idx.msk $0xffff, v5  }
0x95: {  	v5 =	vadd.s32 s14, v0;
	v3 =	vadd.f32 v8, v3;
	v7 =	vld [tilespmem:s11+$0x60]  }
0x96: {  	s16 =	simm.s32 $0x812;
	v8 =	vld [tilespmem:s9+$0x60]  }
0x97: {  	s17 =	simm.s32 $0x1023;
	v10 =	vadd.s32 s16, v0;
	[tilespmem:v4+s0+$0x0] =	vst.idx.msk $0xffff, v3  }
0x98: {  	v4 =	vadd.s32 s17, v0;
	v2 =	vadd.f32 v6, v2;
	v3 =	vld [tilespmem:s11+$0xFFFFFFE0]  }
0x99: {  	v6 =	vld [tilespmem:s9+$0xFFFFFFE0]  }
0x9a: {  	s18 =	simm.s32 $0x1021;
	v1 =	vadd.f32 v9, v1;
	[tilespmem:v5+s0+$0x0] =	vst.idx.msk $0xffff, v2  }
0x9b: {  	v5 =	vadd.s32 s18, v0;
	v2 =	vld [tilespmem:s11+$0xFFFFFFA0];
	v7 =	vadd.f32 v8, v7  }
0x9c: {  	[tilespmem:v10+s0+$0x0] =	vst.idx.msk $0xffff, v1;
	v1 =	vld [tilespmem:s9+$0xFFFFFFA0]  }
0x9d: {  	v8 =	vld [tilespmem:s11+$0x20];
	[tilespmem:v4+s0+$0x0] =	vst.idx.msk $0xffff, v7  }
0x9e: {  	s19 =	simm.s32 $0x1020;
	v3 =	vadd.f32 v6, v3;
	v7 =	vld [tilespmem:s11+$0x70]  }
0x9f: {  	v10 =	vadd.s32 s19, v0;
	v9 =	vld [tilespmem:s9+$0x70]  }
0xa0: {  	s20 =	simm.s32 $0x1833;
	[tilespmem:v5+s0+$0x0] =	vst.idx.msk $0xffff, v3;
	v5 =	vld [tilespmem:s9+$0x20]  }
0xa1: {  	s21 =	simm.s32 $0x1022;
	v12 =	vadd.s32 s20, v0;
	v11 =	vld [tilespmem:s11+$0xFFFFFFF0]  }
0xa2: {  	v14 =	vadd.s32 s21, v0;
	s13 =	simm.s32 $0x580;
	v13 =	vld [tilespmem:s9+$0xFFFFFFF0];
	v1 =	vadd.f32 v1, v2  }
0xa3: {  	s25 =	simm.s32 $0x1831;
	s12 =	simm.s32 $0x8580;
	v4 =	vld [tilespmem:s13+$0x40]  }
0xa4: {  	v6 =	vld [tilespmem:s12+$0x40];
	[tilespmem:v10+s0+$0x0] =	vst.idx.msk $0xffff, v1;
	v1 =	vadd.s32 s25, v0;
	v2 =	vadd.f32 v9, v7  }
0xa5: {  	s16 =	simm.s32 $0x7;
	v3 =	vld [tilespmem:s12+$0xFFFFFF80];
	v9 =	vadd.f32 v5, v8  }
0xa6: {  	v7 =	vld [tilespmem:s12+$0xFFFFFFC0];
	v8 =	vadd.s32 s16, v0;
	[tilespmem:v12+s0+$0x0] =	vst.idx.msk $0xffff, v2  }
0xa7: {  	s5 =	sshll.u32 s28, $0x14;
	s14 =	simm.s32 $0x4;
	v5 =	vld [tilespmem:s13+$0xFFFFFFC0];
	s16 =	simm.s32 $0x8;
	v2 =	vadd.f32 v13, v11;
	[tilespmem:v14+s0+$0x0] =	vst.idx.msk $0xffff, v9  }
.LBB2_3:
0xa8: {  	p2 =	slt.u32 s16, $0x7C;
	s1 =	sadd.s32 $0x1, s14;
	v9 =	vld [tilespmem:s13+$0x0]  }
0xa9: {  	v10 =	vadd.s32 s1, v0;
	v11 =	vld [tilespmem:s12+$0x0];
	v4 =	vadd.f32 v6, v4;
	[tilespmem:v1+s0+$0x0] =	vst.idx.msk $0xffff, v2  }
0xaa: {  	s1 =	sadd.s32 $0x2, s14;
	v1 =	vld [tilespmem:s13+$0xFFFFFF80]  }
0xab: {  	v2 =	vadd.s32 s1, v0;
	[tilespmem:v8+s0+$0x0] =	vst.idx.msk $0xffff, v4;
	v4 =	vld [tilespmem:s11+$0xFFFFFFB0]  }
0xac: {  	v6 =	vadd.s32 s14, v0;
	v5 =	vadd.f32 v7, v5;
	v7 =	vld [tilespmem:s13+$0x50]  }
0xad: {  	v8 =	vld [tilespmem:s12+$0x50]  }
0xae: {  	s1 =	sadd.s32 $0x813, s14;
	[tilespmem:v10+s0+$0x0] =	vst.idx.msk $0xffff, v5;
	v5 =	vadd.f32 v11, v9;
	v9 =	vld [tilespmem:s9+$0xFFFFFFB0]  }
0xaf: {  	v10 =	vadd.s32 s1, v0;
	s1 =	sadd.s32 $0x1830, s10;
	v1 =	vadd.f32 v3, v1;
	v3 =	vld [tilespmem:s13+$0xFFFFFFD0]  }
0xb0: {  	v11 =	vld [tilespmem:s12+$0xFFFFFFD0];
	[tilespmem:v2+s0+$0x0] =	vst.idx.msk $0xffff, v5;
	v2 =	vadd.s32 s1, v0  }
0xb1: {  	s1 =	sadd.s32 $0x811, s14;
	[tilespmem:v6+s0+$0x0] =	vst.idx.msk $0xffff, v1;
	v1 =	vld [tilespmem:s13+$0x10]  }
0xb2: {  	v6 =	vadd.s32 s1, v0;
	v5 =	vld [tilespmem:s13+$0xFFFFFF90];
	v7 =	vadd.f32 v8, v7  }
0xb3: {  	v8 =	vld [tilespmem:s12+$0xFFFFFF90];
	v4 =	vadd.f32 v9, v4  }
0xb4: {  	s1 =	sadd.s32 $0x810, s14;
	v9 =	vld [tilespmem:s12+$0x10];
	[tilespmem:v10+s0+$0x0] =	vst.idx.msk $0xffff, v7  }
0xb5: {  	v7 =	vadd.s32 s1, v0;
	s1 =	sadd.s32 $0x812, s14;
	v3 =	vadd.f32 v11, v3;
	v10 =	vld [tilespmem:s13+$0x60];
	[tilespmem:v2+s0+$0x0] =	vst.idx.msk $0xffff, v4  }
0xb6: {  	v2 =	vadd.s32 s1, v0;
	v4 =	vld [tilespmem:s12+$0x60]  }
0xb7: {  	s1 =	sadd.s32 $0x1023, s14;
	[tilespmem:v6+s0+$0x0] =	vst.idx.msk $0xffff, v3;
	v3 =	vld [tilespmem:s11+$0x30];
	s11 =	smov.u32 s13  }
0xb8: {  	v5 =	vadd.f32 v8, v5;
	v6 =	vld [tilespmem:s13+$0xFFFFFFE0];
	v8 =	vadd.s32 s1, v0  }
0xb9: {  	v11 =	vld [tilespmem:s12+$0xFFFFFFE0];
	v1 =	vadd.f32 v9, v1  }
0xba: {  	s1 =	sadd.s32 $0x1021, s14;
	[tilespmem:v7+s0+$0x0] =	vst.idx.msk $0xffff, v5;
	v5 =	vld [tilespmem:s9+$0x30];
	s9 =	smov.u32 s12  }
0xbb: {  	v9 =	vadd.s32 s1, v0;
	s1 =	sadd.s32 $0x1832, s10;
	s10 =	smov.u32 s14;
	s14 =	smov.u32 s16;
	v7 =	vld [tilespmem:s13+$0xFFFFFFA0];
	[tilespmem:v2+s0+$0x0] =	vst.idx.msk $0xffff, v1;
	v1 =	vadd.f32 v4, v10  }
0xbc: {  	v4 =	vadd.s32 s1, v0;
	v2 =	vld [tilespmem:s12+$0xFFFFFFA0]  }
0xbd: {  	s1 =	sadd.s32 $0x1020, s10;
	v10 =	vld [tilespmem:s13+$0x20];
	[tilespmem:v8+s0+$0x0] =	vst.idx.msk $0xffff, v1  }
0xbe: {  	v1 =	vadd.s32 s1, v0;
	v6 =	vadd.f32 v11, v6;
	v8 =	vld [tilespmem:s13+$0x70]  }
0xbf: {  	v11 =	vld [tilespmem:s12+$0x70];
	v3 =	vadd.f32 v5, v3  }
0xc0: {  	s1 =	sadd.s32 $0x1833, s10;
	[tilespmem:v9+s0+$0x0] =	vst.idx.msk $0xffff, v6;
	v5 =	vld [tilespmem:s12+$0x20]  }
0xc1: {  	s17 =	sadd.s32 $0x1022, s10;
	v2 =	vadd.f32 v2, v7;
	v9 =	vld [tilespmem:s13+$0xFFFFFFF0];
	v7 =	vadd.s32 s1, v0;
	[tilespmem:v4+s0+$0x0] =	vst.idx.msk $0xffff, v3  }
0xc2: {  	v13 =	vadd.s32 s17, v0;
	s13 =	sadd.s32 $0x100, s13;
	v12 =	vld [tilespmem:s12+$0xFFFFFFF0]  }
.Ltmp0:
0xc3: {  	s1 =	sadd.s32 $0x1831, s10;
	s12 =	sadd.s32 $0x100, s12;
	v4 =	vld [tilespmem:s13+$0x40];
	[tilespmem:v1+s0+$0x0] =	vst.idx.msk $0xffff, v2;
	(pc) =	sbr.rel @p2 .LBB2_3-.Ltmp0, $4  }
0xc4: {  	v1 =	vadd.s32 s1, v0;
	v6 =	vld [tilespmem:s12+$0x40];
	v2 =	vadd.f32 v11, v8  }
0xc5: {  	s1 =	sadd.s32 $0x3, s16;
	v3 =	vld [tilespmem:s12+$0xFFFFFF80];
	v10 =	vadd.f32 v5, v10  }
0xc6: {  	v8 =	vadd.s32 s1, v0;
	v5 =	vld [tilespmem:s13+$0xFFFFFFC0];
	[tilespmem:v7+s0+$0x0] =	vst.idx.msk $0xffff, v2  }
0xc7: {  	s16 =	sadd.s32 $0x4, s16;
	v7 =	vld [tilespmem:s12+$0xFFFFFFC0];
	v2 =	vadd.f32 v12, v9;
	[tilespmem:v13+s0+$0x0] =	vst.idx.msk $0xffff, v10  }
0xc8: {  	_ = 	snop  }
0xc9: {  	s1 =	sadd.s32 $0x1, s14;
	v9 =	vld [tilespmem:s13+$0x0]  }
0xca: {  	v10 =	vadd.s32 s1, v0;
	v4 =	vadd.f32 v6, v4;
	v6 =	vld [tilespmem:s13+$0xFFFFFF80]  }
0xcb: {  	v11 =	vld [tilespmem:s12+$0x0]  }
0xcc: {  	v46 =	vadd.s32 s14, v0;
	v16 =	vld [tilespmem:s9+$0x30];
	[tilespmem:v8+s0+$0x0] =	vst.idx.msk $0xffff, v4  }
0xcd: {  	s17 =	sadd.s32 $0x2, s14;
	v5 =	vadd.f32 v7, v5;
	v7 =	vld [tilespmem:s13+$0x50]  }
0xce: {  	v12 =	vadd.s32 s17, v0;
	v13 =	vld [tilespmem:s12+$0x50]  }
0xcf: {  	s18 =	sadd.s32 $0x813, s14;
	v4 =	vld [tilespmem:s11+$0xFFFFFFB0];
	[tilespmem:v10+s0+$0x0] =	vst.idx.msk $0xffff, v5;
	v3 =	vadd.f32 v3, v6  }
0xd0: {  	v47 =	vadd.s32 s18, v0;
	v6 =	vld [tilespmem:s13+$0xFFFFFFD0]  }
0xd1: {  	v9 =	vadd.f32 v11, v9;
	v48 =	vld [tilespmem:s12+$0xFFFFFFD0];
	[tilespmem:v46+s0+$0x0] =	vst.idx.msk $0xffff, v3  }
0xd2: {  	s19 =	sadd.s32 $0x811, s14;
	v3 =	vld [tilespmem:s13+$0xFFFFFF90]  }
0xd3: {  	v49 =	vadd.s32 s19, v0;
	[tilespmem:v12+s0+$0x0] =	vst.idx.msk $0xffff, v9;
	v7 =	vadd.f32 v13, v7;
	v50 =	vld [tilespmem:s12+$0xFFFFFF90]  }
0xd4: {  	s20 =	sadd.s32 $0x810, s14;
	v12 =	vld [tilespmem:s13+$0x10]  }
0xd5: {  	v51 =	vld [tilespmem:s12+$0x10];
	[tilespmem:v47+s0+$0x0] =	vst.idx.msk $0xffff, v7;
	v7 =	vadd.s32 s20, v0  }
0xd6: {  	s21 =	sadd.s32 $0x812, s14;
	v6 =	vadd.f32 v48, v6;
	v10 =	vld [tilespmem:s13+$0x60]  }
0xd7: {  	v52 =	vadd.s32 s21, v0;
	v14 =	vld [tilespmem:s12+$0x60]  }
0xd8: {  	[tilespmem:v49+s0+$0x0] =	vst.idx.msk $0xffff, v6;
	v6 =	vld [tilespmem:s11+$0x30];
	v3 =	vadd.f32 v50, v3  }
0xd9: {  	s25 =	sadd.s32 $0x1023, s14;
	v8 =	vld [tilespmem:s13+$0xFFFFFFE0]  }
0xda: {  	v53 =	vadd.s32 s25, v0;
	v12 =	vadd.f32 v51, v12;
	v15 =	vld [tilespmem:s12+$0xFFFFFFE0];
	[tilespmem:v7+s0+$0x0] =	vst.idx.msk $0xffff, v3  }
0xdb: {  	s11 =	sadd.s32 $0x1021, s14;
	v3 =	vld [tilespmem:s13+$0xFFFFFFA0]  }
0xdc: {  	[tilespmem:v52+s0+$0x0] =	vst.idx.msk $0xffff, v12;
	v7 =	vadd.s32 s11, v0;
	v54 =	vld [tilespmem:s12+$0xFFFFFFA0]  }
0xdd: {  	s16 =	sadd.s32 $0x1020, s14;
	v12 =	vld [tilespmem:s13+$0x20];
	v10 =	vadd.f32 v14, v10  }
0xde: {  	v55 =	vadd.s32 s16, v0;
	v56 =	vld [tilespmem:s12+$0x20]  }
0xdf: {  	s17 =	sadd.s32 $0x1022, s14;
	v5 =	vld [tilespmem:s9+$0xFFFFFFB0];
	[tilespmem:v53+s0+$0x0] =	vst.idx.msk $0xffff, v10;
	v8 =	vadd.f32 v15, v8  }
0xe0: {  	v57 =	vadd.s32 s17, v0;
	v9 =	vld [tilespmem:s13+$0x70]  }
0xe1: {  	v58 =	vld [tilespmem:s12+$0x70];
	[tilespmem:v7+s0+$0x0] =	vst.idx.msk $0xffff, v8;
	v3 =	vadd.f32 v54, v3  }
0xe2: {  	v7 =	vld [tilespmem:s13+$0xFFFFFFF0]  }
0xe3: {  	s18 =	sadd.s32 $0x1830, s10;
	v8 =	vld [tilespmem:s12+$0xFFFFFFF0];
	[tilespmem:v55+s0+$0x0] =	vst.idx.msk $0xffff, v3;
	v3 =	vadd.f32 v56, v12  }
0xe4: {  	s19 =	sadd.s32 $0x1832, s10;
	v59 =	vadd.s32 s18, v0;
	v60 =	vld [tilespmem:s13+$0xFFFFFFB0]  }
0xe5: {  	v61 =	vadd.s32 s19, v0;
	s20 =	sadd.s32 $0x1833, s14;
	[tilespmem:v57+s0+$0x0] =	vst.idx.msk $0xffff, v3;
	v3 =	vld [tilespmem:s12+$0xFFFFFFB0]  }
0xe6: {  	s21 =	sadd.s32 $0x1831, s14;
	v62 =	vadd.s32 s20, v0;
	v63 =	vld [tilespmem:s13+$0x30]  }
0xe7: {  	s25 =	sadd.s32 $0x1830, s14;
	v4 =	vadd.f32 v5, v4;
	v5 =	vadd.s32 s21, v0;
	v17 =	vld [tilespmem:s12+$0x30]  }
0xe8: {  	[tilespmem:v1+s0+$0x0] =	vst.idx.msk $0xffff, v2;
	v2 =	vadd.s32 s25, v0;
	s9 =	sadd.s32 $0x1832, s14;
	v1 =	vadd.f32 v16, v6  }
0xe9: {  	[tilespmem:v59+s0+$0x0] =	vst.idx.msk $0xffff, v4;
	v6 =	vadd.s32 s9, v0;
	v4 =	vadd.f32 v58, v9  }
0xea: {  	[tilespmem:v61+s0+$0x0] =	vst.idx.msk $0xffff, v1;
	v1 =	vadd.f32 v8, v7  }
0xeb: {  	[tilespmem:v62+s0+$0x0] =	vst.idx.msk $0xffff, v4;
	v3 =	vadd.f32 v3, v60  }
0xec: {  	[tilespmem:v5+s0+$0x0] =	vst.idx.msk $0xffff, v1;
	v1 =	vadd.f32 v17, v63  }
0xed: {  	p2 =	seq.s32 s28, $0x0;
	[tilespmem:v2+s0+$0x0] =	vst.idx.msk $0xffff, v3  }
0xee: {  	s1 =	simm.s32 @!p2 $0x5;
	[tilespmem:v6+s0+$0x0] =	vst.idx.msk $0xffff, v1  }
0xef: {  	_ =	swait.ge @!p2 [sflag:s1], $0x400  }
0xf0: {  	[sflag:s1] =	ssyncset.done @!p2 $0x0  }
0xf1: {  	[sflag:s1] =	ssyncadd.s32 @!p2 $0xFFFFFC00  }
0xf2: {  	_ =	swait.ge @!p2 [sflag:s1], $0x400  }
0xf3: {  	[sflag:s1] =	ssyncset.done @!p2 $0x0  }
0xf4: {  	[sflag:s1] =	ssyncadd.s32 @!p2 $0xFFFFFC00  }
0xf5: {  	_ =	swait.ge @!p2 [sflag:s1], $0x400  }
0xf6: {  	[sflag:s1] =	ssyncset.done @!p2 $0x0  }
0xf7: {  	[sflag:s1] =	ssyncadd.s32 @!p2 $0xFFFFFC00  }
0xf8: {  	_ =	swait.ge @!p2 [sflag:s1], $0x400  }
0xf9: {  	[sflag:s1] =	ssyncset.done @!p2 $0x0  }
0xfa: {  	[sflag:s1] =	ssyncadd.s32 @!p2 $0xFFFFFC00  }
0xfb: {  	_ =	swait.ge @!p2 [sflag:s1], $0x400  }
0xfc: {  	[sflag:s1] =	ssyncset.done @!p2 $0x0  }
0xfd: {  	[sflag:s1] =	ssyncadd.s32 @!p2 $0xFFFFFC00  }
0xfe: {  	_ =	swait.ge @!p2 [sflag:s1], $0x400  }
0xff: {  	[sflag:s1] =	ssyncset.done @!p2 $0x0  }
0x100: {  	[sflag:s1] =	ssyncadd.s32 @!p2 $0xFFFFFC00  }
0x101: {  	_ =	swait.ge @!p2 [sflag:s1], $0x400  }
0x102: {  	[sflag:s1] =	ssyncset.done @!p2 $0x0  }
0x103: {  	[sflag:s1] =	ssyncadd.s32 @!p2 $0xFFFFFC00  }
0x104: {  	_ =	swait.ge @!p2 [sflag:s1], $0x400  }
0x105: {  	[sflag:s1] =	ssyncset.done @!p2 $0x0  }
0x106: {  	s10 =	simm.s32 $0x10502;
	[sflag:s1] =	ssyncadd.s32 @!p2 $0xFFFFFC00  }
0x107: {  	v1 =	vld [tilespmem:s10+$0x81]  }
0x108: {  	v3 =	vld [tilespmem:s10+$0x0]  }
0x109: {  	v2 =	vld [tilespmem:s10+$0xFFFFFF7F]  }
0x10a: {  	v4 =	vld [tilespmem:s10+$0xFFFFFEFE]  }
0x10b: {  	s11 =	simm.s32 $0x183;
	s9 =	simm.s32 $0x12540  }
0x10c: {  	s18 =	sand.u32 $0x1FFF, s11;
	s13 =	simm.s32 $0x102;
	[tilespmem:s9+$0x80] =	vst v1  }
0x10d: {  	s12 =	simm.s32 $0x81;
	s25 =	sand.u32 $0x1FFE, s13;
	[tilespmem:s9+$0x0] =	vst v3;
	v1 =	vld [tilespmem:s18+$0x10410]  }
0x10e: {  	s14 =	simm.s32 $0x0;
	s1 =	sand.u32 $0x1FFD, s12;
	[tilespmem:s9+$0xFFFFFF80] =	vst v2;
	v3 =	vld [tilespmem:s25+$0x10410]  }
0x10f: {  	s17 =	sand.u32 $0x1FFC, s14;
	[tilespmem:s9+$0xFFFFFF00] =	vst v4;
	v2 =	vld [tilespmem:s1+$0x10410]  }
0x110: {  	v4 =	vld [tilespmem:s17+$0x10410];
	_ =	sdelay $0x1  }
0x111: {  	[tilespmem:s9+$0x90] =	vst v1  }
0x112: {  	[tilespmem:s9+$0x10] =	vst v3;
	v1 =	vld [tilespmem:s18+$0x10420]  }
0x113: {  	[tilespmem:s9+$0xFFFFFF90] =	vst v2;
	v3 =	vld [tilespmem:s25+$0x10420]  }
0x114: {  	[tilespmem:s9+$0xFFFFFF10] =	vst v4;
	v2 =	vld [tilespmem:s1+$0x10420]  }
0x115: {  	v4 =	vld [tilespmem:s17+$0x10420];
	_ =	sdelay $0x1  }
0x116: {  	[tilespmem:s9+$0xA0] =	vst v1  }
0x117: {  	[tilespmem:s9+$0x20] =	vst v3;
	v1 =	vld [tilespmem:s18+$0x10430]  }
0x118: {  	[tilespmem:s9+$0xFFFFFFA0] =	vst v2;
	v3 =	vld [tilespmem:s25+$0x10430]  }
0x119: {  	[tilespmem:s9+$0xFFFFFF20] =	vst v4;
	v2 =	vld [tilespmem:s1+$0x10430]  }
0x11a: {  	v4 =	vld [tilespmem:s17+$0x10430];
	_ =	sdelay $0x1  }
0x11b: {  	[tilespmem:s9+$0xB0] =	vst v1  }
0x11c: {  	[tilespmem:s9+$0x30] =	vst v3;
	v1 =	vld [tilespmem:s18+$0x10440]  }
0x11d: {  	[tilespmem:s9+$0xFFFFFFB0] =	vst v2;
	v3 =	vld [tilespmem:s25+$0x10440]  }
0x11e: {  	[tilespmem:s9+$0xFFFFFF30] =	vst v4;
	v2 =	vld [tilespmem:s1+$0x10440]  }
0x11f: {  	v4 =	vld [tilespmem:s17+$0x10440]  }
0x120: {  	s16 =	simm.s32 $0x10706  }
0x121: {  	v5 =	vld [tilespmem:s16+$0x81];
	[tilespmem:s9+$0xC0] =	vst v1  }
0x122: {  	[tilespmem:s9+$0x40] =	vst v3;
	v3 =	vld [tilespmem:s16+$0xFFFFFF7F]  }
0x123: {  	[tilespmem:s9+$0xFFFFFFC0] =	vst v2;
	v1 =	vld [tilespmem:s18+$0x10450]  }
0x124: {  	[tilespmem:s9+$0xFFFFFF40] =	vst v4;
	v4 =	vld [tilespmem:s16+$0x0]  }
0x125: {  	s19 =	simm.s32 $0x387;
	s10 =	simm.s32 $0x12740;
	v2 =	vld [tilespmem:s1+$0x10450]  }
0x126: {  	s20 =	simm.s32 $0x285;
	s12 =	sand.u32 $0x1FFF, s19;
	v6 =	vld [tilespmem:s16+$0xFFFFFEFE];
	[tilespmem:s10+$0x80] =	vst v5  }
0x127: {  	s11 =	sand.u32 $0x1FFD, s20;
	[tilespmem:s10+$0xFFFFFF80] =	vst v3;
	v3 =	vld [tilespmem:s12+$0x10410]  }
0x128: {  	[tilespmem:s9+$0xD0] =	vst v1;
	v5 =	vld [tilespmem:s11+$0x10410]  }
0x129: {  	s21 =	simm.s32 $0x306;
	[tilespmem:s10+$0x0] =	vst v4;
	v1 =	vld [tilespmem:s18+$0x10460]  }
0x12a: {  	s13 =	sand.u32 $0x1FFE, s21;
	s16 =	simm.s32 $0x204;
	[tilespmem:s9+$0xFFFFFFD0] =	vst v2;
	v2 =	vld [tilespmem:s17+$0x10450]  }
0x12b: {  	[tilespmem:s10+$0xFFFFFF00] =	vst v6;
	s14 =	sand.u32 $0x1FFC, s16;
	v4 =	vld [tilespmem:s13+$0x10410]  }
0x12c: {  	v6 =	vld [tilespmem:s14+$0x10410];
	[tilespmem:s10+$0x90] =	vst v3  }
0x12d: {  	[tilespmem:s10+$0xFFFFFF90] =	vst v5;
	v3 =	vld [tilespmem:s12+$0x10420]  }
0x12e: {  	[tilespmem:s9+$0xE0] =	vst v1;
	v5 =	vld [tilespmem:s11+$0x10420]  }
0x12f: {  	[tilespmem:s9+$0xFFFFFF50] =	vst v2;
	v1 =	vld [tilespmem:s18+$0x10470]  }
0x130: {  	v2 =	vld [tilespmem:s25+$0x10450];
	[tilespmem:s10+$0x10] =	vst v4  }
0x131: {  	[tilespmem:s10+$0xFFFFFF10] =	vst v6;
	v4 =	vld [tilespmem:s13+$0x10420]  }
0x132: {  	v6 =	vld [tilespmem:s14+$0x10420];
	[tilespmem:s10+$0xA0] =	vst v3  }
0x133: {  	[tilespmem:s10+$0xFFFFFFA0] =	vst v5;
	v3 =	vld [tilespmem:s12+$0x10430]  }
0x134: {  	[tilespmem:s9+$0xF0] =	vst v1;
	v1 =	vld [tilespmem:s17+$0x10460]  }
0x135: {  	[tilespmem:s9+$0x50] =	vst v2;
	v5 =	vld [tilespmem:s11+$0x10430]  }
0x136: {  	v2 =	vld [tilespmem:s1+$0x10460];
	[tilespmem:s10+$0x20] =	vst v4  }
0x137: {  	[tilespmem:s10+$0xFFFFFF20] =	vst v6;
	v4 =	vld [tilespmem:s13+$0x10430]  }
0x138: {  	v6 =	vld [tilespmem:s14+$0x10430];
	[tilespmem:s10+$0xB0] =	vst v3  }
0x139: {  	[tilespmem:s9+$0xFFFFFF60] =	vst v1;
	v1 =	vld [tilespmem:s25+$0x10460]  }
0x13a: {  	[tilespmem:s10+$0xFFFFFFB0] =	vst v5;
	v5 =	vld [tilespmem:s12+$0x10440]  }
0x13b: {  	[tilespmem:s9+$0xFFFFFFE0] =	vst v2;
	v2 =	vld [tilespmem:s17+$0x10470]  }
0x13c: {  	[tilespmem:s10+$0x30] =	vst v4;
	v7 =	vld [tilespmem:s11+$0x10440]  }
0x13d: {  	[tilespmem:s10+$0xFFFFFF30] =	vst v6;
	v6 =	vld [tilespmem:s13+$0x10440]  }
0x13e: {  	v3 =	vld [tilespmem:s14+$0x10440];
	[tilespmem:s9+$0x60] =	vst v1  }
0x13f: {  	v1 =	vld [tilespmem:s1+$0x10470];
	[tilespmem:s10+$0xC0] =	vst v5  }
0x140: {  	[tilespmem:s9+$0xFFFFFF70] =	vst v2;
	v2 =	vld [tilespmem:s25+$0x10470]  }
0x141: {  	[tilespmem:s10+$0xFFFFFFC0] =	vst v7;
	v5 =	vld [tilespmem:s12+$0x10450]  }
0x142: {  	s1 =	simm.s32 $0x1090A;
	s25 =	simm.s32 $0x4;
	[tilespmem:s10+$0x40] =	vst v6;
	v4 =	vld [tilespmem:s11+$0x10450]  }
.LBB2_5:
0x143: {  	v6 =	vld [tilespmem:s1+$0x81];
	s25 =	sadd.s32 $0x4, s25;
	[tilespmem:s10+$0xFFFFFF40] =	vst v3  }
0x144: {  	v3 =	vld [tilespmem:s1+$0xFFFFFF7F];
	p3 =	slt.u32 s25, $0x3C;
	[tilespmem:s9+$0xFFFFFFF0] =	vst v1  }
0x145: {  	v1 =	vld [tilespmem:s1+$0x0];
	[tilespmem:s9+$0x70] =	vst v2;
	s9 =	smov.u32 s10  }
0x146: {  	s16 =	sadd.s32 $0x204, s16;
	v2 =	vld [tilespmem:s1+$0xFFFFFEFE];
	[tilespmem:s10+$0xD0] =	vst v5  }
0x147: {  	s17 =	sadd.s32 $0x81, s16;
	s18 =	sadd.s32 $0x183, s16;
	s10 =	sadd.s32 $0x200, s10;
	[tilespmem:s9+$0xFFFFFFD0] =	vst v4;
	v4 =	vld [tilespmem:s12+$0x10460]  }
0x148: {  	s19 =	sadd.s32 $0x102, s16;
	s17 =	sand.u32 $0x1FFD, s17;
	s20 =	sand.u32 $0x1FFF, s18;
	[tilespmem:s10+$0x80] =	vst v6;
	v5 =	vld [tilespmem:s14+$0x10450]  }
0x149: {  	s21 =	sand.u32 $0x1FFC, s16;
	s18 =	sand.u32 $0x1FFE, s19;
	[tilespmem:s10+$0xFFFFFF80] =	vst v3;
	v3 =	vld [tilespmem:s20+$0x10410]  }
0x14a: {  	v6 =	vld [tilespmem:s17+$0x10410];
	[tilespmem:s10+$0x0] =	vst v1  }
0x14b: {  	[tilespmem:s10+$0xFFFFFF00] =	vst v2;
	v1 =	vld [tilespmem:s18+$0x10410]  }
0x14c: {  	v2 =	vld [tilespmem:s21+$0x10410];
	[tilespmem:s9+$0xE0] =	vst v4  }
0x14d: {  	[tilespmem:s9+$0xFFFFFF50] =	vst v5;
	v4 =	vld [tilespmem:s12+$0x10470];
	s12 =	smov.u32 s20  }
0x14e: {  	[tilespmem:s10+$0x90] =	vst v3;
	v3 =	vld [tilespmem:s13+$0x10450]  }
0x14f: {  	[tilespmem:s10+$0xFFFFFF90] =	vst v6;
	v5 =	vld [tilespmem:s12+$0x10420]  }
0x150: {  	v6 =	vld [tilespmem:s17+$0x10420];
	[tilespmem:s10+$0x10] =	vst v1  }
0x151: {  	[tilespmem:s10+$0xFFFFFF10] =	vst v2;
	v1 =	vld [tilespmem:s18+$0x10420]  }
0x152: {  	v2 =	vld [tilespmem:s21+$0x10420];
	[tilespmem:s9+$0xF0] =	vst v4  }
0x153: {  	v4 =	vld [tilespmem:s14+$0x10460];
	[tilespmem:s9+$0x50] =	vst v3  }
0x154: {  	[tilespmem:s10+$0xA0] =	vst v5;
	v3 =	vld [tilespmem:s11+$0x10460]  }
0x155: {  	[tilespmem:s10+$0xFFFFFFA0] =	vst v6;
	v5 =	vld [tilespmem:s12+$0x10430]  }
0x156: {  	v6 =	vld [tilespmem:s17+$0x10430];
	[tilespmem:s10+$0x20] =	vst v1  }
0x157: {  	[tilespmem:s10+$0xFFFFFF20] =	vst v2;
	v1 =	vld [tilespmem:s18+$0x10430]  }
0x158: {  	v2 =	vld [tilespmem:s21+$0x10430];
	[tilespmem:s9+$0xFFFFFF60] =	vst v4  }
0x159: {  	[tilespmem:s9+$0xFFFFFFE0] =	vst v3;
	v4 =	vld [tilespmem:s13+$0x10460]  }
0x15a: {  	[tilespmem:s10+$0xB0] =	vst v5;
	v5 =	vld [tilespmem:s14+$0x10470];
	s14 =	smov.u32 s21  }
0x15b: {  	[tilespmem:s10+$0xFFFFFFB0] =	vst v6;
	v6 =	vld [tilespmem:s12+$0x10440]  }
0x15c: {  	v7 =	vld [tilespmem:s17+$0x10440];
	[tilespmem:s10+$0x30] =	vst v1  }
0x15d: {  	[tilespmem:s10+$0xFFFFFF30] =	vst v2;
	v8 =	vld [tilespmem:s18+$0x10440]  }
.Ltmp1:
0x15e: {  	v3 =	vld [tilespmem:s14+$0x10440];
	[tilespmem:s9+$0x60] =	vst v4;
	(pc) =	sbr.rel @p3 .LBB2_5-.Ltmp1, $4  }
0x15f: {  	[tilespmem:s9+$0xFFFFFF70] =	vst v5;
	v1 =	vld [tilespmem:s11+$0x10470];
	s11 =	smov.u32 s17  }
0x160: {  	[tilespmem:s10+$0xC0] =	vst v6;
	v2 =	vld [tilespmem:s13+$0x10470];
	s13 =	smov.u32 s18  }
0x161: {  	[tilespmem:s10+$0xFFFFFFC0] =	vst v7;
	v5 =	vld [tilespmem:s12+$0x10450]  }
0x162: {  	s1 =	sadd.s32 $0x204, s1;
	v4 =	vld [tilespmem:s11+$0x10450];
	[tilespmem:s10+$0x40] =	vst v8  }
0x163: {  	[tilespmem:s10+$0xFFFFFF40] =	vst v3  }
0x164: {  	v3 =	vld [tilespmem:s14+$0x10450];
	_ =	sdelay $0x2  }
0x165: {  	v6 =	vld [tilespmem:s13+$0x10450]  }
0x166: {  	[tilespmem:s10+$0xD0] =	vst v5  }
0x167: {  	v5 =	vld [tilespmem:s12+$0x10460];
	[tilespmem:s10+$0xFFFFFF50] =	vst v3  }
0x168: {  	v3 =	vld [tilespmem:s14+$0x10460]  }
0x169: {  	[tilespmem:s10+$0xFFFFFFD0] =	vst v4  }
0x16a: {  	[tilespmem:s10+$0x50] =	vst v6;
	v4 =	vld [tilespmem:s11+$0x10460]  }
0x16b: {  	v6 =	vld [tilespmem:s13+$0x10460]  }
0x16c: {  	[tilespmem:s10+$0xE0] =	vst v5  }
0x16d: {  	v5 =	vld [tilespmem:s12+$0x10470];
	[tilespmem:s10+$0xFFFFFF60] =	vst v3  }
0x16e: {  	[tilespmem:s9+$0xFFFFFFF0] =	vst v1;
	v3 =	vld [tilespmem:s14+$0x10470]  }
0x16f: {  	[tilespmem:s10+$0xFFFFFFE0] =	vst v4  }
0x170: {  	[tilespmem:s10+$0x60] =	vst v6;
	v4 =	vld [tilespmem:s11+$0x10470]  }
0x171: {  	[tilespmem:s9+$0x70] =	vst v2;
	v1 =	vld [tilespmem:s13+$0x10470]  }
0x172: {  	[tilespmem:s10+$0xF0] =	vst v5  }
0x173: {  	[tilespmem:s10+$0xFFFFFF70] =	vst v3  }
0x174: {  	s1 =	rddreg [dreg:$0x13]  }
0x175: {  	[tilespmem:s10+$0xFFFFFFF0] =	vst v4;
	s1 =	sor.u32 s1, s5  }
0x176: {  	s17 =	rddreg [dreg:$0x1];
	[tilespmem:s10+$0x70] =	vst v1;
	s5 =	sshrl.u32 s1, $0x3  }
0x177: {  	s18 =	simm.s32 $0x12440;
	s19 =	rddreg [dreg:$0x14];
	s1 =	sadd.s32 s17, s5  }
0x178: {  	[hbm4b:s1+s4] =	stream.linear.scatter [tilespmem:s18], [sflag:$0x5], $0x400, $0x38;
	[tilespmem:$0x18380] =	vst v63  }
0x179: {  	s20 =	simm.s32 $0x12840;
	s21 =	rddreg [dreg:$0x15];
	s1 =	sadd.s32 s5, s19  }
0x17a: {  	[hbm4b:s1+s4] =	stream.linear.scatter [tilespmem:s20], [sflag:$0x5], $0x400, $0x38;
	[tilespmem:$0x18380] =	vst v63  }
0x17b: {  	s25 =	simm.s32 $0x12C40;
	s9 =	rddreg [dreg:$0x16];
	s1 =	sadd.s32 s5, s21  }
0x17c: {  	[hbm4b:s1+s4] =	stream.linear.scatter [tilespmem:s25], [sflag:$0x5], $0x400, $0x38;
	[tilespmem:$0x18380] =	vst v63  }
0x17d: {  	s10 =	simm.s32 $0x13040;
	s11 =	rddreg [dreg:$0x18];
	s1 =	sadd.s32 s5, s9  }
0x17e: {  	[hbm4b:s1+s4] =	stream.linear.scatter [tilespmem:s10], [sflag:$0x5], $0x400, $0x38;
	[tilespmem:$0x18380] =	vst v63  }
0x17f: {  	s12 =	simm.s32 $0x13440;
	s13 =	rddreg [dreg:$0x19];
	s1 =	sadd.s32 s5, s11  }
0x180: {  	[hbm4b:s1+s4] =	stream.linear.scatter [tilespmem:s12], [sflag:$0x5], $0x400, $0x38;
	[tilespmem:$0x18380] =	vst v63  }
0x181: {  	s14 =	simm.s32 $0x13840;
	s16 =	rddreg [dreg:$0x1a];
	s1 =	sadd.s32 s5, s13  }
0x182: {  	[hbm4b:s1+s4] =	stream.linear.scatter [tilespmem:s14], [sflag:$0x5], $0x400, $0x38;
	[tilespmem:$0x18380] =	vst v63  }
0x183: {  	s17 =	simm.s32 $0x13C40;
	s18 =	rddreg [dreg:$0x1b];
	s1 =	sadd.s32 s5, s16  }
0x184: {  	[hbm4b:s1+s4] =	stream.linear.scatter [tilespmem:s17], [sflag:$0x5], $0x400, $0x38;
	[tilespmem:$0x18380] =	vst v63  }
0x185: {  	s19 =	simm.s32 $0x14040;
	s1 =	sadd.s32 s5, s18  }
0x186: {  	[hbm4b:s1+s4] =	stream.linear.scatter [tilespmem:s19], [sflag:$0x5], $0x400, $0x38;
	[tilespmem:$0x18380] =	vst v63  }
0x187: {  	_ =	swait.ge [sflag:s15], $0x2000  }
0x188: {  	[sflag:s15] =	ssyncset.done $0x0  }
0x189: {  	[sflag:s15] =	ssyncadd.s32 $0xFFFFE000  }
0x18a: {  	_ =	swait.ge [sflag:s15], $0x2000  }
0x18b: {  	[sflag:s15] =	ssyncset.done $0x0  }
0x18c: {  	s1 =	simm.s32 @!p1 $0x7;
	[sflag:s15] =	ssyncadd.s32 $0xFFFFE000  }
0x18d: {  	_ =	swait.ge @!p1 [sflag:s1], $0x80  }
0x18e: {  	[sflag:s1] =	ssyncset.done @!p1 $0x0  }
0x18f: {  	[sflag:s1] =	ssyncadd.s32 @!p1 $0xFFFFFF80  }
0x190: {  	_ =	swait.ge @!p1 [sflag:s1], $0x80  }
0x191: {  	s9 =	simm.s32 @!p1 $0x0;
	[sflag:s1] =	ssyncset.done @!p1 $0x0  }
0x192: {  	s10 =	simm.s32 @!p1 $0x400;
	[sflag:s1] =	ssyncadd.s32 @!p1 $0xFFFFFF80;
	s1 =	simm.s32 @!p1 $0x80  }
0x193: {  	[tilespmem:s10], [sflag:$0x1] =	stream.indirect.gather @!p1 [spmem:s2], $0x40, s9, s1, $0xb8;
	[tilespmem:$0x18380] =	vst v63  }
0x194: {  	s11 =	simm.s32 @!p1 $0x8400;
	s10 =	simm.s32 @!p1 $0x200  }
0x195: {  	[tilespmem:s11], [sflag:$0x1] =	stream.indirect.gather @!p1 [spmem:s3], $0x40, s10, s1, $0xb8;
	[tilespmem:$0x18380] =	vst v63  }
0x196: {  	s10 =	rddreg [dreg:$0x10]  }
0x197: {  	s10 =	sadd.s32 @!p1 s10, s6  }
0x198: {  	s10 =	sshrl.u32 @!p1 s10, $0x3  }
0x199: {  	s11 =	sadd.s32 @!p1 s7, s10  }
0x19a: {  	[tilespmem:s1], [sflag:$0x8] =	stream.linear.gather @!p1 [hbm4b:s11+s9], $0x80, $0x38;
	[tilespmem:$0x18380] =	vst v63  }
0x19b: {  	s1 =	sadd.s32 @!p1 s8, s10;
	s10 =	simm.s32 @!p1 $0x280;
	s11 =	simm.s32 $0x2480  }
0x19c: {  	[tilespmem:s10], [sflag:$0x8] =	stream.linear.gather @!p1 [hbm4b:s1+s9], $0x80, $0x38;
	[tilespmem:$0x18380] =	vst v63  }
0x19d: {  	s9 =	simm.s32 $0xA480;
	v1 =	vld [tilespmem:s11+$0x40]  }
0x19e: {  	v2 =	vld [tilespmem:s9+$0x40]  }
0x19f: {  	s20 =	simm.s32 $0x3;
	v3 =	vld [tilespmem:s9+$0xFFFFFF80]  }
0x1a0: {  	v5 =	vadd.s32 s20, v0;
	v4 =	vld [tilespmem:s11+$0xFFFFFFC0]  }
0x1a1: {  	v6 =	vld [tilespmem:s9+$0xFFFFFFC0]  }
0x1a2: {  	s21 =	simm.s32 $0x1;
	v7 =	vld [tilespmem:s11+$0x0]  }
0x1a3: {  	v8 =	vadd.s32 s21, v0;
	v9 =	vld [tilespmem:s9+$0x0];
	v1 =	vadd.f32 v2, v1  }
0x1a4: {  	s25 =	simm.s32 $0x2;
	v2 =	vld [tilespmem:s11+$0xFFFFFF80]  }
0x1a5: {  	v10 =	vadd.s32 s25, v0;
	s10 =	simm.s32 $0x0;
	[tilespmem:v5+s0+$0x0] =	vst.idx.msk $0xffff, v1  }
0x1a6: {  	v4 =	vadd.f32 v6, v4;
	v1 =	vadd.s32 s10, v0;
	v5 =	vld [tilespmem:s11+$0x50]  }
0x1a7: {  	v6 =	vld [tilespmem:s9+$0x50]  }
0x1a8: {  	s12 =	simm.s32 $0x813;
	[tilespmem:v8+s0+$0x0] =	vst.idx.msk $0xffff, v4;
	v4 =	vadd.f32 v9, v7  }
0x1a9: {  	v7 =	vadd.s32 s12, v0;
	v8 =	vld [tilespmem:s9+$0xFFFFFFD0];
	v2 =	vadd.f32 v3, v2  }
0x1aa: {  	[tilespmem:v10+s0+$0x0] =	vst.idx.msk $0xffff, v4;
	v3 =	vld [tilespmem:s11+$0xFFFFFFD0]  }
0x1ab: {  	s13 =	simm.s32 $0x811;
	v9 =	vld [tilespmem:s9+$0x10];
	[tilespmem:v1+s0+$0x0] =	vst.idx.msk $0xffff, v2  }
0x1ac: {  	v4 =	vadd.s32 s13, v0;
	v2 =	vld [tilespmem:s11+$0xFFFFFF90];
	v5 =	vadd.f32 v6, v5  }
0x1ad: {  	v6 =	vld [tilespmem:s9+$0xFFFFFF90]  }
0x1ae: {  	s14 =	simm.s32 $0x810;
	v1 =	vld [tilespmem:s11+$0x10];
	[tilespmem:v7+s0+$0x0] =	vst.idx.msk $0xffff, v5  }
0x1af: {  	v5 =	vadd.s32 s14, v0;
	v3 =	vadd.f32 v8, v3;
	v7 =	vld [tilespmem:s11+$0x60]  }
0x1b0: {  	s16 =	simm.s32 $0x812;
	v8 =	vld [tilespmem:s9+$0x60]  }
0x1b1: {  	s17 =	simm.s32 $0x1023;
	v10 =	vadd.s32 s16, v0;
	[tilespmem:v4+s0+$0x0] =	vst.idx.msk $0xffff, v3  }
0x1b2: {  	v4 =	vadd.s32 s17, v0;
	v2 =	vadd.f32 v6, v2;
	v3 =	vld [tilespmem:s11+$0xFFFFFFE0]  }
0x1b3: {  	v6 =	vld [tilespmem:s9+$0xFFFFFFE0]  }
0x1b4: {  	s18 =	simm.s32 $0x1021;
	v1 =	vadd.f32 v9, v1;
	[tilespmem:v5+s0+$0x0] =	vst.idx.msk $0xffff, v2  }
0x1b5: {  	v5 =	vadd.s32 s18, v0;
	v2 =	vld [tilespmem:s11+$0xFFFFFFA0];
	v7 =	vadd.f32 v8, v7  }
0x1b6: {  	[tilespmem:v10+s0+$0x0] =	vst.idx.msk $0xffff, v1;
	v1 =	vld [tilespmem:s9+$0xFFFFFFA0]  }
0x1b7: {  	v8 =	vld [tilespmem:s11+$0x20];
	[tilespmem:v4+s0+$0x0] =	vst.idx.msk $0xffff, v7  }
0x1b8: {  	s19 =	simm.s32 $0x1020;
	v3 =	vadd.f32 v6, v3;
	v7 =	vld [tilespmem:s11+$0x70]  }
0x1b9: {  	v10 =	vadd.s32 s19, v0;
	v9 =	vld [tilespmem:s9+$0x70]  }
0x1ba: {  	s20 =	simm.s32 $0x1833;
	[tilespmem:v5+s0+$0x0] =	vst.idx.msk $0xffff, v3;
	v5 =	vld [tilespmem:s9+$0x20]  }
0x1bb: {  	s21 =	simm.s32 $0x1022;
	v12 =	vadd.s32 s20, v0;
	v11 =	vld [tilespmem:s11+$0xFFFFFFF0]  }
0x1bc: {  	v14 =	vadd.s32 s21, v0;
	s13 =	simm.s32 $0x2580;
	v13 =	vld [tilespmem:s9+$0xFFFFFFF0];
	v1 =	vadd.f32 v1, v2  }
0x1bd: {  	s25 =	simm.s32 $0x1831;
	s12 =	simm.s32 $0xA580;
	v4 =	vld [tilespmem:s13+$0x40]  }
0x1be: {  	v6 =	vld [tilespmem:s12+$0x40];
	[tilespmem:v10+s0+$0x0] =	vst.idx.msk $0xffff, v1;
	v1 =	vadd.s32 s25, v0;
	v2 =	vadd.f32 v9, v7  }
0x1bf: {  	s16 =	simm.s32 $0x7;
	v3 =	vld [tilespmem:s12+$0xFFFFFF80];
	v9 =	vadd.f32 v5, v8  }
0x1c0: {  	v7 =	vld [tilespmem:s12+$0xFFFFFFC0];
	v8 =	vadd.s32 s16, v0;
	[tilespmem:v12+s0+$0x0] =	vst.idx.msk $0xffff, v2  }
0x1c1: {  	s14 =	simm.s32 $0x4;
	v5 =	vld [tilespmem:s13+$0xFFFFFFC0];
	s16 =	simm.s32 $0x8;
	v2 =	vadd.f32 v13, v11;
	[tilespmem:v14+s0+$0x0] =	vst.idx.msk $0xffff, v9  }
.LBB2_7:
0x1c2: {  	p3 =	slt.u32 s16, $0x7C;
	s1 =	sadd.s32 $0x1, s14;
	v9 =	vld [tilespmem:s13+$0x0]  }
0x1c3: {  	v10 =	vadd.s32 s1, v0;
	v11 =	vld [tilespmem:s12+$0x0];
	v4 =	vadd.f32 v6, v4;
	[tilespmem:v1+s0+$0x0] =	vst.idx.msk $0xffff, v2  }
0x1c4: {  	s1 =	sadd.s32 $0x2, s14;
	v1 =	vld [tilespmem:s13+$0xFFFFFF80]  }
0x1c5: {  	v2 =	vadd.s32 s1, v0;
	[tilespmem:v8+s0+$0x0] =	vst.idx.msk $0xffff, v4;
	v4 =	vld [tilespmem:s11+$0xFFFFFFB0]  }
0x1c6: {  	v6 =	vadd.s32 s14, v0;
	v5 =	vadd.f32 v7, v5;
	v7 =	vld [tilespmem:s13+$0x50]  }
0x1c7: {  	v8 =	vld [tilespmem:s12+$0x50]  }
0x1c8: {  	s1 =	sadd.s32 $0x813, s14;
	[tilespmem:v10+s0+$0x0] =	vst.idx.msk $0xffff, v5;
	v5 =	vadd.f32 v11, v9;
	v9 =	vld [tilespmem:s9+$0xFFFFFFB0]  }
0x1c9: {  	v10 =	vadd.s32 s1, v0;
	s1 =	sadd.s32 $0x1830, s10;
	v1 =	vadd.f32 v3, v1;
	v3 =	vld [tilespmem:s13+$0xFFFFFFD0]  }
0x1ca: {  	v11 =	vld [tilespmem:s12+$0xFFFFFFD0];
	[tilespmem:v2+s0+$0x0] =	vst.idx.msk $0xffff, v5;
	v2 =	vadd.s32 s1, v0  }
0x1cb: {  	s1 =	sadd.s32 $0x811, s14;
	[tilespmem:v6+s0+$0x0] =	vst.idx.msk $0xffff, v1;
	v1 =	vld [tilespmem:s13+$0x10]  }
0x1cc: {  	v6 =	vadd.s32 s1, v0;
	v5 =	vld [tilespmem:s13+$0xFFFFFF90];
	v7 =	vadd.f32 v8, v7  }
0x1cd: {  	v8 =	vld [tilespmem:s12+$0xFFFFFF90];
	v4 =	vadd.f32 v9, v4  }
0x1ce: {  	s1 =	sadd.s32 $0x810, s14;
	v9 =	vld [tilespmem:s12+$0x10];
	[tilespmem:v10+s0+$0x0] =	vst.idx.msk $0xffff, v7  }
0x1cf: {  	v7 =	vadd.s32 s1, v0;
	s1 =	sadd.s32 $0x812, s14;
	v3 =	vadd.f32 v11, v3;
	v10 =	vld [tilespmem:s13+$0x60];
	[tilespmem:v2+s0+$0x0] =	vst.idx.msk $0xffff, v4  }
0x1d0: {  	v2 =	vadd.s32 s1, v0;
	v4 =	vld [tilespmem:s12+$0x60]  }
0x1d1: {  	s1 =	sadd.s32 $0x1023, s14;
	[tilespmem:v6+s0+$0x0] =	vst.idx.msk $0xffff, v3;
	v3 =	vld [tilespmem:s11+$0x30];
	s11 =	smov.u32 s13  }
0x1d2: {  	v5 =	vadd.f32 v8, v5;
	v6 =	vld [tilespmem:s13+$0xFFFFFFE0];
	v8 =	vadd.s32 s1, v0  }
0x1d3: {  	v11 =	vld [tilespmem:s12+$0xFFFFFFE0];
	v1 =	vadd.f32 v9, v1  }
0x1d4: {  	s1 =	sadd.s32 $0x1021, s14;
	[tilespmem:v7+s0+$0x0] =	vst.idx.msk $0xffff, v5;
	v5 =	vld [tilespmem:s9+$0x30];
	s9 =	smov.u32 s12  }
0x1d5: {  	v9 =	vadd.s32 s1, v0;
	s1 =	sadd.s32 $0x1832, s10;
	s10 =	smov.u32 s14;
	s14 =	smov.u32 s16;
	v7 =	vld [tilespmem:s13+$0xFFFFFFA0];
	[tilespmem:v2+s0+$0x0] =	vst.idx.msk $0xffff, v1;
	v1 =	vadd.f32 v4, v10  }
0x1d6: {  	v4 =	vadd.s32 s1, v0;
	v2 =	vld [tilespmem:s12+$0xFFFFFFA0]  }
0x1d7: {  	s1 =	sadd.s32 $0x1020, s10;
	v10 =	vld [tilespmem:s13+$0x20];
	[tilespmem:v8+s0+$0x0] =	vst.idx.msk $0xffff, v1  }
0x1d8: {  	v1 =	vadd.s32 s1, v0;
	v6 =	vadd.f32 v11, v6;
	v8 =	vld [tilespmem:s13+$0x70]  }
0x1d9: {  	v11 =	vld [tilespmem:s12+$0x70];
	v3 =	vadd.f32 v5, v3  }
0x1da: {  	s1 =	sadd.s32 $0x1833, s10;
	[tilespmem:v9+s0+$0x0] =	vst.idx.msk $0xffff, v6;
	v5 =	vld [tilespmem:s12+$0x20]  }
0x1db: {  	s17 =	sadd.s32 $0x1022, s10;
	v2 =	vadd.f32 v2, v7;
	v9 =	vld [tilespmem:s13+$0xFFFFFFF0];
	v7 =	vadd.s32 s1, v0;
	[tilespmem:v4+s0+$0x0] =	vst.idx.msk $0xffff, v3  }
0x1dc: {  	v13 =	vadd.s32 s17, v0;
	s13 =	sadd.s32 $0x100, s13;
	v12 =	vld [tilespmem:s12+$0xFFFFFFF0]  }
.Ltmp2:
0x1dd: {  	s1 =	sadd.s32 $0x1831, s10;
	s12 =	sadd.s32 $0x100, s12;
	v4 =	vld [tilespmem:s13+$0x40];
	[tilespmem:v1+s0+$0x0] =	vst.idx.msk $0xffff, v2;
	(pc) =	sbr.rel @p3 .LBB2_7-.Ltmp2, $4  }
0x1de: {  	v1 =	vadd.s32 s1, v0;
	v6 =	vld [tilespmem:s12+$0x40];
	v2 =	vadd.f32 v11, v8  }
0x1df: {  	s1 =	sadd.s32 $0x3, s16;
	v3 =	vld [tilespmem:s12+$0xFFFFFF80];
	v10 =	vadd.f32 v5, v10  }
0x1e0: {  	v8 =	vadd.s32 s1, v0;
	v5 =	vld [tilespmem:s13+$0xFFFFFFC0];
	[tilespmem:v7+s0+$0x0] =	vst.idx.msk $0xffff, v2  }
0x1e1: {  	s16 =	sadd.s32 $0x4, s16;
	v7 =	vld [tilespmem:s12+$0xFFFFFFC0];
	v2 =	vadd.f32 v12, v9;
	[tilespmem:v13+s0+$0x0] =	vst.idx.msk $0xffff, v10  }
0x1e2: {  	_ = 	snop  }
0x1e3: {  	s1 =	sadd.s32 $0x1, s14;
	v9 =	vld [tilespmem:s13+$0x0]  }
0x1e4: {  	v10 =	vadd.s32 s1, v0;
	v4 =	vadd.f32 v6, v4;
	v6 =	vld [tilespmem:s13+$0xFFFFFF80]  }
0x1e5: {  	v11 =	vld [tilespmem:s12+$0x0]  }
0x1e6: {  	v46 =	vadd.s32 s14, v0;
	v16 =	vld [tilespmem:s9+$0x30];
	[tilespmem:v8+s0+$0x0] =	vst.idx.msk $0xffff, v4  }
0x1e7: {  	s17 =	sadd.s32 $0x2, s14;
	v5 =	vadd.f32 v7, v5;
	v7 =	vld [tilespmem:s13+$0x50]  }
0x1e8: {  	v12 =	vadd.s32 s17, v0;
	v13 =	vld [tilespmem:s12+$0x50]  }
0x1e9: {  	s18 =	sadd.s32 $0x813, s14;
	v4 =	vld [tilespmem:s11+$0xFFFFFFB0];
	[tilespmem:v10+s0+$0x0] =	vst.idx.msk $0xffff, v5;
	v3 =	vadd.f32 v3, v6  }
0x1ea: {  	v47 =	vadd.s32 s18, v0;
	v6 =	vld [tilespmem:s13+$0xFFFFFFD0]  }
0x1eb: {  	v9 =	vadd.f32 v11, v9;
	v48 =	vld [tilespmem:s12+$0xFFFFFFD0];
	[tilespmem:v46+s0+$0x0] =	vst.idx.msk $0xffff, v3  }
0x1ec: {  	s19 =	sadd.s32 $0x811, s14;
	v3 =	vld [tilespmem:s13+$0xFFFFFF90]  }
0x1ed: {  	v49 =	vadd.s32 s19, v0;
	[tilespmem:v12+s0+$0x0] =	vst.idx.msk $0xffff, v9;
	v7 =	vadd.f32 v13, v7;
	v50 =	vld [tilespmem:s12+$0xFFFFFF90]  }
0x1ee: {  	s20 =	sadd.s32 $0x810, s14;
	v12 =	vld [tilespmem:s13+$0x10]  }
0x1ef: {  	v51 =	vld [tilespmem:s12+$0x10];
	[tilespmem:v47+s0+$0x0] =	vst.idx.msk $0xffff, v7;
	v7 =	vadd.s32 s20, v0  }
0x1f0: {  	s21 =	sadd.s32 $0x812, s14;
	v6 =	vadd.f32 v48, v6;
	v10 =	vld [tilespmem:s13+$0x60]  }
0x1f1: {  	v52 =	vadd.s32 s21, v0;
	v14 =	vld [tilespmem:s12+$0x60]  }
0x1f2: {  	[tilespmem:v49+s0+$0x0] =	vst.idx.msk $0xffff, v6;
	v6 =	vld [tilespmem:s11+$0x30];
	v3 =	vadd.f32 v50, v3  }
0x1f3: {  	s25 =	sadd.s32 $0x1023, s14;
	v8 =	vld [tilespmem:s13+$0xFFFFFFE0]  }
0x1f4: {  	v53 =	vadd.s32 s25, v0;
	v12 =	vadd.f32 v51, v12;
	v15 =	vld [tilespmem:s12+$0xFFFFFFE0];
	[tilespmem:v7+s0+$0x0] =	vst.idx.msk $0xffff, v3  }
0x1f5: {  	s11 =	sadd.s32 $0x1021, s14;
	v3 =	vld [tilespmem:s13+$0xFFFFFFA0]  }
0x1f6: {  	[tilespmem:v52+s0+$0x0] =	vst.idx.msk $0xffff, v12;
	v7 =	vadd.s32 s11, v0;
	v54 =	vld [tilespmem:s12+$0xFFFFFFA0]  }
0x1f7: {  	s16 =	sadd.s32 $0x1020, s14;
	v12 =	vld [tilespmem:s13+$0x20];
	v10 =	vadd.f32 v14, v10  }
0x1f8: {  	v55 =	vadd.s32 s16, v0;
	v56 =	vld [tilespmem:s12+$0x20]  }
0x1f9: {  	s17 =	sadd.s32 $0x1022, s14;
	v5 =	vld [tilespmem:s9+$0xFFFFFFB0];
	[tilespmem:v53+s0+$0x0] =	vst.idx.msk $0xffff, v10;
	v8 =	vadd.f32 v15, v8  }
0x1fa: {  	v57 =	vadd.s32 s17, v0;
	v9 =	vld [tilespmem:s13+$0x70]  }
0x1fb: {  	v58 =	vld [tilespmem:s12+$0x70];
	[tilespmem:v7+s0+$0x0] =	vst.idx.msk $0xffff, v8;
	v3 =	vadd.f32 v54, v3  }
0x1fc: {  	v7 =	vld [tilespmem:s13+$0xFFFFFFF0]  }
0x1fd: {  	s18 =	sadd.s32 $0x1830, s10;
	v8 =	vld [tilespmem:s12+$0xFFFFFFF0];
	[tilespmem:v55+s0+$0x0] =	vst.idx.msk $0xffff, v3;
	v3 =	vadd.f32 v56, v12  }
0x1fe: {  	s19 =	sadd.s32 $0x1832, s10;
	v59 =	vadd.s32 s18, v0;
	v60 =	vld [tilespmem:s13+$0xFFFFFFB0]  }
0x1ff: {  	v61 =	vadd.s32 s19, v0;
	s20 =	sadd.s32 $0x1833, s14;
	[tilespmem:v57+s0+$0x0] =	vst.idx.msk $0xffff, v3;
	v3 =	vld [tilespmem:s12+$0xFFFFFFB0]  }
0x200: {  	s21 =	sadd.s32 $0x1831, s14;
	v62 =	vadd.s32 s20, v0;
	v63 =	vld [tilespmem:s13+$0x30]  }
0x201: {  	s25 =	sadd.s32 $0x1830, s14;
	v4 =	vadd.f32 v5, v4;
	v5 =	vadd.s32 s21, v0;
	v17 =	vld [tilespmem:s12+$0x30]  }
0x202: {  	[tilespmem:v1+s0+$0x0] =	vst.idx.msk $0xffff, v2;
	v2 =	vadd.s32 s25, v0;
	s9 =	sadd.s32 $0x1832, s14;
	v1 =	vadd.f32 v16, v6  }
0x203: {  	[tilespmem:v59+s0+$0x0] =	vst.idx.msk $0xffff, v4;
	v6 =	vadd.s32 s9, v0;
	v4 =	vadd.f32 v58, v9  }
0x204: {  	[tilespmem:v61+s0+$0x0] =	vst.idx.msk $0xffff, v1;
	v1 =	vadd.f32 v8, v7  }
0x205: {  	[tilespmem:v62+s0+$0x0] =	vst.idx.msk $0xffff, v4;
	v3 =	vadd.f32 v3, v60  }
0x206: {  	[tilespmem:v5+s0+$0x0] =	vst.idx.msk $0xffff, v1;
	v1 =	vadd.f32 v17, v63  }
0x207: {  	[tilespmem:v2+s0+$0x0] =	vst.idx.msk $0xffff, v3  }
0x208: {  	s1 =	simm.s32 @!p2 $0x6;
	[tilespmem:v6+s0+$0x0] =	vst.idx.msk $0xffff, v1  }
0x209: {  	_ =	swait.ge @!p2 [sflag:s1], $0x400  }
0x20a: {  	[sflag:s1] =	ssyncset.done @!p2 $0x0  }
0x20b: {  	[sflag:s1] =	ssyncadd.s32 @!p2 $0xFFFFFC00  }
0x20c: {  	_ =	swait.ge @!p2 [sflag:s1], $0x400  }
0x20d: {  	[sflag:s1] =	ssyncset.done @!p2 $0x0  }
0x20e: {  	[sflag:s1] =	ssyncadd.s32 @!p2 $0xFFFFFC00  }
0x20f: {  	_ =	swait.ge @!p2 [sflag:s1], $0x400  }
0x210: {  	[sflag:s1] =	ssyncset.done @!p2 $0x0  }
0x211: {  	[sflag:s1] =	ssyncadd.s32 @!p2 $0xFFFFFC00  }
0x212: {  	_ =	swait.ge @!p2 [sflag:s1], $0x400  }
0x213: {  	[sflag:s1] =	ssyncset.done @!p2 $0x0  }
0x214: {  	[sflag:s1] =	ssyncadd.s32 @!p2 $0xFFFFFC00  }
0x215: {  	_ =	swait.ge @!p2 [sflag:s1], $0x400  }
0x216: {  	[sflag:s1] =	ssyncset.done @!p2 $0x0  }
0x217: {  	[sflag:s1] =	ssyncadd.s32 @!p2 $0xFFFFFC00  }
0x218: {  	_ =	swait.ge @!p2 [sflag:s1], $0x400  }
0x219: {  	[sflag:s1] =	ssyncset.done @!p2 $0x0  }
0x21a: {  	[sflag:s1] =	ssyncadd.s32 @!p2 $0xFFFFFC00  }
0x21b: {  	_ =	swait.ge @!p2 [sflag:s1], $0x400  }
0x21c: {  	[sflag:s1] =	ssyncset.done @!p2 $0x0  }
0x21d: {  	[sflag:s1] =	ssyncadd.s32 @!p2 $0xFFFFFC00  }
0x21e: {  	_ =	swait.ge @!p2 [sflag:s1], $0x400  }
0x21f: {  	[sflag:s1] =	ssyncset.done @!p2 $0x0  }
0x220: {  	s10 =	simm.s32 $0x10502;
	[sflag:s1] =	ssyncadd.s32 @!p2 $0xFFFFFC00  }
0x221: {  	v1 =	vld [tilespmem:s10+$0x81]  }
0x222: {  	v3 =	vld [tilespmem:s10+$0x0]  }
0x223: {  	v2 =	vld [tilespmem:s10+$0xFFFFFF7F]  }
0x224: {  	v4 =	vld [tilespmem:s10+$0xFFFFFEFE]  }
0x225: {  	s11 =	simm.s32 $0x183;
	s9 =	simm.s32 $0x14540  }
0x226: {  	s18 =	sand.u32 $0x1FFF, s11;
	s13 =	simm.s32 $0x102;
	[tilespmem:s9+$0x80] =	vst v1  }
0x227: {  	s12 =	simm.s32 $0x81;
	s25 =	sand.u32 $0x1FFE, s13;
	[tilespmem:s9+$0x0] =	vst v3;
	v1 =	vld [tilespmem:s18+$0x10410]  }
0x228: {  	s14 =	simm.s32 $0x0;
	s1 =	sand.u32 $0x1FFD, s12;
	[tilespmem:s9+$0xFFFFFF80] =	vst v2;
	v3 =	vld [tilespmem:s25+$0x10410]  }
0x229: {  	s17 =	sand.u32 $0x1FFC, s14;
	[tilespmem:s9+$0xFFFFFF00] =	vst v4;
	v2 =	vld [tilespmem:s1+$0x10410]  }
0x22a: {  	v4 =	vld [tilespmem:s17+$0x10410];
	_ =	sdelay $0x1  }
0x22b: {  	[tilespmem:s9+$0x90] =	vst v1  }
0x22c: {  	[tilespmem:s9+$0x10] =	vst v3;
	v1 =	vld [tilespmem:s18+$0x10420]  }
0x22d: {  	[tilespmem:s9+$0xFFFFFF90] =	vst v2;
	v3 =	vld [tilespmem:s25+$0x10420]  }
0x22e: {  	[tilespmem:s9+$0xFFFFFF10] =	vst v4;
	v2 =	vld [tilespmem:s1+$0x10420]  }
0x22f: {  	v4 =	vld [tilespmem:s17+$0x10420];
	_ =	sdelay $0x1  }
0x230: {  	[tilespmem:s9+$0xA0] =	vst v1  }
0x231: {  	[tilespmem:s9+$0x20] =	vst v3;
	v1 =	vld [tilespmem:s18+$0x10430]  }
0x232: {  	[tilespmem:s9+$0xFFFFFFA0] =	vst v2;
	v3 =	vld [tilespmem:s25+$0x10430]  }
0x233: {  	[tilespmem:s9+$0xFFFFFF20] =	vst v4;
	v2 =	vld [tilespmem:s1+$0x10430]  }
0x234: {  	v4 =	vld [tilespmem:s17+$0x10430];
	_ =	sdelay $0x1  }
0x235: {  	[tilespmem:s9+$0xB0] =	vst v1  }
0x236: {  	[tilespmem:s9+$0x30] =	vst v3;
	v1 =	vld [tilespmem:s18+$0x10440]  }
0x237: {  	[tilespmem:s9+$0xFFFFFFB0] =	vst v2;
	v3 =	vld [tilespmem:s25+$0x10440]  }
0x238: {  	[tilespmem:s9+$0xFFFFFF30] =	vst v4;
	v2 =	vld [tilespmem:s1+$0x10440]  }
0x239: {  	v4 =	vld [tilespmem:s17+$0x10440]  }
0x23a: {  	s16 =	simm.s32 $0x10706  }
0x23b: {  	v5 =	vld [tilespmem:s16+$0x81];
	[tilespmem:s9+$0xC0] =	vst v1  }
0x23c: {  	[tilespmem:s9+$0x40] =	vst v3;
	v3 =	vld [tilespmem:s16+$0xFFFFFF7F]  }
0x23d: {  	[tilespmem:s9+$0xFFFFFFC0] =	vst v2;
	v1 =	vld [tilespmem:s18+$0x10450]  }
0x23e: {  	[tilespmem:s9+$0xFFFFFF40] =	vst v4;
	v4 =	vld [tilespmem:s16+$0x0]  }
0x23f: {  	s19 =	simm.s32 $0x387;
	s10 =	simm.s32 $0x14740;
	v2 =	vld [tilespmem:s1+$0x10450]  }
0x240: {  	s20 =	simm.s32 $0x285;
	s12 =	sand.u32 $0x1FFF, s19;
	v6 =	vld [tilespmem:s16+$0xFFFFFEFE];
	[tilespmem:s10+$0x80] =	vst v5  }
0x241: {  	s11 =	sand.u32 $0x1FFD, s20;
	[tilespmem:s10+$0xFFFFFF80] =	vst v3;
	v3 =	vld [tilespmem:s12+$0x10410]  }
0x242: {  	[tilespmem:s9+$0xD0] =	vst v1;
	v5 =	vld [tilespmem:s11+$0x10410]  }
0x243: {  	s21 =	simm.s32 $0x306;
	[tilespmem:s10+$0x0] =	vst v4;
	v1 =	vld [tilespmem:s18+$0x10460]  }
0x244: {  	s13 =	sand.u32 $0x1FFE, s21;
	s16 =	simm.s32 $0x204;
	[tilespmem:s9+$0xFFFFFFD0] =	vst v2;
	v2 =	vld [tilespmem:s17+$0x10450]  }
0x245: {  	[tilespmem:s10+$0xFFFFFF00] =	vst v6;
	s14 =	sand.u32 $0x1FFC, s16;
	v4 =	vld [tilespmem:s13+$0x10410]  }
0x246: {  	v6 =	vld [tilespmem:s14+$0x10410];
	[tilespmem:s10+$0x90] =	vst v3  }
0x247: {  	[tilespmem:s10+$0xFFFFFF90] =	vst v5;
	v3 =	vld [tilespmem:s12+$0x10420]  }
0x248: {  	[tilespmem:s9+$0xE0] =	vst v1;
	v5 =	vld [tilespmem:s11+$0x10420]  }
0x249: {  	[tilespmem:s9+$0xFFFFFF50] =	vst v2;
	v1 =	vld [tilespmem:s18+$0x10470]  }
0x24a: {  	v2 =	vld [tilespmem:s25+$0x10450];
	[tilespmem:s10+$0x10] =	vst v4  }
0x24b: {  	[tilespmem:s10+$0xFFFFFF10] =	vst v6;
	v4 =	vld [tilespmem:s13+$0x10420]  }
0x24c: {  	v6 =	vld [tilespmem:s14+$0x10420];
	[tilespmem:s10+$0xA0] =	vst v3  }
0x24d: {  	[tilespmem:s10+$0xFFFFFFA0] =	vst v5;
	v3 =	vld [tilespmem:s12+$0x10430]  }
0x24e: {  	[tilespmem:s9+$0xF0] =	vst v1;
	v1 =	vld [tilespmem:s17+$0x10460]  }
0x24f: {  	[tilespmem:s9+$0x50] =	vst v2;
	v5 =	vld [tilespmem:s11+$0x10430]  }
0x250: {  	v2 =	vld [tilespmem:s1+$0x10460];
	[tilespmem:s10+$0x20] =	vst v4  }
0x251: {  	[tilespmem:s10+$0xFFFFFF20] =	vst v6;
	v4 =	vld [tilespmem:s13+$0x10430]  }
0x252: {  	v6 =	vld [tilespmem:s14+$0x10430];
	[tilespmem:s10+$0xB0] =	vst v3  }
0x253: {  	[tilespmem:s9+$0xFFFFFF60] =	vst v1;
	v1 =	vld [tilespmem:s25+$0x10460]  }
0x254: {  	[tilespmem:s10+$0xFFFFFFB0] =	vst v5;
	v5 =	vld [tilespmem:s12+$0x10440]  }
0x255: {  	[tilespmem:s9+$0xFFFFFFE0] =	vst v2;
	v2 =	vld [tilespmem:s17+$0x10470]  }
0x256: {  	[tilespmem:s10+$0x30] =	vst v4;
	v7 =	vld [tilespmem:s11+$0x10440]  }
0x257: {  	[tilespmem:s10+$0xFFFFFF30] =	vst v6;
	v6 =	vld [tilespmem:s13+$0x10440]  }
0x258: {  	v3 =	vld [tilespmem:s14+$0x10440];
	[tilespmem:s9+$0x60] =	vst v1  }
0x259: {  	v1 =	vld [tilespmem:s1+$0x10470];
	[tilespmem:s10+$0xC0] =	vst v5  }
0x25a: {  	[tilespmem:s9+$0xFFFFFF70] =	vst v2;
	v2 =	vld [tilespmem:s25+$0x10470]  }
0x25b: {  	[tilespmem:s10+$0xFFFFFFC0] =	vst v7;
	v5 =	vld [tilespmem:s12+$0x10450]  }
0x25c: {  	s1 =	simm.s32 $0x1090A;
	s25 =	simm.s32 $0x4;
	[tilespmem:s10+$0x40] =	vst v6;
	v4 =	vld [tilespmem:s11+$0x10450]  }
.LBB2_9:
0x25d: {  	v6 =	vld [tilespmem:s1+$0x81];
	s25 =	sadd.s32 $0x4, s25;
	[tilespmem:s10+$0xFFFFFF40] =	vst v3  }
0x25e: {  	v3 =	vld [tilespmem:s1+$0xFFFFFF7F];
	p2 =	slt.u32 s25, $0x3C;
	[tilespmem:s9+$0xFFFFFFF0] =	vst v1  }
0x25f: {  	v1 =	vld [tilespmem:s1+$0x0];
	[tilespmem:s9+$0x70] =	vst v2;
	s9 =	smov.u32 s10  }
0x260: {  	s16 =	sadd.s32 $0x204, s16;
	v2 =	vld [tilespmem:s1+$0xFFFFFEFE];
	[tilespmem:s10+$0xD0] =	vst v5  }
0x261: {  	s17 =	sadd.s32 $0x81, s16;
	s18 =	sadd.s32 $0x183, s16;
	s10 =	sadd.s32 $0x200, s10;
	[tilespmem:s9+$0xFFFFFFD0] =	vst v4;
	v4 =	vld [tilespmem:s12+$0x10460]  }
0x262: {  	s19 =	sadd.s32 $0x102, s16;
	s17 =	sand.u32 $0x1FFD, s17;
	s20 =	sand.u32 $0x1FFF, s18;
	[tilespmem:s10+$0x80] =	vst v6;
	v5 =	vld [tilespmem:s14+$0x10450]  }
0x263: {  	s21 =	sand.u32 $0x1FFC, s16;
	s18 =	sand.u32 $0x1FFE, s19;
	[tilespmem:s10+$0xFFFFFF80] =	vst v3;
	v3 =	vld [tilespmem:s20+$0x10410]  }
0x264: {  	v6 =	vld [tilespmem:s17+$0x10410];
	[tilespmem:s10+$0x0] =	vst v1  }
0x265: {  	[tilespmem:s10+$0xFFFFFF00] =	vst v2;
	v1 =	vld [tilespmem:s18+$0x10410]  }
0x266: {  	v2 =	vld [tilespmem:s21+$0x10410];
	[tilespmem:s9+$0xE0] =	vst v4  }
0x267: {  	[tilespmem:s9+$0xFFFFFF50] =	vst v5;
	v4 =	vld [tilespmem:s12+$0x10470];
	s12 =	smov.u32 s20  }
0x268: {  	[tilespmem:s10+$0x90] =	vst v3;
	v3 =	vld [tilespmem:s13+$0x10450]  }
0x269: {  	[tilespmem:s10+$0xFFFFFF90] =	vst v6;
	v5 =	vld [tilespmem:s12+$0x10420]  }
0x26a: {  	v6 =	vld [tilespmem:s17+$0x10420];
	[tilespmem:s10+$0x10] =	vst v1  }
0x26b: {  	[tilespmem:s10+$0xFFFFFF10] =	vst v2;
	v1 =	vld [tilespmem:s18+$0x10420]  }
0x26c: {  	v2 =	vld [tilespmem:s21+$0x10420];
	[tilespmem:s9+$0xF0] =	vst v4  }
0x26d: {  	v4 =	vld [tilespmem:s14+$0x10460];
	[tilespmem:s9+$0x50] =	vst v3  }
0x26e: {  	[tilespmem:s10+$0xA0] =	vst v5;
	v3 =	vld [tilespmem:s11+$0x10460]  }
0x26f: {  	[tilespmem:s10+$0xFFFFFFA0] =	vst v6;
	v5 =	vld [tilespmem:s12+$0x10430]  }
0x270: {  	v6 =	vld [tilespmem:s17+$0x10430];
	[tilespmem:s10+$0x20] =	vst v1  }
0x271: {  	[tilespmem:s10+$0xFFFFFF20] =	vst v2;
	v1 =	vld [tilespmem:s18+$0x10430]  }
0x272: {  	v2 =	vld [tilespmem:s21+$0x10430];
	[tilespmem:s9+$0xFFFFFF60] =	vst v4  }
0x273: {  	[tilespmem:s9+$0xFFFFFFE0] =	vst v3;
	v4 =	vld [tilespmem:s13+$0x10460]  }
0x274: {  	[tilespmem:s10+$0xB0] =	vst v5;
	v5 =	vld [tilespmem:s14+$0x10470];
	s14 =	smov.u32 s21  }
0x275: {  	[tilespmem:s10+$0xFFFFFFB0] =	vst v6;
	v6 =	vld [tilespmem:s12+$0x10440]  }
0x276: {  	v7 =	vld [tilespmem:s17+$0x10440];
	[tilespmem:s10+$0x30] =	vst v1  }
0x277: {  	[tilespmem:s10+$0xFFFFFF30] =	vst v2;
	v8 =	vld [tilespmem:s18+$0x10440]  }
.Ltmp3:
0x278: {  	v3 =	vld [tilespmem:s14+$0x10440];
	[tilespmem:s9+$0x60] =	vst v4;
	(pc) =	sbr.rel @p2 .LBB2_9-.Ltmp3, $4  }
0x279: {  	[tilespmem:s9+$0xFFFFFF70] =	vst v5;
	v1 =	vld [tilespmem:s11+$0x10470];
	s11 =	smov.u32 s17  }
0x27a: {  	[tilespmem:s10+$0xC0] =	vst v6;
	v2 =	vld [tilespmem:s13+$0x10470];
	s13 =	smov.u32 s18  }
0x27b: {  	[tilespmem:s10+$0xFFFFFFC0] =	vst v7;
	v5 =	vld [tilespmem:s12+$0x10450]  }
0x27c: {  	s1 =	sadd.s32 $0x204, s1;
	v4 =	vld [tilespmem:s11+$0x10450];
	[tilespmem:s10+$0x40] =	vst v8  }
0x27d: {  	[tilespmem:s10+$0xFFFFFF40] =	vst v3;
	v6 =	vld [tilespmem:s13+$0x10450]  }
0x27e: {  	v3 =	vld [tilespmem:s14+$0x10450];
	_ =	sdelay $0x1  }
0x27f: {  	[tilespmem:s10+$0xD0] =	vst v5  }
0x280: {  	v5 =	vld [tilespmem:s12+$0x10460];
	[tilespmem:s10+$0xFFFFFFD0] =	vst v4  }
0x281: {  	[tilespmem:s10+$0x50] =	vst v6;
	v4 =	vld [tilespmem:s11+$0x10460]  }
0x282: {  	[tilespmem:s10+$0xFFFFFF50] =	vst v3;
	v6 =	vld [tilespmem:s13+$0x10460]  }
0x283: {  	v3 =	vld [tilespmem:s14+$0x10460]  }
0x284: {  	[tilespmem:s9+$0xFFFFFFF0] =	vst v1  }
0x285: {  	[tilespmem:s10+$0xE0] =	vst v5  }
0x286: {  	v5 =	vld [tilespmem:s12+$0x10470];
	[tilespmem:s10+$0xFFFFFFE0] =	vst v4  }
0x287: {  	[tilespmem:s10+$0x60] =	vst v6;
	v4 =	vld [tilespmem:s11+$0x10470]  }
0x288: {  	[tilespmem:s10+$0xFFFFFF60] =	vst v3;
	v1 =	vld [tilespmem:s13+$0x10470]  }
0x289: {  	v3 =	vld [tilespmem:s14+$0x10470]  }
0x28a: {  	[tilespmem:s9+$0x70] =	vst v2  }
0x28b: {  	[tilespmem:s10+$0xF0] =	vst v5  }
0x28c: {  	[tilespmem:s10+$0xFFFFFFF0] =	vst v4  }
0x28d: {  	[tilespmem:s10+$0x70] =	vst v1  }
0x28e: {  	[tilespmem:s10+$0xFFFFFF70] =	vst v3  }
0x28f: {  	s1 =	rddreg [dreg:$0x1c]  }
0x290: {  	s19 =	rddreg [dreg:$0x1d]  }
0x291: {  	s18 =	simm.s32 $0x14440;
	s21 =	rddreg [dreg:$0x1e];
	s1 =	sadd.s32 s5, s1  }
0x292: {  	[hbm4b:s1+s4] =	stream.linear.scatter [tilespmem:s18], [sflag:$0x6], $0x400, $0x38;
	[tilespmem:$0x18380] =	vst v63  }
0x293: {  	s20 =	simm.s32 $0x14840;
	s9 =	rddreg [dreg:$0x1f];
	s1 =	sadd.s32 s5, s19  }
0x294: {  	[hbm4b:s1+s4] =	stream.linear.scatter [tilespmem:s20], [sflag:$0x6], $0x400, $0x38;
	[tilespmem:$0x18380] =	vst v63  }
0x295: {  	s25 =	simm.s32 $0x14C40;
	s11 =	sld [smem:$0x7EA];
	s1 =	sadd.s32 s5, s21  }
0x296: {  	[hbm4b:s1+s4] =	stream.linear.scatter [tilespmem:s25], [sflag:$0x6], $0x400, $0x38;
	[tilespmem:$0x18380] =	vst v63  }
0x297: {  	s10 =	simm.s32 $0x15040;
	s13 =	sld [smem:$0x7EB];
	s1 =	sadd.s32 s5, s9  }
0x298: {  	[hbm4b:s1+s4] =	stream.linear.scatter [tilespmem:s10], [sflag:$0x6], $0x400, $0x38;
	[tilespmem:$0x18380] =	vst v63  }
0x299: {  	s12 =	simm.s32 $0x15440;
	s16 =	sld [smem:$0x7EC];
	s1 =	sadd.s32 s5, s11  }
0x29a: {  	[hbm4b:s1+s4] =	stream.linear.scatter [tilespmem:s12], [sflag:$0x6], $0x400, $0x38;
	[tilespmem:$0x18380] =	vst v63  }
0x29b: {  	s14 =	simm.s32 $0x15840;
	s18 =	sld [smem:$0x7ED];
	s1 =	sadd.s32 s5, s13  }
0x29c: {  	[hbm4b:s1+s4] =	stream.linear.scatter [tilespmem:s14], [sflag:$0x6], $0x400, $0x38;
	[tilespmem:$0x18380] =	vst v63  }
0x29d: {  	s17 =	simm.s32 $0x15C40;
	s1 =	sadd.s32 s5, s16  }
0x29e: {  	[hbm4b:s1+s4] =	stream.linear.scatter [tilespmem:s17], [sflag:$0x6], $0x400, $0x38;
	[tilespmem:$0x18380] =	vst v63  }
0x29f: {  	s19 =	simm.s32 $0x16040;
	s1 =	sadd.s32 s5, s18  }
0x2a0: {  	[hbm4b:s1+s4] =	stream.linear.scatter [tilespmem:s19], [sflag:$0x6], $0x400, $0x38;
	[tilespmem:$0x18380] =	vst v63  }
0x2a1: {  	_ =	swait.ge [sflag:s22], $0x2000  }
0x2a2: {  	[sflag:s22] =	ssyncset.done $0x0  }
0x2a3: {  	[sflag:s22] =	ssyncadd.s32 $0xFFFFE000  }
0x2a4: {  	_ =	swait.ge [sflag:s22], $0x2000  }
0x2a5: {  	[sflag:s22] =	ssyncset.done $0x0  }
0x2a6: {  	s1 =	simm.s32 @!p1 $0x8;
	[sflag:s22] =	ssyncadd.s32 $0xFFFFE000  }
0x2a7: {  	_ =	swait.ge @!p1 [sflag:s1], $0x80  }
0x2a8: {  	[sflag:s1] =	ssyncset.done @!p1 $0x0  }
0x2a9: {  	[sflag:s1] =	ssyncadd.s32 @!p1 $0xFFFFFF80  }
0x2aa: {  	_ =	swait.ge @!p1 [sflag:s1], $0x80  }
0x2ab: {  	[sflag:s1] =	ssyncset.done @!p1 $0x0  }
0x2ac: {  	s9 =	simm.s32 @!p1 $0x2400;
	[sflag:s1] =	ssyncadd.s32 @!p1 $0xFFFFFF80;
	s1 =	simm.s32 @!p1 $0x80  }
0x2ad: {  	[tilespmem:s9], [sflag:$0x2] =	stream.indirect.gather @!p1 [spmem:s2], $0x40, s1, s1, $0xb8;
	[tilespmem:$0x18380] =	vst v63  }
0x2ae: {  	s10 =	simm.s32 @!p1 $0xA400;
	s9 =	simm.s32 @!p1 $0x280  }
0x2af: {  	[tilespmem:s10], [sflag:$0x2] =	stream.indirect.gather @!p1 [spmem:s3], $0x40, s9, s1, $0xb8;
	[tilespmem:$0x18380] =	vst v63  }
0x2b0: {  	s1 =	rddreg [dreg:$0x11]  }
0x2b1: {  	s1 =	sadd.s32 @!p1 s1, s6  }
0x2b2: {  	s1 =	sshrl.u32 @!p1 s1, $0x3  }
0x2b3: {  	s11 =	simm.s32 @!p1 $0x100;
	s10 =	simm.s32 @!p1 $0x0;
	s9 =	sadd.s32 @!p1 s7, s1  }
0x2b4: {  	[tilespmem:s11], [sflag:$0x9] =	stream.linear.gather @!p1 [hbm4b:s9+s10], $0x80, $0x38;
	[tilespmem:$0x18380] =	vst v63  }
0x2b5: {  	s1 =	sadd.s32 @!p1 s8, s1;
	s9 =	simm.s32 @!p1 $0x300;
	s11 =	simm.s32 $0x4480  }
0x2b6: {  	[tilespmem:s9], [sflag:$0x9] =	stream.linear.gather @!p1 [hbm4b:s1+s10], $0x80, $0x38;
	[tilespmem:$0x18380] =	vst v63  }
0x2b7: {  	s9 =	simm.s32 $0xC480;
	v1 =	vld [tilespmem:s11+$0x40]  }
0x2b8: {  	v2 =	vld [tilespmem:s9+$0x40]  }
0x2b9: {  	s20 =	simm.s32 $0x3;
	v3 =	vld [tilespmem:s9+$0xFFFFFF80]  }
0x2ba: {  	v5 =	vadd.s32 s20, v0;
	v4 =	vld [tilespmem:s11+$0xFFFFFFC0]  }
0x2bb: {  	v6 =	vld [tilespmem:s9+$0xFFFFFFC0]  }
0x2bc: {  	s21 =	simm.s32 $0x1;
	v7 =	vld [tilespmem:s11+$0x0]  }
0x2bd: {  	v8 =	vadd.s32 s21, v0;
	v9 =	vld [tilespmem:s9+$0x0];
	v1 =	vadd.f32 v2, v1  }
0x2be: {  	s25 =	simm.s32 $0x2;
	v2 =	vld [tilespmem:s11+$0xFFFFFF80]  }
0x2bf: {  	v10 =	vadd.s32 s25, v0;
	s10 =	simm.s32 $0x0;
	[tilespmem:v5+s0+$0x0] =	vst.idx.msk $0xffff, v1  }
0x2c0: {  	v4 =	vadd.f32 v6, v4;
	v1 =	vadd.s32 s10, v0;
	v5 =	vld [tilespmem:s11+$0x50]  }
0x2c1: {  	v6 =	vld [tilespmem:s9+$0x50]  }
0x2c2: {  	s12 =	simm.s32 $0x813;
	[tilespmem:v8+s0+$0x0] =	vst.idx.msk $0xffff, v4;
	v4 =	vadd.f32 v9, v7  }
0x2c3: {  	v7 =	vadd.s32 s12, v0;
	v8 =	vld [tilespmem:s9+$0xFFFFFFD0];
	v2 =	vadd.f32 v3, v2  }
0x2c4: {  	[tilespmem:v10+s0+$0x0] =	vst.idx.msk $0xffff, v4;
	v3 =	vld [tilespmem:s11+$0xFFFFFFD0]  }
0x2c5: {  	s13 =	simm.s32 $0x811;
	v9 =	vld [tilespmem:s9+$0x10];
	[tilespmem:v1+s0+$0x0] =	vst.idx.msk $0xffff, v2  }
0x2c6: {  	v4 =	vadd.s32 s13, v0;
	v2 =	vld [tilespmem:s11+$0xFFFFFF90];
	v5 =	vadd.f32 v6, v5  }
0x2c7: {  	v6 =	vld [tilespmem:s9+$0xFFFFFF90]  }
0x2c8: {  	s14 =	simm.s32 $0x810;
	v1 =	vld [tilespmem:s11+$0x10];
	[tilespmem:v7+s0+$0x0] =	vst.idx.msk $0xffff, v5  }
0x2c9: {  	v5 =	vadd.s32 s14, v0;
	v3 =	vadd.f32 v8, v3;
	v7 =	vld [tilespmem:s11+$0x60]  }
0x2ca: {  	s16 =	simm.s32 $0x812;
	v8 =	vld [tilespmem:s9+$0x60]  }
0x2cb: {  	s17 =	simm.s32 $0x1023;
	v10 =	vadd.s32 s16, v0;
	[tilespmem:v4+s0+$0x0] =	vst.idx.msk $0xffff, v3  }
0x2cc: {  	v4 =	vadd.s32 s17, v0;
	v2 =	vadd.f32 v6, v2;
	v3 =	vld [tilespmem:s11+$0xFFFFFFE0]  }
0x2cd: {  	v6 =	vld [tilespmem:s9+$0xFFFFFFE0]  }
0x2ce: {  	s18 =	simm.s32 $0x1021;
	v1 =	vadd.f32 v9, v1;
	[tilespmem:v5+s0+$0x0] =	vst.idx.msk $0xffff, v2  }
0x2cf: {  	v5 =	vadd.s32 s18, v0;
	v2 =	vld [tilespmem:s11+$0xFFFFFFA0];
	v7 =	vadd.f32 v8, v7  }
0x2d0: {  	[tilespmem:v10+s0+$0x0] =	vst.idx.msk $0xffff, v1;
	v1 =	vld [tilespmem:s9+$0xFFFFFFA0]  }
0x2d1: {  	v8 =	vld [tilespmem:s11+$0x20];
	[tilespmem:v4+s0+$0x0] =	vst.idx.msk $0xffff, v7  }
0x2d2: {  	s19 =	simm.s32 $0x1020;
	v3 =	vadd.f32 v6, v3;
	v7 =	vld [tilespmem:s11+$0x70]  }
0x2d3: {  	v10 =	vadd.s32 s19, v0;
	v9 =	vld [tilespmem:s9+$0x70]  }
0x2d4: {  	s20 =	simm.s32 $0x1833;
	[tilespmem:v5+s0+$0x0] =	vst.idx.msk $0xffff, v3;
	v5 =	vld [tilespmem:s9+$0x20]  }
0x2d5: {  	s21 =	simm.s32 $0x1022;
	v12 =	vadd.s32 s20, v0;
	v11 =	vld [tilespmem:s11+$0xFFFFFFF0]  }
0x2d6: {  	v14 =	vadd.s32 s21, v0;
	s13 =	simm.s32 $0x4580;
	v13 =	vld [tilespmem:s9+$0xFFFFFFF0];
	v1 =	vadd.f32 v1, v2  }
0x2d7: {  	s25 =	simm.s32 $0x1831;
	s12 =	simm.s32 $0xC580;
	v4 =	vld [tilespmem:s13+$0x40]  }
0x2d8: {  	v6 =	vld [tilespmem:s12+$0x40];
	[tilespmem:v10+s0+$0x0] =	vst.idx.msk $0xffff, v1;
	v1 =	vadd.s32 s25, v0;
	v2 =	vadd.f32 v9, v7  }
0x2d9: {  	s16 =	simm.s32 $0x7;
	v3 =	vld [tilespmem:s12+$0xFFFFFF80];
	v9 =	vadd.f32 v5, v8  }
0x2da: {  	v7 =	vld [tilespmem:s12+$0xFFFFFFC0];
	v8 =	vadd.s32 s16, v0;
	[tilespmem:v12+s0+$0x0] =	vst.idx.msk $0xffff, v2  }
0x2db: {  	s14 =	simm.s32 $0x4;
	v5 =	vld [tilespmem:s13+$0xFFFFFFC0];
	s16 =	simm.s32 $0x8;
	v2 =	vadd.f32 v13, v11;
	[tilespmem:v14+s0+$0x0] =	vst.idx.msk $0xffff, v9  }
.LBB2_11:
0x2dc: {  	p2 =	slt.u32 s16, $0x7C;
	s1 =	sadd.s32 $0x1, s14;
	v9 =	vld [tilespmem:s13+$0x0]  }
0x2dd: {  	v10 =	vadd.s32 s1, v0;
	v11 =	vld [tilespmem:s12+$0x0];
	v4 =	vadd.f32 v6, v4;
	[tilespmem:v1+s0+$0x0] =	vst.idx.msk $0xffff, v2  }
0x2de: {  	s1 =	sadd.s32 $0x2, s14;
	v1 =	vld [tilespmem:s13+$0xFFFFFF80]  }
0x2df: {  	v2 =	vadd.s32 s1, v0;
	[tilespmem:v8+s0+$0x0] =	vst.idx.msk $0xffff, v4;
	v4 =	vld [tilespmem:s11+$0xFFFFFFB0]  }
0x2e0: {  	v6 =	vadd.s32 s14, v0;
	v5 =	vadd.f32 v7, v5;
	v7 =	vld [tilespmem:s13+$0x50]  }
0x2e1: {  	v8 =	vld [tilespmem:s12+$0x50]  }
0x2e2: {  	s1 =	sadd.s32 $0x813, s14;
	[tilespmem:v10+s0+$0x0] =	vst.idx.msk $0xffff, v5;
	v5 =	vadd.f32 v11, v9;
	v9 =	vld [tilespmem:s9+$0xFFFFFFB0]  }
0x2e3: {  	v10 =	vadd.s32 s1, v0;
	s1 =	sadd.s32 $0x1830, s10;
	v1 =	vadd.f32 v3, v1;
	v3 =	vld [tilespmem:s13+$0xFFFFFFD0]  }
0x2e4: {  	v11 =	vld [tilespmem:s12+$0xFFFFFFD0];
	[tilespmem:v2+s0+$0x0] =	vst.idx.msk $0xffff, v5;
	v2 =	vadd.s32 s1, v0  }
0x2e5: {  	s1 =	sadd.s32 $0x811, s14;
	[tilespmem:v6+s0+$0x0] =	vst.idx.msk $0xffff, v1;
	v1 =	vld [tilespmem:s13+$0x10]  }
0x2e6: {  	v6 =	vadd.s32 s1, v0;
	v5 =	vld [tilespmem:s13+$0xFFFFFF90];
	v7 =	vadd.f32 v8, v7  }
0x2e7: {  	v8 =	vld [tilespmem:s12+$0xFFFFFF90];
	v4 =	vadd.f32 v9, v4  }
0x2e8: {  	s1 =	sadd.s32 $0x810, s14;
	v9 =	vld [tilespmem:s12+$0x10];
	[tilespmem:v10+s0+$0x0] =	vst.idx.msk $0xffff, v7  }
0x2e9: {  	v7 =	vadd.s32 s1, v0;
	s1 =	sadd.s32 $0x812, s14;
	v3 =	vadd.f32 v11, v3;
	v10 =	vld [tilespmem:s13+$0x60];
	[tilespmem:v2+s0+$0x0] =	vst.idx.msk $0xffff, v4  }
0x2ea: {  	v2 =	vadd.s32 s1, v0;
	v4 =	vld [tilespmem:s12+$0x60]  }
0x2eb: {  	s1 =	sadd.s32 $0x1023, s14;
	[tilespmem:v6+s0+$0x0] =	vst.idx.msk $0xffff, v3;
	v3 =	vld [tilespmem:s11+$0x30];
	s11 =	smov.u32 s13  }
0x2ec: {  	v5 =	vadd.f32 v8, v5;
	v6 =	vld [tilespmem:s13+$0xFFFFFFE0];
	v8 =	vadd.s32 s1, v0  }
0x2ed: {  	v11 =	vld [tilespmem:s12+$0xFFFFFFE0];
	v1 =	vadd.f32 v9, v1  }
0x2ee: {  	s1 =	sadd.s32 $0x1021, s14;
	[tilespmem:v7+s0+$0x0] =	vst.idx.msk $0xffff, v5;
	v5 =	vld [tilespmem:s9+$0x30];
	s9 =	smov.u32 s12  }
0x2ef: {  	v9 =	vadd.s32 s1, v0;
	s1 =	sadd.s32 $0x1832, s10;
	s10 =	smov.u32 s14;
	s14 =	smov.u32 s16;
	v7 =	vld [tilespmem:s13+$0xFFFFFFA0];
	[tilespmem:v2+s0+$0x0] =	vst.idx.msk $0xffff, v1;
	v1 =	vadd.f32 v4, v10  }
0x2f0: {  	v4 =	vadd.s32 s1, v0;
	v2 =	vld [tilespmem:s12+$0xFFFFFFA0]  }
0x2f1: {  	s1 =	sadd.s32 $0x1020, s10;
	v10 =	vld [tilespmem:s13+$0x20];
	[tilespmem:v8+s0+$0x0] =	vst.idx.msk $0xffff, v1  }
0x2f2: {  	v1 =	vadd.s32 s1, v0;
	v6 =	vadd.f32 v11, v6;
	v8 =	vld [tilespmem:s13+$0x70]  }
0x2f3: {  	v11 =	vld [tilespmem:s12+$0x70];
	v3 =	vadd.f32 v5, v3  }
0x2f4: {  	s1 =	sadd.s32 $0x1833, s10;
	[tilespmem:v9+s0+$0x0] =	vst.idx.msk $0xffff, v6;
	v5 =	vld [tilespmem:s12+$0x20]  }
0x2f5: {  	s17 =	sadd.s32 $0x1022, s10;
	v2 =	vadd.f32 v2, v7;
	v9 =	vld [tilespmem:s13+$0xFFFFFFF0];
	v7 =	vadd.s32 s1, v0;
	[tilespmem:v4+s0+$0x0] =	vst.idx.msk $0xffff, v3  }
0x2f6: {  	v13 =	vadd.s32 s17, v0;
	s13 =	sadd.s32 $0x100, s13;
	v12 =	vld [tilespmem:s12+$0xFFFFFFF0]  }
.Ltmp4:
0x2f7: {  	s1 =	sadd.s32 $0x1831, s10;
	s12 =	sadd.s32 $0x100, s12;
	v4 =	vld [tilespmem:s13+$0x40];
	[tilespmem:v1+s0+$0x0] =	vst.idx.msk $0xffff, v2;
	(pc) =	sbr.rel @p2 .LBB2_11-.Ltmp4, $4  }
0x2f8: {  	v1 =	vadd.s32 s1, v0;
	v6 =	vld [tilespmem:s12+$0x40];
	v2 =	vadd.f32 v11, v8  }
0x2f9: {  	s1 =	sadd.s32 $0x3, s16;
	v3 =	vld [tilespmem:s12+$0xFFFFFF80];
	v10 =	vadd.f32 v5, v10  }
0x2fa: {  	v8 =	vadd.s32 s1, v0;
	v5 =	vld [tilespmem:s13+$0xFFFFFFC0];
	[tilespmem:v7+s0+$0x0] =	vst.idx.msk $0xffff, v2  }
0x2fb: {  	s16 =	sadd.s32 $0x4, s16;
	v7 =	vld [tilespmem:s12+$0xFFFFFFC0];
	v2 =	vadd.f32 v12, v9;
	[tilespmem:v13+s0+$0x0] =	vst.idx.msk $0xffff, v10  }
0x2fc: {  	_ = 	snop  }
0x2fd: {  	s1 =	sadd.s32 $0x1, s14;
	v9 =	vld [tilespmem:s13+$0x0]  }
0x2fe: {  	v10 =	vadd.s32 s1, v0;
	v4 =	vadd.f32 v6, v4;
	v6 =	vld [tilespmem:s13+$0xFFFFFF80]  }
0x2ff: {  	v11 =	vld [tilespmem:s12+$0x0]  }
0x300: {  	v46 =	vadd.s32 s14, v0;
	v16 =	vld [tilespmem:s9+$0x30];
	[tilespmem:v8+s0+$0x0] =	vst.idx.msk $0xffff, v4  }
0x301: {  	s17 =	sadd.s32 $0x2, s14;
	v5 =	vadd.f32 v7, v5;
	v7 =	vld [tilespmem:s13+$0x50]  }
0x302: {  	v12 =	vadd.s32 s17, v0;
	v13 =	vld [tilespmem:s12+$0x50]  }
0x303: {  	s18 =	sadd.s32 $0x813, s14;
	v4 =	vld [tilespmem:s11+$0xFFFFFFB0];
	[tilespmem:v10+s0+$0x0] =	vst.idx.msk $0xffff, v5;
	v3 =	vadd.f32 v3, v6  }
0x304: {  	v47 =	vadd.s32 s18, v0;
	v6 =	vld [tilespmem:s13+$0xFFFFFFD0]  }
0x305: {  	v9 =	vadd.f32 v11, v9;
	v48 =	vld [tilespmem:s12+$0xFFFFFFD0];
	[tilespmem:v46+s0+$0x0] =	vst.idx.msk $0xffff, v3  }
0x306: {  	s19 =	sadd.s32 $0x811, s14;
	v3 =	vld [tilespmem:s13+$0xFFFFFF90]  }
0x307: {  	v49 =	vadd.s32 s19, v0;
	[tilespmem:v12+s0+$0x0] =	vst.idx.msk $0xffff, v9;
	v7 =	vadd.f32 v13, v7;
	v50 =	vld [tilespmem:s12+$0xFFFFFF90]  }
0x308: {  	s20 =	sadd.s32 $0x810, s14;
	v12 =	vld [tilespmem:s13+$0x10]  }
0x309: {  	v51 =	vld [tilespmem:s12+$0x10];
	[tilespmem:v47+s0+$0x0] =	vst.idx.msk $0xffff, v7;
	v7 =	vadd.s32 s20, v0  }
0x30a: {  	s21 =	sadd.s32 $0x812, s14;
	v6 =	vadd.f32 v48, v6;
	v10 =	vld [tilespmem:s13+$0x60]  }
0x30b: {  	v52 =	vadd.s32 s21, v0;
	v14 =	vld [tilespmem:s12+$0x60]  }
0x30c: {  	[tilespmem:v49+s0+$0x0] =	vst.idx.msk $0xffff, v6;
	v6 =	vld [tilespmem:s11+$0x30];
	v3 =	vadd.f32 v50, v3  }
0x30d: {  	s25 =	sadd.s32 $0x1023, s14;
	v8 =	vld [tilespmem:s13+$0xFFFFFFE0]  }
0x30e: {  	v53 =	vadd.s32 s25, v0;
	v12 =	vadd.f32 v51, v12;
	v15 =	vld [tilespmem:s12+$0xFFFFFFE0];
	[tilespmem:v7+s0+$0x0] =	vst.idx.msk $0xffff, v3  }
0x30f: {  	s11 =	sadd.s32 $0x1021, s14;
	v3 =	vld [tilespmem:s13+$0xFFFFFFA0]  }
0x310: {  	[tilespmem:v52+s0+$0x0] =	vst.idx.msk $0xffff, v12;
	v7 =	vadd.s32 s11, v0;
	v54 =	vld [tilespmem:s12+$0xFFFFFFA0]  }
0x311: {  	s16 =	sadd.s32 $0x1020, s14;
	v12 =	vld [tilespmem:s13+$0x20];
	v10 =	vadd.f32 v14, v10  }
0x312: {  	v55 =	vadd.s32 s16, v0;
	v56 =	vld [tilespmem:s12+$0x20]  }
0x313: {  	s17 =	sadd.s32 $0x1022, s14;
	v5 =	vld [tilespmem:s9+$0xFFFFFFB0];
	[tilespmem:v53+s0+$0x0] =	vst.idx.msk $0xffff, v10;
	v8 =	vadd.f32 v15, v8  }
0x314: {  	v57 =	vadd.s32 s17, v0;
	v9 =	vld [tilespmem:s13+$0x70]  }
0x315: {  	v58 =	vld [tilespmem:s12+$0x70];
	[tilespmem:v7+s0+$0x0] =	vst.idx.msk $0xffff, v8;
	v3 =	vadd.f32 v54, v3  }
0x316: {  	v7 =	vld [tilespmem:s13+$0xFFFFFFF0]  }
0x317: {  	s18 =	sadd.s32 $0x1830, s10;
	v8 =	vld [tilespmem:s12+$0xFFFFFFF0];
	[tilespmem:v55+s0+$0x0] =	vst.idx.msk $0xffff, v3;
	v3 =	vadd.f32 v56, v12  }
0x318: {  	s19 =	sadd.s32 $0x1832, s10;
	v59 =	vadd.s32 s18, v0;
	v60 =	vld [tilespmem:s13+$0xFFFFFFB0]  }
0x319: {  	v61 =	vadd.s32 s19, v0;
	s20 =	sadd.s32 $0x1833, s14;
	[tilespmem:v57+s0+$0x0] =	vst.idx.msk $0xffff, v3;
	v3 =	vld [tilespmem:s12+$0xFFFFFFB0]  }
0x31a: {  	s21 =	sadd.s32 $0x1831, s14;
	v62 =	vadd.s32 s20, v0;
	v63 =	vld [tilespmem:s13+$0x30]  }
0x31b: {  	s25 =	sadd.s32 $0x1830, s14;
	v4 =	vadd.f32 v5, v4;
	v5 =	vadd.s32 s21, v0;
	v17 =	vld [tilespmem:s12+$0x30]  }
0x31c: {  	[tilespmem:v1+s0+$0x0] =	vst.idx.msk $0xffff, v2;
	v2 =	vadd.s32 s25, v0;
	s9 =	sadd.s32 $0x1832, s14;
	v1 =	vadd.f32 v16, v6  }
0x31d: {  	[tilespmem:v59+s0+$0x0] =	vst.idx.msk $0xffff, v4;
	v6 =	vadd.s32 s9, v0;
	v4 =	vadd.f32 v58, v9  }
0x31e: {  	[tilespmem:v61+s0+$0x0] =	vst.idx.msk $0xffff, v1;
	v1 =	vadd.f32 v8, v7  }
0x31f: {  	[tilespmem:v62+s0+$0x0] =	vst.idx.msk $0xffff, v4;
	v3 =	vadd.f32 v3, v60  }
0x320: {  	[tilespmem:v5+s0+$0x0] =	vst.idx.msk $0xffff, v1;
	v1 =	vadd.f32 v17, v63  }
0x321: {  	[tilespmem:v2+s0+$0x0] =	vst.idx.msk $0xffff, v3  }
0x322: {  	[tilespmem:v6+s0+$0x0] =	vst.idx.msk $0xffff, v1  }
0x323: {  	_ =	swait.ge [sflag:s23], $0x400  }
0x324: {  	[sflag:s23] =	ssyncset.done $0x0  }
0x325: {  	[sflag:s23] =	ssyncadd.s32 $0xFFFFFC00  }
0x326: {  	_ =	swait.ge [sflag:s23], $0x400  }
0x327: {  	[sflag:s23] =	ssyncset.done $0x0  }
0x328: {  	[sflag:s23] =	ssyncadd.s32 $0xFFFFFC00  }
0x329: {  	_ =	swait.ge [sflag:s23], $0x400  }
0x32a: {  	[sflag:s23] =	ssyncset.done $0x0  }
0x32b: {  	[sflag:s23] =	ssyncadd.s32 $0xFFFFFC00  }
0x32c: {  	_ =	swait.ge [sflag:s23], $0x400  }
0x32d: {  	[sflag:s23] =	ssyncset.done $0x0  }
0x32e: {  	[sflag:s23] =	ssyncadd.s32 $0xFFFFFC00  }
0x32f: {  	_ =	swait.ge [sflag:s23], $0x400  }
0x330: {  	[sflag:s23] =	ssyncset.done $0x0  }
0x331: {  	[sflag:s23] =	ssyncadd.s32 $0xFFFFFC00  }
0x332: {  	_ =	swait.ge [sflag:s23], $0x400  }
0x333: {  	[sflag:s23] =	ssyncset.done $0x0  }
0x334: {  	[sflag:s23] =	ssyncadd.s32 $0xFFFFFC00  }
0x335: {  	_ =	swait.ge [sflag:s23], $0x400  }
0x336: {  	[sflag:s23] =	ssyncset.done $0x0  }
0x337: {  	[sflag:s23] =	ssyncadd.s32 $0xFFFFFC00  }
0x338: {  	_ =	swait.ge [sflag:s23], $0x400  }
0x339: {  	[sflag:s23] =	ssyncset.done $0x0  }
0x33a: {  	s10 =	simm.s32 $0x10502;
	[sflag:s23] =	ssyncadd.s32 $0xFFFFFC00  }
0x33b: {  	v1 =	vld [tilespmem:s10+$0x81]  }
0x33c: {  	v3 =	vld [tilespmem:s10+$0x0]  }
0x33d: {  	v2 =	vld [tilespmem:s10+$0xFFFFFF7F]  }
0x33e: {  	v4 =	vld [tilespmem:s10+$0xFFFFFEFE]  }
0x33f: {  	s11 =	simm.s32 $0x183;
	s9 =	simm.s32 $0x12540  }
0x340: {  	s18 =	sand.u32 $0x1FFF, s11;
	s13 =	simm.s32 $0x102;
	[tilespmem:s9+$0x80] =	vst v1  }
0x341: {  	s12 =	simm.s32 $0x81;
	s25 =	sand.u32 $0x1FFE, s13;
	[tilespmem:s9+$0x0] =	vst v3;
	v1 =	vld [tilespmem:s18+$0x10410]  }
0x342: {  	s14 =	simm.s32 $0x0;
	s1 =	sand.u32 $0x1FFD, s12;
	[tilespmem:s9+$0xFFFFFF80] =	vst v2;
	v3 =	vld [tilespmem:s25+$0x10410]  }
0x343: {  	s17 =	sand.u32 $0x1FFC, s14;
	[tilespmem:s9+$0xFFFFFF00] =	vst v4;
	v2 =	vld [tilespmem:s1+$0x10410]  }
0x344: {  	v4 =	vld [tilespmem:s17+$0x10410];
	_ =	sdelay $0x1  }
0x345: {  	[tilespmem:s9+$0x90] =	vst v1  }
0x346: {  	[tilespmem:s9+$0x10] =	vst v3;
	v1 =	vld [tilespmem:s18+$0x10420]  }
0x347: {  	[tilespmem:s9+$0xFFFFFF90] =	vst v2;
	v3 =	vld [tilespmem:s25+$0x10420]  }
0x348: {  	[tilespmem:s9+$0xFFFFFF10] =	vst v4;
	v2 =	vld [tilespmem:s1+$0x10420]  }
0x349: {  	v4 =	vld [tilespmem:s17+$0x10420];
	_ =	sdelay $0x1  }
0x34a: {  	[tilespmem:s9+$0xA0] =	vst v1  }
0x34b: {  	[tilespmem:s9+$0x20] =	vst v3;
	v1 =	vld [tilespmem:s18+$0x10430]  }
0x34c: {  	[tilespmem:s9+$0xFFFFFFA0] =	vst v2;
	v3 =	vld [tilespmem:s25+$0x10430]  }
0x34d: {  	[tilespmem:s9+$0xFFFFFF20] =	vst v4;
	v2 =	vld [tilespmem:s1+$0x10430]  }
0x34e: {  	v4 =	vld [tilespmem:s17+$0x10430];
	_ =	sdelay $0x1  }
0x34f: {  	[tilespmem:s9+$0xB0] =	vst v1  }
0x350: {  	[tilespmem:s9+$0x30] =	vst v3;
	v1 =	vld [tilespmem:s18+$0x10440]  }
0x351: {  	[tilespmem:s9+$0xFFFFFFB0] =	vst v2;
	v3 =	vld [tilespmem:s25+$0x10440]  }
0x352: {  	[tilespmem:s9+$0xFFFFFF30] =	vst v4;
	v2 =	vld [tilespmem:s1+$0x10440]  }
0x353: {  	v4 =	vld [tilespmem:s17+$0x10440]  }
0x354: {  	s16 =	simm.s32 $0x10706  }
0x355: {  	v5 =	vld [tilespmem:s16+$0x81];
	[tilespmem:s9+$0xC0] =	vst v1  }
0x356: {  	[tilespmem:s9+$0x40] =	vst v3;
	v3 =	vld [tilespmem:s16+$0xFFFFFF7F]  }
0x357: {  	[tilespmem:s9+$0xFFFFFFC0] =	vst v2;
	v1 =	vld [tilespmem:s18+$0x10450]  }
0x358: {  	[tilespmem:s9+$0xFFFFFF40] =	vst v4;
	v4 =	vld [tilespmem:s16+$0x0]  }
0x359: {  	s19 =	simm.s32 $0x387;
	s10 =	simm.s32 $0x12740;
	v2 =	vld [tilespmem:s1+$0x10450]  }
0x35a: {  	s20 =	simm.s32 $0x285;
	s12 =	sand.u32 $0x1FFF, s19;
	v6 =	vld [tilespmem:s16+$0xFFFFFEFE];
	[tilespmem:s10+$0x80] =	vst v5  }
0x35b: {  	s11 =	sand.u32 $0x1FFD, s20;
	[tilespmem:s10+$0xFFFFFF80] =	vst v3;
	v3 =	vld [tilespmem:s12+$0x10410]  }
0x35c: {  	[tilespmem:s9+$0xD0] =	vst v1;
	v5 =	vld [tilespmem:s11+$0x10410]  }
0x35d: {  	s21 =	simm.s32 $0x306;
	[tilespmem:s10+$0x0] =	vst v4;
	v1 =	vld [tilespmem:s18+$0x10460]  }
0x35e: {  	s13 =	sand.u32 $0x1FFE, s21;
	s16 =	simm.s32 $0x204;
	[tilespmem:s9+$0xFFFFFFD0] =	vst v2;
	v2 =	vld [tilespmem:s17+$0x10450]  }
0x35f: {  	[tilespmem:s10+$0xFFFFFF00] =	vst v6;
	s14 =	sand.u32 $0x1FFC, s16;
	v4 =	vld [tilespmem:s13+$0x10410]  }
0x360: {  	v6 =	vld [tilespmem:s14+$0x10410];
	[tilespmem:s10+$0x90] =	vst v3  }
0x361: {  	[tilespmem:s10+$0xFFFFFF90] =	vst v5;
	v3 =	vld [tilespmem:s12+$0x10420]  }
0x362: {  	[tilespmem:s9+$0xE0] =	vst v1;
	v5 =	vld [tilespmem:s11+$0x10420]  }
0x363: {  	[tilespmem:s9+$0xFFFFFF50] =	vst v2;
	v1 =	vld [tilespmem:s18+$0x10470]  }
0x364: {  	v2 =	vld [tilespmem:s25+$0x10450];
	[tilespmem:s10+$0x10] =	vst v4  }
0x365: {  	[tilespmem:s10+$0xFFFFFF10] =	vst v6;
	v4 =	vld [tilespmem:s13+$0x10420]  }
0x366: {  	v6 =	vld [tilespmem:s14+$0x10420];
	[tilespmem:s10+$0xA0] =	vst v3  }
0x367: {  	[tilespmem:s10+$0xFFFFFFA0] =	vst v5;
	v3 =	vld [tilespmem:s12+$0x10430]  }
0x368: {  	[tilespmem:s9+$0xF0] =	vst v1;
	v1 =	vld [tilespmem:s17+$0x10460]  }
0x369: {  	[tilespmem:s9+$0x50] =	vst v2;
	v5 =	vld [tilespmem:s11+$0x10430]  }
0x36a: {  	v2 =	vld [tilespmem:s1+$0x10460];
	[tilespmem:s10+$0x20] =	vst v4  }
0x36b: {  	[tilespmem:s10+$0xFFFFFF20] =	vst v6;
	v4 =	vld [tilespmem:s13+$0x10430]  }
0x36c: {  	v6 =	vld [tilespmem:s14+$0x10430];
	[tilespmem:s10+$0xB0] =	vst v3  }
0x36d: {  	[tilespmem:s9+$0xFFFFFF60] =	vst v1;
	v1 =	vld [tilespmem:s25+$0x10460]  }
0x36e: {  	[tilespmem:s10+$0xFFFFFFB0] =	vst v5;
	v5 =	vld [tilespmem:s12+$0x10440]  }
0x36f: {  	[tilespmem:s9+$0xFFFFFFE0] =	vst v2;
	v2 =	vld [tilespmem:s17+$0x10470]  }
0x370: {  	[tilespmem:s10+$0x30] =	vst v4;
	v7 =	vld [tilespmem:s11+$0x10440]  }
0x371: {  	[tilespmem:s10+$0xFFFFFF30] =	vst v6;
	v6 =	vld [tilespmem:s13+$0x10440]  }
0x372: {  	v3 =	vld [tilespmem:s14+$0x10440];
	[tilespmem:s9+$0x60] =	vst v1  }
0x373: {  	v1 =	vld [tilespmem:s1+$0x10470];
	[tilespmem:s10+$0xC0] =	vst v5  }
0x374: {  	[tilespmem:s9+$0xFFFFFF70] =	vst v2;
	v2 =	vld [tilespmem:s25+$0x10470]  }
0x375: {  	[tilespmem:s10+$0xFFFFFFC0] =	vst v7;
	v5 =	vld [tilespmem:s12+$0x10450]  }
0x376: {  	s1 =	simm.s32 $0x1090A;
	s25 =	simm.s32 $0x4;
	[tilespmem:s10+$0x40] =	vst v6;
	v4 =	vld [tilespmem:s11+$0x10450]  }
.LBB2_13:
0x377: {  	v6 =	vld [tilespmem:s1+$0x81];
	s25 =	sadd.s32 $0x4, s25;
	[tilespmem:s10+$0xFFFFFF40] =	vst v3  }
0x378: {  	v3 =	vld [tilespmem:s1+$0xFFFFFF7F];
	p2 =	slt.u32 s25, $0x3C;
	[tilespmem:s9+$0xFFFFFFF0] =	vst v1  }
0x379: {  	v1 =	vld [tilespmem:s1+$0x0];
	[tilespmem:s9+$0x70] =	vst v2;
	s9 =	smov.u32 s10  }
0x37a: {  	s16 =	sadd.s32 $0x204, s16;
	v2 =	vld [tilespmem:s1+$0xFFFFFEFE];
	[tilespmem:s10+$0xD0] =	vst v5  }
0x37b: {  	s17 =	sadd.s32 $0x81, s16;
	s18 =	sadd.s32 $0x183, s16;
	s10 =	sadd.s32 $0x200, s10;
	[tilespmem:s9+$0xFFFFFFD0] =	vst v4;
	v4 =	vld [tilespmem:s12+$0x10460]  }
0x37c: {  	s19 =	sadd.s32 $0x102, s16;
	s17 =	sand.u32 $0x1FFD, s17;
	s20 =	sand.u32 $0x1FFF, s18;
	[tilespmem:s10+$0x80] =	vst v6;
	v5 =	vld [tilespmem:s14+$0x10450]  }
0x37d: {  	s21 =	sand.u32 $0x1FFC, s16;
	s18 =	sand.u32 $0x1FFE, s19;
	[tilespmem:s10+$0xFFFFFF80] =	vst v3;
	v3 =	vld [tilespmem:s20+$0x10410]  }
0x37e: {  	v6 =	vld [tilespmem:s17+$0x10410];
	[tilespmem:s10+$0x0] =	vst v1  }
0x37f: {  	[tilespmem:s10+$0xFFFFFF00] =	vst v2;
	v1 =	vld [tilespmem:s18+$0x10410]  }
0x380: {  	v2 =	vld [tilespmem:s21+$0x10410];
	[tilespmem:s9+$0xE0] =	vst v4  }
0x381: {  	[tilespmem:s9+$0xFFFFFF50] =	vst v5;
	v4 =	vld [tilespmem:s12+$0x10470];
	s12 =	smov.u32 s20  }
0x382: {  	[tilespmem:s10+$0x90] =	vst v3;
	v3 =	vld [tilespmem:s13+$0x10450]  }
0x383: {  	[tilespmem:s10+$0xFFFFFF90] =	vst v6;
	v5 =	vld [tilespmem:s12+$0x10420]  }
0x384: {  	v6 =	vld [tilespmem:s17+$0x10420];
	[tilespmem:s10+$0x10] =	vst v1  }
0x385: {  	[tilespmem:s10+$0xFFFFFF10] =	vst v2;
	v1 =	vld [tilespmem:s18+$0x10420]  }
0x386: {  	v2 =	vld [tilespmem:s21+$0x10420];
	[tilespmem:s9+$0xF0] =	vst v4  }
0x387: {  	v4 =	vld [tilespmem:s14+$0x10460];
	[tilespmem:s9+$0x50] =	vst v3  }
0x388: {  	[tilespmem:s10+$0xA0] =	vst v5;
	v3 =	vld [tilespmem:s11+$0x10460]  }
0x389: {  	[tilespmem:s10+$0xFFFFFFA0] =	vst v6;
	v5 =	vld [tilespmem:s12+$0x10430]  }
0x38a: {  	v6 =	vld [tilespmem:s17+$0x10430];
	[tilespmem:s10+$0x20] =	vst v1  }
0x38b: {  	[tilespmem:s10+$0xFFFFFF20] =	vst v2;
	v1 =	vld [tilespmem:s18+$0x10430]  }
0x38c: {  	v2 =	vld [tilespmem:s21+$0x10430];
	[tilespmem:s9+$0xFFFFFF60] =	vst v4  }
0x38d: {  	[tilespmem:s9+$0xFFFFFFE0] =	vst v3;
	v4 =	vld [tilespmem:s13+$0x10460]  }
0x38e: {  	[tilespmem:s10+$0xB0] =	vst v5;
	v5 =	vld [tilespmem:s14+$0x10470];
	s14 =	smov.u32 s21  }
0x38f: {  	[tilespmem:s10+$0xFFFFFFB0] =	vst v6;
	v6 =	vld [tilespmem:s12+$0x10440]  }
0x390: {  	v7 =	vld [tilespmem:s17+$0x10440];
	[tilespmem:s10+$0x30] =	vst v1  }
0x391: {  	[tilespmem:s10+$0xFFFFFF30] =	vst v2;
	v8 =	vld [tilespmem:s18+$0x10440]  }
.Ltmp5:
0x392: {  	v3 =	vld [tilespmem:s14+$0x10440];
	[tilespmem:s9+$0x60] =	vst v4;
	(pc) =	sbr.rel @p2 .LBB2_13-.Ltmp5, $4  }
0x393: {  	[tilespmem:s9+$0xFFFFFF70] =	vst v5;
	v1 =	vld [tilespmem:s11+$0x10470];
	s11 =	smov.u32 s17  }
0x394: {  	[tilespmem:s10+$0xC0] =	vst v6;
	v2 =	vld [tilespmem:s13+$0x10470];
	s13 =	smov.u32 s18  }
0x395: {  	[tilespmem:s10+$0xFFFFFFC0] =	vst v7;
	v5 =	vld [tilespmem:s12+$0x10450]  }
0x396: {  	s1 =	sadd.s32 $0x204, s1;
	v4 =	vld [tilespmem:s11+$0x10450];
	[tilespmem:s10+$0x40] =	vst v8  }
0x397: {  	[tilespmem:s10+$0xFFFFFF40] =	vst v3;
	v6 =	vld [tilespmem:s13+$0x10450]  }
0x398: {  	v3 =	vld [tilespmem:s14+$0x10450];
	_ =	sdelay $0x1  }
0x399: {  	[tilespmem:s10+$0xD0] =	vst v5  }
0x39a: {  	v5 =	vld [tilespmem:s12+$0x10460];
	[tilespmem:s10+$0xFFFFFFD0] =	vst v4  }
0x39b: {  	[tilespmem:s10+$0x50] =	vst v6;
	v4 =	vld [tilespmem:s11+$0x10460]  }
0x39c: {  	[tilespmem:s10+$0xFFFFFF50] =	vst v3;
	v6 =	vld [tilespmem:s13+$0x10460]  }
0x39d: {  	v3 =	vld [tilespmem:s14+$0x10460]  }
0x39e: {  	[tilespmem:s9+$0xFFFFFFF0] =	vst v1  }
0x39f: {  	[tilespmem:s10+$0xE0] =	vst v5  }
0x3a0: {  	v5 =	vld [tilespmem:s12+$0x10470];
	[tilespmem:s10+$0xFFFFFFE0] =	vst v4  }
0x3a1: {  	[tilespmem:s10+$0x60] =	vst v6;
	v4 =	vld [tilespmem:s11+$0x10470]  }
0x3a2: {  	[tilespmem:s10+$0xFFFFFF60] =	vst v3;
	v1 =	vld [tilespmem:s13+$0x10470]  }
0x3a3: {  	v3 =	vld [tilespmem:s14+$0x10470]  }
0x3a4: {  	[tilespmem:s9+$0x70] =	vst v2  }
0x3a5: {  	[tilespmem:s10+$0xF0] =	vst v5  }
0x3a6: {  	[tilespmem:s10+$0xFFFFFFF0] =	vst v4  }
0x3a7: {  	[tilespmem:s10+$0x70] =	vst v1  }
0x3a8: {  	[tilespmem:s10+$0xFFFFFF70] =	vst v3  }
0x3a9: {  	s1 =	sld [smem:$0x7EE];
	_ =	sdelay $0x1  }
0x3aa: {  	s19 =	sld [smem:$0x7EF]  }
0x3ab: {  	s18 =	simm.s32 $0x12440;
	s21 =	sld [smem:$0x7F0];
	s1 =	sadd.s32 s5, s1  }
0x3ac: {  	[hbm4b:s1+s4] =	stream.linear.scatter [tilespmem:s18], [sflag:$0x5], $0x400, $0x38;
	[tilespmem:$0x18380] =	vst v63  }
0x3ad: {  	s20 =	simm.s32 $0x12840;
	s9 =	sld [smem:$0x7F1];
	s1 =	sadd.s32 s5, s19  }
0x3ae: {  	[hbm4b:s1+s4] =	stream.linear.scatter [tilespmem:s20], [sflag:$0x5], $0x400, $0x38;
	[tilespmem:$0x18380] =	vst v63  }
0x3af: {  	s25 =	simm.s32 $0x12C40;
	s11 =	sld [smem:$0x7F2];
	s1 =	sadd.s32 s5, s21  }
0x3b0: {  	[hbm4b:s1+s4] =	stream.linear.scatter [tilespmem:s25], [sflag:$0x5], $0x400, $0x38;
	[tilespmem:$0x18380] =	vst v63  }
0x3b1: {  	s10 =	simm.s32 $0x13040;
	s13 =	sld [smem:$0x7F3];
	s1 =	sadd.s32 s5, s9  }
0x3b2: {  	[hbm4b:s1+s4] =	stream.linear.scatter [tilespmem:s10], [sflag:$0x5], $0x400, $0x38;
	[tilespmem:$0x18380] =	vst v63  }
0x3b3: {  	s12 =	simm.s32 $0x13440;
	s16 =	sld [smem:$0x7F4];
	s1 =	sadd.s32 s5, s11  }
0x3b4: {  	[hbm4b:s1+s4] =	stream.linear.scatter [tilespmem:s12], [sflag:$0x5], $0x400, $0x38;
	[tilespmem:$0x18380] =	vst v63  }
0x3b5: {  	s14 =	simm.s32 $0x13840;
	s18 =	sld [smem:$0x7F5];
	s1 =	sadd.s32 s5, s13  }
0x3b6: {  	[hbm4b:s1+s4] =	stream.linear.scatter [tilespmem:s14], [sflag:$0x5], $0x400, $0x38;
	[tilespmem:$0x18380] =	vst v63  }
0x3b7: {  	s17 =	simm.s32 $0x13C40;
	s1 =	sadd.s32 s5, s16  }
0x3b8: {  	[hbm4b:s1+s4] =	stream.linear.scatter [tilespmem:s17], [sflag:$0x5], $0x400, $0x38;
	[tilespmem:$0x18380] =	vst v63  }
0x3b9: {  	s19 =	simm.s32 $0x14040;
	s1 =	sadd.s32 s5, s18  }
0x3ba: {  	[hbm4b:s1+s4] =	stream.linear.scatter [tilespmem:s19], [sflag:$0x5], $0x400, $0x38;
	[tilespmem:$0x18380] =	vst v63  }
0x3bb: {  	_ =	swait.ge [sflag:s24], $0x2000  }
0x3bc: {  	[sflag:s24] =	ssyncset.done $0x0  }
0x3bd: {  	[sflag:s24] =	ssyncadd.s32 $0xFFFFE000  }
0x3be: {  	_ =	swait.ge [sflag:s24], $0x2000  }
0x3bf: {  	[sflag:s24] =	ssyncset.done $0x0  }
0x3c0: {  	s1 =	simm.s32 @!p1 $0x9;
	[sflag:s24] =	ssyncadd.s32 $0xFFFFE000  }
0x3c1: {  	_ =	swait.ge @!p1 [sflag:s1], $0x80  }
0x3c2: {  	[sflag:s1] =	ssyncset.done @!p1 $0x0  }
0x3c3: {  	[sflag:s1] =	ssyncadd.s32 @!p1 $0xFFFFFF80  }
0x3c4: {  	_ =	swait.ge @!p1 [sflag:s1], $0x80  }
0x3c5: {  	s9 =	simm.s32 @!p1 $0x100;
	[sflag:s1] =	ssyncset.done @!p1 $0x0  }
0x3c6: {  	s10 =	simm.s32 @!p1 $0x4400;
	[sflag:s1] =	ssyncadd.s32 @!p1 $0xFFFFFF80;
	s1 =	simm.s32 @!p1 $0x80  }
0x3c7: {  	[tilespmem:s10], [sflag:$0x3] =	stream.indirect.gather @!p1 [spmem:s2], $0x40, s9, s1, $0xb8;
	[tilespmem:$0x18380] =	vst v63  }
0x3c8: {  	s9 =	simm.s32 @!p1 $0x300;
	s10 =	simm.s32 @!p1 $0xC400  }
0x3c9: {  	[tilespmem:s10], [sflag:$0x3] =	stream.indirect.gather @!p1 [spmem:s3], $0x40, s9, s1, $0xb8;
	[tilespmem:$0x18380] =	vst v63  }
0x3ca: {  	s1 =	rddreg [dreg:$0x12]  }
0x3cb: {  	s1 =	sadd.s32 @!p1 s1, s6  }
0x3cc: {  	s1 =	sshrl.u32 @!p1 s1, $0x3  }
0x3cd: {  	s9 =	simm.s32 @!p1 $0x0;
	s10 =	simm.s32 @!p1 $0x180;
	s6 =	sadd.s32 @!p1 s7, s1  }
0x3ce: {  	[tilespmem:s10], [sflag:$0xA] =	stream.linear.gather @!p1 [hbm4b:s6+s9], $0x80, $0x38;
	[tilespmem:$0x18380] =	vst v63  }
0x3cf: {  	s1 =	sadd.s32 @!p1 s8, s1;
	s6 =	simm.s32 @!p1 $0x380;
	s10 =	simm.s32 $0x6480  }
0x3d0: {  	[tilespmem:s6], [sflag:$0xA] =	stream.linear.gather @!p1 [hbm4b:s1+s9], $0x80, $0x38;
	[tilespmem:$0x18380] =	vst v63  }
0x3d1: {  	s6 =	simm.s32 $0xE480;
	v1 =	vld [tilespmem:s10+$0x40]  }
0x3d2: {  	v2 =	vld [tilespmem:s6+$0x40]  }
0x3d3: {  	s20 =	simm.s32 $0x3;
	v3 =	vld [tilespmem:s6+$0xFFFFFF80]  }
0x3d4: {  	v5 =	vadd.s32 s20, v0;
	v4 =	vld [tilespmem:s10+$0xFFFFFFC0]  }
0x3d5: {  	v6 =	vld [tilespmem:s6+$0xFFFFFFC0]  }
0x3d6: {  	s21 =	simm.s32 $0x1;
	v7 =	vld [tilespmem:s10+$0x0]  }
0x3d7: {  	v8 =	vadd.s32 s21, v0;
	v9 =	vld [tilespmem:s6+$0x0];
	v1 =	vadd.f32 v2, v1  }
0x3d8: {  	s25 =	simm.s32 $0x2;
	v2 =	vld [tilespmem:s10+$0xFFFFFF80]  }
0x3d9: {  	v10 =	vadd.s32 s25, v0;
	s9 =	simm.s32 $0x0;
	[tilespmem:v5+s0+$0x0] =	vst.idx.msk $0xffff, v1  }
0x3da: {  	v4 =	vadd.f32 v6, v4;
	v1 =	vadd.s32 s9, v0;
	v5 =	vld [tilespmem:s10+$0x50]  }
0x3db: {  	v6 =	vld [tilespmem:s6+$0x50]  }
0x3dc: {  	s11 =	simm.s32 $0x813;
	[tilespmem:v8+s0+$0x0] =	vst.idx.msk $0xffff, v4;
	v4 =	vadd.f32 v9, v7  }
0x3dd: {  	v7 =	vadd.s32 s11, v0;
	v8 =	vld [tilespmem:s6+$0xFFFFFFD0];
	v2 =	vadd.f32 v3, v2  }
0x3de: {  	[tilespmem:v10+s0+$0x0] =	vst.idx.msk $0xffff, v4;
	v3 =	vld [tilespmem:s10+$0xFFFFFFD0]  }
0x3df: {  	s12 =	simm.s32 $0x811;
	v9 =	vld [tilespmem:s6+$0x10];
	[tilespmem:v1+s0+$0x0] =	vst.idx.msk $0xffff, v2  }
0x3e0: {  	v4 =	vadd.s32 s12, v0;
	v2 =	vld [tilespmem:s10+$0xFFFFFF90];
	v5 =	vadd.f32 v6, v5  }
0x3e1: {  	v6 =	vld [tilespmem:s6+$0xFFFFFF90]  }
0x3e2: {  	s13 =	simm.s32 $0x810;
	v1 =	vld [tilespmem:s10+$0x10];
	[tilespmem:v7+s0+$0x0] =	vst.idx.msk $0xffff, v5  }
0x3e3: {  	v5 =	vadd.s32 s13, v0;
	v3 =	vadd.f32 v8, v3;
	v7 =	vld [tilespmem:s10+$0x60]  }
0x3e4: {  	s14 =	simm.s32 $0x812;
	v8 =	vld [tilespmem:s6+$0x60]  }
0x3e5: {  	s16 =	simm.s32 $0x1023;
	v10 =	vadd.s32 s14, v0;
	[tilespmem:v4+s0+$0x0] =	vst.idx.msk $0xffff, v3  }
0x3e6: {  	v4 =	vadd.s32 s16, v0;
	v2 =	vadd.f32 v6, v2;
	v3 =	vld [tilespmem:s10+$0xFFFFFFE0]  }
0x3e7: {  	v6 =	vld [tilespmem:s6+$0xFFFFFFE0]  }
0x3e8: {  	s17 =	simm.s32 $0x1021;
	v1 =	vadd.f32 v9, v1;
	[tilespmem:v5+s0+$0x0] =	vst.idx.msk $0xffff, v2  }
0x3e9: {  	v5 =	vadd.s32 s17, v0;
	v2 =	vld [tilespmem:s10+$0xFFFFFFA0];
	v7 =	vadd.f32 v8, v7  }
0x3ea: {  	[tilespmem:v10+s0+$0x0] =	vst.idx.msk $0xffff, v1;
	v1 =	vld [tilespmem:s6+$0xFFFFFFA0]  }
0x3eb: {  	v8 =	vld [tilespmem:s10+$0x20];
	[tilespmem:v4+s0+$0x0] =	vst.idx.msk $0xffff, v7  }
0x3ec: {  	s18 =	simm.s32 $0x1020;
	v3 =	vadd.f32 v6, v3;
	v7 =	vld [tilespmem:s10+$0x70]  }
0x3ed: {  	v10 =	vadd.s32 s18, v0;
	v9 =	vld [tilespmem:s6+$0x70]  }
0x3ee: {  	s19 =	simm.s32 $0x1833;
	[tilespmem:v5+s0+$0x0] =	vst.idx.msk $0xffff, v3;
	v5 =	vld [tilespmem:s6+$0x20]  }
0x3ef: {  	s20 =	simm.s32 $0x1022;
	v12 =	vadd.s32 s19, v0;
	v11 =	vld [tilespmem:s10+$0xFFFFFFF0]  }
0x3f0: {  	v14 =	vadd.s32 s20, v0;
	s12 =	simm.s32 $0x6580;
	v13 =	vld [tilespmem:s6+$0xFFFFFFF0];
	v1 =	vadd.f32 v1, v2  }
0x3f1: {  	s21 =	simm.s32 $0x1831;
	s11 =	simm.s32 $0xE580;
	v4 =	vld [tilespmem:s12+$0x40]  }
0x3f2: {  	v6 =	vld [tilespmem:s11+$0x40];
	[tilespmem:v10+s0+$0x0] =	vst.idx.msk $0xffff, v1;
	v1 =	vadd.s32 s21, v0;
	v2 =	vadd.f32 v9, v7  }
0x3f3: {  	s25 =	simm.s32 $0x7;
	v3 =	vld [tilespmem:s11+$0xFFFFFF80];
	v9 =	vadd.f32 v5, v8  }
0x3f4: {  	v7 =	vld [tilespmem:s11+$0xFFFFFFC0];
	v8 =	vadd.s32 s25, v0;
	[tilespmem:v12+s0+$0x0] =	vst.idx.msk $0xffff, v2  }
0x3f5: {  	s14 =	simm.s32 $0x8;
	s13 =	simm.s32 $0x4;
	v5 =	vld [tilespmem:s12+$0xFFFFFFC0];
	v2 =	vadd.f32 v13, v11;
	[tilespmem:v14+s0+$0x0] =	vst.idx.msk $0xffff, v9  }
.LBB2_15:
0x3f6: {  	p1 =	slt.u32 s14, $0x7C;
	s1 =	sadd.s32 $0x1, s13;
	v9 =	vld [tilespmem:s12+$0x0]  }
0x3f7: {  	v10 =	vadd.s32 s1, v0;
	v11 =	vld [tilespmem:s11+$0x0];
	v4 =	vadd.f32 v6, v4;
	[tilespmem:v1+s0+$0x0] =	vst.idx.msk $0xffff, v2  }
0x3f8: {  	s1 =	sadd.s32 $0x2, s13;
	v1 =	vld [tilespmem:s12+$0xFFFFFF80]  }
0x3f9: {  	v2 =	vadd.s32 s1, v0;
	[tilespmem:v8+s0+$0x0] =	vst.idx.msk $0xffff, v4;
	v4 =	vld [tilespmem:s10+$0xFFFFFFB0]  }
0x3fa: {  	v6 =	vadd.s32 s13, v0;
	v5 =	vadd.f32 v7, v5;
	v7 =	vld [tilespmem:s12+$0x50]  }
0x3fb: {  	v8 =	vld [tilespmem:s11+$0x50]  }
0x3fc: {  	s1 =	sadd.s32 $0x813, s13;
	[tilespmem:v10+s0+$0x0] =	vst.idx.msk $0xffff, v5;
	v5 =	vadd.f32 v11, v9;
	v9 =	vld [tilespmem:s6+$0xFFFFFFB0]  }
0x3fd: {  	v10 =	vadd.s32 s1, v0;
	s1 =	sadd.s32 $0x1830, s9;
	v1 =	vadd.f32 v3, v1;
	v3 =	vld [tilespmem:s12+$0xFFFFFFD0]  }
0x3fe: {  	v11 =	vld [tilespmem:s11+$0xFFFFFFD0];
	[tilespmem:v2+s0+$0x0] =	vst.idx.msk $0xffff, v5;
	v2 =	vadd.s32 s1, v0  }
0x3ff: {  	s1 =	sadd.s32 $0x811, s13;
	[tilespmem:v6+s0+$0x0] =	vst.idx.msk $0xffff, v1;
	v1 =	vld [tilespmem:s12+$0x10]  }
0x400: {  	v6 =	vadd.s32 s1, v0;
	v5 =	vld [tilespmem:s12+$0xFFFFFF90];
	v7 =	vadd.f32 v8, v7  }
0x401: {  	v8 =	vld [tilespmem:s11+$0xFFFFFF90];
	v4 =	vadd.f32 v9, v4  }
0x402: {  	s1 =	sadd.s32 $0x810, s13;
	v9 =	vld [tilespmem:s11+$0x10];
	[tilespmem:v10+s0+$0x0] =	vst.idx.msk $0xffff, v7  }
0x403: {  	v7 =	vadd.s32 s1, v0;
	s1 =	sadd.s32 $0x812, s13;
	v3 =	vadd.f32 v11, v3;
	v10 =	vld [tilespmem:s12+$0x60];
	[tilespmem:v2+s0+$0x0] =	vst.idx.msk $0xffff, v4  }
0x404: {  	v2 =	vadd.s32 s1, v0;
	v4 =	vld [tilespmem:s11+$0x60]  }
0x405: {  	s1 =	sadd.s32 $0x1023, s13;
	[tilespmem:v6+s0+$0x0] =	vst.idx.msk $0xffff, v3;
	v3 =	vld [tilespmem:s10+$0x30];
	s10 =	smov.u32 s12  }
0x406: {  	v5 =	vadd.f32 v8, v5;
	v6 =	vld [tilespmem:s12+$0xFFFFFFE0];
	v8 =	vadd.s32 s1, v0  }
0x407: {  	v11 =	vld [tilespmem:s11+$0xFFFFFFE0];
	v1 =	vadd.f32 v9, v1  }
0x408: {  	s1 =	sadd.s32 $0x1021, s13;
	[tilespmem:v7+s0+$0x0] =	vst.idx.msk $0xffff, v5;
	v5 =	vld [tilespmem:s6+$0x30];
	s6 =	smov.u32 s11  }
0x409: {  	v9 =	vadd.s32 s1, v0;
	s1 =	sadd.s32 $0x1832, s9;
	s9 =	smov.u32 s13;
	s13 =	smov.u32 s14;
	v7 =	vld [tilespmem:s12+$0xFFFFFFA0];
	[tilespmem:v2+s0+$0x0] =	vst.idx.msk $0xffff, v1;
	v1 =	vadd.f32 v4, v10  }
0x40a: {  	v4 =	vadd.s32 s1, v0;
	v2 =	vld [tilespmem:s11+$0xFFFFFFA0]  }
0x40b: {  	s1 =	sadd.s32 $0x1020, s9;
	v10 =	vld [tilespmem:s12+$0x20];
	[tilespmem:v8+s0+$0x0] =	vst.idx.msk $0xffff, v1  }
0x40c: {  	v1 =	vadd.s32 s1, v0;
	v6 =	vadd.f32 v11, v6;
	v8 =	vld [tilespmem:s12+$0x70]  }
0x40d: {  	v11 =	vld [tilespmem:s11+$0x70];
	v3 =	vadd.f32 v5, v3  }
0x40e: {  	s1 =	sadd.s32 $0x1833, s9;
	[tilespmem:v9+s0+$0x0] =	vst.idx.msk $0xffff, v6;
	v5 =	vld [tilespmem:s11+$0x20]  }
0x40f: {  	s16 =	sadd.s32 $0x1022, s9;
	v2 =	vadd.f32 v2, v7;
	v9 =	vld [tilespmem:s12+$0xFFFFFFF0];
	v7 =	vadd.s32 s1, v0;
	[tilespmem:v4+s0+$0x0] =	vst.idx.msk $0xffff, v3  }
0x410: {  	v13 =	vadd.s32 s16, v0;
	s12 =	sadd.s32 $0x100, s12;
	v12 =	vld [tilespmem:s11+$0xFFFFFFF0]  }
.Ltmp6:
0x411: {  	s1 =	sadd.s32 $0x1831, s9;
	s11 =	sadd.s32 $0x100, s11;
	v4 =	vld [tilespmem:s12+$0x40];
	[tilespmem:v1+s0+$0x0] =	vst.idx.msk $0xffff, v2;
	(pc) =	sbr.rel @p1 .LBB2_15-.Ltmp6, $4  }
0x412: {  	v1 =	vadd.s32 s1, v0;
	v6 =	vld [tilespmem:s11+$0x40];
	v2 =	vadd.f32 v11, v8  }
0x413: {  	s1 =	sadd.s32 $0x3, s14;
	v3 =	vld [tilespmem:s11+$0xFFFFFF80];
	v10 =	vadd.f32 v5, v10  }
0x414: {  	v8 =	vadd.s32 s1, v0;
	v5 =	vld [tilespmem:s12+$0xFFFFFFC0];
	[tilespmem:v7+s0+$0x0] =	vst.idx.msk $0xffff, v2  }
0x415: {  	s14 =	sadd.s32 $0x4, s14;
	v7 =	vld [tilespmem:s11+$0xFFFFFFC0];
	v2 =	vadd.f32 v12, v9;
	[tilespmem:v13+s0+$0x0] =	vst.idx.msk $0xffff, v10  }
0x416: {  	_ = 	snop  }
0x417: {  	s1 =	sadd.s32 $0x1, s13;
	v9 =	vld [tilespmem:s12+$0x0]  }
0x418: {  	v10 =	vadd.s32 s1, v0;
	v4 =	vadd.f32 v6, v4;
	v6 =	vld [tilespmem:s12+$0xFFFFFF80]  }
0x419: {  	v11 =	vld [tilespmem:s11+$0x0]  }
0x41a: {  	v46 =	vadd.s32 s13, v0;
	v16 =	vld [tilespmem:s6+$0x30];
	[tilespmem:v8+s0+$0x0] =	vst.idx.msk $0xffff, v4  }
0x41b: {  	s20 =	sadd.s32 $0x2, s13;
	v5 =	vadd.f32 v7, v5;
	v7 =	vld [tilespmem:s12+$0x50]  }
0x41c: {  	v12 =	vadd.s32 s20, v0;
	v13 =	vld [tilespmem:s11+$0x50]  }
0x41d: {  	s21 =	sadd.s32 $0x813, s13;
	v4 =	vld [tilespmem:s10+$0xFFFFFFB0];
	[tilespmem:v10+s0+$0x0] =	vst.idx.msk $0xffff, v5;
	v3 =	vadd.f32 v3, v6  }
0x41e: {  	v47 =	vadd.s32 s21, v0;
	v6 =	vld [tilespmem:s12+$0xFFFFFFD0]  }
0x41f: {  	v9 =	vadd.f32 v11, v9;
	v48 =	vld [tilespmem:s11+$0xFFFFFFD0];
	[tilespmem:v46+s0+$0x0] =	vst.idx.msk $0xffff, v3  }
0x420: {  	s25 =	sadd.s32 $0x811, s13;
	v3 =	vld [tilespmem:s12+$0xFFFFFF90]  }
0x421: {  	v49 =	vadd.s32 s25, v0;
	[tilespmem:v12+s0+$0x0] =	vst.idx.msk $0xffff, v9;
	v7 =	vadd.f32 v13, v7;
	v50 =	vld [tilespmem:s11+$0xFFFFFF90]  }
0x422: {  	s14 =	sadd.s32 $0x810, s13;
	v12 =	vld [tilespmem:s12+$0x10]  }
0x423: {  	v51 =	vld [tilespmem:s11+$0x10];
	[tilespmem:v47+s0+$0x0] =	vst.idx.msk $0xffff, v7;
	v7 =	vadd.s32 s14, v0  }
0x424: {  	s16 =	sadd.s32 $0x812, s13;
	v5 =	vld [tilespmem:s6+$0xFFFFFFB0];
	v6 =	vadd.f32 v48, v6  }
0x425: {  	v52 =	vadd.s32 s16, v0;
	v10 =	vld [tilespmem:s12+$0x60]  }
0x426: {  	v14 =	vld [tilespmem:s11+$0x60];
	[tilespmem:v49+s0+$0x0] =	vst.idx.msk $0xffff, v6;
	v3 =	vadd.f32 v50, v3  }
0x427: {  	s17 =	sadd.s32 $0x1023, s13;
	v8 =	vld [tilespmem:s12+$0xFFFFFFE0]  }
0x428: {  	v53 =	vadd.s32 s17, v0;
	v12 =	vadd.f32 v51, v12;
	v15 =	vld [tilespmem:s11+$0xFFFFFFE0];
	[tilespmem:v7+s0+$0x0] =	vst.idx.msk $0xffff, v3  }
0x429: {  	s18 =	sadd.s32 $0x1021, s13;
	v3 =	vld [tilespmem:s12+$0xFFFFFFA0]  }
0x42a: {  	[tilespmem:v52+s0+$0x0] =	vst.idx.msk $0xffff, v12;
	v7 =	vadd.s32 s18, v0;
	v54 =	vld [tilespmem:s11+$0xFFFFFFA0]  }
0x42b: {  	s19 =	sadd.s32 $0x1020, s13;
	v12 =	vld [tilespmem:s12+$0x20];
	v10 =	vadd.f32 v14, v10  }
0x42c: {  	v55 =	vadd.s32 s19, v0;
	v56 =	vld [tilespmem:s11+$0x20]  }
0x42d: {  	s20 =	sadd.s32 $0x1022, s13;
	v6 =	vld [tilespmem:s10+$0x30];
	[tilespmem:v53+s0+$0x0] =	vst.idx.msk $0xffff, v10;
	v8 =	vadd.f32 v15, v8  }
0x42e: {  	v57 =	vadd.s32 s20, v0;
	v9 =	vld [tilespmem:s12+$0x70]  }
0x42f: {  	v58 =	vld [tilespmem:s11+$0x70];
	[tilespmem:v7+s0+$0x0] =	vst.idx.msk $0xffff, v8;
	v3 =	vadd.f32 v54, v3  }
0x430: {  	v7 =	vld [tilespmem:s12+$0xFFFFFFF0]  }
0x431: {  	s21 =	sadd.s32 $0x1830, s9;
	v8 =	vld [tilespmem:s11+$0xFFFFFFF0];
	[tilespmem:v55+s0+$0x0] =	vst.idx.msk $0xffff, v3;
	v3 =	vadd.f32 v56, v12  }
0x432: {  	s25 =	sadd.s32 $0x1832, s9;
	v59 =	vadd.s32 s21, v0;
	v60 =	vld [tilespmem:s12+$0xFFFFFFB0]  }
0x433: {  	v61 =	vadd.s32 s25, v0;
	s6 =	sadd.s32 $0x1833, s13;
	[tilespmem:v57+s0+$0x0] =	vst.idx.msk $0xffff, v3;
	v3 =	vld [tilespmem:s11+$0xFFFFFFB0]  }
0x434: {  	s9 =	sadd.s32 $0x1831, s13;
	v62 =	vadd.s32 s6, v0;
	v63 =	vld [tilespmem:s12+$0x30]  }
0x435: {  	v4 =	vadd.f32 v5, v4;
	v5 =	vadd.s32 s9, v0;
	s10 =	sadd.s32 $0x1830, s13;
	v17 =	vld [tilespmem:s11+$0x30]  }
0x436: {  	[tilespmem:v1+s0+$0x0] =	vst.idx.msk $0xffff, v2;
	v2 =	vadd.s32 s10, v0;
	v1 =	vadd.f32 v16, v6;
	s11 =	sadd.s32 $0x1832, s13  }
0x437: {  	[tilespmem:v59+s0+$0x0] =	vst.idx.msk $0xffff, v4;
	v4 =	vadd.f32 v58, v9;
	v6 =	vadd.s32 s11, v0  }
0x438: {  	[tilespmem:v61+s0+$0x0] =	vst.idx.msk $0xffff, v1;
	v1 =	vadd.f32 v8, v7  }
0x439: {  	[tilespmem:v62+s0+$0x0] =	vst.idx.msk $0xffff, v4;
	v3 =	vadd.f32 v3, v60  }
0x43a: {  	[tilespmem:v5+s0+$0x0] =	vst.idx.msk $0xffff, v1;
	v1 =	vadd.f32 v17, v63  }
0x43b: {  	[tilespmem:v2+s0+$0x0] =	vst.idx.msk $0xffff, v3  }
0x43c: {  	[tilespmem:v6+s0+$0x0] =	vst.idx.msk $0xffff, v1  }
0x43d: {  	_ =	swait.ge [sflag:s26], $0x400  }
0x43e: {  	[sflag:s26] =	ssyncset.done $0x0  }
0x43f: {  	[sflag:s26] =	ssyncadd.s32 $0xFFFFFC00  }
0x440: {  	_ =	swait.ge [sflag:s26], $0x400  }
0x441: {  	[sflag:s26] =	ssyncset.done $0x0  }
0x442: {  	[sflag:s26] =	ssyncadd.s32 $0xFFFFFC00  }
0x443: {  	_ =	swait.ge [sflag:s26], $0x400  }
0x444: {  	[sflag:s26] =	ssyncset.done $0x0  }
0x445: {  	[sflag:s26] =	ssyncadd.s32 $0xFFFFFC00  }
0x446: {  	_ =	swait.ge [sflag:s26], $0x400  }
0x447: {  	[sflag:s26] =	ssyncset.done $0x0  }
0x448: {  	[sflag:s26] =	ssyncadd.s32 $0xFFFFFC00  }
0x449: {  	_ =	swait.ge [sflag:s26], $0x400  }
0x44a: {  	[sflag:s26] =	ssyncset.done $0x0  }
0x44b: {  	[sflag:s26] =	ssyncadd.s32 $0xFFFFFC00  }
0x44c: {  	_ =	swait.ge [sflag:s26], $0x400  }
0x44d: {  	[sflag:s26] =	ssyncset.done $0x0  }
0x44e: {  	[sflag:s26] =	ssyncadd.s32 $0xFFFFFC00  }
0x44f: {  	_ =	swait.ge [sflag:s26], $0x400  }
0x450: {  	[sflag:s26] =	ssyncset.done $0x0  }
0x451: {  	[sflag:s26] =	ssyncadd.s32 $0xFFFFFC00  }
0x452: {  	_ =	swait.ge [sflag:s26], $0x400  }
0x453: {  	[sflag:s26] =	ssyncset.done $0x0  }
0x454: {  	s12 =	simm.s32 $0x10502;
	[sflag:s26] =	ssyncadd.s32 $0xFFFFFC00  }
0x455: {  	v1 =	vld [tilespmem:s12+$0x81]  }
0x456: {  	v3 =	vld [tilespmem:s12+$0x0]  }
0x457: {  	v2 =	vld [tilespmem:s12+$0xFFFFFF7F]  }
0x458: {  	v4 =	vld [tilespmem:s12+$0xFFFFFEFE]  }
0x459: {  	s6 =	simm.s32 $0x14540;
	s13 =	simm.s32 $0x183  }
0x45a: {  	s16 =	simm.s32 $0x102;
	s18 =	sand.u32 $0x1FFF, s13;
	[tilespmem:s6+$0x80] =	vst v1  }
0x45b: {  	s16 =	sand.u32 $0x1FFE, s16;
	s14 =	simm.s32 $0x81;
	[tilespmem:s6+$0x0] =	vst v3;
	v1 =	vld [tilespmem:s18+$0x10410]  }
0x45c: {  	s17 =	simm.s32 $0x0;
	s1 =	sand.u32 $0x1FFD, s14;
	[tilespmem:s6+$0xFFFFFF80] =	vst v2;
	v3 =	vld [tilespmem:s16+$0x10410]  }
0x45d: {  	s17 =	sand.u32 $0x1FFC, s17;
	[tilespmem:s6+$0xFFFFFF00] =	vst v4;
	v2 =	vld [tilespmem:s1+$0x10410]  }
0x45e: {  	v4 =	vld [tilespmem:s17+$0x10410];
	_ =	sdelay $0x1  }
0x45f: {  	[tilespmem:s6+$0x90] =	vst v1  }
0x460: {  	[tilespmem:s6+$0x10] =	vst v3;
	v1 =	vld [tilespmem:s18+$0x10420]  }
0x461: {  	[tilespmem:s6+$0xFFFFFF90] =	vst v2;
	v3 =	vld [tilespmem:s16+$0x10420]  }
0x462: {  	[tilespmem:s6+$0xFFFFFF10] =	vst v4;
	v2 =	vld [tilespmem:s1+$0x10420]  }
0x463: {  	v4 =	vld [tilespmem:s17+$0x10420];
	_ =	sdelay $0x1  }
0x464: {  	[tilespmem:s6+$0xA0] =	vst v1  }
0x465: {  	[tilespmem:s6+$0x20] =	vst v3;
	v1 =	vld [tilespmem:s18+$0x10430]  }
0x466: {  	[tilespmem:s6+$0xFFFFFFA0] =	vst v2;
	v3 =	vld [tilespmem:s16+$0x10430]  }
0x467: {  	[tilespmem:s6+$0xFFFFFF20] =	vst v4;
	v2 =	vld [tilespmem:s1+$0x10430]  }
0x468: {  	v4 =	vld [tilespmem:s17+$0x10430];
	_ =	sdelay $0x1  }
0x469: {  	[tilespmem:s6+$0xB0] =	vst v1  }
0x46a: {  	[tilespmem:s6+$0x30] =	vst v3;
	v1 =	vld [tilespmem:s18+$0x10440]  }
0x46b: {  	[tilespmem:s6+$0xFFFFFFB0] =	vst v2;
	v3 =	vld [tilespmem:s16+$0x10440]  }
0x46c: {  	[tilespmem:s6+$0xFFFFFF30] =	vst v4;
	v2 =	vld [tilespmem:s1+$0x10440]  }
0x46d: {  	v4 =	vld [tilespmem:s17+$0x10440]  }
0x46e: {  	s19 =	simm.s32 $0x10706  }
0x46f: {  	v5 =	vld [tilespmem:s19+$0x81];
	[tilespmem:s6+$0xC0] =	vst v1  }
0x470: {  	[tilespmem:s6+$0x40] =	vst v3;
	v3 =	vld [tilespmem:s19+$0xFFFFFF7F]  }
0x471: {  	[tilespmem:s6+$0xFFFFFFC0] =	vst v2;
	v1 =	vld [tilespmem:s18+$0x10450]  }
0x472: {  	[tilespmem:s6+$0xFFFFFF40] =	vst v4;
	v4 =	vld [tilespmem:s19+$0x0]  }
0x473: {  	s20 =	simm.s32 $0x387;
	s9 =	simm.s32 $0x14740;
	v2 =	vld [tilespmem:s1+$0x10450]  }
0x474: {  	s21 =	simm.s32 $0x285;
	s11 =	sand.u32 $0x1FFF, s20;
	v6 =	vld [tilespmem:s19+$0xFFFFFEFE];
	[tilespmem:s9+$0x80] =	vst v5  }
0x475: {  	s10 =	sand.u32 $0x1FFD, s21;
	[tilespmem:s9+$0xFFFFFF80] =	vst v3;
	v3 =	vld [tilespmem:s11+$0x10410]  }
0x476: {  	[tilespmem:s6+$0xD0] =	vst v1;
	v5 =	vld [tilespmem:s10+$0x10410]  }
0x477: {  	s25 =	simm.s32 $0x306;
	[tilespmem:s9+$0x0] =	vst v4;
	v1 =	vld [tilespmem:s18+$0x10460]  }
0x478: {  	s14 =	simm.s32 $0x204;
	s12 =	sand.u32 $0x1FFE, s25;
	[tilespmem:s6+$0xFFFFFFD0] =	vst v2;
	v2 =	vld [tilespmem:s17+$0x10450]  }
0x479: {  	s13 =	sand.u32 $0x1FFC, s14;
	[tilespmem:s9+$0xFFFFFF00] =	vst v6;
	v4 =	vld [tilespmem:s12+$0x10410]  }
0x47a: {  	v6 =	vld [tilespmem:s13+$0x10410];
	[tilespmem:s9+$0x90] =	vst v3  }
0x47b: {  	[tilespmem:s9+$0xFFFFFF90] =	vst v5;
	v3 =	vld [tilespmem:s11+$0x10420]  }
0x47c: {  	[tilespmem:s6+$0xE0] =	vst v1;
	v5 =	vld [tilespmem:s10+$0x10420]  }
0x47d: {  	[tilespmem:s6+$0xFFFFFF50] =	vst v2;
	v1 =	vld [tilespmem:s18+$0x10470]  }
0x47e: {  	v2 =	vld [tilespmem:s16+$0x10450];
	[tilespmem:s9+$0x10] =	vst v4  }
0x47f: {  	[tilespmem:s9+$0xFFFFFF10] =	vst v6;
	v4 =	vld [tilespmem:s12+$0x10420]  }
0x480: {  	v6 =	vld [tilespmem:s13+$0x10420];
	[tilespmem:s9+$0xA0] =	vst v3  }
0x481: {  	[tilespmem:s9+$0xFFFFFFA0] =	vst v5;
	v3 =	vld [tilespmem:s11+$0x10430]  }
0x482: {  	[tilespmem:s6+$0xF0] =	vst v1;
	v1 =	vld [tilespmem:s17+$0x10460]  }
0x483: {  	[tilespmem:s6+$0x50] =	vst v2;
	v5 =	vld [tilespmem:s10+$0x10430]  }
0x484: {  	v2 =	vld [tilespmem:s1+$0x10460];
	[tilespmem:s9+$0x20] =	vst v4  }
0x485: {  	[tilespmem:s9+$0xFFFFFF20] =	vst v6;
	v4 =	vld [tilespmem:s12+$0x10430]  }
0x486: {  	v6 =	vld [tilespmem:s13+$0x10430];
	[tilespmem:s9+$0xB0] =	vst v3  }
0x487: {  	[tilespmem:s6+$0xFFFFFF60] =	vst v1;
	v1 =	vld [tilespmem:s16+$0x10460]  }
0x488: {  	[tilespmem:s9+$0xFFFFFFB0] =	vst v5;
	v5 =	vld [tilespmem:s11+$0x10440]  }
0x489: {  	[tilespmem:s6+$0xFFFFFFE0] =	vst v2;
	v2 =	vld [tilespmem:s17+$0x10470]  }
0x48a: {  	[tilespmem:s9+$0x30] =	vst v4;
	v7 =	vld [tilespmem:s10+$0x10440]  }
0x48b: {  	[tilespmem:s9+$0xFFFFFF30] =	vst v6;
	v6 =	vld [tilespmem:s12+$0x10440]  }
0x48c: {  	v3 =	vld [tilespmem:s13+$0x10440];
	[tilespmem:s6+$0x60] =	vst v1  }
0x48d: {  	v1 =	vld [tilespmem:s1+$0x10470];
	[tilespmem:s9+$0xC0] =	vst v5  }
0x48e: {  	[tilespmem:s6+$0xFFFFFF70] =	vst v2;
	v2 =	vld [tilespmem:s16+$0x10470]  }
0x48f: {  	[tilespmem:s9+$0xFFFFFFC0] =	vst v7;
	v5 =	vld [tilespmem:s11+$0x10450]  }
0x490: {  	s1 =	simm.s32 $0x1090A;
	s16 =	simm.s32 $0x4;
	[tilespmem:s9+$0x40] =	vst v6;
	v4 =	vld [tilespmem:s10+$0x10450]  }
.LBB2_17:
0x491: {  	v6 =	vld [tilespmem:s1+$0x81];
	s16 =	sadd.s32 $0x4, s16;
	[tilespmem:s9+$0xFFFFFF40] =	vst v3  }
0x492: {  	v3 =	vld [tilespmem:s1+$0xFFFFFF7F];
	p1 =	slt.u32 s16, $0x3C;
	[tilespmem:s6+$0xFFFFFFF0] =	vst v1  }
0x493: {  	v1 =	vld [tilespmem:s1+$0x0];
	[tilespmem:s6+$0x70] =	vst v2;
	s6 =	smov.u32 s9  }
0x494: {  	s14 =	sadd.s32 $0x204, s14;
	v2 =	vld [tilespmem:s1+$0xFFFFFEFE];
	[tilespmem:s9+$0xD0] =	vst v5  }
0x495: {  	s17 =	sadd.s32 $0x81, s14;
	s18 =	sadd.s32 $0x183, s14;
	s9 =	sadd.s32 $0x200, s9;
	[tilespmem:s6+$0xFFFFFFD0] =	vst v4;
	v4 =	vld [tilespmem:s11+$0x10460]  }
0x496: {  	s19 =	sadd.s32 $0x102, s14;
	s17 =	sand.u32 $0x1FFD, s17;
	s20 =	sand.u32 $0x1FFF, s18;
	[tilespmem:s9+$0x80] =	vst v6;
	v5 =	vld [tilespmem:s13+$0x10450]  }
0x497: {  	s21 =	sand.u32 $0x1FFC, s14;
	s18 =	sand.u32 $0x1FFE, s19;
	[tilespmem:s9+$0xFFFFFF80] =	vst v3;
	v3 =	vld [tilespmem:s20+$0x10410]  }
0x498: {  	v6 =	vld [tilespmem:s17+$0x10410];
	[tilespmem:s9+$0x0] =	vst v1  }
0x499: {  	[tilespmem:s9+$0xFFFFFF00] =	vst v2;
	v1 =	vld [tilespmem:s18+$0x10410]  }
0x49a: {  	v2 =	vld [tilespmem:s21+$0x10410];
	[tilespmem:s6+$0xE0] =	vst v4  }
0x49b: {  	[tilespmem:s6+$0xFFFFFF50] =	vst v5;
	v4 =	vld [tilespmem:s11+$0x10470];
	s11 =	smov.u32 s20  }
0x49c: {  	[tilespmem:s9+$0x90] =	vst v3;
	v3 =	vld [tilespmem:s12+$0x10450]  }
0x49d: {  	[tilespmem:s9+$0xFFFFFF90] =	vst v6;
	v5 =	vld [tilespmem:s11+$0x10420]  }
0x49e: {  	v6 =	vld [tilespmem:s17+$0x10420];
	[tilespmem:s9+$0x10] =	vst v1  }
0x49f: {  	[tilespmem:s9+$0xFFFFFF10] =	vst v2;
	v1 =	vld [tilespmem:s18+$0x10420]  }
0x4a0: {  	v2 =	vld [tilespmem:s21+$0x10420];
	[tilespmem:s6+$0xF0] =	vst v4  }
0x4a1: {  	v4 =	vld [tilespmem:s13+$0x10460];
	[tilespmem:s6+$0x50] =	vst v3  }
0x4a2: {  	[tilespmem:s9+$0xA0] =	vst v5;
	v3 =	vld [tilespmem:s10+$0x10460]  }
0x4a3: {  	[tilespmem:s9+$0xFFFFFFA0] =	vst v6;
	v5 =	vld [tilespmem:s11+$0x10430]  }
0x4a4: {  	v6 =	vld [tilespmem:s17+$0x10430];
	[tilespmem:s9+$0x20] =	vst v1  }
0x4a5: {  	[tilespmem:s9+$0xFFFFFF20] =	vst v2;
	v1 =	vld [tilespmem:s18+$0x10430]  }
0x4a6: {  	v2 =	vld [tilespmem:s21+$0x10430];
	[tilespmem:s6+$0xFFFFFF60] =	vst v4  }
0x4a7: {  	[tilespmem:s6+$0xFFFFFFE0] =	vst v3;
	v4 =	vld [tilespmem:s12+$0x10460]  }
0x4a8: {  	[tilespmem:s9+$0xB0] =	vst v5;
	v5 =	vld [tilespmem:s13+$0x10470];
	s13 =	smov.u32 s21  }
0x4a9: {  	[tilespmem:s9+$0xFFFFFFB0] =	vst v6;
	v6 =	vld [tilespmem:s11+$0x10440]  }
0x4aa: {  	v7 =	vld [tilespmem:s17+$0x10440];
	[tilespmem:s9+$0x30] =	vst v1  }
0x4ab: {  	[tilespmem:s9+$0xFFFFFF30] =	vst v2;
	v8 =	vld [tilespmem:s18+$0x10440]  }
.Ltmp7:
0x4ac: {  	v3 =	vld [tilespmem:s13+$0x10440];
	[tilespmem:s6+$0x60] =	vst v4;
	(pc) =	sbr.rel @p1 .LBB2_17-.Ltmp7, $4  }
0x4ad: {  	[tilespmem:s6+$0xFFFFFF70] =	vst v5;
	v1 =	vld [tilespmem:s10+$0x10470];
	s10 =	smov.u32 s17  }
0x4ae: {  	[tilespmem:s9+$0xC0] =	vst v6;
	v2 =	vld [tilespmem:s12+$0x10470];
	s12 =	smov.u32 s18  }
0x4af: {  	[tilespmem:s9+$0xFFFFFFC0] =	vst v7;
	v5 =	vld [tilespmem:s11+$0x10450]  }
0x4b0: {  	s1 =	sadd.s32 $0x204, s1;
	v4 =	vld [tilespmem:s10+$0x10450];
	[tilespmem:s9+$0x40] =	vst v8  }
0x4b1: {  	[tilespmem:s9+$0xFFFFFF40] =	vst v3;
	v6 =	vld [tilespmem:s12+$0x10450]  }
0x4b2: {  	v3 =	vld [tilespmem:s13+$0x10450];
	_ =	sdelay $0x1  }
0x4b3: {  	[tilespmem:s9+$0xD0] =	vst v5  }
0x4b4: {  	v5 =	vld [tilespmem:s11+$0x10460];
	[tilespmem:s9+$0xFFFFFFD0] =	vst v4  }
0x4b5: {  	[tilespmem:s9+$0x50] =	vst v6;
	v4 =	vld [tilespmem:s10+$0x10460]  }
0x4b6: {  	[tilespmem:s9+$0xFFFFFF50] =	vst v3;
	v6 =	vld [tilespmem:s12+$0x10460]  }
0x4b7: {  	v3 =	vld [tilespmem:s13+$0x10460];
	_ =	sdelay $0x1  }
0x4b8: {  	[tilespmem:s9+$0xE0] =	vst v5  }
0x4b9: {  	[tilespmem:s9+$0xFFFFFFE0] =	vst v4  }
0x4ba: {  	[tilespmem:s9+$0x60] =	vst v6;
	v63 =	vld [tilespmem:s10+$0x10470]  }
0x4bb: {  	[tilespmem:s9+$0xFFFFFF60] =	vst v3;
	v3 =	vld [tilespmem:s11+$0x10470]  }
0x4bc: {  	[tilespmem:s6+$0xFFFFFFF0] =	vst v1;
	v1 =	vld [tilespmem:s12+$0x10470]  }
0x4bd: {  	v62 =	vld [tilespmem:s13+$0x10470]  }
0x4be: {  	[tilespmem:s6+$0x70] =	vst v2  }
0x4bf: {  	[tilespmem:s9+$0xFFFFFFF0] =	vst v63  }
0x4c0: {  	[tilespmem:s9+$0xF0] =	vst v3  }
0x4c1: {  	[tilespmem:s9+$0x70] =	vst v1  }
0x4c2: {  	[tilespmem:s9+$0xFFFFFF70] =	vst v62  }
0x4c3: {  	s1 =	sld [smem:$0x7F6];
	_ =	sdelay $0x1  }
0x4c4: {  	s25 =	simm.s32 $0x14440;
	s6 =	sld [smem:$0x7F7]  }
0x4c5: {  	s16 =	simm.s32 $0x15440;
	s10 =	sld [smem:$0x7F8];
	s1 =	sadd.s32 s5, s1  }
0x4c6: {  	[hbm4b:s1+s4] =	stream.linear.scatter [tilespmem:s25], [sflag:$0x6], $0x400, $0x38;
	[tilespmem:$0x18380] =	vst v63  }
0x4c7: {  	s9 =	simm.s32 $0x14840;
	s12 =	sld [smem:$0x7F9];
	s1 =	sadd.s32 s5, s6  }
0x4c8: {  	[hbm4b:s1+s4] =	stream.linear.scatter [tilespmem:s9], [sflag:$0x6], $0x400, $0x38;
	[tilespmem:$0x18380] =	vst v63  }
0x4c9: {  	s11 =	simm.s32 $0x14C40;
	s14 =	sld [smem:$0x7FA];
	s1 =	sadd.s32 s5, s10  }
0x4ca: {  	[hbm4b:s1+s4] =	stream.linear.scatter [tilespmem:s11], [sflag:$0x6], $0x400, $0x38;
	[tilespmem:$0x18380] =	vst v63  }
0x4cb: {  	s13 =	simm.s32 $0x15040;
	s17 =	sld [smem:$0x7FB];
	s1 =	sadd.s32 s5, s12  }
0x4cc: {  	[hbm4b:s1+s4] =	stream.linear.scatter [tilespmem:s13], [sflag:$0x6], $0x400, $0x38;
	[tilespmem:$0x18380] =	vst v63  }
0x4cd: {  	s18 =	simm.s32 $0x15840;
	s28 =	sadd.s32 $0x1, s28;
	s1 =	sadd.s32 s5, s14  }
0x4ce: {  	[hbm4b:s1+s4] =	stream.linear.scatter [tilespmem:s16], [sflag:$0x6], $0x400, $0x38;
	[tilespmem:$0x18380] =	vst v63  }
0x4cf: {  	p1 =	sne.s32 s28, $0x32;
	s19 =	sld [smem:$0x7FC];
	s1 =	sadd.s32 s5, s17  }
0x4d0: {  	[hbm4b:s1+s4] =	stream.linear.scatter [tilespmem:s18], [sflag:$0x6], $0x400, $0x38;
	[tilespmem:$0x18380] =	vst v63  }
.Ltmp8:
0x4d1: {  	s21 =	sld [smem:$0x7FD];
	(pc) =	sbr.rel @p1 .LBB2_2-.Ltmp8, $4  }
0x4d2: {  	s20 =	simm.s32 $0x15C40;
	s1 =	sadd.s32 s5, s19  }
0x4d3: {  	[hbm4b:s1+s4] =	stream.linear.scatter [tilespmem:s20], [sflag:$0x6], $0x400, $0x38;
	[tilespmem:$0x18380] =	vst v63  }
0x4d4: {  	s25 =	simm.s32 $0x16040;
	s1 =	sadd.s32 s5, s21  }
0x4d5: {  	[hbm4b:s1+s4] =	stream.linear.scatter [tilespmem:s25], [sflag:$0x6], $0x400, $0x38;
	[tilespmem:$0x18380] =	vst v63  }
0x4d6: {  	_ =	swait.ge [sflag:s23], $0x400  }
0x4d7: {  	[sflag:s23] =	ssyncset.done $0x0  }
0x4d8: {  	[sflag:s23] =	ssyncadd.s32 $0xFFFFFC00  }
0x4d9: {  	_ =	swait.ge [sflag:s23], $0x400  }
0x4da: {  	[sflag:s23] =	ssyncset.done $0x0  }
0x4db: {  	[sflag:s23] =	ssyncadd.s32 $0xFFFFFC00  }
0x4dc: {  	_ =	swait.ge [sflag:s23], $0x400  }
0x4dd: {  	[sflag:s23] =	ssyncset.done $0x0  }
0x4de: {  	[sflag:s23] =	ssyncadd.s32 $0xFFFFFC00  }
0x4df: {  	_ =	swait.ge [sflag:s23], $0x400  }
0x4e0: {  	[sflag:s23] =	ssyncset.done $0x0  }
0x4e1: {  	[sflag:s23] =	ssyncadd.s32 $0xFFFFFC00  }
0x4e2: {  	_ =	swait.ge [sflag:s23], $0x400  }
0x4e3: {  	[sflag:s23] =	ssyncset.done $0x0  }
0x4e4: {  	[sflag:s23] =	ssyncadd.s32 $0xFFFFFC00  }
0x4e5: {  	_ =	swait.ge [sflag:s23], $0x400  }
0x4e6: {  	[sflag:s23] =	ssyncset.done $0x0  }
0x4e7: {  	[sflag:s23] =	ssyncadd.s32 $0xFFFFFC00  }
0x4e8: {  	_ =	swait.ge [sflag:s23], $0x400  }
0x4e9: {  	[sflag:s23] =	ssyncset.done $0x0  }
0x4ea: {  	[sflag:s23] =	ssyncadd.s32 $0xFFFFFC00  }
0x4eb: {  	_ =	swait.ge [sflag:s23], $0x400  }
0x4ec: {  	[sflag:s23] =	ssyncset.done $0x0  }
0x4ed: {  	[sflag:s23] =	ssyncadd.s32 $0xFFFFFC00  }
0x4ee: {  	_ =	swait.ge [sflag:s26], $0x400  }
0x4ef: {  	[sflag:s26] =	ssyncset.done $0x0  }
0x4f0: {  	[sflag:s26] =	ssyncadd.s32 $0xFFFFFC00  }
0x4f1: {  	_ =	swait.ge [sflag:s26], $0x400  }
0x4f2: {  	[sflag:s26] =	ssyncset.done $0x0  }
0x4f3: {  	[sflag:s26] =	ssyncadd.s32 $0xFFFFFC00  }
0x4f4: {  	_ =	swait.ge [sflag:s26], $0x400  }
0x4f5: {  	[sflag:s26] =	ssyncset.done $0x0  }
0x4f6: {  	[sflag:s26] =	ssyncadd.s32 $0xFFFFFC00  }
0x4f7: {  	_ =	swait.ge [sflag:s26], $0x400  }
0x4f8: {  	[sflag:s26] =	ssyncset.done $0x0  }
0x4f9: {  	[sflag:s26] =	ssyncadd.s32 $0xFFFFFC00  }
0x4fa: {  	_ =	swait.ge [sflag:s26], $0x400  }
0x4fb: {  	[sflag:s26] =	ssyncset.done $0x0  }
0x4fc: {  	[sflag:s26] =	ssyncadd.s32 $0xFFFFFC00  }
0x4fd: {  	_ =	swait.ge [sflag:s26], $0x400  }
0x4fe: {  	[sflag:s26] =	ssyncset.done $0x0  }
0x4ff: {  	[sflag:s26] =	ssyncadd.s32 $0xFFFFFC00  }
0x500: {  	_ =	swait.ge [sflag:s26], $0x400  }
0x501: {  	[sflag:s26] =	ssyncset.done $0x0  }
0x502: {  	[sflag:s26] =	ssyncadd.s32 $0xFFFFFC00  }
0x503: {  	_ =	swait.ge [sflag:s26], $0x400  }
0x504: {  	s5 =	sld [smem:$0x7E9];
	_ =	sdelay $0x2  }
0x505: {  	s1 =	rddreg [dreg:$0x17];
	s5 =	sadd.s32 $0x1, s5  }
0x506: {  	p1 =	sne.s32 s5, s1  }
.Ltmp9:
0x507: {  	_ = 	snop;
	(pc) =	sbr.rel @p1 .LBB2_1-.Ltmp9, $3  }
0x508: {  	_ =	sdelay $0x1  }
0x509: {  	[sflag:s26] =	ssyncset.done $0x0  }
0x50a: {  	[sflag:s26] =	ssyncadd.s32 $0xFFFFFC00  }
0x50b: {  	_ =	sfence.sel $0x180000  }
0x50c: {  	[bflag:$0x0] =	sbarrier.arrive $0xFFFF  }
0x50d: {  	_ =	strace $0x90000047  }
0x50e: {  	[bflag:$0x2] =	sbarrier.arrive $0xFFFF  }
0x50f: {  	s0 =	rddreg [dreg:$0x4]  }
0x510: {  	s0 =	sadd.s32 @!p0 $0x100000, s0  }
0x511: {  	[sflag:s0] =	ssyncadd.tile.s32 @!p0 $0x1;
	_ =	shalt  }
.Lfunc_end2:
_tile_overlayer_lowered:
.L_overlay_start_2:
0x512: {  	(tag) =	ssettag $0x2  }
0x513: {  	s0 =	rddreg [dreg:$0x0];
	s2 =	stileid.u32  }
0x514: {  	s1 =	rddreg [dreg:$0x1];
	p0 =	sne.s32 s2, $0x0  }
0x515: {  	s3 =	rddreg [dreg:$0x2];
	[bflag:$0x3] =	sbarrier.arrive $0xFFFF;
	s2 =	simm.s32 @!p0 $0x1C0B  }
0x516: {  	[timem:s3], [sflag:s2] =	dma.local @!p0 [hbm:s0], s1  }
0x517: {  	s0 =	simm.s32 @!p0 $0xB  }
0x518: {  	_ =	swait.ge @!p0 [sflag:s0], s1  }
0x519: {  	s1 =	ssub.s32 @!p0 $0x0, s1;
	[sflag:s0] =	ssyncset.done @!p0 $0x0  }
0x51a: {  	[sflag:s0] =	ssyncadd.s32 @!p0 s1  }
0x51b: {  	[bflag:$0x3] =	sbarrier.arrive $0xFFFF  }
0x51c: {  	_ =	shalt  }

</sc_bundles>
